<compile_context>
chip_gen: v7x
topology: tpu7x:2x2x1
jax: 0.10.2.dev20260603
libtpu: 0.0.44.dev20260713+nightly
codegen_flags: <defaults>
</compile_context>

<pallas_src>
import functools

import jax
import jax.numpy as jnp
from jax import lax
from jax.experimental import pallas as pl
from jax.experimental.pallas import tpu as pltpu
from jax.experimental.pallas import tpu_sc as plsc

N = 262144
D = 128

NC = 2
NS = 16
NW = NC * NS
L = 16
ROWS_W = N // NW
CHR = 256
NCHK = ROWS_W // CHR
CH = 128
NIDX = ROWS_W // CH


def _mesh():
    return plsc.VectorSubcoreMesh(
        core_axis_name="c", subcore_axis_name="s", num_cores=NC, num_subcores=NS
    )


NBUF = 2


def _sc_main_body(
    x_hbm, out_hbm, idx_hbm, psum_hbm, pcnt_hbm,
    b0, b1, idx2d, sumv, cntv, si0, si1, so0, so1
):
    c = lax.axis_index("c")
    s = lax.axis_index("s")
    wid = s * NC + c
    row0 = wid * ROWS_W
    iota = lax.iota(jnp.int32, L)
    bufs = (b0, b1)
    isems = (si0, si1)
    osems = (so0, so1)

    zf = jnp.zeros((L,), jnp.float32)
    zi = jnp.zeros((L,), jnp.int32)
    magmask = jnp.full((L,), 0x7FFFFFFF, jnp.int32)

    RUN = 4

    def chunk_compute(buf, kbase, carry):
        def row_step(rr, carry):
            for u in range(RUN):
                (a0, a1, a2, a3, a4, a5, a6, a7, cnt) = carry
                r = rr * RUN + u
                v = [buf[r, pl.ds(j * L, L)] for j in range(D // L)]
                b = [lax.bitcast_convert_type(x, jnp.int32) for x in v]
                t = ((b[0] | b[1]) | (b[2] | b[3])) \
                    | ((b[4] | b[5]) | (b[6] | b[7]))
                nz = (t & magmask) != 0
                pc = plsc.all_reduce_population_count(nz)
                zero = pc == 0
                ridx = jnp.full((L,), row0 + kbase + r, jnp.int32)
                m1 = zero & (iota == 0)
                plsc.store_scatter(idx2d, [cnt >> 7, cnt & 127], ridx, mask=m1)
                cnt = cnt + jnp.where(zero, 1, 0).astype(jnp.int32)
                carry = (a0 + v[0], a1 + v[1], a2 + v[2], a3 + v[3],
                         a4 + v[4], a5 + v[5], a6 + v[6], a7 + v[7], cnt)
            return carry

        return lax.fori_loop(0, CHR // RUN, row_step, carry)

    def body(t, carry):
        for sub in range(2):
            k = 2 * t + sub
            buf = bufs[sub]
            isem = isems[sub]
            osem = osems[sub]
            src = x_hbm.at[pl.ds(row0 + k * CHR, CHR)]
            dst = out_hbm.at[pl.ds(row0 + k * CHR, CHR)]
            pltpu.make_async_copy(src, buf, isem).wait()
            pltpu.async_copy(buf, dst, osem)
            carry = chunk_compute(buf, k * CHR, carry)
            pltpu.make_async_copy(buf, dst, osem).wait()

            @pl.when(k + 2 < NCHK)
            def _():
                pltpu.async_copy(
                    x_hbm.at[pl.ds(row0 + (k + 2) * CHR, CHR)], buf, isem
                )

        return carry

    pltpu.async_copy(x_hbm.at[pl.ds(row0, CHR)], b0, si0)
    pltpu.async_copy(x_hbm.at[pl.ds(row0 + CHR, CHR)], b1, si1)
    init = (zf, zf, zf, zf, zf, zf, zf, zf, zi)
    res = lax.fori_loop(0, NCHK // 2, body, init)

    for j in range(D // L):
        sumv[pl.ds(j * L, L)] = res[j]
    cntv[pl.ds(0, L)] = res[8]
    pltpu.sync_copy(sumv, psum_hbm.at[wid])
    pltpu.sync_copy(cntv, pcnt_hbm.at[wid])
    pltpu.sync_copy(idx2d, idx_hbm.at[wid])


@functools.cache
def _make_sc_main():
    return pl.kernel(
        _sc_main_body,
        out_type=(
            jax.ShapeDtypeStruct((N, D), jnp.float32),
            jax.ShapeDtypeStruct((NW, NIDX, CH), jnp.int32),
            jax.ShapeDtypeStruct((NW, D), jnp.float32),
            jax.ShapeDtypeStruct((NW, L), jnp.int32),
        ),
        mesh=_mesh(),
        scratch_types=(
            [pltpu.VMEM((CHR, D), jnp.float32)] * NBUF
            + [
                pltpu.VMEM((NIDX, CH), jnp.int32),
                pltpu.VMEM((D,), jnp.float32),
                pltpu.VMEM((L,), jnp.int32),
            ]
            + [pltpu.SemaphoreType.DMA] * (2 * NBUF)
        ),
        compiler_params=pltpu.CompilerParams(needs_layout_passes=False),
    )


def _sc_fill_body(
    out_hbm, idx_hbm, psum_hbm, pcnt_hbm, psv, pcv, idx2d, rows_v, sem
):
    c = lax.axis_index("c")
    s = lax.axis_index("s")
    wid = s * NC + c
    iota = lax.iota(jnp.int32, L)

    d_idx = pltpu.async_copy(idx_hbm.at[wid], idx2d, sem)
    pltpu.sync_copy(psum_hbm, psv)
    pltpu.sync_copy(pcnt_hbm, pcv)

    tot = jnp.zeros((L,), jnp.int32)
    for w in range(NW):
        tot = tot + pcv[w, pl.ds(0, L)]
    cntf = (jnp.full((L,), N, jnp.int32) - tot).astype(jnp.float32)

    mv = []
    for j in range(D // L):
        acc = jnp.zeros((L,), jnp.float32)
        for w in range(NW):
            acc = acc + psv[w, pl.ds(j * L, L)]
        mv.append(acc / cntf)

    def repl(rr, _):
        for u in range(4):
            for j in range(D // L):
                rows_v[rr * 4 + u, pl.ds(j * L, L)] = mv[j]
        return 0

    lax.fori_loop(0, CH // 4, repl, 0)

    cnt = jnp.max(pcv[wid, pl.ds(0, L)])
    d_idx.wait()

    @pl.when(cnt > 0)
    def _():
        nch = (cnt + CH - 1) // CH
        tail = (nch - 1) * CH

        for j in range(CH // L):
            pos = tail + j * L + iota
            cpos = jnp.minimum(pos, cnt - 1)
            v = plsc.load_gather(idx2d, [cpos >> 7, cpos & 127])
            plsc.store_scatter(idx2d, [pos >> 7, pos & 127], v)

        def issue(ci, _):
            pltpu.async_copy(rows_v, out_hbm.at[idx2d.at[ci]], sem)
            return 0

        lax.fori_loop(0, nch, issue, 0)

        def drain(ci, _):
            pltpu.make_async_copy(rows_v, out_hbm.at[idx2d.at[0]], sem).wait()
            return 0

        lax.fori_loop(0, nch, drain, 0)


@functools.cache
def _make_sc_fill():
    return pl.kernel(
        _sc_fill_body,
        out_type=(),
        mesh=_mesh(),
        scratch_types=[
            pltpu.VMEM((NW, D), jnp.float32),
            pltpu.VMEM((NW, L), jnp.int32),
            pltpu.VMEM((NIDX, CH), jnp.int32),
            pltpu.VMEM((CH, D), jnp.float32),
            pltpu.SemaphoreType.DMA,
        ],
        compiler_params=pltpu.CompilerParams(needs_layout_passes=False),
    )


def kernel(inputs):
    out, idx, psum, pcnt = _make_sc_main()(inputs)
    ref = jax.new_ref(out)
    _make_sc_fill()(ref, idx, psum, pcnt)
    return jax.freeze(ref)

# --- scband reference (transcript-rebuilt; emitter-appended) ---
"""Pipeline reference for scband-zero-row-fill-layer-14164802142962 (READ-ONLY COPY).

The authoritative reference and input builder live on the scoring server;
editing this copy changes nothing except your own understanding.
"""

import jax, jax.numpy as jnp
import numpy as np

N = 262144
D = 128

def setup_inputs(seed: int = 0) -> dict:
    key = jax.random.key(seed)
    x = jax.random.normal(key, (N, D), dtype=jnp.float32)
    # Zero out ~10% of rows so the zero-row fill path is actually exercised
    zero_rows = (jnp.arange(N) % 10) == 0
    x = jnp.where(zero_rows[:, None], jnp.float32(0.0), x)
    return {"inputs": x}

def reference(inputs):
    # non_zero_mask = tf.reduce_any(tf.not_equal(inputs, 0), axis=1)
    non_zero_mask = jnp.any(inputs != 0, axis=1)
    # mean over non-zero rows, expressed as masked sum / count (static-shape equivalent
    # of tf.boolean_mask + tf.reduce_mean)
    maskf = non_zero_mask.astype(inputs.dtype)[:, None]
    cnt = jnp.sum(non_zero_mask).astype(inputs.dtype)
    row_mean = jnp.sum(inputs * maskf, axis=0) / cnt
    # zero_mask = tf.reduce_all(tf.equal(inputs, 0), axis=1)
    zero_mask = jnp.all(inputs == 0, axis=1)
    # tf.where with 1-D condition selects whole rows -> broadcast condition over columns
    filled = jnp.where(zero_mask[:, None], row_mean[None, :], inputs)
    return filled

if False:  # reference __main__ guard neutralized (emitter)
    out = reference(**setup_inputs())
    print(out.shape, out.dtype)

if __name__ == "__main__":
    import jax
    _d = setup_inputs()
    print(jax.jit(kernel)(*tuple(_d.values())))

</pallas_src>

<mosaic_0001>
#map = affine_map<(d0, d1) -> (0, 0)>
#map1 = affine_map<(d0, d1) -> (0, 0, 0)>
module attributes {stable_mosaic.version = 14 : i64} {
  func.func @new_body(%arg0: i32, %arg1: i32, %arg2: memref<262144x128xf32, #tpu.memory_space<hbm>>, %arg3: memref<32x64x128xi32, #tpu.memory_space<hbm>>, %arg4: memref<32x128xf32, #tpu.memory_space<hbm>>, %arg5: memref<32x16xi32, #tpu.memory_space<hbm>>, %arg6: memref<262144x128xf32, #tpu.memory_space<hbm>>, %arg7: memref<32x128xf32, #tpu.memory_space<vmem>>, %arg8: memref<32x16xi32, #tpu.memory_space<vmem>>, %arg9: memref<64x128xi32, #tpu.memory_space<vmem>>, %arg10: memref<128x128xf32, #tpu.memory_space<vmem>>, %arg11: memref<!tpu.dma_semaphore, #tpu.memory_space<semaphore_mem>>) attributes {dimension_semantics = [#tpu.dimension_semantics<core_parallel>, #tpu.dimension_semantics<subcore_parallel>], iteration_bounds = array<i64: 2, 16>, scalar_prefetch = 0 : i64, scratch_operands = 5 : i64, tpu.core_type = #tpu.core_type<sc_vector_subcore>, window_params = [{transform_indices = #map}, {transform_indices = #map1}, {transform_indices = #map}, {transform_indices = #map}, {transform_indices = #map}]} {
    %mul3A = arith.constant 2 : i32
    %mul3A_0 = arith.muli %arg1, %mul3A : i32
    %add3A = arith.addi %mul3A_0, %arg0 : i32
    %iota3A = tpu.iota {dimensions = array<i32: 0>} : vector<16xi32>
    %dma_start3A = arith.constant 0 : i32
    %dma_start3A_1 = arith.constant 0 : i32
    %dma_start3A_2 = tpu.memref_slice %arg3[%add3A, %dma_start3A, %dma_start3A_1] : memref<32x64x128xi32, #tpu.memory_space<hbm>> -> memref<1x64x128xi32, #tpu.memory_space<hbm>>
    %dma_start3A_3 = tpu.memref_squeeze %dma_start3A_2 : memref<1x64x128xi32, #tpu.memory_space<hbm>> -> memref<64x128xi32, #tpu.memory_space<hbm>>
    %dma_start3A_4 = arith.constant 0 : i32
    %dma_start3A_5 = arith.constant 0 : i32
    %dma_start3A_6 = tpu.memref_slice %arg3[%add3A, %dma_start3A_4, %dma_start3A_5] : memref<32x64x128xi32, #tpu.memory_space<hbm>> -> memref<1x64x128xi32, #tpu.memory_space<hbm>>
    %dma_start3A_7 = tpu.memref_squeeze %dma_start3A_6 : memref<1x64x128xi32, #tpu.memory_space<hbm>> -> memref<64x128xi32, #tpu.memory_space<hbm>>
    tpu.enqueue_dma source(%dma_start3A_7 : memref<64x128xi32, #tpu.memory_space<hbm>>) target(%arg9 : memref<64x128xi32, #tpu.memory_space<vmem>>) target_semaphore(%arg11 : memref<!tpu.dma_semaphore, #tpu.memory_space<semaphore_mem>>)
    "tpu.region"() ({
      %run_scoped3A = tpu.sem_alloc : memref<!tpu.dma_semaphore, #tpu.memory_space<semaphore_mem>>
      tpu.enqueue_dma source(%arg4 : memref<32x128xf32, #tpu.memory_space<hbm>>) target(%arg7 : memref<32x128xf32, #tpu.memory_space<vmem>>) target_semaphore(%run_scoped3A : memref<!tpu.dma_semaphore, #tpu.memory_space<semaphore_mem>>)
      tpu.wait_dma2 semaphore(%run_scoped3A : memref<!tpu.dma_semaphore, #tpu.memory_space<semaphore_mem>>) src(%arg4 : memref<32x128xf32, #tpu.memory_space<hbm>>) dst(%arg7 : memref<32x128xf32, #tpu.memory_space<vmem>>)
      tpu.yield
    }) : () -> ()
    "tpu.region"() ({
      %run_scoped3A = tpu.sem_alloc : memref<!tpu.dma_semaphore, #tpu.memory_space<semaphore_mem>>
      tpu.enqueue_dma source(%arg5 : memref<32x16xi32, #tpu.memory_space<hbm>>) target(%arg8 : memref<32x16xi32, #tpu.memory_space<vmem>>) target_semaphore(%run_scoped3A : memref<!tpu.dma_semaphore, #tpu.memory_space<semaphore_mem>>)
      tpu.wait_dma2 semaphore(%run_scoped3A : memref<!tpu.dma_semaphore, #tpu.memory_space<semaphore_mem>>) src(%arg5 : memref<32x16xi32, #tpu.memory_space<hbm>>) dst(%arg8 : memref<32x16xi32, #tpu.memory_space<vmem>>)
      tpu.yield
    }) : () -> ()
    %broadcast_in_dim3A = arith.constant 0 : i32
    %broadcast_in_dim3A_8 = vector.broadcast %broadcast_in_dim3A : i32 to vector<16xi32>
    %get3A = arith.constant 0 : i32
    %get3A_9 = arith.index_cast %get3A : i32 to index
    %get3A_10 = arith.constant 0 : index
    %get3A_11 = tpu.vector_load %arg8[%get3A_9, %get3A_10] {strides = array<i32>} : memref<32x16xi32, #tpu.memory_space<vmem>>, vector<16xi32>,
    %add3A_12 = arith.addi %broadcast_in_dim3A_8, %get3A_11 : vector<16xi32>
    %get3A_13 = arith.constant 1 : i32
    %get3A_14 = arith.index_cast %get3A_13 : i32 to index
    %get3A_15 = arith.constant 0 : index
    %get3A_16 = tpu.vector_load %arg8[%get3A_14, %get3A_15] {strides = array<i32>} : memref<32x16xi32, #tpu.memory_space<vmem>>, vector<16xi32>,
    %add3A_17 = arith.addi %add3A_12, %get3A_16 : vector<16xi32>
    %get3A_18 = arith.constant 2 : i32
    %get3A_19 = arith.index_cast %get3A_18 : i32 to index
    %get3A_20 = arith.constant 0 : index
    %get3A_21 = tpu.vector_load %arg8[%get3A_19, %get3A_20] {strides = array<i32>} : memref<32x16xi32, #tpu.memory_space<vmem>>, vector<16xi32>,
    %add3A_22 = arith.addi %add3A_17, %get3A_21 : vector<16xi32>
    %get3A_23 = arith.constant 3 : i32
    %get3A_24 = arith.index_cast %get3A_23 : i32 to index
    %get3A_25 = arith.constant 0 : index
    %get3A_26 = tpu.vector_load %arg8[%get3A_24, %get3A_25] {strides = array<i32>} : memref<32x16xi32, #tpu.memory_space<vmem>>, vector<16xi32>,
    %add3A_27 = arith.addi %add3A_22, %get3A_26 : vector<16xi32>
    %get3A_28 = arith.constant 4 : i32
    %get3A_29 = arith.index_cast %get3A_28 : i32 to index
    %get3A_30 = arith.constant 0 : index
    %get3A_31 = tpu.vector_load %arg8[%get3A_29, %get3A_30] {strides = array<i32>} : memref<32x16xi32, #tpu.memory_space<vmem>>, vector<16xi32>,
    %add3A_32 = arith.addi %add3A_27, %get3A_31 : vector<16xi32>
    %get3A_33 = arith.constant 5 : i32
    %get3A_34 = arith.index_cast %get3A_33 : i32 to index
    %get3A_35 = arith.constant 0 : index
    %get3A_36 = tpu.vector_load %arg8[%get3A_34, %get3A_35] {strides = array<i32>} : memref<32x16xi32, #tpu.memory_space<vmem>>, vector<16xi32>,
    %add3A_37 = arith.addi %add3A_32, %get3A_36 : vector<16xi32>
    %get3A_38 = arith.constant 6 : i32
    %get3A_39 = arith.index_cast %get3A_38 : i32 to index
    %get3A_40 = arith.constant 0 : index
    %get3A_41 = tpu.vector_load %arg8[%get3A_39, %get3A_40] {strides = array<i32>} : memref<32x16xi32, #tpu.memory_space<vmem>>, vector<16xi32>,
    %add3A_42 = arith.addi %add3A_37, %get3A_41 : vector<16xi32>
    %get3A_43 = arith.constant 7 : i32
    %get3A_44 = arith.index_cast %get3A_43 : i32 to index
    %get3A_45 = arith.constant 0 : index
    %get3A_46 = tpu.vector_load %arg8[%get3A_44, %get3A_45] {strides = array<i32>} : memref<32x16xi32, #tpu.memory_space<vmem>>, vector<16xi32>,
    %add3A_47 = arith.addi %add3A_42, %get3A_46 : vector<16xi32>
    %get3A_48 = arith.constant 8 : i32
    %get3A_49 = arith.index_cast %get3A_48 : i32 to index
    %get3A_50 = arith.constant 0 : index
    %get3A_51 = tpu.vector_load %arg8[%get3A_49, %get3A_50] {strides = array<i32>} : memref<32x16xi32, #tpu.memory_space<vmem>>, vector<16xi32>,
    %add3A_52 = arith.addi %add3A_47, %get3A_51 : vector<16xi32>
    %get3A_53 = arith.constant 9 : i32
    %get3A_54 = arith.index_cast %get3A_53 : i32 to index
    %get3A_55 = arith.constant 0 : index
    %get3A_56 = tpu.vector_load %arg8[%get3A_54, %get3A_55] {strides = array<i32>} : memref<32x16xi32, #tpu.memory_space<vmem>>, vector<16xi32>,
    %add3A_57 = arith.addi %add3A_52, %get3A_56 : vector<16xi32>
    %get3A_58 = arith.constant 10 : i32
    %get3A_59 = arith.index_cast %get3A_58 : i32 to index
    %get3A_60 = arith.constant 0 : index
    %get3A_61 = tpu.vector_load %arg8[%get3A_59, %get3A_60] {strides = array<i32>} : memref<32x16xi32, #tpu.memory_space<vmem>>, vector<16xi32>,
    %add3A_62 = arith.addi %add3A_57, %get3A_61 : vector<16xi32>
    %get3A_63 = arith.constant 11 : i32
    %get3A_64 = arith.index_cast %get3A_63 : i32 to index
    %get3A_65 = arith.constant 0 : index
    %get3A_66 = tpu.vector_load %arg8[%get3A_64, %get3A_65] {strides = array<i32>} : memref<32x16xi32, #tpu.memory_space<vmem>>, vector<16xi32>,
    %add3A_67 = arith.addi %add3A_62, %get3A_66 : vector<16xi32>
    %get3A_68 = arith.constant 12 : i32
    %get3A_69 = arith.index_cast %get3A_68 : i32 to index
    %get3A_70 = arith.constant 0 : index
    %get3A_71 = tpu.vector_load %arg8[%get3A_69, %get3A_70] {strides = array<i32>} : memref<32x16xi32, #tpu.memory_space<vmem>>, vector<16xi32>,
    %add3A_72 = arith.addi %add3A_67, %get3A_71 : vector<16xi32>
    %get3A_73 = arith.constant 13 : i32
    %get3A_74 = arith.index_cast %get3A_73 : i32 to index
    %get3A_75 = arith.constant 0 : index
    %get3A_76 = tpu.vector_load %arg8[%get3A_74, %get3A_75] {strides = array<i32>} : memref<32x16xi32, #tpu.memory_space<vmem>>, vector<16xi32>,
    %add3A_77 = arith.addi %add3A_72, %get3A_76 : vector<16xi32>
    %get3A_78 = arith.constant 14 : i32
    %get3A_79 = arith.index_cast %get3A_78 : i32 to index
    %get3A_80 = arith.constant 0 : index
    %get3A_81 = tpu.vector_load %arg8[%get3A_79, %get3A_80] {strides = array<i32>} : memref<32x16xi32, #tpu.memory_space<vmem>>, vector<16xi32>,
    %add3A_82 = arith.addi %add3A_77, %get3A_81 : vector<16xi32>
    %get3A_83 = arith.constant 15 : i32
    %get3A_84 = arith.index_cast %get3A_83 : i32 to index
    %get3A_85 = arith.constant 0 : index
    %get3A_86 = tpu.vector_load %arg8[%get3A_84, %get3A_85] {strides = array<i32>} : memref<32x16xi32, #tpu.memory_space<vmem>>, vector<16xi32>,
    %add3A_87 = arith.addi %add3A_82, %get3A_86 : vector<16xi32>
    %get3A_88 = arith.constant 16 : i32
    %get3A_89 = arith.index_cast %get3A_88 : i32 to index
    %get3A_90 = arith.constant 0 : index
    %get3A_91 = tpu.vector_load %arg8[%get3A_89, %get3A_90] {strides = array<i32>} : memref<32x16xi32, #tpu.memory_space<vmem>>, vector<16xi32>,
    %add3A_92 = arith.addi %add3A_87, %get3A_91 : vector<16xi32>
    %get3A_93 = arith.constant 17 : i32
    %get3A_94 = arith.index_cast %get3A_93 : i32 to index
    %get3A_95 = arith.constant 0 : index
    %get3A_96 = tpu.vector_load %arg8[%get3A_94, %get3A_95] {strides = array<i32>} : memref<32x16xi32, #tpu.memory_space<vmem>>, vector<16xi32>,
    %add3A_97 = arith.addi %add3A_92, %get3A_96 : vector<16xi32>
    %get3A_98 = arith.constant 18 : i32
    %get3A_99 = arith.index_cast %get3A_98 : i32 to index
    %get3A_100 = arith.constant 0 : index
    %get3A_101 = tpu.vector_load %arg8[%get3A_99, %get3A_100] {strides = array<i32>} : memref<32x16xi32, #tpu.memory_space<vmem>>, vector<16xi32>,
    %add3A_102 = arith.addi %add3A_97, %get3A_101 : vector<16xi32>
    %get3A_103 = arith.constant 19 : i32
    %get3A_104 = arith.index_cast %get3A_103 : i32 to index
    %get3A_105 = arith.constant 0 : index
    %get3A_106 = tpu.vector_load %arg8[%get3A_104, %get3A_105] {strides = array<i32>} : memref<32x16xi32, #tpu.memory_space<vmem>>, vector<16xi32>,
    %add3A_107 = arith.addi %add3A_102, %get3A_106 : vector<16xi32>
    %get3A_108 = arith.constant 20 : i32
    %get3A_109 = arith.index_cast %get3A_108 : i32 to index
    %get3A_110 = arith.constant 0 : index
    %get3A_111 = tpu.vector_load %arg8[%get3A_109, %get3A_110] {strides = array<i32>} : memref<32x16xi32, #tpu.memory_space<vmem>>, vector<16xi32>,
    %add3A_112 = arith.addi %add3A_107, %get3A_111 : vector<16xi32>
    %get3A_113 = arith.constant 21 : i32
    %get3A_114 = arith.index_cast %get3A_113 : i32 to index
    %get3A_115 = arith.constant 0 : index
    %get3A_116 = tpu.vector_load %arg8[%get3A_114, %get3A_115] {strides = array<i32>} : memref<32x16xi32, #tpu.memory_space<vmem>>, vector<16xi32>,
    %add3A_117 = arith.addi %add3A_112, %get3A_116 : vector<16xi32>
    %get3A_118 = arith.constant 22 : i32
    %get3A_119 = arith.index_cast %get3A_118 : i32 to index
    %get3A_120 = arith.constant 0 : index
    %get3A_121 = tpu.vector_load %arg8[%get3A_119, %get3A_120] {strides = array<i32>} : memref<32x16xi32, #tpu.memory_space<vmem>>, vector<16xi32>,
    %add3A_122 = arith.addi %add3A_117, %get3A_121 : vector<16xi32>
    %get3A_123 = arith.constant 23 : i32
    %get3A_124 = arith.index_cast %get3A_123 : i32 to index
    %get3A_125 = arith.constant 0 : index
    %get3A_126 = tpu.vector_load %arg8[%get3A_124, %get3A_125] {strides = array<i32>} : memref<32x16xi32, #tpu.memory_space<vmem>>, vector<16xi32>,
    %add3A_127 = arith.addi %add3A_122, %get3A_126 : vector<16xi32>
    %get3A_128 = arith.constant 24 : i32
    %get3A_129 = arith.index_cast %get3A_128 : i32 to index
    %get3A_130 = arith.constant 0 : index
    %get3A_131 = tpu.vector_load %arg8[%get3A_129, %get3A_130] {strides = array<i32>} : memref<32x16xi32, #tpu.memory_space<vmem>>, vector<16xi32>,
    %add3A_132 = arith.addi %add3A_127, %get3A_131 : vector<16xi32>
    %get3A_133 = arith.constant 25 : i32
    %get3A_134 = arith.index_cast %get3A_133 : i32 to index
    %get3A_135 = arith.constant 0 : index
    %get3A_136 = tpu.vector_load %arg8[%get3A_134, %get3A_135] {strides = array<i32>} : memref<32x16xi32, #tpu.memory_space<vmem>>, vector<16xi32>,
    %add3A_137 = arith.addi %add3A_132, %get3A_136 : vector<16xi32>
    %get3A_138 = arith.constant 26 : i32
    %get3A_139 = arith.index_cast %get3A_138 : i32 to index
    %get3A_140 = arith.constant 0 : index
    %get3A_141 = tpu.vector_load %arg8[%get3A_139, %get3A_140] {strides = array<i32>} : memref<32x16xi32, #tpu.memory_space<vmem>>, vector<16xi32>,
    %add3A_142 = arith.addi %add3A_137, %get3A_141 : vector<16xi32>
    %get3A_143 = arith.constant 27 : i32
    %get3A_144 = arith.index_cast %get3A_143 : i32 to index
    %get3A_145 = arith.constant 0 : index
    %get3A_146 = tpu.vector_load %arg8[%get3A_144, %get3A_145] {strides = array<i32>} : memref<32x16xi32, #tpu.memory_space<vmem>>, vector<16xi32>,
    %add3A_147 = arith.addi %add3A_142, %get3A_146 : vector<16xi32>
    %get3A_148 = arith.constant 28 : i32
    %get3A_149 = arith.index_cast %get3A_148 : i32 to index
    %get3A_150 = arith.constant 0 : index
    %get3A_151 = tpu.vector_load %arg8[%get3A_149, %get3A_150] {strides = array<i32>} : memref<32x16xi32, #tpu.memory_space<vmem>>, vector<16xi32>,
    %add3A_152 = arith.addi %add3A_147, %get3A_151 : vector<16xi32>
    %get3A_153 = arith.constant 29 : i32
    %get3A_154 = arith.index_cast %get3A_153 : i32 to index
    %get3A_155 = arith.constant 0 : index
    %get3A_156 = tpu.vector_load %arg8[%get3A_154, %get3A_155] {strides = array<i32>} : memref<32x16xi32, #tpu.memory_space<vmem>>, vector<16xi32>,
    %add3A_157 = arith.addi %add3A_152, %get3A_156 : vector<16xi32>
    %get3A_158 = arith.constant 30 : i32
    %get3A_159 = arith.index_cast %get3A_158 : i32 to index
    %get3A_160 = arith.constant 0 : index
    %get3A_161 = tpu.vector_load %arg8[%get3A_159, %get3A_160] {strides = array<i32>} : memref<32x16xi32, #tpu.memory_space<vmem>>, vector<16xi32>,
    %add3A_162 = arith.addi %add3A_157, %get3A_161 : vector<16xi32>
    %get3A_163 = arith.constant 31 : i32
    %get3A_164 = arith.index_cast %get3A_163 : i32 to index
    %get3A_165 = arith.constant 0 : index
    %get3A_166 = tpu.vector_load %arg8[%get3A_164, %get3A_165] {strides = array<i32>} : memref<32x16xi32, #tpu.memory_space<vmem>>, vector<16xi32>,
    %add3A_167 = arith.addi %add3A_162, %get3A_166 : vector<16xi32>
    %broadcast_in_dim3A_168 = arith.constant 262144 : i32
    %broadcast_in_dim3A_169 = vector.broadcast %broadcast_in_dim3A_168 : i32 to vector<16xi32>
    %sub3A = arith.subi %broadcast_in_dim3A_169, %add3A_167 : vector<16xi32>
    %convert_element_type3A = arith.sitofp %sub3A : vector<16xi32> to vector<16xf32>
    %broadcast_in_dim3A_170 = arith.constant 0.000000e+00 : f32
    %broadcast_in_dim3A_171 = vector.broadcast %broadcast_in_dim3A_170 : f32 to vector<16xf32>
    %get3A_172 = arith.constant 0 : i32
    %get3A_173 = arith.index_cast %get3A_172 : i32 to index
    %get3A_174 = arith.constant 0 : index
    %get3A_175 = tpu.vector_load %arg7[%get3A_173, %get3A_174] {strides = array<i32>} : memref<32x128xf32, #tpu.memory_space<vmem>>, vector<16xf32>,
    %add3A_176 = arith.addf %broadcast_in_dim3A_171, %get3A_175 : vector<16xf32>
    %get3A_177 = arith.constant 1 : i32
    %get3A_178 = arith.index_cast %get3A_177 : i32 to index
    %get3A_179 = arith.constant 0 : index
    %get3A_180 = tpu.vector_load %arg7[%get3A_178, %get3A_179] {strides = array<i32>} : memref<32x128xf32, #tpu.memory_space<vmem>>, vector<16xf32>,
    %add3A_181 = arith.addf %add3A_176, %get3A_180 : vector<16xf32>
    %get3A_182 = arith.constant 2 : i32
    %get3A_183 = arith.index_cast %get3A_182 : i32 to index
    %get3A_184 = arith.constant 0 : index
    %get3A_185 = tpu.vector_load %arg7[%get3A_183, %get3A_184] {strides = array<i32>} : memref<32x128xf32, #tpu.memory_space<vmem>>, vector<16xf32>,
    %add3A_186 = arith.addf %add3A_181, %get3A_185 : vector<16xf32>
    %get3A_187 = arith.constant 3 : i32
    %get3A_188 = arith.index_cast %get3A_187 : i32 to index
    %get3A_189 = arith.constant 0 : index
    %get3A_190 = tpu.vector_load %arg7[%get3A_188, %get3A_189] {strides = array<i32>} : memref<32x128xf32, #tpu.memory_space<vmem>>, vector<16xf32>,
    %add3A_191 = arith.addf %add3A_186, %get3A_190 : vector<16xf32>
    %get3A_192 = arith.constant 4 : i32
    %get3A_193 = arith.index_cast %get3A_192 : i32 to index
    %get3A_194 = arith.constant 0 : index
    %get3A_195 = tpu.vector_load %arg7[%get3A_193, %get3A_194] {strides = array<i32>} : memref<32x128xf32, #tpu.memory_space<vmem>>, vector<16xf32>,
    %add3A_196 = arith.addf %add3A_191, %get3A_195 : vector<16xf32>
    %get3A_197 = arith.constant 5 : i32
    %get3A_198 = arith.index_cast %get3A_197 : i32 to index
    %get3A_199 = arith.constant 0 : index
    %get3A_200 = tpu.vector_load %arg7[%get3A_198, %get3A_199] {strides = array<i32>} : memref<32x128xf32, #tpu.memory_space<vmem>>, vector<16xf32>,
    %add3A_201 = arith.addf %add3A_196, %get3A_200 : vector<16xf32>
    %get3A_202 = arith.constant 6 : i32
    %get3A_203 = arith.index_cast %get3A_202 : i32 to index
    %get3A_204 = arith.constant 0 : index
    %get3A_205 = tpu.vector_load %arg7[%get3A_203, %get3A_204] {strides = array<i32>} : memref<32x128xf32, #tpu.memory_space<vmem>>, vector<16xf32>,
    %add3A_206 = arith.addf %add3A_201, %get3A_205 : vector<16xf32>
    %get3A_207 = arith.constant 7 : i32
    %get3A_208 = arith.index_cast %get3A_207 : i32 to index
    %get3A_209 = arith.constant 0 : index
    %get3A_210 = tpu.vector_load %arg7[%get3A_208, %get3A_209] {strides = array<i32>} : memref<32x128xf32, #tpu.memory_space<vmem>>, vector<16xf32>,
    %add3A_211 = arith.addf %add3A_206, %get3A_210 : vector<16xf32>
    %get3A_212 = arith.constant 8 : i32
    %get3A_213 = arith.index_cast %get3A_212 : i32 to index
    %get3A_214 = arith.constant 0 : index
    %get3A_215 = tpu.vector_load %arg7[%get3A_213, %get3A_214] {strides = array<i32>} : memref<32x128xf32, #tpu.memory_space<vmem>>, vector<16xf32>,
    %add3A_216 = arith.addf %add3A_211, %get3A_215 : vector<16xf32>
    %get3A_217 = arith.constant 9 : i32
    %get3A_218 = arith.index_cast %get3A_217 : i32 to index
    %get3A_219 = arith.constant 0 : index
    %get3A_220 = tpu.vector_load %arg7[%get3A_218, %get3A_219] {strides = array<i32>} : memref<32x128xf32, #tpu.memory_space<vmem>>, vector<16xf32>,
    %add3A_221 = arith.addf %add3A_216, %get3A_220 : vector<16xf32>
    %get3A_222 = arith.constant 10 : i32
    %get3A_223 = arith.index_cast %get3A_222 : i32 to index
    %get3A_224 = arith.constant 0 : index
    %get3A_225 = tpu.vector_load %arg7[%get3A_223, %get3A_224] {strides = array<i32>} : memref<32x128xf32, #tpu.memory_space<vmem>>, vector<16xf32>,
    %add3A_226 = arith.addf %add3A_221, %get3A_225 : vector<16xf32>
    %get3A_227 = arith.constant 11 : i32
    %get3A_228 = arith.index_cast %get3A_227 : i32 to index
    %get3A_229 = arith.constant 0 : index
    %get3A_230 = tpu.vector_load %arg7[%get3A_228, %get3A_229] {strides = array<i32>} : memref<32x128xf32, #tpu.memory_space<vmem>>, vector<16xf32>,
    %add3A_231 = arith.addf %add3A_226, %get3A_230 : vector<16xf32>
    %get3A_232 = arith.constant 12 : i32
    %get3A_233 = arith.index_cast %get3A_232 : i32 to index
    %get3A_234 = arith.constant 0 : index
    %get3A_235 = tpu.vector_load %arg7[%get3A_233, %get3A_234] {strides = array<i32>} : memref<32x128xf32, #tpu.memory_space<vmem>>, vector<16xf32>,
    %add3A_236 = arith.addf %add3A_231, %get3A_235 : vector<16xf32>
    %get3A_237 = arith.constant 13 : i32
    %get3A_238 = arith.index_cast %get3A_237 : i32 to index
    %get3A_239 = arith.constant 0 : index
    %get3A_240 = tpu.vector_load %arg7[%get3A_238, %get3A_239] {strides = array<i32>} : memref<32x128xf32, #tpu.memory_space<vmem>>, vector<16xf32>,
    %add3A_241 = arith.addf %add3A_236, %get3A_240 : vector<16xf32>
    %get3A_242 = arith.constant 14 : i32
    %get3A_243 = arith.index_cast %get3A_242 : i32 to index
    %get3A_244 = arith.constant 0 : index
    %get3A_245 = tpu.vector_load %arg7[%get3A_243, %get3A_244] {strides = array<i32>} : memref<32x128xf32, #tpu.memory_space<vmem>>, vector<16xf32>,
    %add3A_246 = arith.addf %add3A_241, %get3A_245 : vector<16xf32>
    %get3A_247 = arith.constant 15 : i32
    %get3A_248 = arith.index_cast %get3A_247 : i32 to index
    %get3A_249 = arith.constant 0 : index
    %get3A_250 = tpu.vector_load %arg7[%get3A_248, %get3A_249] {strides = array<i32>} : memref<32x128xf32, #tpu.memory_space<vmem>>, vector<16xf32>,
    %add3A_251 = arith.addf %add3A_246, %get3A_250 : vector<16xf32>
    %get3A_252 = arith.constant 16 : i32
    %get3A_253 = arith.index_cast %get3A_252 : i32 to index
    %get3A_254 = arith.constant 0 : index
    %get3A_255 = tpu.vector_load %arg7[%get3A_253, %get3A_254] {strides = array<i32>} : memref<32x128xf32, #tpu.memory_space<vmem>>, vector<16xf32>,
    %add3A_256 = arith.addf %add3A_251, %get3A_255 : vector<16xf32>
    %get3A_257 = arith.constant 17 : i32
    %get3A_258 = arith.index_cast %get3A_257 : i32 to index
    %get3A_259 = arith.constant 0 : index
    %get3A_260 = tpu.vector_load %arg7[%get3A_258, %get3A_259] {strides = array<i32>} : memref<32x128xf32, #tpu.memory_space<vmem>>, vector<16xf32>,
    %add3A_261 = arith.addf %add3A_256, %get3A_260 : vector<16xf32>
    %get3A_262 = arith.constant 18 : i32
    %get3A_263 = arith.index_cast %get3A_262 : i32 to index
    %get3A_264 = arith.constant 0 : index
    %get3A_265 = tpu.vector_load %arg7[%get3A_263, %get3A_264] {strides = array<i32>} : memref<32x128xf32, #tpu.memory_space<vmem>>, vector<16xf32>,
    %add3A_266 = arith.addf %add3A_261, %get3A_265 : vector<16xf32>
    %get3A_267 = arith.constant 19 : i32
    %get3A_268 = arith.index_cast %get3A_267 : i32 to index
    %get3A_269 = arith.constant 0 : index
    %get3A_270 = tpu.vector_load %arg7[%get3A_268, %get3A_269] {strides = array<i32>} : memref<32x128xf32, #tpu.memory_space<vmem>>, vector<16xf32>,
    %add3A_271 = arith.addf %add3A_266, %get3A_270 : vector<16xf32>
    %get3A_272 = arith.constant 20 : i32
    %get3A_273 = arith.index_cast %get3A_272 : i32 to index
    %get3A_274 = arith.constant 0 : index
    %get3A_275 = tpu.vector_load %arg7[%get3A_273, %get3A_274] {strides = array<i32>} : memref<32x128xf32, #tpu.memory_space<vmem>>, vector<16xf32>,
    %add3A_276 = arith.addf %add3A_271, %get3A_275 : vector<16xf32>
    %get3A_277 = arith.constant 21 : i32
    %get3A_278 = arith.index_cast %get3A_277 : i32 to index
    %get3A_279 = arith.constant 0 : index
    %get3A_280 = tpu.vector_load %arg7[%get3A_278, %get3A_279] {strides = array<i32>} : memref<32x128xf32, #tpu.memory_space<vmem>>, vector<16xf32>,
    %add3A_281 = arith.addf %add3A_276, %get3A_280 : vector<16xf32>
    %get3A_282 = arith.constant 22 : i32
    %get3A_283 = arith.index_cast %get3A_282 : i32 to index
    %get3A_284 = arith.constant 0 : index
    %get3A_285 = tpu.vector_load %arg7[%get3A_283, %get3A_284] {strides = array<i32>} : memref<32x128xf32, #tpu.memory_space<vmem>>, vector<16xf32>,
    %add3A_286 = arith.addf %add3A_281, %get3A_285 : vector<16xf32>
    %get3A_287 = arith.constant 23 : i32
    %get3A_288 = arith.index_cast %get3A_287 : i32 to index
    %get3A_289 = arith.constant 0 : index
    %get3A_290 = tpu.vector_load %arg7[%get3A_288, %get3A_289] {strides = array<i32>} : memref<32x128xf32, #tpu.memory_space<vmem>>, vector<16xf32>,
    %add3A_291 = arith.addf %add3A_286, %get3A_290 : vector<16xf32>
    %get3A_292 = arith.constant 24 : i32
    %get3A_293 = arith.index_cast %get3A_292 : i32 to index
    %get3A_294 = arith.constant 0 : index
    %get3A_295 = tpu.vector_load %arg7[%get3A_293, %get3A_294] {strides = array<i32>} : memref<32x128xf32, #tpu.memory_space<vmem>>, vector<16xf32>,
    %add3A_296 = arith.addf %add3A_291, %get3A_295 : vector<16xf32>
    %get3A_297 = arith.constant 25 : i32
    %get3A_298 = arith.index_cast %get3A_297 : i32 to index
    %get3A_299 = arith.constant 0 : index
    %get3A_300 = tpu.vector_load %arg7[%get3A_298, %get3A_299] {strides = array<i32>} : memref<32x128xf32, #tpu.memory_space<vmem>>, vector<16xf32>,
    %add3A_301 = arith.addf %add3A_296, %get3A_300 : vector<16xf32>
    %get3A_302 = arith.constant 26 : i32
    %get3A_303 = arith.index_cast %get3A_302 : i32 to index
    %get3A_304 = arith.constant 0 : index
    %get3A_305 = tpu.vector_load %arg7[%get3A_303, %get3A_304] {strides = array<i32>} : memref<32x128xf32, #tpu.memory_space<vmem>>, vector<16xf32>,
    %add3A_306 = arith.addf %add3A_301, %get3A_305 : vector<16xf32>
    %get3A_307 = arith.constant 27 : i32
    %get3A_308 = arith.index_cast %get3A_307 : i32 to index
    %get3A_309 = arith.constant 0 : index
    %get3A_310 = tpu.vector_load %arg7[%get3A_308, %get3A_309] {strides = array<i32>} : memref<32x128xf32, #tpu.memory_space<vmem>>, vector<16xf32>,
    %add3A_311 = arith.addf %add3A_306, %get3A_310 : vector<16xf32>
    %get3A_312 = arith.constant 28 : i32
    %get3A_313 = arith.index_cast %get3A_312 : i32 to index
    %get3A_314 = arith.constant 0 : index
    %get3A_315 = tpu.vector_load %arg7[%get3A_313, %get3A_314] {strides = array<i32>} : memref<32x128xf32, #tpu.memory_space<vmem>>, vector<16xf32>,
    %add3A_316 = arith.addf %add3A_311, %get3A_315 : vector<16xf32>
    %get3A_317 = arith.constant 29 : i32
    %get3A_318 = arith.index_cast %get3A_317 : i32 to index
    %get3A_319 = arith.constant 0 : index
    %get3A_320 = tpu.vector_load %arg7[%get3A_318, %get3A_319] {strides = array<i32>} : memref<32x128xf32, #tpu.memory_space<vmem>>, vector<16xf32>,
    %add3A_321 = arith.addf %add3A_316, %get3A_320 : vector<16xf32>
    %get3A_322 = arith.constant 30 : i32
    %get3A_323 = arith.index_cast %get3A_322 : i32 to index
    %get3A_324 = arith.constant 0 : index
    %get3A_325 = tpu.vector_load %arg7[%get3A_323, %get3A_324] {strides = array<i32>} : memref<32x128xf32, #tpu.memory_space<vmem>>, vector<16xf32>,
    %add3A_326 = arith.addf %add3A_321, %get3A_325 : vector<16xf32>
    %get3A_327 = arith.constant 31 : i32
    %get3A_328 = arith.index_cast %get3A_327 : i32 to index
    %get3A_329 = arith.constant 0 : index
    %get3A_330 = tpu.vector_load %arg7[%get3A_328, %get3A_329] {strides = array<i32>} : memref<32x128xf32, #tpu.memory_space<vmem>>, vector<16xf32>,
    %add3A_331 = arith.addf %add3A_326, %get3A_330 : vector<16xf32>
    %div3A = arith.divf %add3A_331, %convert_element_type3A : vector<16xf32>
    %broadcast_in_dim3A_332 = arith.constant 0.000000e+00 : f32
    %broadcast_in_dim3A_333 = vector.broadcast %broadcast_in_dim3A_332 : f32 to vector<16xf32>
    %get3A_334 = arith.constant 0 : i32
    %get3A_335 = arith.index_cast %get3A_334 : i32 to index
    %get3A_336 = arith.constant 16 : index
    %get3A_337 = tpu.vector_load %arg7[%get3A_335, %get3A_336] {strides = array<i32>} : memref<32x128xf32, #tpu.memory_space<vmem>>, vector<16xf32>,
    %add3A_338 = arith.addf %broadcast_in_dim3A_333, %get3A_337 : vector<16xf32>
    %get3A_339 = arith.constant 1 : i32
    %get3A_340 = arith.index_cast %get3A_339 : i32 to index
    %get3A_341 = arith.constant 16 : index
    %get3A_342 = tpu.vector_load %arg7[%get3A_340, %get3A_341] {strides = array<i32>} : memref<32x128xf32, #tpu.memory_space<vmem>>, vector<16xf32>,
    %add3A_343 = arith.addf %add3A_338, %get3A_342 : vector<16xf32>
    %get3A_344 = arith.constant 2 : i32
    %get3A_345 = arith.index_cast %get3A_344 : i32 to index
    %get3A_346 = arith.constant 16 : index
    %get3A_347 = tpu.vector_load %arg7[%get3A_345, %get3A_346] {strides = array<i32>} : memref<32x128xf32, #tpu.memory_space<vmem>>, vector<16xf32>,
    %add3A_348 = arith.addf %add3A_343, %get3A_347 : vector<16xf32>
    %get3A_349 = arith.constant 3 : i32
    %get3A_350 = arith.index_cast %get3A_349 : i32 to index
    %get3A_351 = arith.constant 16 : index
    %get3A_352 = tpu.vector_load %arg7[%get3A_350, %get3A_351] {strides = array<i32>} : memref<32x128xf32, #tpu.memory_space<vmem>>, vector<16xf32>,
    %add3A_353 = arith.addf %add3A_348, %get3A_352 : vector<16xf32>
    %get3A_354 = arith.constant 4 : i32
    %get3A_355 = arith.index_cast %get3A_354 : i32 to index
    %get3A_356 = arith.constant 16 : index
    %get3A_357 = tpu.vector_load %arg7[%get3A_355, %get3A_356] {strides = array<i32>} : memref<32x128xf32, #tpu.memory_space<vmem>>, vector<16xf32>,
    %add3A_358 = arith.addf %add3A_353, %get3A_357 : vector<16xf32>
    %get3A_359 = arith.constant 5 : i32
    %get3A_360 = arith.index_cast %get3A_359 : i32 to index
    %get3A_361 = arith.constant 16 : index
    %get3A_362 = tpu.vector_load %arg7[%get3A_360, %get3A_361] {strides = array<i32>} : memref<32x128xf32, #tpu.memory_space<vmem>>, vector<16xf32>,
    %add3A_363 = arith.addf %add3A_358, %get3A_362 : vector<16xf32>
    %get3A_364 = arith.constant 6 : i32
    %get3A_365 = arith.index_cast %get3A_364 : i32 to index
    %get3A_366 = arith.constant 16 : index
    %get3A_367 = tpu.vector_load %arg7[%get3A_365, %get3A_366] {strides = array<i32>} : memref<32x128xf32, #tpu.memory_space<vmem>>, vector<16xf32>,
    %add3A_368 = arith.addf %add3A_363, %get3A_367 : vector<16xf32>
    %get3A_369 = arith.constant 7 : i32
    %get3A_370 = arith.index_cast %get3A_369 : i32 to index
    %get3A_371 = arith.constant 16 : index
    %get3A_372 = tpu.vector_load %arg7[%get3A_370, %get3A_371] {strides = array<i32>} : memref<32x128xf32, #tpu.memory_space<vmem>>, vector<16xf32>,
    %add3A_373 = arith.addf %add3A_368, %get3A_372 : vector<16xf32>
    %get3A_374 = arith.constant 8 : i32
    %get3A_375 = arith.index_cast %get3A_374 : i32 to index
    %get3A_376 = arith.constant 16 : index
    %get3A_377 = tpu.vector_load %arg7[%get3A_375, %get3A_376] {strides = array<i32>} : memref<32x128xf32, #tpu.memory_space<vmem>>, vector<16xf32>,
    %add3A_378 = arith.addf %add3A_373, %get3A_377 : vector<16xf32>
    %get3A_379 = arith.constant 9 : i32
    %get3A_380 = arith.index_cast %get3A_379 : i32 to index
    %get3A_381 = arith.constant 16 : index
    %get3A_382 = tpu.vector_load %arg7[%get3A_380, %get3A_381] {strides = array<i32>} : memref<32x128xf32, #tpu.memory_space<vmem>>, vector<16xf32>,
    %add3A_383 = arith.addf %add3A_378, %get3A_382 : vector<16xf32>
    %get3A_384 = arith.constant 10 : i32
    %get3A_385 = arith.index_cast %get3A_384 : i32 to index
    %get3A_386 = arith.constant 16 : index
    %get3A_387 = tpu.vector_load %arg7[%get3A_385, %get3A_386] {strides = array<i32>} : memref<32x128xf32, #tpu.memory_space<vmem>>, vector<16xf32>,
    %add3A_388 = arith.addf %add3A_383, %get3A_387 : vector<16xf32>
    %get3A_389 = arith.constant 11 : i32
    %get3A_390 = arith.index_cast %get3A_389 : i32 to index
    %get3A_391 = arith.constant 16 : index
    %get3A_392 = tpu.vector_load %arg7[%get3A_390, %get3A_391] {strides = array<i32>} : memref<32x128xf32, #tpu.memory_space<vmem>>, vector<16xf32>,
    %add3A_393 = arith.addf %add3A_388, %get3A_392 : vector<16xf32>
    %get3A_394 = arith.constant 12 : i32
    %get3A_395 = arith.index_cast %get3A_394 : i32 to index
    %get3A_396 = arith.constant 16 : index
    %get3A_397 = tpu.vector_load %arg7[%get3A_395, %get3A_396] {strides = array<i32>} : memref<32x128xf32, #tpu.memory_space<vmem>>, vector<16xf32>,
    %add3A_398 = arith.addf %add3A_393, %get3A_397 : vector<16xf32>
    %get3A_399 = arith.constant 13 : i32
    %get3A_400 = arith.index_cast %get3A_399 : i32 to index
    %get3A_401 = arith.constant 16 : index
    %get3A_402 = tpu.vector_load %arg7[%get3A_400, %get3A_401] {strides = array<i32>} : memref<32x128xf32, #tpu.memory_space<vmem>>, vector<16xf32>,
    %add3A_403 = arith.addf %add3A_398, %get3A_402 : vector<16xf32>
    %get3A_404 = arith.constant 14 : i32
    %get3A_405 = arith.index_cast %get3A_404 : i32 to index
    %get3A_406 = arith.constant 16 : index
    %get3A_407 = tpu.vector_load %arg7[%get3A_405, %get3A_406] {strides = array<i32>} : memref<32x128xf32, #tpu.memory_space<vmem>>, vector<16xf32>,
    %add3A_408 = arith.addf %add3A_403, %get3A_407 : vector<16xf32>
    %get3A_409 = arith.constant 15 : i32
    %get3A_410 = arith.index_cast %get3A_409 : i32 to index
    %get3A_411 = arith.constant 16 : index
    %get3A_412 = tpu.vector_load %arg7[%get3A_410, %get3A_411] {strides = array<i32>} : memref<32x128xf32, #tpu.memory_space<vmem>>, vector<16xf32>,
    %add3A_413 = arith.addf %add3A_408, %get3A_412 : vector<16xf32>
    %get3A_414 = arith.constant 16 : i32
    %get3A_415 = arith.index_cast %get3A_414 : i32 to index
    %get3A_416 = arith.constant 16 : index
    %get3A_417 = tpu.vector_load %arg7[%get3A_415, %get3A_416] {strides = array<i32>} : memref<32x128xf32, #tpu.memory_space<vmem>>, vector<16xf32>,
    %add3A_418 = arith.addf %add3A_413, %get3A_417 : vector<16xf32>
    %get3A_419 = arith.constant 17 : i32
    %get3A_420 = arith.index_cast %get3A_419 : i32 to index
    %get3A_421 = arith.constant 16 : index
    %get3A_422 = tpu.vector_load %arg7[%get3A_420, %get3A_421] {strides = array<i32>} : memref<32x128xf32, #tpu.memory_space<vmem>>, vector<16xf32>,
    %add3A_423 = arith.addf %add3A_418, %get3A_422 : vector<16xf32>
    %get3A_424 = arith.constant 18 : i32
    %get3A_425 = arith.index_cast %get3A_424 : i32 to index
    %get3A_426 = arith.constant 16 : index
    %get3A_427 = tpu.vector_load %arg7[%get3A_425, %get3A_426] {strides = array<i32>} : memref<32x128xf32, #tpu.memory_space<vmem>>, vector<16xf32>,
    %add3A_428 = arith.addf %add3A_423, %get3A_427 : vector<16xf32>
    %get3A_429 = arith.constant 19 : i32
    %get3A_430 = arith.index_cast %get3A_429 : i32 to index
    %get3A_431 = arith.constant 16 : index
    %get3A_432 = tpu.vector_load %arg7[%get3A_430, %get3A_431] {strides = array<i32>} : memref<32x128xf32, #tpu.memory_space<vmem>>, vector<16xf32>,
    %add3A_433 = arith.addf %add3A_428, %get3A_432 : vector<16xf32>
    %get3A_434 = arith.constant 20 : i32
    %get3A_435 = arith.index_cast %get3A_434 : i32 to index
    %get3A_436 = arith.constant 16 : index
    %get3A_437 = tpu.vector_load %arg7[%get3A_435, %get3A_436] {strides = array<i32>} : memref<32x128xf32, #tpu.memory_space<vmem>>, vector<16xf32>,
    %add3A_438 = arith.addf %add3A_433, %get3A_437 : vector<16xf32>
    %get3A_439 = arith.constant 21 : i32
    %get3A_440 = arith.index_cast %get3A_439 : i32 to index
    %get3A_441 = arith.constant 16 : index
    %get3A_442 = tpu.vector_load %arg7[%get3A_440, %get3A_441] {strides = array<i32>} : memref<32x128xf32, #tpu.memory_space<vmem>>, vector<16xf32>,
    %add3A_443 = arith.addf %add3A_438, %get3A_442 : vector<16xf32>
    %get3A_444 = arith.constant 22 : i32
    %get3A_445 = arith.index_cast %get3A_444 : i32 to index
    %get3A_446 = arith.constant 16 : index
    %get3A_447 = tpu.vector_load %arg7[%get3A_445, %get3A_446] {strides = array<i32>} : memref<32x128xf32, #tpu.memory_space<vmem>>, vector<16xf32>,
    %add3A_448 = arith.addf %add3A_443, %get3A_447 : vector<16xf32>
    %get3A_449 = arith.constant 23 : i32
    %get3A_450 = arith.index_cast %get3A_449 : i32 to index
    %get3A_451 = arith.constant 16 : index
    %get3A_452 = tpu.vector_load %arg7[%get3A_450, %get3A_451] {strides = array<i32>} : memref<32x128xf32, #tpu.memory_space<vmem>>, vector<16xf32>,
    %add3A_453 = arith.addf %add3A_448, %get3A_452 : vector<16xf32>
    %get3A_454 = arith.constant 24 : i32
    %get3A_455 = arith.index_cast %get3A_454 : i32 to index
    %get3A_456 = arith.constant 16 : index
    %get3A_457 = tpu.vector_load %arg7[%get3A_455, %get3A_456] {strides = array<i32>} : memref<32x128xf32, #tpu.memory_space<vmem>>, vector<16xf32>,
    %add3A_458 = arith.addf %add3A_453, %get3A_457 : vector<16xf32>
    %get3A_459 = arith.constant 25 : i32
    %get3A_460 = arith.index_cast %get3A_459 : i32 to index
    %get3A_461 = arith.constant 16 : index
    %get3A_462 = tpu.vector_load %arg7[%get3A_460, %get3A_461] {strides = array<i32>} : memref<32x128xf32, #tpu.memory_space<vmem>>, vector<16xf32>,
    %add3A_463 = arith.addf %add3A_458, %get3A_462 : vector<16xf32>
    %get3A_464 = arith.constant 26 : i32
    %get3A_465 = arith.index_cast %get3A_464 : i32 to index
    %get3A_466 = arith.constant 16 : index
    %get3A_467 = tpu.vector_load %arg7[%get3A_465, %get3A_466] {strides = array<i32>} : memref<32x128xf32, #tpu.memory_space<vmem>>, vector<16xf32>,
    %add3A_468 = arith.addf %add3A_463, %get3A_467 : vector<16xf32>
    %get3A_469 = arith.constant 27 : i32
    %get3A_470 = arith.index_cast %get3A_469 : i32 to index
    %get3A_471 = arith.constant 16 : index
    %get3A_472 = tpu.vector_load %arg7[%get3A_470, %get3A_471] {strides = array<i32>} : memref<32x128xf32, #tpu.memory_space<vmem>>, vector<16xf32>,
    %add3A_473 = arith.addf %add3A_468, %get3A_472 : vector<16xf32>
    %get3A_474 = arith.constant 28 : i32
    %get3A_475 = arith.index_cast %get3A_474 : i32 to index
    %get3A_476 = arith.constant 16 : index
    %get3A_477 = tpu.vector_load %arg7[%get3A_475, %get3A_476] {strides = array<i32>} : memref<32x128xf32, #tpu.memory_space<vmem>>, vector<16xf32>,
    %add3A_478 = arith.addf %add3A_473, %get3A_477 : vector<16xf32>
    %get3A_479 = arith.constant 29 : i32
    %get3A_480 = arith.index_cast %get3A_479 : i32 to index
    %get3A_481 = arith.constant 16 : index
    %get3A_482 = tpu.vector_load %arg7[%get3A_480, %get3A_481] {strides = array<i32>} : memref<32x128xf32, #tpu.memory_space<vmem>>, vector<16xf32>,
    %add3A_483 = arith.addf %add3A_478, %get3A_482 : vector<16xf32>
    %get3A_484 = arith.constant 30 : i32
    %get3A_485 = arith.index_cast %get3A_484 : i32 to index
    %get3A_486 = arith.constant 16 : index
    %get3A_487 = tpu.vector_load %arg7[%get3A_485, %get3A_486] {strides = array<i32>} : memref<32x128xf32, #tpu.memory_space<vmem>>, vector<16xf32>,
    %add3A_488 = arith.addf %add3A_483, %get3A_487 : vector<16xf32>
    %get3A_489 = arith.constant 31 : i32
    %get3A_490 = arith.index_cast %get3A_489 : i32 to index
    %get3A_491 = arith.constant 16 : index
    %get3A_492 = tpu.vector_load %arg7[%get3A_490, %get3A_491] {strides = array<i32>} : memref<32x128xf32, #tpu.memory_space<vmem>>, vector<16xf32>,
    %add3A_493 = arith.addf %add3A_488, %get3A_492 : vector<16xf32>
    %div3A_494 = arith.divf %add3A_493, %convert_element_type3A : vector<16xf32>
    %broadcast_in_dim3A_495 = arith.constant 0.000000e+00 : f32
    %broadcast_in_dim3A_496 = vector.broadcast %broadcast_in_dim3A_495 : f32 to vector<16xf32>
    %get3A_497 = arith.constant 0 : i32
    %get3A_498 = arith.index_cast %get3A_497 : i32 to index
    %get3A_499 = arith.constant 32 : index
    %get3A_500 = tpu.vector_load %arg7[%get3A_498, %get3A_499] {strides = array<i32>} : memref<32x128xf32, #tpu.memory_space<vmem>>, vector<16xf32>,
    %add3A_501 = arith.addf %broadcast_in_dim3A_496, %get3A_500 : vector<16xf32>
    %get3A_502 = arith.constant 1 : i32
    %get3A_503 = arith.index_cast %get3A_502 : i32 to index
    %get3A_504 = arith.constant 32 : index
    %get3A_505 = tpu.vector_load %arg7[%get3A_503, %get3A_504] {strides = array<i32>} : memref<32x128xf32, #tpu.memory_space<vmem>>, vector<16xf32>,
    %add3A_506 = arith.addf %add3A_501, %get3A_505 : vector<16xf32>
    %get3A_507 = arith.constant 2 : i32
    %get3A_508 = arith.index_cast %get3A_507 : i32 to index
    %get3A_509 = arith.constant 32 : index
    %get3A_510 = tpu.vector_load %arg7[%get3A_508, %get3A_509] {strides = array<i32>} : memref<32x128xf32, #tpu.memory_space<vmem>>, vector<16xf32>,
    %add3A_511 = arith.addf %add3A_506, %get3A_510 : vector<16xf32>
    %get3A_512 = arith.constant 3 : i32
    %get3A_513 = arith.index_cast %get3A_512 : i32 to index
    %get3A_514 = arith.constant 32 : index
    %get3A_515 = tpu.vector_load %arg7[%get3A_513, %get3A_514] {strides = array<i32>} : memref<32x128xf32, #tpu.memory_space<vmem>>, vector<16xf32>,
    %add3A_516 = arith.addf %add3A_511, %get3A_515 : vector<16xf32>
    %get3A_517 = arith.constant 4 : i32
    %get3A_518 = arith.index_cast %get3A_517 : i32 to index
    %get3A_519 = arith.constant 32 : index
    %get3A_520 = tpu.vector_load %arg7[%get3A_518, %get3A_519] {strides = array<i32>} : memref<32x128xf32, #tpu.memory_space<vmem>>, vector<16xf32>,
    %add3A_521 = arith.addf %add3A_516, %get3A_520 : vector<16xf32>
    %get3A_522 = arith.constant 5 : i32
    %get3A_523 = arith.index_cast %get3A_522 : i32 to index
    %get3A_524 = arith.constant 32 : index
    %get3A_525 = tpu.vector_load %arg7[%get3A_523, %get3A_524] {strides = array<i32>} : memref<32x128xf32, #tpu.memory_space<vmem>>, vector<16xf32>,
    %add3A_526 = arith.addf %add3A_521, %get3A_525 : vector<16xf32>
    %get3A_527 = arith.constant 6 : i32
    %get3A_528 = arith.index_cast %get3A_527 : i32 to index
    %get3A_529 = arith.constant 32 : index
    %get3A_530 = tpu.vector_load %arg7[%get3A_528, %get3A_529] {strides = array<i32>} : memref<32x128xf32, #tpu.memory_space<vmem>>, vector<16xf32>,
    %add3A_531 = arith.addf %add3A_526, %get3A_530 : vector<16xf32>
    %get3A_532 = arith.constant 7 : i32
    %get3A_533 = arith.index_cast %get3A_532 : i32 to index
    %get3A_534 = arith.constant 32 : index
    %get3A_535 = tpu.vector_load %arg7[%get3A_533, %get3A_534] {strides = array<i32>} : memref<32x128xf32, #tpu.memory_space<vmem>>, vector<16xf32>,
    %add3A_536 = arith.addf %add3A_531, %get3A_535 : vector<16xf32>
    %get3A_537 = arith.constant 8 : i32
    %get3A_538 = arith.index_cast %get3A_537 : i32 to index
    %get3A_539 = arith.constant 32 : index
    %get3A_540 = tpu.vector_load %arg7[%get3A_538, %get3A_539] {strides = array<i32>} : memref<32x128xf32, #tpu.memory_space<vmem>>, vector<16xf32>,
    %add3A_541 = arith.addf %add3A_536, %get3A_540 : vector<16xf32>
    %get3A_542 = arith.constant 9 : i32
    %get3A_543 = arith.index_cast %get3A_542 : i32 to index
    %get3A_544 = arith.constant 32 : index
    %get3A_545 = tpu.vector_load %arg7[%get3A_543, %get3A_544] {strides = array<i32>} : memref<32x128xf32, #tpu.memory_space<vmem>>, vector<16xf32>,
    %add3A_546 = arith.addf %add3A_541, %get3A_545 : vector<16xf32>
    %get3A_547 = arith.constant 10 : i32
    %get3A_548 = arith.index_cast %get3A_547 : i32 to index
    %get3A_549 = arith.constant 32 : index
    %get3A_550 = tpu.vector_load %arg7[%get3A_548, %get3A_549] {strides = array<i32>} : memref<32x128xf32, #tpu.memory_space<vmem>>, vector<16xf32>,
    %add3A_551 = arith.addf %add3A_546, %get3A_550 : vector<16xf32>
    %get3A_552 = arith.constant 11 : i32
    %get3A_553 = arith.index_cast %get3A_552 : i32 to index
    %get3A_554 = arith.constant 32 : index
    %get3A_555 = tpu.vector_load %arg7[%get3A_553, %get3A_554] {strides = array<i32>} : memref<32x128xf32, #tpu.memory_space<vmem>>, vector<16xf32>,
    %add3A_556 = arith.addf %add3A_551, %get3A_555 : vector<16xf32>
    %get3A_557 = arith.constant 12 : i32
    %get3A_558 = arith.index_cast %get3A_557 : i32 to index
    %get3A_559 = arith.constant 32 : index
    %get3A_560 = tpu.vector_load %arg7[%get3A_558, %get3A_559] {strides = array<i32>} : memref<32x128xf32, #tpu.memory_space<vmem>>, vector<16xf32>,
    %add3A_561 = arith.addf %add3A_556, %get3A_560 : vector<16xf32>
    %get3A_562 = arith.constant 13 : i32
    %get3A_563 = arith.index_cast %get3A_562 : i32 to index
    %get3A_564 = arith.constant 32 : index
    %get3A_565 = tpu.vector_load %arg7[%get3A_563, %get3A_564] {strides = array<i32>} : memref<32x128xf32, #tpu.memory_space<vmem>>, vector<16xf32>,
    %add3A_566 = arith.addf %add3A_561, %get3A_565 : vector<16xf32>
    %get3A_567 = arith.constant 14 : i32
    %get3A_568 = arith.index_cast %get3A_567 : i32 to index
    %get3A_569 = arith.constant 32 : index
    %get3A_570 = tpu.vector_load %arg7[%get3A_568, %get3A_569] {strides = array<i32>} : memref<32x128xf32, #tpu.memory_space<vmem>>, vector<16xf32>,
    %add3A_571 = arith.addf %add3A_566, %get3A_570 : vector<16xf32>
    %get3A_572 = arith.constant 15 : i32
    %get3A_573 = arith.index_cast %get3A_572 : i32 to index
    %get3A_574 = arith.constant 32 : index
    %get3A_575 = tpu.vector_load %arg7[%get3A_573, %get3A_574] {strides = array<i32>} : memref<32x128xf32, #tpu.memory_space<vmem>>, vector<16xf32>,
    %add3A_576 = arith.addf %add3A_571, %get3A_575 : vector<16xf32>
    %get3A_577 = arith.constant 16 : i32
    %get3A_578 = arith.index_cast %get3A_577 : i32 to index
    %get3A_579 = arith.constant 32 : index
    %get3A_580 = tpu.vector_load %arg7[%get3A_578, %get3A_579] {strides = array<i32>} : memref<32x128xf32, #tpu.memory_space<vmem>>, vector<16xf32>,
    %add3A_581 = arith.addf %add3A_576, %get3A_580 : vector<16xf32>
    %get3A_582 = arith.constant 17 : i32
    %get3A_583 = arith.index_cast %get3A_582 : i32 to index
    %get3A_584 = arith.constant 32 : index
    %get3A_585 = tpu.vector_load %arg7[%get3A_583, %get3A_584] {strides = array<i32>} : memref<32x128xf32, #tpu.memory_space<vmem>>, vector<16xf32>,
    %add3A_586 = arith.addf %add3A_581, %get3A_585 : vector<16xf32>
    %get3A_587 = arith.constant 18 : i32
    %get3A_588 = arith.index_cast %get3A_587 : i32 to index
    %get3A_589 = arith.constant 32 : index
    %get3A_590 = tpu.vector_load %arg7[%get3A_588, %get3A_589] {strides = array<i32>} : memref<32x128xf32, #tpu.memory_space<vmem>>, vector<16xf32>,
    %add3A_591 = arith.addf %add3A_586, %get3A_590 : vector<16xf32>
    %get3A_592 = arith.constant 19 : i32
    %get3A_593 = arith.index_cast %get3A_592 : i32 to index
    %get3A_594 = arith.constant 32 : index
    %get3A_595 = tpu.vector_load %arg7[%get3A_593, %get3A_594] {strides = array<i32>} : memref<32x128xf32, #tpu.memory_space<vmem>>, vector<16xf32>,
    %add3A_596 = arith.addf %add3A_591, %get3A_595 : vector<16xf32>
    %get3A_597 = arith.constant 20 : i32
    %get3A_598 = arith.index_cast %get3A_597 : i32 to index
    %get3A_599 = arith.constant 32 : index
    %get3A_600 = tpu.vector_load %arg7[%get3A_598, %get3A_599] {strides = array<i32>} : memref<32x128xf32, #tpu.memory_space<vmem>>, vector<16xf32>,
    %add3A_601 = arith.addf %add3A_596, %get3A_600 : vector<16xf32>
    %get3A_602 = arith.constant 21 : i32
    %get3A_603 = arith.index_cast %get3A_602 : i32 to index
    %get3A_604 = arith.constant 32 : index
    %get3A_605 = tpu.vector_load %arg7[%get3A_603, %get3A_604] {strides = array<i32>} : memref<32x128xf32, #tpu.memory_space<vmem>>, vector<16xf32>,
    %add3A_606 = arith.addf %add3A_601, %get3A_605 : vector<16xf32>
    %get3A_607 = arith.constant 22 : i32
    %get3A_608 = arith.index_cast %get3A_607 : i32 to index
    %get3A_609 = arith.constant 32 : index
    %get3A_610 = tpu.vector_load %arg7[%get3A_608, %get3A_609] {strides = array<i32>} : memref<32x128xf32, #tpu.memory_space<vmem>>, vector<16xf32>,
    %add3A_611 = arith.addf %add3A_606, %get3A_610 : vector<16xf32>
    %get3A_612 = arith.constant 23 : i32
    %get3A_613 = arith.index_cast %get3A_612 : i32 to index
    %get3A_614 = arith.constant 32 : index
    %get3A_615 = tpu.vector_load %arg7[%get3A_613, %get3A_614] {strides = array<i32>} : memref<32x128xf32, #tpu.memory_space<vmem>>, vector<16xf32>,
    %add3A_616 = arith.addf %add3A_611, %get3A_615 : vector<16xf32>
    %get3A_617 = arith.constant 24 : i32
    %get3A_618 = arith.index_cast %get3A_617 : i32 to index
    %get3A_619 = arith.constant 32 : index
    %get3A_620 = tpu.vector_load %arg7[%get3A_618, %get3A_619] {strides = array<i32>} : memref<32x128xf32, #tpu.memory_space<vmem>>, vector<16xf32>,
    %add3A_621 = arith.addf %add3A_616, %get3A_620 : vector<16xf32>
    %get3A_622 = arith.constant 25 : i32
    %get3A_623 = arith.index_cast %get3A_622 : i32 to index
    %get3A_624 = arith.constant 32 : index
    %get3A_625 = tpu.vector_load %arg7[%get3A_623, %get3A_624] {strides = array<i32>} : memref<32x128xf32, #tpu.memory_space<vmem>>, vector<16xf32>,
    %add3A_626 = arith.addf %add3A_621, %get3A_625 : vector<16xf32>
    %get3A_627 = arith.constant 26 : i32
    %get3A_628 = arith.index_cast %get3A_627 : i32 to index
    %get3A_629 = arith.constant 32 : index
    %get3A_630 = tpu.vector_load %arg7[%get3A_628, %get3A_629] {strides = array<i32>} : memref<32x128xf32, #tpu.memory_space<vmem>>, vector<16xf32>,
    %add3A_631 = arith.addf %add3A_626, %get3A_630 : vector<16xf32>
    %get3A_632 = arith.constant 27 : i32
    %get3A_633 = arith.index_cast %get3A_632 : i32 to index
    %get3A_634 = arith.constant 32 : index
    %get3A_635 = tpu.vector_load %arg7[%get3A_633, %get3A_634] {strides = array<i32>} : memref<32x128xf32, #tpu.memory_space<vmem>>, vector<16xf32>,
    %add3A_636 = arith.addf %add3A_631, %get3A_635 : vector<16xf32>
    %get3A_637 = arith.constant 28 : i32
    %get3A_638 = arith.index_cast %get3A_637 : i32 to index
    %get3A_639 = arith.constant 32 : index
    %get3A_640 = tpu.vector_load %arg7[%get3A_638, %get3A_639] {strides = array<i32>} : memref<32x128xf32, #tpu.memory_space<vmem>>, vector<16xf32>,
    %add3A_641 = arith.addf %add3A_636, %get3A_640 : vector<16xf32>
    %get3A_642 = arith.constant 29 : i32
    %get3A_643 = arith.index_cast %get3A_642 : i32 to index
    %get3A_644 = arith.constant 32 : index
    %get3A_645 = tpu.vector_load %arg7[%get3A_643, %get3A_644] {strides = array<i32>} : memref<32x128xf32, #tpu.memory_space<vmem>>, vector<16xf32>,
    %add3A_646 = arith.addf %add3A_641, %get3A_645 : vector<16xf32>
    %get3A_647 = arith.constant 30 : i32
    %get3A_648 = arith.index_cast %get3A_647 : i32 to index
    %get3A_649 = arith.constant 32 : index
    %get3A_650 = tpu.vector_load %arg7[%get3A_648, %get3A_649] {strides = array<i32>} : memref<32x128xf32, #tpu.memory_space<vmem>>, vector<16xf32>,
    %add3A_651 = arith.addf %add3A_646, %get3A_650 : vector<16xf32>
    %get3A_652 = arith.constant 31 : i32
    %get3A_653 = arith.index_cast %get3A_652 : i32 to index
    %get3A_654 = arith.constant 32 : index
    %get3A_655 = tpu.vector_load %arg7[%get3A_653, %get3A_654] {strides = array<i32>} : memref<32x128xf32, #tpu.memory_space<vmem>>, vector<16xf32>,
    %add3A_656 = arith.addf %add3A_651, %get3A_655 : vector<16xf32>
    %div3A_657 = arith.divf %add3A_656, %convert_element_type3A : vector<16xf32>
    %broadcast_in_dim3A_658 = arith.constant 0.000000e+00 : f32
    %broadcast_in_dim3A_659 = vector.broadcast %broadcast_in_dim3A_658 : f32 to vector<16xf32>
    %get3A_660 = arith.constant 0 : i32
    %get3A_661 = arith.index_cast %get3A_660 : i32 to index
    %get3A_662 = arith.constant 48 : index
    %get3A_663 = tpu.vector_load %arg7[%get3A_661, %get3A_662] {strides = array<i32>} : memref<32x128xf32, #tpu.memory_space<vmem>>, vector<16xf32>,
    %add3A_664 = arith.addf %broadcast_in_dim3A_659, %get3A_663 : vector<16xf32>
    %get3A_665 = arith.constant 1 : i32
    %get3A_666 = arith.index_cast %get3A_665 : i32 to index
    %get3A_667 = arith.constant 48 : index
    %get3A_668 = tpu.vector_load %arg7[%get3A_666, %get3A_667] {strides = array<i32>} : memref<32x128xf32, #tpu.memory_space<vmem>>, vector<16xf32>,
    %add3A_669 = arith.addf %add3A_664, %get3A_668 : vector<16xf32>
    %get3A_670 = arith.constant 2 : i32
    %get3A_671 = arith.index_cast %get3A_670 : i32 to index
    %get3A_672 = arith.constant 48 : index
    %get3A_673 = tpu.vector_load %arg7[%get3A_671, %get3A_672] {strides = array<i32>} : memref<32x128xf32, #tpu.memory_space<vmem>>, vector<16xf32>,
    %add3A_674 = arith.addf %add3A_669, %get3A_673 : vector<16xf32>
    %get3A_675 = arith.constant 3 : i32
    %get3A_676 = arith.index_cast %get3A_675 : i32 to index
    %get3A_677 = arith.constant 48 : index
    %get3A_678 = tpu.vector_load %arg7[%get3A_676, %get3A_677] {strides = array<i32>} : memref<32x128xf32, #tpu.memory_space<vmem>>, vector<16xf32>,
    %add3A_679 = arith.addf %add3A_674, %get3A_678 : vector<16xf32>
    %get3A_680 = arith.constant 4 : i32
    %get3A_681 = arith.index_cast %get3A_680 : i32 to index
    %get3A_682 = arith.constant 48 : index
    %get3A_683 = tpu.vector_load %arg7[%get3A_681, %get3A_682] {strides = array<i32>} : memref<32x128xf32, #tpu.memory_space<vmem>>, vector<16xf32>,
    %add3A_684 = arith.addf %add3A_679, %get3A_683 : vector<16xf32>
    %get3A_685 = arith.constant 5 : i32
    %get3A_686 = arith.index_cast %get3A_685 : i32 to index
    %get3A_687 = arith.constant 48 : index
    %get3A_688 = tpu.vector_load %arg7[%get3A_686, %get3A_687] {strides = array<i32>} : memref<32x128xf32, #tpu.memory_space<vmem>>, vector<16xf32>,
    %add3A_689 = arith.addf %add3A_684, %get3A_688 : vector<16xf32>
    %get3A_690 = arith.constant 6 : i32
    %get3A_691 = arith.index_cast %get3A_690 : i32 to index
    %get3A_692 = arith.constant 48 : index
    %get3A_693 = tpu.vector_load %arg7[%get3A_691, %get3A_692] {strides = array<i32>} : memref<32x128xf32, #tpu.memory_space<vmem>>, vector<16xf32>,
    %add3A_694 = arith.addf %add3A_689, %get3A_693 : vector<16xf32>
    %get3A_695 = arith.constant 7 : i32
    %get3A_696 = arith.index_cast %get3A_695 : i32 to index
    %get3A_697 = arith.constant 48 : index
    %get3A_698 = tpu.vector_load %arg7[%get3A_696, %get3A_697] {strides = array<i32>} : memref<32x128xf32, #tpu.memory_space<vmem>>, vector<16xf32>,
    %add3A_699 = arith.addf %add3A_694, %get3A_698 : vector<16xf32>
    %get3A_700 = arith.constant 8 : i32
    %get3A_701 = arith.index_cast %get3A_700 : i32 to index
    %get3A_702 = arith.constant 48 : index
    %get3A_703 = tpu.vector_load %arg7[%get3A_701, %get3A_702] {strides = array<i32>} : memref<32x128xf32, #tpu.memory_space<vmem>>, vector<16xf32>,
    %add3A_704 = arith.addf %add3A_699, %get3A_703 : vector<16xf32>
    %get3A_705 = arith.constant 9 : i32
    %get3A_706 = arith.index_cast %get3A_705 : i32 to index
    %get3A_707 = arith.constant 48 : index
    %get3A_708 = tpu.vector_load %arg7[%get3A_706, %get3A_707] {strides = array<i32>} : memref<32x128xf32, #tpu.memory_space<vmem>>, vector<16xf32>,
    %add3A_709 = arith.addf %add3A_704, %get3A_708 : vector<16xf32>
    %get3A_710 = arith.constant 10 : i32
    %get3A_711 = arith.index_cast %get3A_710 : i32 to index
    %get3A_712 = arith.constant 48 : index
    %get3A_713 = tpu.vector_load %arg7[%get3A_711, %get3A_712] {strides = array<i32>} : memref<32x128xf32, #tpu.memory_space<vmem>>, vector<16xf32>,
    %add3A_714 = arith.addf %add3A_709, %get3A_713 : vector<16xf32>
    %get3A_715 = arith.constant 11 : i32
    %get3A_716 = arith.index_cast %get3A_715 : i32 to index
    %get3A_717 = arith.constant 48 : index
    %get3A_718 = tpu.vector_load %arg7[%get3A_716, %get3A_717] {strides = array<i32>} : memref<32x128xf32, #tpu.memory_space<vmem>>, vector<16xf32>,
    %add3A_719 = arith.addf %add3A_714, %get3A_718 : vector<16xf32>
    %get3A_720 = arith.constant 12 : i32
    %get3A_721 = arith.index_cast %get3A_720 : i32 to index
    %get3A_722 = arith.constant 48 : index
    %get3A_723 = tpu.vector_load %arg7[%get3A_721, %get3A_722] {strides = array<i32>} : memref<32x128xf32, #tpu.memory_space<vmem>>, vector<16xf32>,
    %add3A_724 = arith.addf %add3A_719, %get3A_723 : vector<16xf32>
    %get3A_725 = arith.constant 13 : i32
    %get3A_726 = arith.index_cast %get3A_725 : i32 to index
    %get3A_727 = arith.constant 48 : index
    %get3A_728 = tpu.vector_load %arg7[%get3A_726, %get3A_727] {strides = array<i32>} : memref<32x128xf32, #tpu.memory_space<vmem>>, vector<16xf32>,
    %add3A_729 = arith.addf %add3A_724, %get3A_728 : vector<16xf32>
    %get3A_730 = arith.constant 14 : i32
    %get3A_731 = arith.index_cast %get3A_730 : i32 to index
    %get3A_732 = arith.constant 48 : index
    %get3A_733 = tpu.vector_load %arg7[%get3A_731, %get3A_732] {strides = array<i32>} : memref<32x128xf32, #tpu.memory_space<vmem>>, vector<16xf32>,
    %add3A_734 = arith.addf %add3A_729, %get3A_733 : vector<16xf32>
    %get3A_735 = arith.constant 15 : i32
    %get3A_736 = arith.index_cast %get3A_735 : i32 to index
    %get3A_737 = arith.constant 48 : index
    %get3A_738 = tpu.vector_load %arg7[%get3A_736, %get3A_737] {strides = array<i32>} : memref<32x128xf32, #tpu.memory_space<vmem>>, vector<16xf32>,
    %add3A_739 = arith.addf %add3A_734, %get3A_738 : vector<16xf32>
    %get3A_740 = arith.constant 16 : i32
    %get3A_741 = arith.index_cast %get3A_740 : i32 to index
    %get3A_742 = arith.constant 48 : index
    %get3A_743 = tpu.vector_load %arg7[%get3A_741, %get3A_742] {strides = array<i32>} : memref<32x128xf32, #tpu.memory_space<vmem>>, vector<16xf32>,
    %add3A_744 = arith.addf %add3A_739, %get3A_743 : vector<16xf32>
    %get3A_745 = arith.constant 17 : i32
    %get3A_746 = arith.index_cast %get3A_745 : i32 to index
    %get3A_747 = arith.constant 48 : index
    %get3A_748 = tpu.vector_load %arg7[%get3A_746, %get3A_747] {strides = array<i32>} : memref<32x128xf32, #tpu.memory_space<vmem>>, vector<16xf32>,
    %add3A_749 = arith.addf %add3A_744, %get3A_748 : vector<16xf32>
    %get3A_750 = arith.constant 18 : i32
    %get3A_751 = arith.index_cast %get3A_750 : i32 to index
    %get3A_752 = arith.constant 48 : index
    %get3A_753 = tpu.vector_load %arg7[%get3A_751, %get3A_752] {strides = array<i32>} : memref<32x128xf32, #tpu.memory_space<vmem>>, vector<16xf32>,
    %add3A_754 = arith.addf %add3A_749, %get3A_753 : vector<16xf32>
    %get3A_755 = arith.constant 19 : i32
    %get3A_756 = arith.index_cast %get3A_755 : i32 to index
    %get3A_757 = arith.constant 48 : index
    %get3A_758 = tpu.vector_load %arg7[%get3A_756, %get3A_757] {strides = array<i32>} : memref<32x128xf32, #tpu.memory_space<vmem>>, vector<16xf32>,
    %add3A_759 = arith.addf %add3A_754, %get3A_758 : vector<16xf32>
    %get3A_760 = arith.constant 20 : i32
    %get3A_761 = arith.index_cast %get3A_760 : i32 to index
    %get3A_762 = arith.constant 48 : index
    %get3A_763 = tpu.vector_load %arg7[%get3A_761, %get3A_762] {strides = array<i32>} : memref<32x128xf32, #tpu.memory_space<vmem>>, vector<16xf32>,
    %add3A_764 = arith.addf %add3A_759, %get3A_763 : vector<16xf32>
    %get3A_765 = arith.constant 21 : i32
    %get3A_766 = arith.index_cast %get3A_765 : i32 to index
    %get3A_767 = arith.constant 48 : index
    %get3A_768 = tpu.vector_load %arg7[%get3A_766, %get3A_767] {strides = array<i32>} : memref<32x128xf32, #tpu.memory_space<vmem>>, vector<16xf32>,
    %add3A_769 = arith.addf %add3A_764, %get3A_768 : vector<16xf32>
    %get3A_770 = arith.constant 22 : i32
    %get3A_771 = arith.index_cast %get3A_770 : i32 to index
    %get3A_772 = arith.constant 48 : index
    %get3A_773 = tpu.vector_load %arg7[%get3A_771, %get3A_772] {strides = array<i32>} : memref<32x128xf32, #tpu.memory_space<vmem>>, vector<16xf32>,
    %add3A_774 = arith.addf %add3A_769, %get3A_773 : vector<16xf32>
    %get3A_775 = arith.constant 23 : i32
    %get3A_776 = arith.index_cast %get3A_775 : i32 to index
    %get3A_777 = arith.constant 48 : index
    %get3A_778 = tpu.vector_load %arg7[%get3A_776, %get3A_777] {strides = array<i32>} : memref<32x128xf32, #tpu.memory_space<vmem>>, vector<16xf32>,
    %add3A_779 = arith.addf %add3A_774, %get3A_778 : vector<16xf32>
    %get3A_780 = arith.constant 24 : i32
    %get3A_781 = arith.index_cast %get3A_780 : i32 to index
    %get3A_782 = arith.constant 48 : index
    %get3A_783 = tpu.vector_load %arg7[%get3A_781, %get3A_782] {strides = array<i32>} : memref<32x128xf32, #tpu.memory_space<vmem>>, vector<16xf32>,
    %add3A_784 = arith.addf %add3A_779, %get3A_783 : vector<16xf32>
    %get3A_785 = arith.constant 25 : i32
    %get3A_786 = arith.index_cast %get3A_785 : i32 to index
    %get3A_787 = arith.constant 48 : index
    %get3A_788 = tpu.vector_load %arg7[%get3A_786, %get3A_787] {strides = array<i32>} : memref<32x128xf32, #tpu.memory_space<vmem>>, vector<16xf32>,
    %add3A_789 = arith.addf %add3A_784, %get3A_788 : vector<16xf32>
    %get3A_790 = arith.constant 26 : i32
    %get3A_791 = arith.index_cast %get3A_790 : i32 to index
    %get3A_792 = arith.constant 48 : index
    %get3A_793 = tpu.vector_load %arg7[%get3A_791, %get3A_792] {strides = array<i32>} : memref<32x128xf32, #tpu.memory_space<vmem>>, vector<16xf32>,
    %add3A_794 = arith.addf %add3A_789, %get3A_793 : vector<16xf32>
    %get3A_795 = arith.constant 27 : i32
    %get3A_796 = arith.index_cast %get3A_795 : i32 to index
    %get3A_797 = arith.constant 48 : index
    %get3A_798 = tpu.vector_load %arg7[%get3A_796, %get3A_797] {strides = array<i32>} : memref<32x128xf32, #tpu.memory_space<vmem>>, vector<16xf32>,
    %add3A_799 = arith.addf %add3A_794, %get3A_798 : vector<16xf32>
    %get3A_800 = arith.constant 28 : i32
    %get3A_801 = arith.index_cast %get3A_800 : i32 to index
    %get3A_802 = arith.constant 48 : index
    %get3A_803 = tpu.vector_load %arg7[%get3A_801, %get3A_802] {strides = array<i32>} : memref<32x128xf32, #tpu.memory_space<vmem>>, vector<16xf32>,
    %add3A_804 = arith.addf %add3A_799, %get3A_803 : vector<16xf32>
    %get3A_805 = arith.constant 29 : i32
    %get3A_806 = arith.index_cast %get3A_805 : i32 to index
    %get3A_807 = arith.constant 48 : index
    %get3A_808 = tpu.vector_load %arg7[%get3A_806, %get3A_807] {strides = array<i32>} : memref<32x128xf32, #tpu.memory_space<vmem>>, vector<16xf32>,
    %add3A_809 = arith.addf %add3A_804, %get3A_808 : vector<16xf32>
    %get3A_810 = arith.constant 30 : i32
    %get3A_811 = arith.index_cast %get3A_810 : i32 to index
    %get3A_812 = arith.constant 48 : index
    %get3A_813 = tpu.vector_load %arg7[%get3A_811, %get3A_812] {strides = array<i32>} : memref<32x128xf32, #tpu.memory_space<vmem>>, vector<16xf32>,
    %add3A_814 = arith.addf %add3A_809, %get3A_813 : vector<16xf32>
    %get3A_815 = arith.constant 31 : i32
    %get3A_816 = arith.index_cast %get3A_815 : i32 to index
    %get3A_817 = arith.constant 48 : index
    %get3A_818 = tpu.vector_load %arg7[%get3A_816, %get3A_817] {strides = array<i32>} : memref<32x128xf32, #tpu.memory_space<vmem>>, vector<16xf32>,
    %add3A_819 = arith.addf %add3A_814, %get3A_818 : vector<16xf32>
    %div3A_820 = arith.divf %add3A_819, %convert_element_type3A : vector<16xf32>
    %broadcast_in_dim3A_821 = arith.constant 0.000000e+00 : f32
    %broadcast_in_dim3A_822 = vector.broadcast %broadcast_in_dim3A_821 : f32 to vector<16xf32>
    %get3A_823 = arith.constant 0 : i32
    %get3A_824 = arith.index_cast %get3A_823 : i32 to index
    %get3A_825 = arith.constant 64 : index
    %get3A_826 = tpu.vector_load %arg7[%get3A_824, %get3A_825] {strides = array<i32>} : memref<32x128xf32, #tpu.memory_space<vmem>>, vector<16xf32>,
    %add3A_827 = arith.addf %broadcast_in_dim3A_822, %get3A_826 : vector<16xf32>
    %get3A_828 = arith.constant 1 : i32
    %get3A_829 = arith.index_cast %get3A_828 : i32 to index
    %get3A_830 = arith.constant 64 : index
    %get3A_831 = tpu.vector_load %arg7[%get3A_829, %get3A_830] {strides = array<i32>} : memref<32x128xf32, #tpu.memory_space<vmem>>, vector<16xf32>,
    %add3A_832 = arith.addf %add3A_827, %get3A_831 : vector<16xf32>
    %get3A_833 = arith.constant 2 : i32
    %get3A_834 = arith.index_cast %get3A_833 : i32 to index
    %get3A_835 = arith.constant 64 : index
    %get3A_836 = tpu.vector_load %arg7[%get3A_834, %get3A_835] {strides = array<i32>} : memref<32x128xf32, #tpu.memory_space<vmem>>, vector<16xf32>,
    %add3A_837 = arith.addf %add3A_832, %get3A_836 : vector<16xf32>
    %get3A_838 = arith.constant 3 : i32
    %get3A_839 = arith.index_cast %get3A_838 : i32 to index
    %get3A_840 = arith.constant 64 : index
    %get3A_841 = tpu.vector_load %arg7[%get3A_839, %get3A_840] {strides = array<i32>} : memref<32x128xf32, #tpu.memory_space<vmem>>, vector<16xf32>,
    %add3A_842 = arith.addf %add3A_837, %get3A_841 : vector<16xf32>
    %get3A_843 = arith.constant 4 : i32
    %get3A_844 = arith.index_cast %get3A_843 : i32 to index
    %get3A_845 = arith.constant 64 : index
    %get3A_846 = tpu.vector_load %arg7[%get3A_844, %get3A_845] {strides = array<i32>} : memref<32x128xf32, #tpu.memory_space<vmem>>, vector<16xf32>,
    %add3A_847 = arith.addf %add3A_842, %get3A_846 : vector<16xf32>
    %get3A_848 = arith.constant 5 : i32
    %get3A_849 = arith.index_cast %get3A_848 : i32 to index
    %get3A_850 = arith.constant 64 : index
    %get3A_851 = tpu.vector_load %arg7[%get3A_849, %get3A_850] {strides = array<i32>} : memref<32x128xf32, #tpu.memory_space<vmem>>, vector<16xf32>,
    %add3A_852 = arith.addf %add3A_847, %get3A_851 : vector<16xf32>
    %get3A_853 = arith.constant 6 : i32
    %get3A_854 = arith.index_cast %get3A_853 : i32 to index
    %get3A_855 = arith.constant 64 : index
    %get3A_856 = tpu.vector_load %arg7[%get3A_854, %get3A_855] {strides = array<i32>} : memref<32x128xf32, #tpu.memory_space<vmem>>, vector<16xf32>,
    %add3A_857 = arith.addf %add3A_852, %get3A_856 : vector<16xf32>
    %get3A_858 = arith.constant 7 : i32
    %get3A_859 = arith.index_cast %get3A_858 : i32 to index
    %get3A_860 = arith.constant 64 : index
    %get3A_861 = tpu.vector_load %arg7[%get3A_859, %get3A_860] {strides = array<i32>} : memref<32x128xf32, #tpu.memory_space<vmem>>, vector<16xf32>,
    %add3A_862 = arith.addf %add3A_857, %get3A_861 : vector<16xf32>
    %get3A_863 = arith.constant 8 : i32
    %get3A_864 = arith.index_cast %get3A_863 : i32 to index
    %get3A_865 = arith.constant 64 : index
    %get3A_866 = tpu.vector_load %arg7[%get3A_864, %get3A_865] {strides = array<i32>} : memref<32x128xf32, #tpu.memory_space<vmem>>, vector<16xf32>,
    %add3A_867 = arith.addf %add3A_862, %get3A_866 : vector<16xf32>
    %get3A_868 = arith.constant 9 : i32
    %get3A_869 = arith.index_cast %get3A_868 : i32 to index
    %get3A_870 = arith.constant 64 : index
    %get3A_871 = tpu.vector_load %arg7[%get3A_869, %get3A_870] {strides = array<i32>} : memref<32x128xf32, #tpu.memory_space<vmem>>, vector<16xf32>,
    %add3A_872 = arith.addf %add3A_867, %get3A_871 : vector<16xf32>
    %get3A_873 = arith.constant 10 : i32
    %get3A_874 = arith.index_cast %get3A_873 : i32 to index
    %get3A_875 = arith.constant 64 : index
    %get3A_876 = tpu.vector_load %arg7[%get3A_874, %get3A_875] {strides = array<i32>} : memref<32x128xf32, #tpu.memory_space<vmem>>, vector<16xf32>,
    %add3A_877 = arith.addf %add3A_872, %get3A_876 : vector<16xf32>
    %get3A_878 = arith.constant 11 : i32
    %get3A_879 = arith.index_cast %get3A_878 : i32 to index
    %get3A_880 = arith.constant 64 : index
    %get3A_881 = tpu.vector_load %arg7[%get3A_879, %get3A_880] {strides = array<i32>} : memref<32x128xf32, #tpu.memory_space<vmem>>, vector<16xf32>,
    %add3A_882 = arith.addf %add3A_877, %get3A_881 : vector<16xf32>
    %get3A_883 = arith.constant 12 : i32
    %get3A_884 = arith.index_cast %get3A_883 : i32 to index
    %get3A_885 = arith.constant 64 : index
    %get3A_886 = tpu.vector_load %arg7[%get3A_884, %get3A_885] {strides = array<i32>} : memref<32x128xf32, #tpu.memory_space<vmem>>, vector<16xf32>,
    %add3A_887 = arith.addf %add3A_882, %get3A_886 : vector<16xf32>
    %get3A_888 = arith.constant 13 : i32
    %get3A_889 = arith.index_cast %get3A_888 : i32 to index
    %get3A_890 = arith.constant 64 : index
    %get3A_891 = tpu.vector_load %arg7[%get3A_889, %get3A_890] {strides = array<i32>} : memref<32x128xf32, #tpu.memory_space<vmem>>, vector<16xf32>,
    %add3A_892 = arith.addf %add3A_887, %get3A_891 : vector<16xf32>
    %get3A_893 = arith.constant 14 : i32
    %get3A_894 = arith.index_cast %get3A_893 : i32 to index
    %get3A_895 = arith.constant 64 : index
    %get3A_896 = tpu.vector_load %arg7[%get3A_894, %get3A_895] {strides = array<i32>} : memref<32x128xf32, #tpu.memory_space<vmem>>, vector<16xf32>,
    %add3A_897 = arith.addf %add3A_892, %get3A_896 : vector<16xf32>
    %get3A_898 = arith.constant 15 : i32
    %get3A_899 = arith.index_cast %get3A_898 : i32 to index
    %get3A_900 = arith.constant 64 : index
    %get3A_901 = tpu.vector_load %arg7[%get3A_899, %get3A_900] {strides = array<i32>} : memref<32x128xf32, #tpu.memory_space<vmem>>, vector<16xf32>,
    %add3A_902 = arith.addf %add3A_897, %get3A_901 : vector<16xf32>
    %get3A_903 = arith.constant 16 : i32
    %get3A_904 = arith.index_cast %get3A_903 : i32 to index
    %get3A_905 = arith.constant 64 : index
    %get3A_906 = tpu.vector_load %arg7[%get3A_904, %get3A_905] {strides = array<i32>} : memref<32x128xf32, #tpu.memory_space<vmem>>, vector<16xf32>,
    %add3A_907 = arith.addf %add3A_902, %get3A_906 : vector<16xf32>
    %get3A_908 = arith.constant 17 : i32
    %get3A_909 = arith.index_cast %get3A_908 : i32 to index
    %get3A_910 = arith.constant 64 : index
    %get3A_911 = tpu.vector_load %arg7[%get3A_909, %get3A_910] {strides = array<i32>} : memref<32x128xf32, #tpu.memory_space<vmem>>, vector<16xf32>,
    %add3A_912 = arith.addf %add3A_907, %get3A_911 : vector<16xf32>
    %get3A_913 = arith.constant 18 : i32
    %get3A_914 = arith.index_cast %get3A_913 : i32 to index
    %get3A_915 = arith.constant 64 : index
    %get3A_916 = tpu.vector_load %arg7[%get3A_914, %get3A_915] {strides = array<i32>} : memref<32x128xf32, #tpu.memory_space<vmem>>, vector<16xf32>,
    %add3A_917 = arith.addf %add3A_912, %get3A_916 : vector<16xf32>
    %get3A_918 = arith.constant 19 : i32
    %get3A_919 = arith.index_cast %get3A_918 : i32 to index
    %get3A_920 = arith.constant 64 : index
    %get3A_921 = tpu.vector_load %arg7[%get3A_919, %get3A_920] {strides = array<i32>} : memref<32x128xf32, #tpu.memory_space<vmem>>, vector<16xf32>,
    %add3A_922 = arith.addf %add3A_917, %get3A_921 : vector<16xf32>
    %get3A_923 = arith.constant 20 : i32
    %get3A_924 = arith.index_cast %get3A_923 : i32 to index
    %get3A_925 = arith.constant 64 : index
    %get3A_926 = tpu.vector_load %arg7[%get3A_924, %get3A_925] {strides = array<i32>} : memref<32x128xf32, #tpu.memory_space<vmem>>, vector<16xf32>,
    %add3A_927 = arith.addf %add3A_922, %get3A_926 : vector<16xf32>
    %get3A_928 = arith.constant 21 : i32
    %get3A_929 = arith.index_cast %get3A_928 : i32 to index
    %get3A_930 = arith.constant 64 : index
    %get3A_931 = tpu.vector_load %arg7[%get3A_929, %get3A_930] {strides = array<i32>} : memref<32x128xf32, #tpu.memory_space<vmem>>, vector<16xf32>,
    %add3A_932 = arith.addf %add3A_927, %get3A_931 : vector<16xf32>
    %get3A_933 = arith.constant 22 : i32
    %get3A_934 = arith.index_cast %get3A_933 : i32 to index
    %get3A_935 = arith.constant 64 : index
    %get3A_936 = tpu.vector_load %arg7[%get3A_934, %get3A_935] {strides = array<i32>} : memref<32x128xf32, #tpu.memory_space<vmem>>, vector<16xf32>,
    %add3A_937 = arith.addf %add3A_932, %get3A_936 : vector<16xf32>
    %get3A_938 = arith.constant 23 : i32
    %get3A_939 = arith.index_cast %get3A_938 : i32 to index
    %get3A_940 = arith.constant 64 : index
    %get3A_941 = tpu.vector_load %arg7[%get3A_939, %get3A_940] {strides = array<i32>} : memref<32x128xf32, #tpu.memory_space<vmem>>, vector<16xf32>,
    %add3A_942 = arith.addf %add3A_937, %get3A_941 : vector<16xf32>
    %get3A_943 = arith.constant 24 : i32
    %get3A_944 = arith.index_cast %get3A_943 : i32 to index
    %get3A_945 = arith.constant 64 : index
    %get3A_946 = tpu.vector_load %arg7[%get3A_944, %get3A_945] {strides = array<i32>} : memref<32x128xf32, #tpu.memory_space<vmem>>, vector<16xf32>,
    %add3A_947 = arith.addf %add3A_942, %get3A_946 : vector<16xf32>
    %get3A_948 = arith.constant 25 : i32
    %get3A_949 = arith.index_cast %get3A_948 : i32 to index
    %get3A_950 = arith.constant 64 : index
    %get3A_951 = tpu.vector_load %arg7[%get3A_949, %get3A_950] {strides = array<i32>} : memref<32x128xf32, #tpu.memory_space<vmem>>, vector<16xf32>,
    %add3A_952 = arith.addf %add3A_947, %get3A_951 : vector<16xf32>
    %get3A_953 = arith.constant 26 : i32
    %get3A_954 = arith.index_cast %get3A_953 : i32 to index
    %get3A_955 = arith.constant 64 : index
    %get3A_956 = tpu.vector_load %arg7[%get3A_954, %get3A_955] {strides = array<i32>} : memref<32x128xf32, #tpu.memory_space<vmem>>, vector<16xf32>,
    %add3A_957 = arith.addf %add3A_952, %get3A_956 : vector<16xf32>
    %get3A_958 = arith.constant 27 : i32
    %get3A_959 = arith.index_cast %get3A_958 : i32 to index
    %get3A_960 = arith.constant 64 : index
    %get3A_961 = tpu.vector_load %arg7[%get3A_959, %get3A_960] {strides = array<i32>} : memref<32x128xf32, #tpu.memory_space<vmem>>, vector<16xf32>,
    %add3A_962 = arith.addf %add3A_957, %get3A_961 : vector<16xf32>
    %get3A_963 = arith.constant 28 : i32
    %get3A_964 = arith.index_cast %get3A_963 : i32 to index
    %get3A_965 = arith.constant 64 : index
    %get3A_966 = tpu.vector_load %arg7[%get3A_964, %get3A_965] {strides = array<i32>} : memref<32x128xf32, #tpu.memory_space<vmem>>, vector<16xf32>,
    %add3A_967 = arith.addf %add3A_962, %get3A_966 : vector<16xf32>
    %get3A_968 = arith.constant 29 : i32
    %get3A_969 = arith.index_cast %get3A_968 : i32 to index
    %get3A_970 = arith.constant 64 : index
    %get3A_971 = tpu.vector_load %arg7[%get3A_969, %get3A_970] {strides = array<i32>} : memref<32x128xf32, #tpu.memory_space<vmem>>, vector<16xf32>,
    %add3A_972 = arith.addf %add3A_967, %get3A_971 : vector<16xf32>
    %get3A_973 = arith.constant 30 : i32
    %get3A_974 = arith.index_cast %get3A_973 : i32 to index
    %get3A_975 = arith.constant 64 : index
    %get3A_976 = tpu.vector_load %arg7[%get3A_974, %get3A_975] {strides = array<i32>} : memref<32x128xf32, #tpu.memory_space<vmem>>, vector<16xf32>,
    %add3A_977 = arith.addf %add3A_972, %get3A_976 : vector<16xf32>
    %get3A_978 = arith.constant 31 : i32
    %get3A_979 = arith.index_cast %get3A_978 : i32 to index
    %get3A_980 = arith.constant 64 : index
    %get3A_981 = tpu.vector_load %arg7[%get3A_979, %get3A_980] {strides = array<i32>} : memref<32x128xf32, #tpu.memory_space<vmem>>, vector<16xf32>,
    %add3A_982 = arith.addf %add3A_977, %get3A_981 : vector<16xf32>
    %div3A_983 = arith.divf %add3A_982, %convert_element_type3A : vector<16xf32>
    %broadcast_in_dim3A_984 = arith.constant 0.000000e+00 : f32
    %broadcast_in_dim3A_985 = vector.broadcast %broadcast_in_dim3A_984 : f32 to vector<16xf32>
    %get3A_986 = arith.constant 0 : i32
    %get3A_987 = arith.index_cast %get3A_986 : i32 to index
    %get3A_988 = arith.constant 80 : index
    %get3A_989 = tpu.vector_load %arg7[%get3A_987, %get3A_988] {strides = array<i32>} : memref<32x128xf32, #tpu.memory_space<vmem>>, vector<16xf32>,
    %add3A_990 = arith.addf %broadcast_in_dim3A_985, %get3A_989 : vector<16xf32>
    %get3A_991 = arith.constant 1 : i32
    %get3A_992 = arith.index_cast %get3A_991 : i32 to index
    %get3A_993 = arith.constant 80 : index
    %get3A_994 = tpu.vector_load %arg7[%get3A_992, %get3A_993] {strides = array<i32>} : memref<32x128xf32, #tpu.memory_space<vmem>>, vector<16xf32>,
    %add3A_995 = arith.addf %add3A_990, %get3A_994 : vector<16xf32>
    %get3A_996 = arith.constant 2 : i32
    %get3A_997 = arith.index_cast %get3A_996 : i32 to index
    %get3A_998 = arith.constant 80 : index
    %get3A_999 = tpu.vector_load %arg7[%get3A_997, %get3A_998] {strides = array<i32>} : memref<32x128xf32, #tpu.memory_space<vmem>>, vector<16xf32>,
    %add3A_1000 = arith.addf %add3A_995, %get3A_999 : vector<16xf32>
    %get3A_1001 = arith.constant 3 : i32
    %get3A_1002 = arith.index_cast %get3A_1001 : i32 to index
    %get3A_1003 = arith.constant 80 : index
    %get3A_1004 = tpu.vector_load %arg7[%get3A_1002, %get3A_1003] {strides = array<i32>} : memref<32x128xf32, #tpu.memory_space<vmem>>, vector<16xf32>,
    %add3A_1005 = arith.addf %add3A_1000, %get3A_1004 : vector<16xf32>
    %get3A_1006 = arith.constant 4 : i32
    %get3A_1007 = arith.index_cast %get3A_1006 : i32 to index
    %get3A_1008 = arith.constant 80 : index
    %get3A_1009 = tpu.vector_load %arg7[%get3A_1007, %get3A_1008] {strides = array<i32>} : memref<32x128xf32, #tpu.memory_space<vmem>>, vector<16xf32>,
    %add3A_1010 = arith.addf %add3A_1005, %get3A_1009 : vector<16xf32>
    %get3A_1011 = arith.constant 5 : i32
    %get3A_1012 = arith.index_cast %get3A_1011 : i32 to index
    %get3A_1013 = arith.constant 80 : index
    %get3A_1014 = tpu.vector_load %arg7[%get3A_1012, %get3A_1013] {strides = array<i32>} : memref<32x128xf32, #tpu.memory_space<vmem>>, vector<16xf32>,
    %add3A_1015 = arith.addf %add3A_1010, %get3A_1014 : vector<16xf32>
    %get3A_1016 = arith.constant 6 : i32
    %get3A_1017 = arith.index_cast %get3A_1016 : i32 to index
    %get3A_1018 = arith.constant 80 : index
    %get3A_1019 = tpu.vector_load %arg7[%get3A_1017, %get3A_1018] {strides = array<i32>} : memref<32x128xf32, #tpu.memory_space<vmem>>, vector<16xf32>,
    %add3A_1020 = arith.addf %add3A_1015, %get3A_1019 : vector<16xf32>
    %get3A_1021 = arith.constant 7 : i32
    %get3A_1022 = arith.index_cast %get3A_1021 : i32 to index
    %get3A_1023 = arith.constant 80 : index
    %get3A_1024 = tpu.vector_load %arg7[%get3A_1022, %get3A_1023] {strides = array<i32>} : memref<32x128xf32, #tpu.memory_space<vmem>>, vector<16xf32>,
    %add3A_1025 = arith.addf %add3A_1020, %get3A_1024 : vector<16xf32>
    %get3A_1026 = arith.constant 8 : i32
    %get3A_1027 = arith.index_cast %get3A_1026 : i32 to index
    %get3A_1028 = arith.constant 80 : index
    %get3A_1029 = tpu.vector_load %arg7[%get3A_1027, %get3A_1028] {strides = array<i32>} : memref<32x128xf32, #tpu.memory_space<vmem>>, vector<16xf32>,
    %add3A_1030 = arith.addf %add3A_1025, %get3A_1029 : vector<16xf32>
    %get3A_1031 = arith.constant 9 : i32
    %get3A_1032 = arith.index_cast %get3A_1031 : i32 to index
    %get3A_1033 = arith.constant 80 : index
    %get3A_1034 = tpu.vector_load %arg7[%get3A_1032, %get3A_1033] {strides = array<i32>} : memref<32x128xf32, #tpu.memory_space<vmem>>, vector<16xf32>,
    %add3A_1035 = arith.addf %add3A_1030, %get3A_1034 : vector<16xf32>
    %get3A_1036 = arith.constant 10 : i32
    %get3A_1037 = arith.index_cast %get3A_1036 : i32 to index
    %get3A_1038 = arith.constant 80 : index
    %get3A_1039 = tpu.vector_load %arg7[%get3A_1037, %get3A_1038] {strides = array<i32>} : memref<32x128xf32, #tpu.memory_space<vmem>>, vector<16xf32>,
    %add3A_1040 = arith.addf %add3A_1035, %get3A_1039 : vector<16xf32>
    %get3A_1041 = arith.constant 11 : i32
    %get3A_1042 = arith.index_cast %get3A_1041 : i32 to index
    %get3A_1043 = arith.constant 80 : index
    %get3A_1044 = tpu.vector_load %arg7[%get3A_1042, %get3A_1043] {strides = array<i32>} : memref<32x128xf32, #tpu.memory_space<vmem>>, vector<16xf32>,
    %add3A_1045 = arith.addf %add3A_1040, %get3A_1044 : vector<16xf32>
    %get3A_1046 = arith.constant 12 : i32
    %get3A_1047 = arith.index_cast %get3A_1046 : i32 to index
    %get3A_1048 = arith.constant 80 : index
    %get3A_1049 = tpu.vector_load %arg7[%get3A_1047, %get3A_1048] {strides = array<i32>} : memref<32x128xf32, #tpu.memory_space<vmem>>, vector<16xf32>,
    %add3A_1050 = arith.addf %add3A_1045, %get3A_1049 : vector<16xf32>
    %get3A_1051 = arith.constant 13 : i32
    %get3A_1052 = arith.index_cast %get3A_1051 : i32 to index
    %get3A_1053 = arith.constant 80 : index
    %get3A_1054 = tpu.vector_load %arg7[%get3A_1052, %get3A_1053] {strides = array<i32>} : memref<32x128xf32, #tpu.memory_space<vmem>>, vector<16xf32>,
    %add3A_1055 = arith.addf %add3A_1050, %get3A_1054 : vector<16xf32>
    %get3A_1056 = arith.constant 14 : i32
    %get3A_1057 = arith.index_cast %get3A_1056 : i32 to index
    %get3A_1058 = arith.constant 80 : index
    %get3A_1059 = tpu.vector_load %arg7[%get3A_1057, %get3A_1058] {strides = array<i32>} : memref<32x128xf32, #tpu.memory_space<vmem>>, vector<16xf32>,
    %add3A_1060 = arith.addf %add3A_1055, %get3A_1059 : vector<16xf32>
    %get3A_1061 = arith.constant 15 : i32
    %get3A_1062 = arith.index_cast %get3A_1061 : i32 to index
    %get3A_1063 = arith.constant 80 : index
    %get3A_1064 = tpu.vector_load %arg7[%get3A_1062, %get3A_1063] {strides = array<i32>} : memref<32x128xf32, #tpu.memory_space<vmem>>, vector<16xf32>,
    %add3A_1065 = arith.addf %add3A_1060, %get3A_1064 : vector<16xf32>
    %get3A_1066 = arith.constant 16 : i32
    %get3A_1067 = arith.index_cast %get3A_1066 : i32 to index
    %get3A_1068 = arith.constant 80 : index
    %get3A_1069 = tpu.vector_load %arg7[%get3A_1067, %get3A_1068] {strides = array<i32>} : memref<32x128xf32, #tpu.memory_space<vmem>>, vector<16xf32>,
    %add3A_1070 = arith.addf %add3A_1065, %get3A_1069 : vector<16xf32>
    %get3A_1071 = arith.constant 17 : i32
    %get3A_1072 = arith.index_cast %get3A_1071 : i32 to index
    %get3A_1073 = arith.constant 80 : index
    %get3A_1074 = tpu.vector_load %arg7[%get3A_1072, %get3A_1073] {strides = array<i32>} : memref<32x128xf32, #tpu.memory_space<vmem>>, vector<16xf32>,
    %add3A_1075 = arith.addf %add3A_1070, %get3A_1074 : vector<16xf32>
    %get3A_1076 = arith.constant 18 : i32
    %get3A_1077 = arith.index_cast %get3A_1076 : i32 to index
    %get3A_1078 = arith.constant 80 : index
    %get3A_1079 = tpu.vector_load %arg7[%get3A_1077, %get3A_1078] {strides = array<i32>} : memref<32x128xf32, #tpu.memory_space<vmem>>, vector<16xf32>,
    %add3A_1080 = arith.addf %add3A_1075, %get3A_1079 : vector<16xf32>
    %get3A_1081 = arith.constant 19 : i32
    %get3A_1082 = arith.index_cast %get3A_1081 : i32 to index
    %get3A_1083 = arith.constant 80 : index
    %get3A_1084 = tpu.vector_load %arg7[%get3A_1082, %get3A_1083] {strides = array<i32>} : memref<32x128xf32, #tpu.memory_space<vmem>>, vector<16xf32>,
    %add3A_1085 = arith.addf %add3A_1080, %get3A_1084 : vector<16xf32>
    %get3A_1086 = arith.constant 20 : i32
    %get3A_1087 = arith.index_cast %get3A_1086 : i32 to index
    %get3A_1088 = arith.constant 80 : index
    %get3A_1089 = tpu.vector_load %arg7[%get3A_1087, %get3A_1088] {strides = array<i32>} : memref<32x128xf32, #tpu.memory_space<vmem>>, vector<16xf32>,
    %add3A_1090 = arith.addf %add3A_1085, %get3A_1089 : vector<16xf32>
    %get3A_1091 = arith.constant 21 : i32
    %get3A_1092 = arith.index_cast %get3A_1091 : i32 to index
    %get3A_1093 = arith.constant 80 : index
    %get3A_1094 = tpu.vector_load %arg7[%get3A_1092, %get3A_1093] {strides = array<i32>} : memref<32x128xf32, #tpu.memory_space<vmem>>, vector<16xf32>,
    %add3A_1095 = arith.addf %add3A_1090, %get3A_1094 : vector<16xf32>
    %get3A_1096 = arith.constant 22 : i32
    %get3A_1097 = arith.index_cast %get3A_1096 : i32 to index
    %get3A_1098 = arith.constant 80 : index
    %get3A_1099 = tpu.vector_load %arg7[%get3A_1097, %get3A_1098] {strides = array<i32>} : memref<32x128xf32, #tpu.memory_space<vmem>>, vector<16xf32>,
    %add3A_1100 = arith.addf %add3A_1095, %get3A_1099 : vector<16xf32>
    %get3A_1101 = arith.constant 23 : i32
    %get3A_1102 = arith.index_cast %get3A_1101 : i32 to index
    %get3A_1103 = arith.constant 80 : index
    %get3A_1104 = tpu.vector_load %arg7[%get3A_1102, %get3A_1103] {strides = array<i32>} : memref<32x128xf32, #tpu.memory_space<vmem>>, vector<16xf32>,
    %add3A_1105 = arith.addf %add3A_1100, %get3A_1104 : vector<16xf32>
    %get3A_1106 = arith.constant 24 : i32
    %get3A_1107 = arith.index_cast %get3A_1106 : i32 to index
    %get3A_1108 = arith.constant 80 : index
    %get3A_1109 = tpu.vector_load %arg7[%get3A_1107, %get3A_1108] {strides = array<i32>} : memref<32x128xf32, #tpu.memory_space<vmem>>, vector<16xf32>,
    %add3A_1110 = arith.addf %add3A_1105, %get3A_1109 : vector<16xf32>
    %get3A_1111 = arith.constant 25 : i32
    %get3A_1112 = arith.index_cast %get3A_1111 : i32 to index
    %get3A_1113 = arith.constant 80 : index
    %get3A_1114 = tpu.vector_load %arg7[%get3A_1112, %get3A_1113] {strides = array<i32>} : memref<32x128xf32, #tpu.memory_space<vmem>>, vector<16xf32>,
    %add3A_1115 = arith.addf %add3A_1110, %get3A_1114 : vector<16xf32>
    %get3A_1116 = arith.constant 26 : i32
    %get3A_1117 = arith.index_cast %get3A_1116 : i32 to index
    %get3A_1118 = arith.constant 80 : index
    %get3A_1119 = tpu.vector_load %arg7[%get3A_1117, %get3A_1118] {strides = array<i32>} : memref<32x128xf32, #tpu.memory_space<vmem>>, vector<16xf32>,
    %add3A_1120 = arith.addf %add3A_1115, %get3A_1119 : vector<16xf32>
    %get3A_1121 = arith.constant 27 : i32
    %get3A_1122 = arith.index_cast %get3A_1121 : i32 to index
    %get3A_1123 = arith.constant 80 : index
    %get3A_1124 = tpu.vector_load %arg7[%get3A_1122, %get3A_1123] {strides = array<i32>} : memref<32x128xf32, #tpu.memory_space<vmem>>, vector<16xf32>,
    %add3A_1125 = arith.addf %add3A_1120, %get3A_1124 : vector<16xf32>
    %get3A_1126 = arith.constant 28 : i32
    %get3A_1127 = arith.index_cast %get3A_1126 : i32 to index
    %get3A_1128 = arith.constant 80 : index
    %get3A_1129 = tpu.vector_load %arg7[%get3A_1127, %get3A_1128] {strides = array<i32>} : memref<32x128xf32, #tpu.memory_space<vmem>>, vector<16xf32>,
    %add3A_1130 = arith.addf %add3A_1125, %get3A_1129 : vector<16xf32>
    %get3A_1131 = arith.constant 29 : i32
    %get3A_1132 = arith.index_cast %get3A_1131 : i32 to index
    %get3A_1133 = arith.constant 80 : index
    %get3A_1134 = tpu.vector_load %arg7[%get3A_1132, %get3A_1133] {strides = array<i32>} : memref<32x128xf32, #tpu.memory_space<vmem>>, vector<16xf32>,
    %add3A_1135 = arith.addf %add3A_1130, %get3A_1134 : vector<16xf32>
    %get3A_1136 = arith.constant 30 : i32
    %get3A_1137 = arith.index_cast %get3A_1136 : i32 to index
    %get3A_1138 = arith.constant 80 : index
    %get3A_1139 = tpu.vector_load %arg7[%get3A_1137, %get3A_1138] {strides = array<i32>} : memref<32x128xf32, #tpu.memory_space<vmem>>, vector<16xf32>,
    %add3A_1140 = arith.addf %add3A_1135, %get3A_1139 : vector<16xf32>
    %get3A_1141 = arith.constant 31 : i32
    %get3A_1142 = arith.index_cast %get3A_1141 : i32 to index
    %get3A_1143 = arith.constant 80 : index
    %get3A_1144 = tpu.vector_load %arg7[%get3A_1142, %get3A_1143] {strides = array<i32>} : memref<32x128xf32, #tpu.memory_space<vmem>>, vector<16xf32>,
    %add3A_1145 = arith.addf %add3A_1140, %get3A_1144 : vector<16xf32>
    %div3A_1146 = arith.divf %add3A_1145, %convert_element_type3A : vector<16xf32>
    %broadcast_in_dim3A_1147 = arith.constant 0.000000e+00 : f32
    %broadcast_in_dim3A_1148 = vector.broadcast %broadcast_in_dim3A_1147 : f32 to vector<16xf32>
    %get3A_1149 = arith.constant 0 : i32
    %get3A_1150 = arith.index_cast %get3A_1149 : i32 to index
    %get3A_1151 = arith.constant 96 : index
    %get3A_1152 = tpu.vector_load %arg7[%get3A_1150, %get3A_1151] {strides = array<i32>} : memref<32x128xf32, #tpu.memory_space<vmem>>, vector<16xf32>,
    %add3A_1153 = arith.addf %broadcast_in_dim3A_1148, %get3A_1152 : vector<16xf32>
    %get3A_1154 = arith.constant 1 : i32
    %get3A_1155 = arith.index_cast %get3A_1154 : i32 to index
    %get3A_1156 = arith.constant 96 : index
    %get3A_1157 = tpu.vector_load %arg7[%get3A_1155, %get3A_1156] {strides = array<i32>} : memref<32x128xf32, #tpu.memory_space<vmem>>, vector<16xf32>,
    %add3A_1158 = arith.addf %add3A_1153, %get3A_1157 : vector<16xf32>
    %get3A_1159 = arith.constant 2 : i32
    %get3A_1160 = arith.index_cast %get3A_1159 : i32 to index
    %get3A_1161 = arith.constant 96 : index
    %get3A_1162 = tpu.vector_load %arg7[%get3A_1160, %get3A_1161] {strides = array<i32>} : memref<32x128xf32, #tpu.memory_space<vmem>>, vector<16xf32>,
    %add3A_1163 = arith.addf %add3A_1158, %get3A_1162 : vector<16xf32>
    %get3A_1164 = arith.constant 3 : i32
    %get3A_1165 = arith.index_cast %get3A_1164 : i32 to index
    %get3A_1166 = arith.constant 96 : index
    %get3A_1167 = tpu.vector_load %arg7[%get3A_1165, %get3A_1166] {strides = array<i32>} : memref<32x128xf32, #tpu.memory_space<vmem>>, vector<16xf32>,
    %add3A_1168 = arith.addf %add3A_1163, %get3A_1167 : vector<16xf32>
    %get3A_1169 = arith.constant 4 : i32
    %get3A_1170 = arith.index_cast %get3A_1169 : i32 to index
    %get3A_1171 = arith.constant 96 : index
    %get3A_1172 = tpu.vector_load %arg7[%get3A_1170, %get3A_1171] {strides = array<i32>} : memref<32x128xf32, #tpu.memory_space<vmem>>, vector<16xf32>,
    %add3A_1173 = arith.addf %add3A_1168, %get3A_1172 : vector<16xf32>
    %get3A_1174 = arith.constant 5 : i32
    %get3A_1175 = arith.index_cast %get3A_1174 : i32 to index
    %get3A_1176 = arith.constant 96 : index
    %get3A_1177 = tpu.vector_load %arg7[%get3A_1175, %get3A_1176] {strides = array<i32>} : memref<32x128xf32, #tpu.memory_space<vmem>>, vector<16xf32>,
    %add3A_1178 = arith.addf %add3A_1173, %get3A_1177 : vector<16xf32>
    %get3A_1179 = arith.constant 6 : i32
    %get3A_1180 = arith.index_cast %get3A_1179 : i32 to index
    %get3A_1181 = arith.constant 96 : index
    %get3A_1182 = tpu.vector_load %arg7[%get3A_1180, %get3A_1181] {strides = array<i32>} : memref<32x128xf32, #tpu.memory_space<vmem>>, vector<16xf32>,
    %add3A_1183 = arith.addf %add3A_1178, %get3A_1182 : vector<16xf32>
    %get3A_1184 = arith.constant 7 : i32
    %get3A_1185 = arith.index_cast %get3A_1184 : i32 to index
    %get3A_1186 = arith.constant 96 : index
    %get3A_1187 = tpu.vector_load %arg7[%get3A_1185, %get3A_1186] {strides = array<i32>} : memref<32x128xf32, #tpu.memory_space<vmem>>, vector<16xf32>,
    %add3A_1188 = arith.addf %add3A_1183, %get3A_1187 : vector<16xf32>
    %get3A_1189 = arith.constant 8 : i32
    %get3A_1190 = arith.index_cast %get3A_1189 : i32 to index
    %get3A_1191 = arith.constant 96 : index
    %get3A_1192 = tpu.vector_load %arg7[%get3A_1190, %get3A_1191] {strides = array<i32>} : memref<32x128xf32, #tpu.memory_space<vmem>>, vector<16xf32>,
    %add3A_1193 = arith.addf %add3A_1188, %get3A_1192 : vector<16xf32>
    %get3A_1194 = arith.constant 9 : i32
    %get3A_1195 = arith.index_cast %get3A_1194 : i32 to index
    %get3A_1196 = arith.constant 96 : index
    %get3A_1197 = tpu.vector_load %arg7[%get3A_1195, %get3A_1196] {strides = array<i32>} : memref<32x128xf32, #tpu.memory_space<vmem>>, vector<16xf32>,
    %add3A_1198 = arith.addf %add3A_1193, %get3A_1197 : vector<16xf32>
    %get3A_1199 = arith.constant 10 : i32
    %get3A_1200 = arith.index_cast %get3A_1199 : i32 to index
    %get3A_1201 = arith.constant 96 : index
    %get3A_1202 = tpu.vector_load %arg7[%get3A_1200, %get3A_1201] {strides = array<i32>} : memref<32x128xf32, #tpu.memory_space<vmem>>, vector<16xf32>,
    %add3A_1203 = arith.addf %add3A_1198, %get3A_1202 : vector<16xf32>
    %get3A_1204 = arith.constant 11 : i32
    %get3A_1205 = arith.index_cast %get3A_1204 : i32 to index
    %get3A_1206 = arith.constant 96 : index
    %get3A_1207 = tpu.vector_load %arg7[%get3A_1205, %get3A_1206] {strides = array<i32>} : memref<32x128xf32, #tpu.memory_space<vmem>>, vector<16xf32>,
    %add3A_1208 = arith.addf %add3A_1203, %get3A_1207 : vector<16xf32>
    %get3A_1209 = arith.constant 12 : i32
    %get3A_1210 = arith.index_cast %get3A_1209 : i32 to index
    %get3A_1211 = arith.constant 96 : index
    %get3A_1212 = tpu.vector_load %arg7[%get3A_1210, %get3A_1211] {strides = array<i32>} : memref<32x128xf32, #tpu.memory_space<vmem>>, vector<16xf32>,
    %add3A_1213 = arith.addf %add3A_1208, %get3A_1212 : vector<16xf32>
    %get3A_1214 = arith.constant 13 : i32
    %get3A_1215 = arith.index_cast %get3A_1214 : i32 to index
    %get3A_1216 = arith.constant 96 : index
    %get3A_1217 = tpu.vector_load %arg7[%get3A_1215, %get3A_1216] {strides = array<i32>} : memref<32x128xf32, #tpu.memory_space<vmem>>, vector<16xf32>,
    %add3A_1218 = arith.addf %add3A_1213, %get3A_1217 : vector<16xf32>
    %get3A_1219 = arith.constant 14 : i32
    %get3A_1220 = arith.index_cast %get3A_1219 : i32 to index
    %get3A_1221 = arith.constant 96 : index
    %get3A_1222 = tpu.vector_load %arg7[%get3A_1220, %get3A_1221] {strides = array<i32>} : memref<32x128xf32, #tpu.memory_space<vmem>>, vector<16xf32>,
    %add3A_1223 = arith.addf %add3A_1218, %get3A_1222 : vector<16xf32>
    %get3A_1224 = arith.constant 15 : i32
    %get3A_1225 = arith.index_cast %get3A_1224 : i32 to index
    %get3A_1226 = arith.constant 96 : index
    %get3A_1227 = tpu.vector_load %arg7[%get3A_1225, %get3A_1226] {strides = array<i32>} : memref<32x128xf32, #tpu.memory_space<vmem>>, vector<16xf32>,
    %add3A_1228 = arith.addf %add3A_1223, %get3A_1227 : vector<16xf32>
    %get3A_1229 = arith.constant 16 : i32
    %get3A_1230 = arith.index_cast %get3A_1229 : i32 to index
    %get3A_1231 = arith.constant 96 : index
    %get3A_1232 = tpu.vector_load %arg7[%get3A_1230, %get3A_1231] {strides = array<i32>} : memref<32x128xf32, #tpu.memory_space<vmem>>, vector<16xf32>,
    %add3A_1233 = arith.addf %add3A_1228, %get3A_1232 : vector<16xf32>
    %get3A_1234 = arith.constant 17 : i32
    %get3A_1235 = arith.index_cast %get3A_1234 : i32 to index
    %get3A_1236 = arith.constant 96 : index
    %get3A_1237 = tpu.vector_load %arg7[%get3A_1235, %get3A_1236] {strides = array<i32>} : memref<32x128xf32, #tpu.memory_space<vmem>>, vector<16xf32>,
    %add3A_1238 = arith.addf %add3A_1233, %get3A_1237 : vector<16xf32>
    %get3A_1239 = arith.constant 18 : i32
    %get3A_1240 = arith.index_cast %get3A_1239 : i32 to index
    %get3A_1241 = arith.constant 96 : index
    %get3A_1242 = tpu.vector_load %arg7[%get3A_1240, %get3A_1241] {strides = array<i32>} : memref<32x128xf32, #tpu.memory_space<vmem>>, vector<16xf32>,
    %add3A_1243 = arith.addf %add3A_1238, %get3A_1242 : vector<16xf32>
    %get3A_1244 = arith.constant 19 : i32
    %get3A_1245 = arith.index_cast %get3A_1244 : i32 to index
    %get3A_1246 = arith.constant 96 : index
    %get3A_1247 = tpu.vector_load %arg7[%get3A_1245, %get3A_1246] {strides = array<i32>} : memref<32x128xf32, #tpu.memory_space<vmem>>, vector<16xf32>,
    %add3A_1248 = arith.addf %add3A_1243, %get3A_1247 : vector<16xf32>
    %get3A_1249 = arith.constant 20 : i32
    %get3A_1250 = arith.index_cast %get3A_1249 : i32 to index
    %get3A_1251 = arith.constant 96 : index
    %get3A_1252 = tpu.vector_load %arg7[%get3A_1250, %get3A_1251] {strides = array<i32>} : memref<32x128xf32, #tpu.memory_space<vmem>>, vector<16xf32>,
    %add3A_1253 = arith.addf %add3A_1248, %get3A_1252 : vector<16xf32>
    %get3A_1254 = arith.constant 21 : i32
    %get3A_1255 = arith.index_cast %get3A_1254 : i32 to index
    %get3A_1256 = arith.constant 96 : index
    %get3A_1257 = tpu.vector_load %arg7[%get3A_1255, %get3A_1256] {strides = array<i32>} : memref<32x128xf32, #tpu.memory_space<vmem>>, vector<16xf32>,
    %add3A_1258 = arith.addf %add3A_1253, %get3A_1257 : vector<16xf32>
    %get3A_1259 = arith.constant 22 : i32
    %get3A_1260 = arith.index_cast %get3A_1259 : i32 to index
    %get3A_1261 = arith.constant 96 : index
    %get3A_1262 = tpu.vector_load %arg7[%get3A_1260, %get3A_1261] {strides = array<i32>} : memref<32x128xf32, #tpu.memory_space<vmem>>, vector<16xf32>,
    %add3A_1263 = arith.addf %add3A_1258, %get3A_1262 : vector<16xf32>
    %get3A_1264 = arith.constant 23 : i32
    %get3A_1265 = arith.index_cast %get3A_1264 : i32 to index
    %get3A_1266 = arith.constant 96 : index
    %get3A_1267 = tpu.vector_load %arg7[%get3A_1265, %get3A_1266] {strides = array<i32>} : memref<32x128xf32, #tpu.memory_space<vmem>>, vector<16xf32>,
    %add3A_1268 = arith.addf %add3A_1263, %get3A_1267 : vector<16xf32>
    %get3A_1269 = arith.constant 24 : i32
    %get3A_1270 = arith.index_cast %get3A_1269 : i32 to index
    %get3A_1271 = arith.constant 96 : index
    %get3A_1272 = tpu.vector_load %arg7[%get3A_1270, %get3A_1271] {strides = array<i32>} : memref<32x128xf32, #tpu.memory_space<vmem>>, vector<16xf32>,
    %add3A_1273 = arith.addf %add3A_1268, %get3A_1272 : vector<16xf32>
    %get3A_1274 = arith.constant 25 : i32
    %get3A_1275 = arith.index_cast %get3A_1274 : i32 to index
    %get3A_1276 = arith.constant 96 : index
    %get3A_1277 = tpu.vector_load %arg7[%get3A_1275, %get3A_1276] {strides = array<i32>} : memref<32x128xf32, #tpu.memory_space<vmem>>, vector<16xf32>,
    %add3A_1278 = arith.addf %add3A_1273, %get3A_1277 : vector<16xf32>
    %get3A_1279 = arith.constant 26 : i32
    %get3A_1280 = arith.index_cast %get3A_1279 : i32 to index
    %get3A_1281 = arith.constant 96 : index
    %get3A_1282 = tpu.vector_load %arg7[%get3A_1280, %get3A_1281] {strides = array<i32>} : memref<32x128xf32, #tpu.memory_space<vmem>>, vector<16xf32>,
    %add3A_1283 = arith.addf %add3A_1278, %get3A_1282 : vector<16xf32>
    %get3A_1284 = arith.constant 27 : i32
    %get3A_1285 = arith.index_cast %get3A_1284 : i32 to index
    %get3A_1286 = arith.constant 96 : index
    %get3A_1287 = tpu.vector_load %arg7[%get3A_1285, %get3A_1286] {strides = array<i32>} : memref<32x128xf32, #tpu.memory_space<vmem>>, vector<16xf32>,
    %add3A_1288 = arith.addf %add3A_1283, %get3A_1287 : vector<16xf32>
    %get3A_1289 = arith.constant 28 : i32
    %get3A_1290 = arith.index_cast %get3A_1289 : i32 to index
    %get3A_1291 = arith.constant 96 : index
    %get3A_1292 = tpu.vector_load %arg7[%get3A_1290, %get3A_1291] {strides = array<i32>} : memref<32x128xf32, #tpu.memory_space<vmem>>, vector<16xf32>,
    %add3A_1293 = arith.addf %add3A_1288, %get3A_1292 : vector<16xf32>
    %get3A_1294 = arith.constant 29 : i32
    %get3A_1295 = arith.index_cast %get3A_1294 : i32 to index
    %get3A_1296 = arith.constant 96 : index
    %get3A_1297 = tpu.vector_load %arg7[%get3A_1295, %get3A_1296] {strides = array<i32>} : memref<32x128xf32, #tpu.memory_space<vmem>>, vector<16xf32>,
    %add3A_1298 = arith.addf %add3A_1293, %get3A_1297 : vector<16xf32>
    %get3A_1299 = arith.constant 30 : i32
    %get3A_1300 = arith.index_cast %get3A_1299 : i32 to index
    %get3A_1301 = arith.constant 96 : index
    %get3A_1302 = tpu.vector_load %arg7[%get3A_1300, %get3A_1301] {strides = array<i32>} : memref<32x128xf32, #tpu.memory_space<vmem>>, vector<16xf32>,
    %add3A_1303 = arith.addf %add3A_1298, %get3A_1302 : vector<16xf32>
    %get3A_1304 = arith.constant 31 : i32
    %get3A_1305 = arith.index_cast %get3A_1304 : i32 to index
    %get3A_1306 = arith.constant 96 : index
    %get3A_1307 = tpu.vector_load %arg7[%get3A_1305, %get3A_1306] {strides = array<i32>} : memref<32x128xf32, #tpu.memory_space<vmem>>, vector<16xf32>,
    %add3A_1308 = arith.addf %add3A_1303, %get3A_1307 : vector<16xf32>
    %div3A_1309 = arith.divf %add3A_1308, %convert_element_type3A : vector<16xf32>
    %broadcast_in_dim3A_1310 = arith.constant 0.000000e+00 : f32
    %broadcast_in_dim3A_1311 = vector.broadcast %broadcast_in_dim3A_1310 : f32 to vector<16xf32>
    %get3A_1312 = arith.constant 0 : i32
    %get3A_1313 = arith.index_cast %get3A_1312 : i32 to index
    %get3A_1314 = arith.constant 112 : index
    %get3A_1315 = tpu.vector_load %arg7[%get3A_1313, %get3A_1314] {strides = array<i32>} : memref<32x128xf32, #tpu.memory_space<vmem>>, vector<16xf32>,
    %add3A_1316 = arith.addf %broadcast_in_dim3A_1311, %get3A_1315 : vector<16xf32>
    %get3A_1317 = arith.constant 1 : i32
    %get3A_1318 = arith.index_cast %get3A_1317 : i32 to index
    %get3A_1319 = arith.constant 112 : index
    %get3A_1320 = tpu.vector_load %arg7[%get3A_1318, %get3A_1319] {strides = array<i32>} : memref<32x128xf32, #tpu.memory_space<vmem>>, vector<16xf32>,
    %add3A_1321 = arith.addf %add3A_1316, %get3A_1320 : vector<16xf32>
    %get3A_1322 = arith.constant 2 : i32
    %get3A_1323 = arith.index_cast %get3A_1322 : i32 to index
    %get3A_1324 = arith.constant 112 : index
    %get3A_1325 = tpu.vector_load %arg7[%get3A_1323, %get3A_1324] {strides = array<i32>} : memref<32x128xf32, #tpu.memory_space<vmem>>, vector<16xf32>,
    %add3A_1326 = arith.addf %add3A_1321, %get3A_1325 : vector<16xf32>
    %get3A_1327 = arith.constant 3 : i32
    %get3A_1328 = arith.index_cast %get3A_1327 : i32 to index
    %get3A_1329 = arith.constant 112 : index
    %get3A_1330 = tpu.vector_load %arg7[%get3A_1328, %get3A_1329] {strides = array<i32>} : memref<32x128xf32, #tpu.memory_space<vmem>>, vector<16xf32>,
    %add3A_1331 = arith.addf %add3A_1326, %get3A_1330 : vector<16xf32>
    %get3A_1332 = arith.constant 4 : i32
    %get3A_1333 = arith.index_cast %get3A_1332 : i32 to index
    %get3A_1334 = arith.constant 112 : index
    %get3A_1335 = tpu.vector_load %arg7[%get3A_1333, %get3A_1334] {strides = array<i32>} : memref<32x128xf32, #tpu.memory_space<vmem>>, vector<16xf32>,
    %add3A_1336 = arith.addf %add3A_1331, %get3A_1335 : vector<16xf32>
    %get3A_1337 = arith.constant 5 : i32
    %get3A_1338 = arith.index_cast %get3A_1337 : i32 to index
    %get3A_1339 = arith.constant 112 : index
    %get3A_1340 = tpu.vector_load %arg7[%get3A_1338, %get3A_1339] {strides = array<i32>} : memref<32x128xf32, #tpu.memory_space<vmem>>, vector<16xf32>,
    %add3A_1341 = arith.addf %add3A_1336, %get3A_1340 : vector<16xf32>
    %get3A_1342 = arith.constant 6 : i32
    %get3A_1343 = arith.index_cast %get3A_1342 : i32 to index
    %get3A_1344 = arith.constant 112 : index
    %get3A_1345 = tpu.vector_load %arg7[%get3A_1343, %get3A_1344] {strides = array<i32>} : memref<32x128xf32, #tpu.memory_space<vmem>>, vector<16xf32>,
    %add3A_1346 = arith.addf %add3A_1341, %get3A_1345 : vector<16xf32>
    %get3A_1347 = arith.constant 7 : i32
    %get3A_1348 = arith.index_cast %get3A_1347 : i32 to index
    %get3A_1349 = arith.constant 112 : index
    %get3A_1350 = tpu.vector_load %arg7[%get3A_1348, %get3A_1349] {strides = array<i32>} : memref<32x128xf32, #tpu.memory_space<vmem>>, vector<16xf32>,
    %add3A_1351 = arith.addf %add3A_1346, %get3A_1350 : vector<16xf32>
    %get3A_1352 = arith.constant 8 : i32
    %get3A_1353 = arith.index_cast %get3A_1352 : i32 to index
    %get3A_1354 = arith.constant 112 : index
    %get3A_1355 = tpu.vector_load %arg7[%get3A_1353, %get3A_1354] {strides = array<i32>} : memref<32x128xf32, #tpu.memory_space<vmem>>, vector<16xf32>,
    %add3A_1356 = arith.addf %add3A_1351, %get3A_1355 : vector<16xf32>
    %get3A_1357 = arith.constant 9 : i32
    %get3A_1358 = arith.index_cast %get3A_1357 : i32 to index
    %get3A_1359 = arith.constant 112 : index
    %get3A_1360 = tpu.vector_load %arg7[%get3A_1358, %get3A_1359] {strides = array<i32>} : memref<32x128xf32, #tpu.memory_space<vmem>>, vector<16xf32>,
    %add3A_1361 = arith.addf %add3A_1356, %get3A_1360 : vector<16xf32>
    %get3A_1362 = arith.constant 10 : i32
    %get3A_1363 = arith.index_cast %get3A_1362 : i32 to index
    %get3A_1364 = arith.constant 112 : index
    %get3A_1365 = tpu.vector_load %arg7[%get3A_1363, %get3A_1364] {strides = array<i32>} : memref<32x128xf32, #tpu.memory_space<vmem>>, vector<16xf32>,
    %add3A_1366 = arith.addf %add3A_1361, %get3A_1365 : vector<16xf32>
    %get3A_1367 = arith.constant 11 : i32
    %get3A_1368 = arith.index_cast %get3A_1367 : i32 to index
    %get3A_1369 = arith.constant 112 : index
    %get3A_1370 = tpu.vector_load %arg7[%get3A_1368, %get3A_1369] {strides = array<i32>} : memref<32x128xf32, #tpu.memory_space<vmem>>, vector<16xf32>,
    %add3A_1371 = arith.addf %add3A_1366, %get3A_1370 : vector<16xf32>
    %get3A_1372 = arith.constant 12 : i32
    %get3A_1373 = arith.index_cast %get3A_1372 : i32 to index
    %get3A_1374 = arith.constant 112 : index
    %get3A_1375 = tpu.vector_load %arg7[%get3A_1373, %get3A_1374] {strides = array<i32>} : memref<32x128xf32, #tpu.memory_space<vmem>>, vector<16xf32>,
    %add3A_1376 = arith.addf %add3A_1371, %get3A_1375 : vector<16xf32>
    %get3A_1377 = arith.constant 13 : i32
    %get3A_1378 = arith.index_cast %get3A_1377 : i32 to index
    %get3A_1379 = arith.constant 112 : index
    %get3A_1380 = tpu.vector_load %arg7[%get3A_1378, %get3A_1379] {strides = array<i32>} : memref<32x128xf32, #tpu.memory_space<vmem>>, vector<16xf32>,
    %add3A_1381 = arith.addf %add3A_1376, %get3A_1380 : vector<16xf32>
    %get3A_1382 = arith.constant 14 : i32
    %get3A_1383 = arith.index_cast %get3A_1382 : i32 to index
    %get3A_1384 = arith.constant 112 : index
    %get3A_1385 = tpu.vector_load %arg7[%get3A_1383, %get3A_1384] {strides = array<i32>} : memref<32x128xf32, #tpu.memory_space<vmem>>, vector<16xf32>,
    %add3A_1386 = arith.addf %add3A_1381, %get3A_1385 : vector<16xf32>
    %get3A_1387 = arith.constant 15 : i32
    %get3A_1388 = arith.index_cast %get3A_1387 : i32 to index
    %get3A_1389 = arith.constant 112 : index
    %get3A_1390 = tpu.vector_load %arg7[%get3A_1388, %get3A_1389] {strides = array<i32>} : memref<32x128xf32, #tpu.memory_space<vmem>>, vector<16xf32>,
    %add3A_1391 = arith.addf %add3A_1386, %get3A_1390 : vector<16xf32>
    %get3A_1392 = arith.constant 16 : i32
    %get3A_1393 = arith.index_cast %get3A_1392 : i32 to index
    %get3A_1394 = arith.constant 112 : index
    %get3A_1395 = tpu.vector_load %arg7[%get3A_1393, %get3A_1394] {strides = array<i32>} : memref<32x128xf32, #tpu.memory_space<vmem>>, vector<16xf32>,
    %add3A_1396 = arith.addf %add3A_1391, %get3A_1395 : vector<16xf32>
    %get3A_1397 = arith.constant 17 : i32
    %get3A_1398 = arith.index_cast %get3A_1397 : i32 to index
    %get3A_1399 = arith.constant 112 : index
    %get3A_1400 = tpu.vector_load %arg7[%get3A_1398, %get3A_1399] {strides = array<i32>} : memref<32x128xf32, #tpu.memory_space<vmem>>, vector<16xf32>,
    %add3A_1401 = arith.addf %add3A_1396, %get3A_1400 : vector<16xf32>
    %get3A_1402 = arith.constant 18 : i32
    %get3A_1403 = arith.index_cast %get3A_1402 : i32 to index
    %get3A_1404 = arith.constant 112 : index
    %get3A_1405 = tpu.vector_load %arg7[%get3A_1403, %get3A_1404] {strides = array<i32>} : memref<32x128xf32, #tpu.memory_space<vmem>>, vector<16xf32>,
    %add3A_1406 = arith.addf %add3A_1401, %get3A_1405 : vector<16xf32>
    %get3A_1407 = arith.constant 19 : i32
    %get3A_1408 = arith.index_cast %get3A_1407 : i32 to index
    %get3A_1409 = arith.constant 112 : index
    %get3A_1410 = tpu.vector_load %arg7[%get3A_1408, %get3A_1409] {strides = array<i32>} : memref<32x128xf32, #tpu.memory_space<vmem>>, vector<16xf32>,
    %add3A_1411 = arith.addf %add3A_1406, %get3A_1410 : vector<16xf32>
    %get3A_1412 = arith.constant 20 : i32
    %get3A_1413 = arith.index_cast %get3A_1412 : i32 to index
    %get3A_1414 = arith.constant 112 : index
    %get3A_1415 = tpu.vector_load %arg7[%get3A_1413, %get3A_1414] {strides = array<i32>} : memref<32x128xf32, #tpu.memory_space<vmem>>, vector<16xf32>,
    %add3A_1416 = arith.addf %add3A_1411, %get3A_1415 : vector<16xf32>
    %get3A_1417 = arith.constant 21 : i32
    %get3A_1418 = arith.index_cast %get3A_1417 : i32 to index
    %get3A_1419 = arith.constant 112 : index
    %get3A_1420 = tpu.vector_load %arg7[%get3A_1418, %get3A_1419] {strides = array<i32>} : memref<32x128xf32, #tpu.memory_space<vmem>>, vector<16xf32>,
    %add3A_1421 = arith.addf %add3A_1416, %get3A_1420 : vector<16xf32>
    %get3A_1422 = arith.constant 22 : i32
    %get3A_1423 = arith.index_cast %get3A_1422 : i32 to index
    %get3A_1424 = arith.constant 112 : index
    %get3A_1425 = tpu.vector_load %arg7[%get3A_1423, %get3A_1424] {strides = array<i32>} : memref<32x128xf32, #tpu.memory_space<vmem>>, vector<16xf32>,
    %add3A_1426 = arith.addf %add3A_1421, %get3A_1425 : vector<16xf32>
    %get3A_1427 = arith.constant 23 : i32
    %get3A_1428 = arith.index_cast %get3A_1427 : i32 to index
    %get3A_1429 = arith.constant 112 : index
    %get3A_1430 = tpu.vector_load %arg7[%get3A_1428, %get3A_1429] {strides = array<i32>} : memref<32x128xf32, #tpu.memory_space<vmem>>, vector<16xf32>,
    %add3A_1431 = arith.addf %add3A_1426, %get3A_1430 : vector<16xf32>
    %get3A_1432 = arith.constant 24 : i32
    %get3A_1433 = arith.index_cast %get3A_1432 : i32 to index
    %get3A_1434 = arith.constant 112 : index
    %get3A_1435 = tpu.vector_load %arg7[%get3A_1433, %get3A_1434] {strides = array<i32>} : memref<32x128xf32, #tpu.memory_space<vmem>>, vector<16xf32>,
    %add3A_1436 = arith.addf %add3A_1431, %get3A_1435 : vector<16xf32>
    %get3A_1437 = arith.constant 25 : i32
    %get3A_1438 = arith.index_cast %get3A_1437 : i32 to index
    %get3A_1439 = arith.constant 112 : index
    %get3A_1440 = tpu.vector_load %arg7[%get3A_1438, %get3A_1439] {strides = array<i32>} : memref<32x128xf32, #tpu.memory_space<vmem>>, vector<16xf32>,
    %add3A_1441 = arith.addf %add3A_1436, %get3A_1440 : vector<16xf32>
    %get3A_1442 = arith.constant 26 : i32
    %get3A_1443 = arith.index_cast %get3A_1442 : i32 to index
    %get3A_1444 = arith.constant 112 : index
    %get3A_1445 = tpu.vector_load %arg7[%get3A_1443, %get3A_1444] {strides = array<i32>} : memref<32x128xf32, #tpu.memory_space<vmem>>, vector<16xf32>,
    %add3A_1446 = arith.addf %add3A_1441, %get3A_1445 : vector<16xf32>
    %get3A_1447 = arith.constant 27 : i32
    %get3A_1448 = arith.index_cast %get3A_1447 : i32 to index
    %get3A_1449 = arith.constant 112 : index
    %get3A_1450 = tpu.vector_load %arg7[%get3A_1448, %get3A_1449] {strides = array<i32>} : memref<32x128xf32, #tpu.memory_space<vmem>>, vector<16xf32>,
    %add3A_1451 = arith.addf %add3A_1446, %get3A_1450 : vector<16xf32>
    %get3A_1452 = arith.constant 28 : i32
    %get3A_1453 = arith.index_cast %get3A_1452 : i32 to index
    %get3A_1454 = arith.constant 112 : index
    %get3A_1455 = tpu.vector_load %arg7[%get3A_1453, %get3A_1454] {strides = array<i32>} : memref<32x128xf32, #tpu.memory_space<vmem>>, vector<16xf32>,
    %add3A_1456 = arith.addf %add3A_1451, %get3A_1455 : vector<16xf32>
    %get3A_1457 = arith.constant 29 : i32
    %get3A_1458 = arith.index_cast %get3A_1457 : i32 to index
    %get3A_1459 = arith.constant 112 : index
    %get3A_1460 = tpu.vector_load %arg7[%get3A_1458, %get3A_1459] {strides = array<i32>} : memref<32x128xf32, #tpu.memory_space<vmem>>, vector<16xf32>,
    %add3A_1461 = arith.addf %add3A_1456, %get3A_1460 : vector<16xf32>
    %get3A_1462 = arith.constant 30 : i32
    %get3A_1463 = arith.index_cast %get3A_1462 : i32 to index
    %get3A_1464 = arith.constant 112 : index
    %get3A_1465 = tpu.vector_load %arg7[%get3A_1463, %get3A_1464] {strides = array<i32>} : memref<32x128xf32, #tpu.memory_space<vmem>>, vector<16xf32>,
    %add3A_1466 = arith.addf %add3A_1461, %get3A_1465 : vector<16xf32>
    %get3A_1467 = arith.constant 31 : i32
    %get3A_1468 = arith.index_cast %get3A_1467 : i32 to index
    %get3A_1469 = arith.constant 112 : index
    %get3A_1470 = tpu.vector_load %arg7[%get3A_1468, %get3A_1469] {strides = array<i32>} : memref<32x128xf32, #tpu.memory_space<vmem>>, vector<16xf32>,
    %add3A_1471 = arith.addf %add3A_1466, %get3A_1470 : vector<16xf32>
    %div3A_1472 = arith.divf %add3A_1471, %convert_element_type3A : vector<16xf32>
    %scan3A = arith.constant 0 : i32
    %scan3A_1473 = arith.constant 0 : i32
    %scan3A_1474 = arith.constant 32 : i32
    %scan3A_1475 = arith.addi %scan3A_1473, %scan3A_1474 : i32
    %scan3A_1476 = arith.constant 1 : i32
    %scan3A_1477 = scf.for %scan3A_1499 = %scan3A_1473 to %scan3A_1475 step %scan3A_1476 iter_args(%scan3A_1500 = %scan3A) -> (i32)  : i32 {
      %mul3A_1501 = arith.constant 4 : i32
      %mul3A_1502 = arith.muli %scan3A_1499, %mul3A_1501 : i32
      %add3A_1503 = arith.constant 0 : i32
      %add3A_1504 = arith.addi %mul3A_1502, %add3A_1503 : i32
      %swap3A = arith.index_cast %add3A_1504 : i32 to index
      %swap3A_1505 = arith.constant 0 : index
      %swap3A_1506 = tpu.vector_load %arg10[%swap3A, %swap3A_1505] {strides = array<i32>} : memref<128x128xf32, #tpu.memory_space<vmem>>, vector<16xf32>,
      tpu.vector_store %arg10[%swap3A, %swap3A_1505], %div3A {strides = array<i32>} : memref<128x128xf32, #tpu.memory_space<vmem>>, vector<16xf32>,
      %mul3A_1507 = arith.constant 4 : i32
      %mul3A_1508 = arith.muli %scan3A_1499, %mul3A_1507 : i32
      %add3A_1509 = arith.constant 0 : i32
      %add3A_1510 = arith.addi %mul3A_1508, %add3A_1509 : i32
      %swap3A_1511 = arith.index_cast %add3A_1510 : i32 to index
      %swap3A_1512 = arith.constant 16 : index
      %swap3A_1513 = tpu.vector_load %arg10[%swap3A_1511, %swap3A_1512] {strides = array<i32>} : memref<128x128xf32, #tpu.memory_space<vmem>>, vector<16xf32>,
      tpu.vector_store %arg10[%swap3A_1511, %swap3A_1512], %div3A_494 {strides = array<i32>} : memref<128x128xf32, #tpu.memory_space<vmem>>, vector<16xf32>,
      %mul3A_1514 = arith.constant 4 : i32
      %mul3A_1515 = arith.muli %scan3A_1499, %mul3A_1514 : i32
      %add3A_1516 = arith.constant 0 : i32
      %add3A_1517 = arith.addi %mul3A_1515, %add3A_1516 : i32
      %swap3A_1518 = arith.index_cast %add3A_1517 : i32 to index
      %swap3A_1519 = arith.constant 32 : index
      %swap3A_1520 = tpu.vector_load %arg10[%swap3A_1518, %swap3A_1519] {strides = array<i32>} : memref<128x128xf32, #tpu.memory_space<vmem>>, vector<16xf32>,
      tpu.vector_store %arg10[%swap3A_1518, %swap3A_1519], %div3A_657 {strides = array<i32>} : memref<128x128xf32, #tpu.memory_space<vmem>>, vector<16xf32>,
      %mul3A_1521 = arith.constant 4 : i32
      %mul3A_1522 = arith.muli %scan3A_1499, %mul3A_1521 : i32
      %add3A_1523 = arith.constant 0 : i32
      %add3A_1524 = arith.addi %mul3A_1522, %add3A_1523 : i32
      %swap3A_1525 = arith.index_cast %add3A_1524 : i32 to index
      %swap3A_1526 = arith.constant 48 : index
      %swap3A_1527 = tpu.vector_load %arg10[%swap3A_1525, %swap3A_1526] {strides = array<i32>} : memref<128x128xf32, #tpu.memory_space<vmem>>, vector<16xf32>,
      tpu.vector_store %arg10[%swap3A_1525, %swap3A_1526], %div3A_820 {strides = array<i32>} : memref<128x128xf32, #tpu.memory_space<vmem>>, vector<16xf32>,
      %mul3A_1528 = arith.constant 4 : i32
      %mul3A_1529 = arith.muli %scan3A_1499, %mul3A_1528 : i32
      %add3A_1530 = arith.constant 0 : i32
      %add3A_1531 = arith.addi %mul3A_1529, %add3A_1530 : i32
      %swap3A_1532 = arith.index_cast %add3A_1531 : i32 to index
      %swap3A_1533 = arith.constant 64 : index
      %swap3A_1534 = tpu.vector_load %arg10[%swap3A_1532, %swap3A_1533] {strides = array<i32>} : memref<128x128xf32, #tpu.memory_space<vmem>>, vector<16xf32>,
      tpu.vector_store %arg10[%swap3A_1532, %swap3A_1533], %div3A_983 {strides = array<i32>} : memref<128x128xf32, #tpu.memory_space<vmem>>, vector<16xf32>,
      %mul3A_1535 = arith.constant 4 : i32
      %mul3A_1536 = arith.muli %scan3A_1499, %mul3A_1535 : i32
      %add3A_1537 = arith.constant 0 : i32
      %add3A_1538 = arith.addi %mul3A_1536, %add3A_1537 : i32
      %swap3A_1539 = arith.index_cast %add3A_1538 : i32 to index
      %swap3A_1540 = arith.constant 80 : index
      %swap3A_1541 = tpu.vector_load %arg10[%swap3A_1539, %swap3A_1540] {strides = array<i32>} : memref<128x128xf32, #tpu.memory_space<vmem>>, vector<16xf32>,
      tpu.vector_store %arg10[%swap3A_1539, %swap3A_1540], %div3A_1146 {strides = array<i32>} : memref<128x128xf32, #tpu.memory_space<vmem>>, vector<16xf32>,
      %mul3A_1542 = arith.constant 4 : i32
      %mul3A_1543 = arith.muli %scan3A_1499, %mul3A_1542 : i32
      %add3A_1544 = arith.constant 0 : i32
      %add3A_1545 = arith.addi %mul3A_1543, %add3A_1544 : i32
      %swap3A_1546 = arith.index_cast %add3A_1545 : i32 to index
      %swap3A_1547 = arith.constant 96 : index
      %swap3A_1548 = tpu.vector_load %arg10[%swap3A_1546, %swap3A_1547] {strides = array<i32>} : memref<128x128xf32, #tpu.memory_space<vmem>>, vector<16xf32>,
      tpu.vector_store %arg10[%swap3A_1546, %swap3A_1547], %div3A_1309 {strides = array<i32>} : memref<128x128xf32, #tpu.memory_space<vmem>>, vector<16xf32>,
      %mul3A_1549 = arith.constant 4 : i32
      %mul3A_1550 = arith.muli %scan3A_1499, %mul3A_1549 : i32
      %add3A_1551 = arith.constant 0 : i32
      %add3A_1552 = arith.addi %mul3A_1550, %add3A_1551 : i32
      %swap3A_1553 = arith.index_cast %add3A_1552 : i32 to index
      %swap3A_1554 = arith.constant 112 : index
      %swap3A_1555 = tpu.vector_load %arg10[%swap3A_1553, %swap3A_1554] {strides = array<i32>} : memref<128x128xf32, #tpu.memory_space<vmem>>, vector<16xf32>,
      tpu.vector_store %arg10[%swap3A_1553, %swap3A_1554], %div3A_1472 {strides = array<i32>} : memref<128x128xf32, #tpu.memory_space<vmem>>, vector<16xf32>,
      %mul3A_1556 = arith.constant 4 : i32
      %mul3A_1557 = arith.muli %scan3A_1499, %mul3A_1556 : i32
      %add3A_1558 = arith.constant 1 : i32
      %add3A_1559 = arith.addi %mul3A_1557, %add3A_1558 : i32
      %swap3A_1560 = arith.index_cast %add3A_1559 : i32 to index
      %swap3A_1561 = arith.constant 0 : index
      %swap3A_1562 = tpu.vector_load %arg10[%swap3A_1560, %swap3A_1561] {strides = array<i32>} : memref<128x128xf32, #tpu.memory_space<vmem>>, vector<16xf32>,
      tpu.vector_store %arg10[%swap3A_1560, %swap3A_1561], %div3A {strides = array<i32>} : memref<128x128xf32, #tpu.memory_space<vmem>>, vector<16xf32>,
      %mul3A_1563 = arith.constant 4 : i32
      %mul3A_1564 = arith.muli %scan3A_1499, %mul3A_1563 : i32
      %add3A_1565 = arith.constant 1 : i32
      %add3A_1566 = arith.addi %mul3A_1564, %add3A_1565 : i32
      %swap3A_1567 = arith.index_cast %add3A_1566 : i32 to index
      %swap3A_1568 = arith.constant 16 : index
      %swap3A_1569 = tpu.vector_load %arg10[%swap3A_1567, %swap3A_1568] {strides = array<i32>} : memref<128x128xf32, #tpu.memory_space<vmem>>, vector<16xf32>,
      tpu.vector_store %arg10[%swap3A_1567, %swap3A_1568], %div3A_494 {strides = array<i32>} : memref<128x128xf32, #tpu.memory_space<vmem>>, vector<16xf32>,
      %mul3A_1570 = arith.constant 4 : i32
      %mul3A_1571 = arith.muli %scan3A_1499, %mul3A_1570 : i32
      %add3A_1572 = arith.constant 1 : i32
      %add3A_1573 = arith.addi %mul3A_1571, %add3A_1572 : i32
      %swap3A_1574 = arith.index_cast %add3A_1573 : i32 to index
      %swap3A_1575 = arith.constant 32 : index
      %swap3A_1576 = tpu.vector_load %arg10[%swap3A_1574, %swap3A_1575] {strides = array<i32>} : memref<128x128xf32, #tpu.memory_space<vmem>>, vector<16xf32>,
      tpu.vector_store %arg10[%swap3A_1574, %swap3A_1575], %div3A_657 {strides = array<i32>} : memref<128x128xf32, #tpu.memory_space<vmem>>, vector<16xf32>,
      %mul3A_1577 = arith.constant 4 : i32
      %mul3A_1578 = arith.muli %scan3A_1499, %mul3A_1577 : i32
      %add3A_1579 = arith.constant 1 : i32
      %add3A_1580 = arith.addi %mul3A_1578, %add3A_1579 : i32
      %swap3A_1581 = arith.index_cast %add3A_1580 : i32 to index
      %swap3A_1582 = arith.constant 48 : index
      %swap3A_1583 = tpu.vector_load %arg10[%swap3A_1581, %swap3A_1582] {strides = array<i32>} : memref<128x128xf32, #tpu.memory_space<vmem>>, vector<16xf32>,
      tpu.vector_store %arg10[%swap3A_1581, %swap3A_1582], %div3A_820 {strides = array<i32>} : memref<128x128xf32, #tpu.memory_space<vmem>>, vector<16xf32>,
      %mul3A_1584 = arith.constant 4 : i32
      %mul3A_1585 = arith.muli %scan3A_1499, %mul3A_1584 : i32
      %add3A_1586 = arith.constant 1 : i32
      %add3A_1587 = arith.addi %mul3A_1585, %add3A_1586 : i32
      %swap3A_1588 = arith.index_cast %add3A_1587 : i32 to index
      %swap3A_1589 = arith.constant 64 : index
      %swap3A_1590 = tpu.vector_load %arg10[%swap3A_1588, %swap3A_1589] {strides = array<i32>} : memref<128x128xf32, #tpu.memory_space<vmem>>, vector<16xf32>,
      tpu.vector_store %arg10[%swap3A_1588, %swap3A_1589], %div3A_983 {strides = array<i32>} : memref<128x128xf32, #tpu.memory_space<vmem>>, vector<16xf32>,
      %mul3A_1591 = arith.constant 4 : i32
      %mul3A_1592 = arith.muli %scan3A_1499, %mul3A_1591 : i32
      %add3A_1593 = arith.constant 1 : i32
      %add3A_1594 = arith.addi %mul3A_1592, %add3A_1593 : i32
      %swap3A_1595 = arith.index_cast %add3A_1594 : i32 to index
      %swap3A_1596 = arith.constant 80 : index
      %swap3A_1597 = tpu.vector_load %arg10[%swap3A_1595, %swap3A_1596] {strides = array<i32>} : memref<128x128xf32, #tpu.memory_space<vmem>>, vector<16xf32>,
      tpu.vector_store %arg10[%swap3A_1595, %swap3A_1596], %div3A_1146 {strides = array<i32>} : memref<128x128xf32, #tpu.memory_space<vmem>>, vector<16xf32>,
      %mul3A_1598 = arith.constant 4 : i32
      %mul3A_1599 = arith.muli %scan3A_1499, %mul3A_1598 : i32
      %add3A_1600 = arith.constant 1 : i32
      %add3A_1601 = arith.addi %mul3A_1599, %add3A_1600 : i32
      %swap3A_1602 = arith.index_cast %add3A_1601 : i32 to index
      %swap3A_1603 = arith.constant 96 : index
      %swap3A_1604 = tpu.vector_load %arg10[%swap3A_1602, %swap3A_1603] {strides = array<i32>} : memref<128x128xf32, #tpu.memory_space<vmem>>, vector<16xf32>,
      tpu.vector_store %arg10[%swap3A_1602, %swap3A_1603], %div3A_1309 {strides = array<i32>} : memref<128x128xf32, #tpu.memory_space<vmem>>, vector<16xf32>,
      %mul3A_1605 = arith.constant 4 : i32
      %mul3A_1606 = arith.muli %scan3A_1499, %mul3A_1605 : i32
      %add3A_1607 = arith.constant 1 : i32
      %add3A_1608 = arith.addi %mul3A_1606, %add3A_1607 : i32
      %swap3A_1609 = arith.index_cast %add3A_1608 : i32 to index
      %swap3A_1610 = arith.constant 112 : index
      %swap3A_1611 = tpu.vector_load %arg10[%swap3A_1609, %swap3A_1610] {strides = array<i32>} : memref<128x128xf32, #tpu.memory_space<vmem>>, vector<16xf32>,
      tpu.vector_store %arg10[%swap3A_1609, %swap3A_1610], %div3A_1472 {strides = array<i32>} : memref<128x128xf32, #tpu.memory_space<vmem>>, vector<16xf32>,
      %mul3A_1612 = arith.constant 4 : i32
      %mul3A_1613 = arith.muli %scan3A_1499, %mul3A_1612 : i32
      %add3A_1614 = arith.constant 2 : i32
      %add3A_1615 = arith.addi %mul3A_1613, %add3A_1614 : i32
      %swap3A_1616 = arith.index_cast %add3A_1615 : i32 to index
      %swap3A_1617 = arith.constant 0 : index
      %swap3A_1618 = tpu.vector_load %arg10[%swap3A_1616, %swap3A_1617] {strides = array<i32>} : memref<128x128xf32, #tpu.memory_space<vmem>>, vector<16xf32>,
      tpu.vector_store %arg10[%swap3A_1616, %swap3A_1617], %div3A {strides = array<i32>} : memref<128x128xf32, #tpu.memory_space<vmem>>, vector<16xf32>,
      %mul3A_1619 = arith.constant 4 : i32
      %mul3A_1620 = arith.muli %scan3A_1499, %mul3A_1619 : i32
      %add3A_1621 = arith.constant 2 : i32
      %add3A_1622 = arith.addi %mul3A_1620, %add3A_1621 : i32
      %swap3A_1623 = arith.index_cast %add3A_1622 : i32 to index
      %swap3A_1624 = arith.constant 16 : index
      %swap3A_1625 = tpu.vector_load %arg10[%swap3A_1623, %swap3A_1624] {strides = array<i32>} : memref<128x128xf32, #tpu.memory_space<vmem>>, vector<16xf32>,
      tpu.vector_store %arg10[%swap3A_1623, %swap3A_1624], %div3A_494 {strides = array<i32>} : memref<128x128xf32, #tpu.memory_space<vmem>>, vector<16xf32>,
      %mul3A_1626 = arith.constant 4 : i32
      %mul3A_1627 = arith.muli %scan3A_1499, %mul3A_1626 : i32
      %add3A_1628 = arith.constant 2 : i32
      %add3A_1629 = arith.addi %mul3A_1627, %add3A_1628 : i32
      %swap3A_1630 = arith.index_cast %add3A_1629 : i32 to index
      %swap3A_1631 = arith.constant 32 : index
      %swap3A_1632 = tpu.vector_load %arg10[%swap3A_1630, %swap3A_1631] {strides = array<i32>} : memref<128x128xf32, #tpu.memory_space<vmem>>, vector<16xf32>,
      tpu.vector_store %arg10[%swap3A_1630, %swap3A_1631], %div3A_657 {strides = array<i32>} : memref<128x128xf32, #tpu.memory_space<vmem>>, vector<16xf32>,
      %mul3A_1633 = arith.constant 4 : i32
      %mul3A_1634 = arith.muli %scan3A_1499, %mul3A_1633 : i32
      %add3A_1635 = arith.constant 2 : i32
      %add3A_1636 = arith.addi %mul3A_1634, %add3A_1635 : i32
      %swap3A_1637 = arith.index_cast %add3A_1636 : i32 to index
      %swap3A_1638 = arith.constant 48 : index
      %swap3A_1639 = tpu.vector_load %arg10[%swap3A_1637, %swap3A_1638] {strides = array<i32>} : memref<128x128xf32, #tpu.memory_space<vmem>>, vector<16xf32>,
      tpu.vector_store %arg10[%swap3A_1637, %swap3A_1638], %div3A_820 {strides = array<i32>} : memref<128x128xf32, #tpu.memory_space<vmem>>, vector<16xf32>,
      %mul3A_1640 = arith.constant 4 : i32
      %mul3A_1641 = arith.muli %scan3A_1499, %mul3A_1640 : i32
      %add3A_1642 = arith.constant 2 : i32
      %add3A_1643 = arith.addi %mul3A_1641, %add3A_1642 : i32
      %swap3A_1644 = arith.index_cast %add3A_1643 : i32 to index
      %swap3A_1645 = arith.constant 64 : index
      %swap3A_1646 = tpu.vector_load %arg10[%swap3A_1644, %swap3A_1645] {strides = array<i32>} : memref<128x128xf32, #tpu.memory_space<vmem>>, vector<16xf32>,
      tpu.vector_store %arg10[%swap3A_1644, %swap3A_1645], %div3A_983 {strides = array<i32>} : memref<128x128xf32, #tpu.memory_space<vmem>>, vector<16xf32>,
      %mul3A_1647 = arith.constant 4 : i32
      %mul3A_1648 = arith.muli %scan3A_1499, %mul3A_1647 : i32
      %add3A_1649 = arith.constant 2 : i32
      %add3A_1650 = arith.addi %mul3A_1648, %add3A_1649 : i32
      %swap3A_1651 = arith.index_cast %add3A_1650 : i32 to index
      %swap3A_1652 = arith.constant 80 : index
      %swap3A_1653 = tpu.vector_load %arg10[%swap3A_1651, %swap3A_1652] {strides = array<i32>} : memref<128x128xf32, #tpu.memory_space<vmem>>, vector<16xf32>,
      tpu.vector_store %arg10[%swap3A_1651, %swap3A_1652], %div3A_1146 {strides = array<i32>} : memref<128x128xf32, #tpu.memory_space<vmem>>, vector<16xf32>,
      %mul3A_1654 = arith.constant 4 : i32
      %mul3A_1655 = arith.muli %scan3A_1499, %mul3A_1654 : i32
      %add3A_1656 = arith.constant 2 : i32
      %add3A_1657 = arith.addi %mul3A_1655, %add3A_1656 : i32
      %swap3A_1658 = arith.index_cast %add3A_1657 : i32 to index
      %swap3A_1659 = arith.constant 96 : index
      %swap3A_1660 = tpu.vector_load %arg10[%swap3A_1658, %swap3A_1659] {strides = array<i32>} : memref<128x128xf32, #tpu.memory_space<vmem>>, vector<16xf32>,
      tpu.vector_store %arg10[%swap3A_1658, %swap3A_1659], %div3A_1309 {strides = array<i32>} : memref<128x128xf32, #tpu.memory_space<vmem>>, vector<16xf32>,
      %mul3A_1661 = arith.constant 4 : i32
      %mul3A_1662 = arith.muli %scan3A_1499, %mul3A_1661 : i32
      %add3A_1663 = arith.constant 2 : i32
      %add3A_1664 = arith.addi %mul3A_1662, %add3A_1663 : i32
      %swap3A_1665 = arith.index_cast %add3A_1664 : i32 to index
      %swap3A_1666 = arith.constant 112 : index
      %swap3A_1667 = tpu.vector_load %arg10[%swap3A_1665, %swap3A_1666] {strides = array<i32>} : memref<128x128xf32, #tpu.memory_space<vmem>>, vector<16xf32>,
      tpu.vector_store %arg10[%swap3A_1665, %swap3A_1666], %div3A_1472 {strides = array<i32>} : memref<128x128xf32, #tpu.memory_space<vmem>>, vector<16xf32>,
      %mul3A_1668 = arith.constant 4 : i32
      %mul3A_1669 = arith.muli %scan3A_1499, %mul3A_1668 : i32
      %add3A_1670 = arith.constant 3 : i32
      %add3A_1671 = arith.addi %mul3A_1669, %add3A_1670 : i32
      %swap3A_1672 = arith.index_cast %add3A_1671 : i32 to index
      %swap3A_1673 = arith.constant 0 : index
      %swap3A_1674 = tpu.vector_load %arg10[%swap3A_1672, %swap3A_1673] {strides = array<i32>} : memref<128x128xf32, #tpu.memory_space<vmem>>, vector<16xf32>,
      tpu.vector_store %arg10[%swap3A_1672, %swap3A_1673], %div3A {strides = array<i32>} : memref<128x128xf32, #tpu.memory_space<vmem>>, vector<16xf32>,
      %mul3A_1675 = arith.constant 4 : i32
      %mul3A_1676 = arith.muli %scan3A_1499, %mul3A_1675 : i32
      %add3A_1677 = arith.constant 3 : i32
      %add3A_1678 = arith.addi %mul3A_1676, %add3A_1677 : i32
      %swap3A_1679 = arith.index_cast %add3A_1678 : i32 to index
      %swap3A_1680 = arith.constant 16 : index
      %swap3A_1681 = tpu.vector_load %arg10[%swap3A_1679, %swap3A_1680] {strides = array<i32>} : memref<128x128xf32, #tpu.memory_space<vmem>>, vector<16xf32>,
      tpu.vector_store %arg10[%swap3A_1679, %swap3A_1680], %div3A_494 {strides = array<i32>} : memref<128x128xf32, #tpu.memory_space<vmem>>, vector<16xf32>,
      %mul3A_1682 = arith.constant 4 : i32
      %mul3A_1683 = arith.muli %scan3A_1499, %mul3A_1682 : i32
      %add3A_1684 = arith.constant 3 : i32
      %add3A_1685 = arith.addi %mul3A_1683, %add3A_1684 : i32
      %swap3A_1686 = arith.index_cast %add3A_1685 : i32 to index
      %swap3A_1687 = arith.constant 32 : index
      %swap3A_1688 = tpu.vector_load %arg10[%swap3A_1686, %swap3A_1687] {strides = array<i32>} : memref<128x128xf32, #tpu.memory_space<vmem>>, vector<16xf32>,
      tpu.vector_store %arg10[%swap3A_1686, %swap3A_1687], %div3A_657 {strides = array<i32>} : memref<128x128xf32, #tpu.memory_space<vmem>>, vector<16xf32>,
      %mul3A_1689 = arith.constant 4 : i32
      %mul3A_1690 = arith.muli %scan3A_1499, %mul3A_1689 : i32
      %add3A_1691 = arith.constant 3 : i32
      %add3A_1692 = arith.addi %mul3A_1690, %add3A_1691 : i32
      %swap3A_1693 = arith.index_cast %add3A_1692 : i32 to index
      %swap3A_1694 = arith.constant 48 : index
      %swap3A_1695 = tpu.vector_load %arg10[%swap3A_1693, %swap3A_1694] {strides = array<i32>} : memref<128x128xf32, #tpu.memory_space<vmem>>, vector<16xf32>,
      tpu.vector_store %arg10[%swap3A_1693, %swap3A_1694], %div3A_820 {strides = array<i32>} : memref<128x128xf32, #tpu.memory_space<vmem>>, vector<16xf32>,
      %mul3A_1696 = arith.constant 4 : i32
      %mul3A_1697 = arith.muli %scan3A_1499, %mul3A_1696 : i32
      %add3A_1698 = arith.constant 3 : i32
      %add3A_1699 = arith.addi %mul3A_1697, %add3A_1698 : i32
      %swap3A_1700 = arith.index_cast %add3A_1699 : i32 to index
      %swap3A_1701 = arith.constant 64 : index
      %swap3A_1702 = tpu.vector_load %arg10[%swap3A_1700, %swap3A_1701] {strides = array<i32>} : memref<128x128xf32, #tpu.memory_space<vmem>>, vector<16xf32>,
      tpu.vector_store %arg10[%swap3A_1700, %swap3A_1701], %div3A_983 {strides = array<i32>} : memref<128x128xf32, #tpu.memory_space<vmem>>, vector<16xf32>,
      %mul3A_1703 = arith.constant 4 : i32
      %mul3A_1704 = arith.muli %scan3A_1499, %mul3A_1703 : i32
      %add3A_1705 = arith.constant 3 : i32
      %add3A_1706 = arith.addi %mul3A_1704, %add3A_1705 : i32
      %swap3A_1707 = arith.index_cast %add3A_1706 : i32 to index
      %swap3A_1708 = arith.constant 80 : index
      %swap3A_1709 = tpu.vector_load %arg10[%swap3A_1707, %swap3A_1708] {strides = array<i32>} : memref<128x128xf32, #tpu.memory_space<vmem>>, vector<16xf32>,
      tpu.vector_store %arg10[%swap3A_1707, %swap3A_1708], %div3A_1146 {strides = array<i32>} : memref<128x128xf32, #tpu.memory_space<vmem>>, vector<16xf32>,
      %mul3A_1710 = arith.constant 4 : i32
      %mul3A_1711 = arith.muli %scan3A_1499, %mul3A_1710 : i32
      %add3A_1712 = arith.constant 3 : i32
      %add3A_1713 = arith.addi %mul3A_1711, %add3A_1712 : i32
      %swap3A_1714 = arith.index_cast %add3A_1713 : i32 to index
      %swap3A_1715 = arith.constant 96 : index
      %swap3A_1716 = tpu.vector_load %arg10[%swap3A_1714, %swap3A_1715] {strides = array<i32>} : memref<128x128xf32, #tpu.memory_space<vmem>>, vector<16xf32>,
      tpu.vector_store %arg10[%swap3A_1714, %swap3A_1715], %div3A_1309 {strides = array<i32>} : memref<128x128xf32, #tpu.memory_space<vmem>>, vector<16xf32>,
      %mul3A_1717 = arith.constant 4 : i32
      %mul3A_1718 = arith.muli %scan3A_1499, %mul3A_1717 : i32
      %add3A_1719 = arith.constant 3 : i32
      %add3A_1720 = arith.addi %mul3A_1718, %add3A_1719 : i32
      %swap3A_1721 = arith.index_cast %add3A_1720 : i32 to index
      %swap3A_1722 = arith.constant 112 : index
      %swap3A_1723 = tpu.vector_load %arg10[%swap3A_1721, %swap3A_1722] {strides = array<i32>} : memref<128x128xf32, #tpu.memory_space<vmem>>, vector<16xf32>,
      tpu.vector_store %arg10[%swap3A_1721, %swap3A_1722], %div3A_1472 {strides = array<i32>} : memref<128x128xf32, #tpu.memory_space<vmem>>, vector<16xf32>,
      %scan3A_1724 = arith.constant 0 : i32
      scf.yield %scan3A_1724 : i32
    }
    %scan3A_1478 = arith.constant 32 : i32
    %get3A_1479 = arith.index_cast %add3A : i32 to index
    %get3A_1480 = arith.constant 0 : index
    %get3A_1481 = tpu.vector_load %arg8[%get3A_1479, %get3A_1480] {strides = array<i32>} : memref<32x16xi32, #tpu.memory_space<vmem>>, vector<16xi32>,
    %reduce_max3A = arith.constant true
    %reduce_max3A_1482 = vector.broadcast %reduce_max3A : i1 to vector<16xi1>
    %reduce_max3A_1483 = arith.constant -2147483648 : i32
    %reduce_max3A_1484 = vector.broadcast %reduce_max3A_1483 : i32 to vector<16xi32>
    %reduce_max3A_1485 = arith.xori %get3A_1481, %reduce_max3A_1484 : vector<16xi32>
    %reduce_max3A_1486 = tpu.scan <max>, %reduce_max3A_1485 masked %reduce_max3A_1482 : vector<16xi32>, vector<16xi1> -> vector<16xi32>
    %reduce_max3A_1487 = arith.xori %reduce_max3A_1486, %reduce_max3A_1484 : vector<16xi32>
    %reduce_max3A_1488 = vector.extract %reduce_max3A_1487[15] : i32 from vector<16xi32>
    %dma_wait3A = arith.constant 0 : i32
    %dma_wait3A_1489 = arith.constant 0 : i32
    %dma_wait3A_1490 = tpu.memref_slice %arg3[%add3A, %dma_wait3A, %dma_wait3A_1489] : memref<32x64x128xi32, #tpu.memory_space<hbm>> -> memref<1x64x128xi32, #tpu.memory_space<hbm>>
    %dma_wait3A_1491 = tpu.memref_squeeze %dma_wait3A_1490 : memref<1x64x128xi32, #tpu.memory_space<hbm>> -> memref<64x128xi32, #tpu.memory_space<hbm>>
    %dma_wait3A_1492 = arith.constant 0 : i32
    %dma_wait3A_1493 = arith.constant 0 : i32
    %dma_wait3A_1494 = tpu.memref_slice %arg3[%add3A, %dma_wait3A_1492, %dma_wait3A_1493] : memref<32x64x128xi32, #tpu.memory_space<hbm>> -> memref<1x64x128xi32, #tpu.memory_space<hbm>>
    %dma_wait3A_1495 = tpu.memref_squeeze %dma_wait3A_1494 : memref<1x64x128xi32, #tpu.memory_space<hbm>> -> memref<64x128xi32, #tpu.memory_space<hbm>>
    tpu.wait_dma2 semaphore(%arg11 : memref<!tpu.dma_semaphore, #tpu.memory_space<semaphore_mem>>) src(%dma_wait3A_1495 : memref<64x128xi32, #tpu.memory_space<hbm>>) dst(%arg9 : memref<64x128xi32, #tpu.memory_space<vmem>>)
    %gt3A = arith.constant 0 : i32
    %gt3A_1496 = arith.cmpi sgt, %reduce_max3A_1488, %gt3A : i32
    %convert_element_type3A_1497 = arith.extui %gt3A_1496 : i1 to i32
    %cond3A = arith.constant 0 : i32
    %cond3A_1498 = arith.cmpi ne, %convert_element_type3A_1497, %cond3A : i32
    scf.if %cond3A_1498 {
      %add3A_1499 = arith.constant 128 : i32
      %add3A_1500 = arith.addi %reduce_max3A_1488, %add3A_1499 : i32
      %sub3A_1501 = arith.constant 1 : i32
      %sub3A_1502 = arith.subi %add3A_1500, %sub3A_1501 : i32
      %jit3A = arith.constant 128 : i32
      %div3A_1503 = arith.divsi %sub3A_1502, %jit3A : i32
      %sign3A = arith.constant 0 : i32
      %sign3A_1504 = arith.cmpi sgt, %sub3A_1502, %sign3A : i32
      %sign3A_1505 = arith.extui %sign3A_1504 : i1 to i32
      %sign3A_1506 = arith.constant 0 : i32
      %sign3A_1507 = arith.cmpi slt, %sub3A_1502, %sign3A_1506 : i32
      %sign3A_1508 = arith.extui %sign3A_1507 : i1 to i32
      %sign3A_1509 = arith.subi %sign3A_1505, %sign3A_1508 : i32
      %sign3A_1510 = arith.constant 0 : i32
      %sign3A_1511 = arith.cmpi sgt, %jit3A, %sign3A_1510 : i32
      %sign3A_1512 = arith.extui %sign3A_1511 : i1 to i32
      %sign3A_1513 = arith.constant 0 : i32
      %sign3A_1514 = arith.cmpi slt, %jit3A, %sign3A_1513 : i32
      %sign3A_1515 = arith.extui %sign3A_1514 : i1 to i32
      %sign3A_1516 = arith.subi %sign3A_1512, %sign3A_1515 : i32
      %ne3A = arith.cmpi ne, %sign3A_1509, %sign3A_1516 : i32
      %rem3A = arith.remsi %sub3A_1502, %jit3A : i32
      %ne3A_1517 = arith.constant 0 : i32
      %ne3A_1518 = arith.cmpi ne, %rem3A, %ne3A_1517 : i32
      %and3A = arith.andi %ne3A, %ne3A_1518 : i1
      %sub3A_1519 = arith.constant 1 : i32
      %sub3A_1520 = arith.subi %div3A_1503, %sub3A_1519 : i32
      %select_n3A = arith.select %and3A, %sub3A_1520, %div3A_1503 : i32
      %sub3A_1521 = arith.constant 1 : i32
      %sub3A_1522 = arith.subi %select_n3A, %sub3A_1521 : i32
      %mul3A_1523 = arith.constant 128 : i32
      %mul3A_1524 = arith.muli %sub3A_1522, %mul3A_1523 : i32
      %add3A_1525 = arith.constant 0 : i32
      %add3A_1526 = arith.addi %mul3A_1524, %add3A_1525 : i32
      %add3A_1527 = vector.broadcast %add3A_1526 : i32 to vector<16xi32>
      %add3A_1528 = arith.addi %add3A_1527, %iota3A : vector<16xi32>
      %sub3A_1529 = arith.constant 1 : i32
      %sub3A_1530 = arith.subi %reduce_max3A_1488, %sub3A_1529 : i32
      %min3A = vector.broadcast %sub3A_1530 : i32 to vector<16xi32>
      %min3A_1531 = arith.minsi %add3A_1528, %min3A : vector<16xi32>
      %shift_right_arithmetic3A = arith.constant 7 : i32
      %shift_right_arithmetic3A_1532 = vector.broadcast %shift_right_arithmetic3A : i32 to vector<16xi32>
      %shift_right_arithmetic3A_1533 = arith.shrsi %min3A_1531, %shift_right_arithmetic3A_1532 : vector<16xi32>
      %and3A_1534 = arith.constant 127 : i32
      %and3A_1535 = vector.broadcast %and3A_1534 : i32 to vector<16xi32>
      %and3A_1536 = arith.andi %min3A_1531, %and3A_1535 : vector<16xi32>
      %gather3A = tpu.vector_load_idx %arg9[%shift_right_arithmetic3A_1533, %and3A_1536] : memref<64x128xi32, #tpu.memory_space<vmem>>[vector<16xi32>, vector<16xi32>], vector<16xi32>,
      %shift_right_arithmetic3A_1537 = arith.constant 7 : i32
      %shift_right_arithmetic3A_1538 = vector.broadcast %shift_right_arithmetic3A_1537 : i32 to vector<16xi32>
      %shift_right_arithmetic3A_1539 = arith.shrsi %add3A_1528, %shift_right_arithmetic3A_1538 : vector<16xi32>
      %and3A_1540 = arith.constant 127 : i32
      %and3A_1541 = vector.broadcast %and3A_1540 : i32 to vector<16xi32>
      %and3A_1542 = arith.andi %add3A_1528, %and3A_1541 : vector<16xi32>
      tpu.vector_store_idx %arg9[%shift_right_arithmetic3A_1539, %and3A_1542], %gather3A : memref<64x128xi32, #tpu.memory_space<vmem>>[vector<16xi32>, vector<16xi32>], vector<16xi32>,
      %add3A_1543 = arith.constant 16 : i32
      %add3A_1544 = arith.addi %mul3A_1524, %add3A_1543 : i32
      %add3A_1545 = vector.broadcast %add3A_1544 : i32 to vector<16xi32>
      %add3A_1546 = arith.addi %add3A_1545, %iota3A : vector<16xi32>
      %sub3A_1547 = arith.constant 1 : i32
      %sub3A_1548 = arith.subi %reduce_max3A_1488, %sub3A_1547 : i32
      %min3A_1549 = vector.broadcast %sub3A_1548 : i32 to vector<16xi32>
      %min3A_1550 = arith.minsi %add3A_1546, %min3A_1549 : vector<16xi32>
      %shift_right_arithmetic3A_1551 = arith.constant 7 : i32
      %shift_right_arithmetic3A_1552 = vector.broadcast %shift_right_arithmetic3A_1551 : i32 to vector<16xi32>
      %shift_right_arithmetic3A_1553 = arith.shrsi %min3A_1550, %shift_right_arithmetic3A_1552 : vector<16xi32>
      %and3A_1554 = arith.constant 127 : i32
      %and3A_1555 = vector.broadcast %and3A_1554 : i32 to vector<16xi32>
      %and3A_1556 = arith.andi %min3A_1550, %and3A_1555 : vector<16xi32>
      %gather3A_1557 = tpu.vector_load_idx %arg9[%shift_right_arithmetic3A_1553, %and3A_1556] : memref<64x128xi32, #tpu.memory_space<vmem>>[vector<16xi32>, vector<16xi32>], vector<16xi32>,
      %shift_right_arithmetic3A_1558 = arith.constant 7 : i32
      %shift_right_arithmetic3A_1559 = vector.broadcast %shift_right_arithmetic3A_1558 : i32 to vector<16xi32>
      %shift_right_arithmetic3A_1560 = arith.shrsi %add3A_1546, %shift_right_arithmetic3A_1559 : vector<16xi32>
      %and3A_1561 = arith.constant 127 : i32
      %and3A_1562 = vector.broadcast %and3A_1561 : i32 to vector<16xi32>
      %and3A_1563 = arith.andi %add3A_1546, %and3A_1562 : vector<16xi32>
      tpu.vector_store_idx %arg9[%shift_right_arithmetic3A_1560, %and3A_1563], %gather3A_1557 : memref<64x128xi32, #tpu.memory_space<vmem>>[vector<16xi32>, vector<16xi32>], vector<16xi32>,
      %add3A_1564 = arith.constant 32 : i32
      %add3A_1565 = arith.addi %mul3A_1524, %add3A_1564 : i32
      %add3A_1566 = vector.broadcast %add3A_1565 : i32 to vector<16xi32>
      %add3A_1567 = arith.addi %add3A_1566, %iota3A : vector<16xi32>
      %sub3A_1568 = arith.constant 1 : i32
      %sub3A_1569 = arith.subi %reduce_max3A_1488, %sub3A_1568 : i32
      %min3A_1570 = vector.broadcast %sub3A_1569 : i32 to vector<16xi32>
      %min3A_1571 = arith.minsi %add3A_1567, %min3A_1570 : vector<16xi32>
      %shift_right_arithmetic3A_1572 = arith.constant 7 : i32
      %shift_right_arithmetic3A_1573 = vector.broadcast %shift_right_arithmetic3A_1572 : i32 to vector<16xi32>
      %shift_right_arithmetic3A_1574 = arith.shrsi %min3A_1571, %shift_right_arithmetic3A_1573 : vector<16xi32>
      %and3A_1575 = arith.constant 127 : i32
      %and3A_1576 = vector.broadcast %and3A_1575 : i32 to vector<16xi32>
      %and3A_1577 = arith.andi %min3A_1571, %and3A_1576 : vector<16xi32>
      %gather3A_1578 = tpu.vector_load_idx %arg9[%shift_right_arithmetic3A_1574, %and3A_1577] : memref<64x128xi32, #tpu.memory_space<vmem>>[vector<16xi32>, vector<16xi32>], vector<16xi32>,
      %shift_right_arithmetic3A_1579 = arith.constant 7 : i32
      %shift_right_arithmetic3A_1580 = vector.broadcast %shift_right_arithmetic3A_1579 : i32 to vector<16xi32>
      %shift_right_arithmetic3A_1581 = arith.shrsi %add3A_1567, %shift_right_arithmetic3A_1580 : vector<16xi32>
      %and3A_1582 = arith.constant 127 : i32
      %and3A_1583 = vector.broadcast %and3A_1582 : i32 to vector<16xi32>
      %and3A_1584 = arith.andi %add3A_1567, %and3A_1583 : vector<16xi32>
      tpu.vector_store_idx %arg9[%shift_right_arithmetic3A_1581, %and3A_1584], %gather3A_1578 : memref<64x128xi32, #tpu.memory_space<vmem>>[vector<16xi32>, vector<16xi32>], vector<16xi32>,
      %add3A_1585 = arith.constant 48 : i32
      %add3A_1586 = arith.addi %mul3A_1524, %add3A_1585 : i32
      %add3A_1587 = vector.broadcast %add3A_1586 : i32 to vector<16xi32>
      %add3A_1588 = arith.addi %add3A_1587, %iota3A : vector<16xi32>
      %sub3A_1589 = arith.constant 1 : i32
      %sub3A_1590 = arith.subi %reduce_max3A_1488, %sub3A_1589 : i32
      %min3A_1591 = vector.broadcast %sub3A_1590 : i32 to vector<16xi32>
      %min3A_1592 = arith.minsi %add3A_1588, %min3A_1591 : vector<16xi32>
      %shift_right_arithmetic3A_1593 = arith.constant 7 : i32
      %shift_right_arithmetic3A_1594 = vector.broadcast %shift_right_arithmetic3A_1593 : i32 to vector<16xi32>
      %shift_right_arithmetic3A_1595 = arith.shrsi %min3A_1592, %shift_right_arithmetic3A_1594 : vector<16xi32>
      %and3A_1596 = arith.constant 127 : i32
      %and3A_1597 = vector.broadcast %and3A_1596 : i32 to vector<16xi32>
      %and3A_1598 = arith.andi %min3A_1592, %and3A_1597 : vector<16xi32>
      %gather3A_1599 = tpu.vector_load_idx %arg9[%shift_right_arithmetic3A_1595, %and3A_1598] : memref<64x128xi32, #tpu.memory_space<vmem>>[vector<16xi32>, vector<16xi32>], vector<16xi32>,
      %shift_right_arithmetic3A_1600 = arith.constant 7 : i32
      %shift_right_arithmetic3A_1601 = vector.broadcast %shift_right_arithmetic3A_1600 : i32 to vector<16xi32>
      %shift_right_arithmetic3A_1602 = arith.shrsi %add3A_1588, %shift_right_arithmetic3A_1601 : vector<16xi32>
      %and3A_1603 = arith.constant 127 : i32
      %and3A_1604 = vector.broadcast %and3A_1603 : i32 to vector<16xi32>
      %and3A_1605 = arith.andi %add3A_1588, %and3A_1604 : vector<16xi32>
      tpu.vector_store_idx %arg9[%shift_right_arithmetic3A_1602, %and3A_1605], %gather3A_1599 : memref<64x128xi32, #tpu.memory_space<vmem>>[vector<16xi32>, vector<16xi32>], vector<16xi32>,
      %add3A_1606 = arith.constant 64 : i32
      %add3A_1607 = arith.addi %mul3A_1524, %add3A_1606 : i32
      %add3A_1608 = vector.broadcast %add3A_1607 : i32 to vector<16xi32>
      %add3A_1609 = arith.addi %add3A_1608, %iota3A : vector<16xi32>
      %sub3A_1610 = arith.constant 1 : i32
      %sub3A_1611 = arith.subi %reduce_max3A_1488, %sub3A_1610 : i32
      %min3A_1612 = vector.broadcast %sub3A_1611 : i32 to vector<16xi32>
      %min3A_1613 = arith.minsi %add3A_1609, %min3A_1612 : vector<16xi32>
      %shift_right_arithmetic3A_1614 = arith.constant 7 : i32
      %shift_right_arithmetic3A_1615 = vector.broadcast %shift_right_arithmetic3A_1614 : i32 to vector<16xi32>
      %shift_right_arithmetic3A_1616 = arith.shrsi %min3A_1613, %shift_right_arithmetic3A_1615 : vector<16xi32>
      %and3A_1617 = arith.constant 127 : i32
      %and3A_1618 = vector.broadcast %and3A_1617 : i32 to vector<16xi32>
      %and3A_1619 = arith.andi %min3A_1613, %and3A_1618 : vector<16xi32>
      %gather3A_1620 = tpu.vector_load_idx %arg9[%shift_right_arithmetic3A_1616, %and3A_1619] : memref<64x128xi32, #tpu.memory_space<vmem>>[vector<16xi32>, vector<16xi32>], vector<16xi32>,
      %shift_right_arithmetic3A_1621 = arith.constant 7 : i32
      %shift_right_arithmetic3A_1622 = vector.broadcast %shift_right_arithmetic3A_1621 : i32 to vector<16xi32>
      %shift_right_arithmetic3A_1623 = arith.shrsi %add3A_1609, %shift_right_arithmetic3A_1622 : vector<16xi32>
      %and3A_1624 = arith.constant 127 : i32
      %and3A_1625 = vector.broadcast %and3A_1624 : i32 to vector<16xi32>
      %and3A_1626 = arith.andi %add3A_1609, %and3A_1625 : vector<16xi32>
      tpu.vector_store_idx %arg9[%shift_right_arithmetic3A_1623, %and3A_1626], %gather3A_1620 : memref<64x128xi32, #tpu.memory_space<vmem>>[vector<16xi32>, vector<16xi32>], vector<16xi32>,
      %add3A_1627 = arith.constant 80 : i32
      %add3A_1628 = arith.addi %mul3A_1524, %add3A_1627 : i32
      %add3A_1629 = vector.broadcast %add3A_1628 : i32 to vector<16xi32>
      %add3A_1630 = arith.addi %add3A_1629, %iota3A : vector<16xi32>
      %sub3A_1631 = arith.constant 1 : i32
      %sub3A_1632 = arith.subi %reduce_max3A_1488, %sub3A_1631 : i32
      %min3A_1633 = vector.broadcast %sub3A_1632 : i32 to vector<16xi32>
      %min3A_1634 = arith.minsi %add3A_1630, %min3A_1633 : vector<16xi32>
      %shift_right_arithmetic3A_1635 = arith.constant 7 : i32
      %shift_right_arithmetic3A_1636 = vector.broadcast %shift_right_arithmetic3A_1635 : i32 to vector<16xi32>
      %shift_right_arithmetic3A_1637 = arith.shrsi %min3A_1634, %shift_right_arithmetic3A_1636 : vector<16xi32>
      %and3A_1638 = arith.constant 127 : i32
      %and3A_1639 = vector.broadcast %and3A_1638 : i32 to vector<16xi32>
      %and3A_1640 = arith.andi %min3A_1634, %and3A_1639 : vector<16xi32>
      %gather3A_1641 = tpu.vector_load_idx %arg9[%shift_right_arithmetic3A_1637, %and3A_1640] : memref<64x128xi32, #tpu.memory_space<vmem>>[vector<16xi32>, vector<16xi32>], vector<16xi32>,
      %shift_right_arithmetic3A_1642 = arith.constant 7 : i32
      %shift_right_arithmetic3A_1643 = vector.broadcast %shift_right_arithmetic3A_1642 : i32 to vector<16xi32>
      %shift_right_arithmetic3A_1644 = arith.shrsi %add3A_1630, %shift_right_arithmetic3A_1643 : vector<16xi32>
      %and3A_1645 = arith.constant 127 : i32
      %and3A_1646 = vector.broadcast %and3A_1645 : i32 to vector<16xi32>
      %and3A_1647 = arith.andi %add3A_1630, %and3A_1646 : vector<16xi32>
      tpu.vector_store_idx %arg9[%shift_right_arithmetic3A_1644, %and3A_1647], %gather3A_1641 : memref<64x128xi32, #tpu.memory_space<vmem>>[vector<16xi32>, vector<16xi32>], vector<16xi32>,
      %add3A_1648 = arith.constant 96 : i32
      %add3A_1649 = arith.addi %mul3A_1524, %add3A_1648 : i32
      %add3A_1650 = vector.broadcast %add3A_1649 : i32 to vector<16xi32>
      %add3A_1651 = arith.addi %add3A_1650, %iota3A : vector<16xi32>
      %sub3A_1652 = arith.constant 1 : i32
      %sub3A_1653 = arith.subi %reduce_max3A_1488, %sub3A_1652 : i32
      %min3A_1654 = vector.broadcast %sub3A_1653 : i32 to vector<16xi32>
      %min3A_1655 = arith.minsi %add3A_1651, %min3A_1654 : vector<16xi32>
      %shift_right_arithmetic3A_1656 = arith.constant 7 : i32
      %shift_right_arithmetic3A_1657 = vector.broadcast %shift_right_arithmetic3A_1656 : i32 to vector<16xi32>
      %shift_right_arithmetic3A_1658 = arith.shrsi %min3A_1655, %shift_right_arithmetic3A_1657 : vector<16xi32>
      %and3A_1659 = arith.constant 127 : i32
      %and3A_1660 = vector.broadcast %and3A_1659 : i32 to vector<16xi32>
      %and3A_1661 = arith.andi %min3A_1655, %and3A_1660 : vector<16xi32>
      %gather3A_1662 = tpu.vector_load_idx %arg9[%shift_right_arithmetic3A_1658, %and3A_1661] : memref<64x128xi32, #tpu.memory_space<vmem>>[vector<16xi32>, vector<16xi32>], vector<16xi32>,
      %shift_right_arithmetic3A_1663 = arith.constant 7 : i32
      %shift_right_arithmetic3A_1664 = vector.broadcast %shift_right_arithmetic3A_1663 : i32 to vector<16xi32>
      %shift_right_arithmetic3A_1665 = arith.shrsi %add3A_1651, %shift_right_arithmetic3A_1664 : vector<16xi32>
      %and3A_1666 = arith.constant 127 : i32
      %and3A_1667 = vector.broadcast %and3A_1666 : i32 to vector<16xi32>
      %and3A_1668 = arith.andi %add3A_1651, %and3A_1667 : vector<16xi32>
      tpu.vector_store_idx %arg9[%shift_right_arithmetic3A_1665, %and3A_1668], %gather3A_1662 : memref<64x128xi32, #tpu.memory_space<vmem>>[vector<16xi32>, vector<16xi32>], vector<16xi32>,
      %add3A_1669 = arith.constant 112 : i32
      %add3A_1670 = arith.addi %mul3A_1524, %add3A_1669 : i32
      %add3A_1671 = vector.broadcast %add3A_1670 : i32 to vector<16xi32>
      %add3A_1672 = arith.addi %add3A_1671, %iota3A : vector<16xi32>
      %sub3A_1673 = arith.constant 1 : i32
      %sub3A_1674 = arith.subi %reduce_max3A_1488, %sub3A_1673 : i32
      %min3A_1675 = vector.broadcast %sub3A_1674 : i32 to vector<16xi32>
      %min3A_1676 = arith.minsi %add3A_1672, %min3A_1675 : vector<16xi32>
      %shift_right_arithmetic3A_1677 = arith.constant 7 : i32
      %shift_right_arithmetic3A_1678 = vector.broadcast %shift_right_arithmetic3A_1677 : i32 to vector<16xi32>
      %shift_right_arithmetic3A_1679 = arith.shrsi %min3A_1676, %shift_right_arithmetic3A_1678 : vector<16xi32>
      %and3A_1680 = arith.constant 127 : i32
      %and3A_1681 = vector.broadcast %and3A_1680 : i32 to vector<16xi32>
      %and3A_1682 = arith.andi %min3A_1676, %and3A_1681 : vector<16xi32>
      %gather3A_1683 = tpu.vector_load_idx %arg9[%shift_right_arithmetic3A_1679, %and3A_1682] : memref<64x128xi32, #tpu.memory_space<vmem>>[vector<16xi32>, vector<16xi32>], vector<16xi32>,
      %shift_right_arithmetic3A_1684 = arith.constant 7 : i32
      %shift_right_arithmetic3A_1685 = vector.broadcast %shift_right_arithmetic3A_1684 : i32 to vector<16xi32>
      %shift_right_arithmetic3A_1686 = arith.shrsi %add3A_1672, %shift_right_arithmetic3A_1685 : vector<16xi32>
      %and3A_1687 = arith.constant 127 : i32
      %and3A_1688 = vector.broadcast %and3A_1687 : i32 to vector<16xi32>
      %and3A_1689 = arith.andi %add3A_1672, %and3A_1688 : vector<16xi32>
      tpu.vector_store_idx %arg9[%shift_right_arithmetic3A_1686, %and3A_1689], %gather3A_1683 : memref<64x128xi32, #tpu.memory_space<vmem>>[vector<16xi32>, vector<16xi32>], vector<16xi32>,
      %while3A = arith.constant 0 : i32
      %while3A_1690 = arith.constant 0 : i32
      %while3A_1691 = arith.subi %select_n3A, %while3A : i32
      %while3A_1692 = arith.addi %while3A, %while3A_1691 : i32
      %while3A_1693 = arith.constant 1 : i32
      %while3A_1694 = arith.divsi %while3A_1691, %while3A_1693 : i32
      %while3A_1695 = arith.muli %while3A_1694, %while3A_1693 : i32
      %while3A_1696 = arith.addi %while3A, %while3A_1695 : i32
      %while3A_1697 = arith.constant 1 : i32
      %while3A_1698 = scf.for %while3A_1713 = %while3A to %while3A_1696 step %while3A_1697 iter_args(%while3A_1714 = %while3A_1690) -> (i32)  : i32 {
        %dma_start3A_1715 = arith.constant 0 : i32
        %dma_start3A_1716 = tpu.memref_slice %arg9[%while3A_1713, %dma_start3A_1715] : memref<64x128xi32, #tpu.memory_space<vmem>> -> memref<1x128xi32, #tpu.memory_space<vmem>>
        %dma_start3A_1717 = tpu.memref_squeeze %dma_start3A_1716 : memref<1x128xi32, #tpu.memory_space<vmem>> -> memref<128xi32, #tpu.memory_space<vmem>>
        %dma_start3A_1718 = arith.constant 0 : i32
        %dma_start3A_1719 = arith.constant 0 : i32
        %dma_start3A_1720 = tpu.memref_slice %arg2[%dma_start3A_1718, %dma_start3A_1719] : memref<262144x128xf32, #tpu.memory_space<hbm>> -> memref<262144x128xf32, #tpu.memory_space<hbm>>
        tpu.enqueue_indirect_dma source(%arg10 : memref<128x128xf32, #tpu.memory_space<vmem>>) target(%dma_start3A_1720 : memref<262144x128xf32, #tpu.memory_space<hbm>>) offsets(%dma_start3A_1717 : memref<128xi32, #tpu.memory_space<vmem>>) semaphore(%arg11 : memref<!tpu.dma_semaphore, #tpu.memory_space<semaphore_mem>>)
        %while3A_1721 = arith.constant 0 : i32
        scf.yield %while3A_1721 : i32
      }
      %while3A_1699 = arith.constant 1 : i32
      %while3A_1700 = scf.for %while3A_1713 = %while3A_1696 to %while3A_1692 step %while3A_1699 iter_args(%while3A_1714 = %while3A_1698) -> (i32)  : i32 {
        %dma_start3A_1715 = arith.constant 0 : i32
        %dma_start3A_1716 = tpu.memref_slice %arg9[%while3A_1713, %dma_start3A_1715] : memref<64x128xi32, #tpu.memory_space<vmem>> -> memref<1x128xi32, #tpu.memory_space<vmem>>
        %dma_start3A_1717 = tpu.memref_squeeze %dma_start3A_1716 : memref<1x128xi32, #tpu.memory_space<vmem>> -> memref<128xi32, #tpu.memory_space<vmem>>
        %dma_start3A_1718 = arith.constant 0 : i32
        %dma_start3A_1719 = arith.constant 0 : i32
        %dma_start3A_1720 = tpu.memref_slice %arg2[%dma_start3A_1718, %dma_start3A_1719] : memref<262144x128xf32, #tpu.memory_space<hbm>> -> memref<262144x128xf32, #tpu.memory_space<hbm>>
        tpu.enqueue_indirect_dma source(%arg10 : memref<128x128xf32, #tpu.memory_space<vmem>>) target(%dma_start3A_1720 : memref<262144x128xf32, #tpu.memory_space<hbm>>) offsets(%dma_start3A_1717 : memref<128xi32, #tpu.memory_space<vmem>>) semaphore(%arg11 : memref<!tpu.dma_semaphore, #tpu.memory_space<semaphore_mem>>)
        %while3A_1721 = arith.constant 0 : i32
        scf.yield %while3A_1721 : i32
      }
      %while3A_1701 = arith.constant 0 : i32
      %while3A_1702 = arith.constant 0 : i32
      %while3A_1703 = arith.subi %select_n3A, %while3A_1701 : i32
      %while3A_1704 = arith.addi %while3A_1701, %while3A_1703 : i32
      %while3A_1705 = arith.constant 1 : i32
      %while3A_1706 = arith.divsi %while3A_1703, %while3A_1705 : i32
      %while3A_1707 = arith.muli %while3A_1706, %while3A_1705 : i32
      %while3A_1708 = arith.addi %while3A_1701, %while3A_1707 : i32
      %while3A_1709 = arith.constant 1 : i32
      %while3A_1710 = scf.for %while3A_1713 = %while3A_1701 to %while3A_1708 step %while3A_1709 iter_args(%while3A_1714 = %while3A_1702) -> (i32)  : i32 {
        %dma_wait3A_1715 = arith.constant 0 : i32
        %dma_wait3A_1716 = arith.constant 0 : i32
        %dma_wait3A_1717 = tpu.memref_slice %arg9[%dma_wait3A_1715, %dma_wait3A_1716] : memref<64x128xi32, #tpu.memory_space<vmem>> -> memref<1x128xi32, #tpu.memory_space<vmem>>
        %dma_wait3A_1718 = tpu.memref_squeeze %dma_wait3A_1717 : memref<1x128xi32, #tpu.memory_space<vmem>> -> memref<128xi32, #tpu.memory_space<vmem>>
        %dma_wait3A_1719 = arith.constant 0 : i32
        %dma_wait3A_1720 = arith.constant 0 : i32
        %dma_wait3A_1721 = tpu.memref_slice %arg2[%dma_wait3A_1719, %dma_wait3A_1720] : memref<262144x128xf32, #tpu.memory_space<hbm>> -> memref<262144x128xf32, #tpu.memory_space<hbm>>
        tpu.wait_indirect_dma semaphore(%arg11 : memref<!tpu.dma_semaphore, #tpu.memory_space<semaphore_mem>>) src(%arg10 : memref<128x128xf32, #tpu.memory_space<vmem>>) dst(%dma_wait3A_1721 : memref<262144x128xf32, #tpu.memory_space<hbm>>)
        %while3A_1722 = arith.constant 0 : i32
        scf.yield %while3A_1722 : i32
      }
      %while3A_1711 = arith.constant 1 : i32
      %while3A_1712 = scf.for %while3A_1713 = %while3A_1708 to %while3A_1704 step %while3A_1711 iter_args(%while3A_1714 = %while3A_1710) -> (i32)  : i32 {
        %dma_wait3A_1715 = arith.constant 0 : i32
        %dma_wait3A_1716 = arith.constant 0 : i32
        %dma_wait3A_1717 = tpu.memref_slice %arg9[%dma_wait3A_1715, %dma_wait3A_1716] : memref<64x128xi32, #tpu.memory_space<vmem>> -> memref<1x128xi32, #tpu.memory_space<vmem>>
        %dma_wait3A_1718 = tpu.memref_squeeze %dma_wait3A_1717 : memref<1x128xi32, #tpu.memory_space<vmem>> -> memref<128xi32, #tpu.memory_space<vmem>>
        %dma_wait3A_1719 = arith.constant 0 : i32
        %dma_wait3A_1720 = arith.constant 0 : i32
        %dma_wait3A_1721 = tpu.memref_slice %arg2[%dma_wait3A_1719, %dma_wait3A_1720] : memref<262144x128xf32, #tpu.memory_space<hbm>> -> memref<262144x128xf32, #tpu.memory_space<hbm>>
        tpu.wait_indirect_dma semaphore(%arg11 : memref<!tpu.dma_semaphore, #tpu.memory_space<semaphore_mem>>) src(%arg10 : memref<128x128xf32, #tpu.memory_space<vmem>>) dst(%dma_wait3A_1721 : memref<262144x128xf32, #tpu.memory_space<hbm>>)
        %while3A_1722 = arith.constant 0 : i32
        scf.yield %while3A_1722 : i32
      }
    } else {
    }
    return
  }
}

#map = affine_map<(d0, d1) -> (0, 0)>
#map1 = affine_map<(d0, d1) -> (0, 0, 0)>
module attributes {stable_mosaic.version = 14 : i64} {
  func.func @_sc_main_body(%arg0: i32, %arg1: i32, %arg2: memref<262144x128xf32, #tpu.memory_space<hbm>>, %arg3: memref<262144x128xf32, #tpu.memory_space<hbm>>, %arg4: memref<32x64x128xi32, #tpu.memory_space<hbm>>, %arg5: memref<32x128xf32, #tpu.memory_space<hbm>>, %arg6: memref<32x16xi32, #tpu.memory_space<hbm>>, %arg7: memref<256x128xf32, #tpu.memory_space<vmem>>, %arg8: memref<256x128xf32, #tpu.memory_space<vmem>>, %arg9: memref<64x128xi32, #tpu.memory_space<vmem>>, %arg10: memref<128xf32, #tpu.memory_space<vmem>>, %arg11: memref<16xi32, #tpu.memory_space<vmem>>, %arg12: memref<!tpu.dma_semaphore, #tpu.memory_space<semaphore_mem>>, %arg13: memref<!tpu.dma_semaphore, #tpu.memory_space<semaphore_mem>>, %arg14: memref<!tpu.dma_semaphore, #tpu.memory_space<semaphore_mem>>, %arg15: memref<!tpu.dma_semaphore, #tpu.memory_space<semaphore_mem>>) attributes {dimension_semantics = [#tpu.dimension_semantics<core_parallel>, #tpu.dimension_semantics<subcore_parallel>], iteration_bounds = array<i64: 2, 16>, scalar_prefetch = 0 : i64, scratch_operands = 9 : i64, tpu.core_type = #tpu.core_type<sc_vector_subcore>, window_params = [{transform_indices = #map}, {transform_indices = #map}, {transform_indices = #map1}, {transform_indices = #map}, {transform_indices = #map}]} {
    %mul3A = arith.constant 2 : i32
    %mul3A_0 = arith.muli %arg1, %mul3A : i32
    %add3A = arith.addi %mul3A_0, %arg0 : i32
    %mul3A_1 = arith.constant 8192 : i32
    %mul3A_2 = arith.muli %add3A, %mul3A_1 : i32
    %iota3A = tpu.iota {dimensions = array<i32: 0>} : vector<16xi32>
    %broadcast_in_dim3A = arith.constant 0.000000e+00 : f32
    %broadcast_in_dim3A_3 = vector.broadcast %broadcast_in_dim3A : f32 to vector<16xf32>
    %broadcast_in_dim3A_4 = arith.constant 0 : i32
    %broadcast_in_dim3A_5 = vector.broadcast %broadcast_in_dim3A_4 : i32 to vector<16xi32>
    %broadcast_in_dim3A_6 = arith.constant 2147483647 : i32
    %broadcast_in_dim3A_7 = vector.broadcast %broadcast_in_dim3A_6 : i32 to vector<16xi32>
    %dma_start3A = arith.constant 0 : i32
    %dma_start3A_8 = tpu.memref_slice %arg2[%mul3A_2, %dma_start3A] : memref<262144x128xf32, #tpu.memory_space<hbm>> -> memref<256x128xf32, #tpu.memory_space<hbm>>
    %dma_start3A_9 = arith.constant 0 : i32
    %dma_start3A_10 = tpu.memref_slice %arg2[%mul3A_2, %dma_start3A_9] : memref<262144x128xf32, #tpu.memory_space<hbm>> -> memref<256x128xf32, #tpu.memory_space<hbm>>
    tpu.enqueue_dma source(%dma_start3A_10 : memref<256x128xf32, #tpu.memory_space<hbm>>) target(%arg7 : memref<256x128xf32, #tpu.memory_space<vmem>>) target_semaphore(%arg12 : memref<!tpu.dma_semaphore, #tpu.memory_space<semaphore_mem>>)
    %add3A_11 = arith.constant 256 : i32
    %add3A_12 = arith.addi %mul3A_2, %add3A_11 : i32
    %dma_start3A_13 = arith.constant 0 : i32
    %dma_start3A_14 = tpu.memref_slice %arg2[%add3A_12, %dma_start3A_13] : memref<262144x128xf32, #tpu.memory_space<hbm>> -> memref<256x128xf32, #tpu.memory_space<hbm>>
    %dma_start3A_15 = arith.constant 0 : i32
    %dma_start3A_16 = tpu.memref_slice %arg2[%add3A_12, %dma_start3A_15] : memref<262144x128xf32, #tpu.memory_space<hbm>> -> memref<256x128xf32, #tpu.memory_space<hbm>>
    tpu.enqueue_dma source(%dma_start3A_16 : memref<256x128xf32, #tpu.memory_space<hbm>>) target(%arg8 : memref<256x128xf32, #tpu.memory_space<vmem>>) target_semaphore(%arg13 : memref<!tpu.dma_semaphore, #tpu.memory_space<semaphore_mem>>)
    %scan3A = arith.constant 0 : i32
    %scan3A_17 = arith.constant 16 : i32
    %scan3A_18 = arith.addi %scan3A, %scan3A_17 : i32
    %scan3A_19 = arith.constant 1 : i32
    %scan3A_20:9 = scf.for %scan3A_39 = %scan3A to %scan3A_18 step %scan3A_19 iter_args(%scan3A_40 = %broadcast_in_dim3A_3, %scan3A_41 = %broadcast_in_dim3A_3, %scan3A_42 = %broadcast_in_dim3A_3, %scan3A_43 = %broadcast_in_dim3A_3, %scan3A_44 = %broadcast_in_dim3A_3, %scan3A_45 = %broadcast_in_dim3A_3, %scan3A_46 = %broadcast_in_dim3A_3, %scan3A_47 = %broadcast_in_dim3A_3, %scan3A_48 = %broadcast_in_dim3A_5) -> (vector<16xf32>, vector<16xf32>, vector<16xf32>, vector<16xf32>, vector<16xf32>, vector<16xf32>, vector<16xf32>, vector<16xf32>, vector<16xi32>)  : i32 {
      %mul3A_49 = arith.constant 2 : i32
      %mul3A_50 = arith.muli %mul3A_49, %scan3A_39 : i32
      %add3A_51 = arith.constant 0 : i32
      %add3A_52 = arith.addi %mul3A_50, %add3A_51 : i32
      %mul3A_53 = arith.constant 256 : i32
      %mul3A_54 = arith.muli %add3A_52, %mul3A_53 : i32
      %add3A_55 = arith.addi %mul3A_2, %mul3A_54 : i32
      %mul3A_56 = arith.constant 256 : i32
      %mul3A_57 = arith.muli %add3A_52, %mul3A_56 : i32
      %add3A_58 = arith.addi %mul3A_2, %mul3A_57 : i32
      %dma_wait3A = arith.constant 0 : i32
      %dma_wait3A_59 = tpu.memref_slice %arg2[%add3A_55, %dma_wait3A] : memref<262144x128xf32, #tpu.memory_space<hbm>> -> memref<256x128xf32, #tpu.memory_space<hbm>>
      %dma_wait3A_60 = arith.constant 0 : i32
      %dma_wait3A_61 = tpu.memref_slice %arg2[%add3A_55, %dma_wait3A_60] : memref<262144x128xf32, #tpu.memory_space<hbm>> -> memref<256x128xf32, #tpu.memory_space<hbm>>
      tpu.wait_dma2 semaphore(%arg12 : memref<!tpu.dma_semaphore, #tpu.memory_space<semaphore_mem>>) src(%dma_wait3A_61 : memref<256x128xf32, #tpu.memory_space<hbm>>) dst(%arg7 : memref<256x128xf32, #tpu.memory_space<vmem>>)
      %dma_start3A_62 = arith.constant 0 : i32
      %dma_start3A_63 = tpu.memref_slice %arg3[%add3A_58, %dma_start3A_62] : memref<262144x128xf32, #tpu.memory_space<hbm>> -> memref<256x128xf32, #tpu.memory_space<hbm>>
      %dma_start3A_64 = arith.constant 0 : i32
      %dma_start3A_65 = tpu.memref_slice %arg3[%add3A_58, %dma_start3A_64] : memref<262144x128xf32, #tpu.memory_space<hbm>> -> memref<256x128xf32, #tpu.memory_space<hbm>>
      tpu.enqueue_dma source(%arg7 : memref<256x128xf32, #tpu.memory_space<vmem>>) target(%dma_start3A_65 : memref<256x128xf32, #tpu.memory_space<hbm>>) target_semaphore(%arg14 : memref<!tpu.dma_semaphore, #tpu.memory_space<semaphore_mem>>)
      %mul3A_66 = arith.constant 256 : i32
      %mul3A_67 = arith.muli %add3A_52, %mul3A_66 : i32
      %scan3A_68 = arith.constant 0 : i32
      %scan3A_69 = arith.constant 64 : i32
      %scan3A_70 = arith.addi %scan3A_68, %scan3A_69 : i32
      %scan3A_71 = arith.constant 1 : i32
      %scan3A_72:9 = scf.for %scan3A_119 = %scan3A_68 to %scan3A_70 step %scan3A_71 iter_args(%scan3A_120 = %scan3A_40, %scan3A_121 = %scan3A_41, %scan3A_122 = %scan3A_42, %scan3A_123 = %scan3A_43, %scan3A_124 = %scan3A_44, %scan3A_125 = %scan3A_45, %scan3A_126 = %scan3A_46, %scan3A_127 = %scan3A_47, %scan3A_128 = %scan3A_48) -> (vector<16xf32>, vector<16xf32>, vector<16xf32>, vector<16xf32>, vector<16xf32>, vector<16xf32>, vector<16xf32>, vector<16xf32>, vector<16xi32>)  : i32 {
        %mul3A_129 = arith.constant 4 : i32
        %mul3A_130 = arith.muli %scan3A_119, %mul3A_129 : i32
        %add3A_131 = arith.constant 0 : i32
        %add3A_132 = arith.addi %mul3A_130, %add3A_131 : i32
        %get3A = arith.index_cast %add3A_132 : i32 to index
        %get3A_133 = arith.constant 0 : index
        %get3A_134 = tpu.vector_load %arg7[%get3A, %get3A_133] {strides = array<i32>} : memref<256x128xf32, #tpu.memory_space<vmem>>, vector<16xf32>,
        %get3A_135 = arith.index_cast %add3A_132 : i32 to index
        %get3A_136 = arith.constant 16 : index
        %get3A_137 = tpu.vector_load %arg7[%get3A_135, %get3A_136] {strides = array<i32>} : memref<256x128xf32, #tpu.memory_space<vmem>>, vector<16xf32>,
        %get3A_138 = arith.index_cast %add3A_132 : i32 to index
        %get3A_139 = arith.constant 32 : index
        %get3A_140 = tpu.vector_load %arg7[%get3A_138, %get3A_139] {strides = array<i32>} : memref<256x128xf32, #tpu.memory_space<vmem>>, vector<16xf32>,
        %get3A_141 = arith.index_cast %add3A_132 : i32 to index
        %get3A_142 = arith.constant 48 : index
        %get3A_143 = tpu.vector_load %arg7[%get3A_141, %get3A_142] {strides = array<i32>} : memref<256x128xf32, #tpu.memory_space<vmem>>, vector<16xf32>,
        %get3A_144 = arith.index_cast %add3A_132 : i32 to index
        %get3A_145 = arith.constant 64 : index
        %get3A_146 = tpu.vector_load %arg7[%get3A_144, %get3A_145] {strides = array<i32>} : memref<256x128xf32, #tpu.memory_space<vmem>>, vector<16xf32>,
        %get3A_147 = arith.index_cast %add3A_132 : i32 to index
        %get3A_148 = arith.constant 80 : index
        %get3A_149 = tpu.vector_load %arg7[%get3A_147, %get3A_148] {strides = array<i32>} : memref<256x128xf32, #tpu.memory_space<vmem>>, vector<16xf32>,
        %get3A_150 = arith.index_cast %add3A_132 : i32 to index
        %get3A_151 = arith.constant 96 : index
        %get3A_152 = tpu.vector_load %arg7[%get3A_150, %get3A_151] {strides = array<i32>} : memref<256x128xf32, #tpu.memory_space<vmem>>, vector<16xf32>,
        %get3A_153 = arith.index_cast %add3A_132 : i32 to index
        %get3A_154 = arith.constant 112 : index
        %get3A_155 = tpu.vector_load %arg7[%get3A_153, %get3A_154] {strides = array<i32>} : memref<256x128xf32, #tpu.memory_space<vmem>>, vector<16xf32>,
        %bitcast_convert_type3A = tpu.bitcast %get3A_134 : vector<16xf32> -> vector<16xi32>
        %bitcast_convert_type3A_156 = tpu.bitcast %get3A_137 : vector<16xf32> -> vector<16xi32>
        %bitcast_convert_type3A_157 = tpu.bitcast %get3A_140 : vector<16xf32> -> vector<16xi32>
        %bitcast_convert_type3A_158 = tpu.bitcast %get3A_143 : vector<16xf32> -> vector<16xi32>
        %bitcast_convert_type3A_159 = tpu.bitcast %get3A_146 : vector<16xf32> -> vector<16xi32>
        %bitcast_convert_type3A_160 = tpu.bitcast %get3A_149 : vector<16xf32> -> vector<16xi32>
        %bitcast_convert_type3A_161 = tpu.bitcast %get3A_152 : vector<16xf32> -> vector<16xi32>
        %bitcast_convert_type3A_162 = tpu.bitcast %get3A_155 : vector<16xf32> -> vector<16xi32>
        %or3A = arith.ori %bitcast_convert_type3A, %bitcast_convert_type3A_156 : vector<16xi32>
        %or3A_163 = arith.ori %bitcast_convert_type3A_157, %bitcast_convert_type3A_158 : vector<16xi32>
        %or3A_164 = arith.ori %or3A, %or3A_163 : vector<16xi32>
        %or3A_165 = arith.ori %bitcast_convert_type3A_159, %bitcast_convert_type3A_160 : vector<16xi32>
        %or3A_166 = arith.ori %bitcast_convert_type3A_161, %bitcast_convert_type3A_162 : vector<16xi32>
        %or3A_167 = arith.ori %or3A_165, %or3A_166 : vector<16xi32>
        %or3A_168 = arith.ori %or3A_164, %or3A_167 : vector<16xi32>
        %and3A = arith.andi %or3A_168, %broadcast_in_dim3A_7 : vector<16xi32>
        %ne3A = arith.constant 0 : i32
        %ne3A_169 = vector.broadcast %ne3A : i32 to vector<16xi32>
        %ne3A_170 = arith.cmpi ne, %and3A, %ne3A_169 : vector<16xi32>
        %all_reduce_population_count3A = tpu.all_reduce %ne3A_170 {dim = 0 : i64, kind = #tpu.reduction_kind<sum>} : vector<16xi1> -> vector<16xi32>
        %eq3A = arith.constant 0 : i32
        %eq3A_171 = vector.broadcast %eq3A : i32 to vector<16xi32>
        %eq3A_172 = arith.cmpi eq, %all_reduce_population_count3A, %eq3A_171 : vector<16xi32>
        %add3A_173 = arith.addi %mul3A_2, %mul3A_67 : i32
        %add3A_174 = arith.addi %add3A_173, %add3A_132 : i32
        %broadcast_in_dim3A_175 = vector.broadcast %add3A_174 : i32 to vector<16xi32>
        %eq3A_176 = arith.constant 0 : i32
        %eq3A_177 = vector.broadcast %eq3A_176 : i32 to vector<16xi32>
        %eq3A_178 = arith.cmpi eq, %iota3A, %eq3A_177 : vector<16xi32>
        %and3A_179 = arith.andi %eq3A_172, %eq3A_178 : vector<16xi1>
        %shift_right_arithmetic3A = arith.constant 7 : i32
        %shift_right_arithmetic3A_180 = vector.broadcast %shift_right_arithmetic3A : i32 to vector<16xi32>
        %shift_right_arithmetic3A_181 = arith.shrsi %scan3A_128, %shift_right_arithmetic3A_180 : vector<16xi32>
        %and3A_182 = arith.constant 127 : i32
        %and3A_183 = vector.broadcast %and3A_182 : i32 to vector<16xi32>
        %and3A_184 = arith.andi %scan3A_128, %and3A_183 : vector<16xi32>
        tpu.vector_store_idx %arg9[%shift_right_arithmetic3A_181, %and3A_184], %broadcast_in_dim3A_175 masked %and3A_179 : memref<64x128xi32, #tpu.memory_space<vmem>>[vector<16xi32>, vector<16xi32>], vector<16xi32>, vector<16xi1>
        %jit3A = arith.constant 1 : i32
        %jit3A_185 = arith.constant 0 : i32
        %broadcast_in_dim3A_186 = vector.broadcast %jit3A : i32 to vector<16xi32>
        %broadcast_in_dim3A_187 = vector.broadcast %jit3A_185 : i32 to vector<16xi32>
        %select_n3A = arith.select %eq3A_172, %broadcast_in_dim3A_186, %broadcast_in_dim3A_187 : vector<16xi1>, vector<16xi32>
        %add3A_188 = arith.addi %scan3A_128, %select_n3A : vector<16xi32>
        %add3A_189 = arith.addf %scan3A_120, %get3A_134 : vector<16xf32>
        %add3A_190 = arith.addf %scan3A_121, %get3A_137 : vector<16xf32>
        %add3A_191 = arith.addf %scan3A_122, %get3A_140 : vector<16xf32>
        %add3A_192 = arith.addf %scan3A_123, %get3A_143 : vector<16xf32>
        %add3A_193 = arith.addf %scan3A_124, %get3A_146 : vector<16xf32>
        %add3A_194 = arith.addf %scan3A_125, %get3A_149 : vector<16xf32>
        %add3A_195 = arith.addf %scan3A_126, %get3A_152 : vector<16xf32>
        %add3A_196 = arith.addf %scan3A_127, %get3A_155 : vector<16xf32>
        %mul3A_197 = arith.constant 4 : i32
        %mul3A_198 = arith.muli %scan3A_119, %mul3A_197 : i32
        %add3A_199 = arith.constant 1 : i32
        %add3A_200 = arith.addi %mul3A_198, %add3A_199 : i32
        %get3A_201 = arith.index_cast %add3A_200 : i32 to index
        %get3A_202 = arith.constant 0 : index
        %get3A_203 = tpu.vector_load %arg7[%get3A_201, %get3A_202] {strides = array<i32>} : memref<256x128xf32, #tpu.memory_space<vmem>>, vector<16xf32>,
        %get3A_204 = arith.index_cast %add3A_200 : i32 to index
        %get3A_205 = arith.constant 16 : index
        %get3A_206 = tpu.vector_load %arg7[%get3A_204, %get3A_205] {strides = array<i32>} : memref<256x128xf32, #tpu.memory_space<vmem>>, vector<16xf32>,
        %get3A_207 = arith.index_cast %add3A_200 : i32 to index
        %get3A_208 = arith.constant 32 : index
        %get3A_209 = tpu.vector_load %arg7[%get3A_207, %get3A_208] {strides = array<i32>} : memref<256x128xf32, #tpu.memory_space<vmem>>, vector<16xf32>,
        %get3A_210 = arith.index_cast %add3A_200 : i32 to index
        %get3A_211 = arith.constant 48 : index
        %get3A_212 = tpu.vector_load %arg7[%get3A_210, %get3A_211] {strides = array<i32>} : memref<256x128xf32, #tpu.memory_space<vmem>>, vector<16xf32>,
        %get3A_213 = arith.index_cast %add3A_200 : i32 to index
        %get3A_214 = arith.constant 64 : index
        %get3A_215 = tpu.vector_load %arg7[%get3A_213, %get3A_214] {strides = array<i32>} : memref<256x128xf32, #tpu.memory_space<vmem>>, vector<16xf32>,
        %get3A_216 = arith.index_cast %add3A_200 : i32 to index
        %get3A_217 = arith.constant 80 : index
        %get3A_218 = tpu.vector_load %arg7[%get3A_216, %get3A_217] {strides = array<i32>} : memref<256x128xf32, #tpu.memory_space<vmem>>, vector<16xf32>,
        %get3A_219 = arith.index_cast %add3A_200 : i32 to index
        %get3A_220 = arith.constant 96 : index
        %get3A_221 = tpu.vector_load %arg7[%get3A_219, %get3A_220] {strides = array<i32>} : memref<256x128xf32, #tpu.memory_space<vmem>>, vector<16xf32>,
        %get3A_222 = arith.index_cast %add3A_200 : i32 to index
        %get3A_223 = arith.constant 112 : index
        %get3A_224 = tpu.vector_load %arg7[%get3A_222, %get3A_223] {strides = array<i32>} : memref<256x128xf32, #tpu.memory_space<vmem>>, vector<16xf32>,
        %bitcast_convert_type3A_225 = tpu.bitcast %get3A_203 : vector<16xf32> -> vector<16xi32>
        %bitcast_convert_type3A_226 = tpu.bitcast %get3A_206 : vector<16xf32> -> vector<16xi32>
        %bitcast_convert_type3A_227 = tpu.bitcast %get3A_209 : vector<16xf32> -> vector<16xi32>
        %bitcast_convert_type3A_228 = tpu.bitcast %get3A_212 : vector<16xf32> -> vector<16xi32>
        %bitcast_convert_type3A_229 = tpu.bitcast %get3A_215 : vector<16xf32> -> vector<16xi32>
        %bitcast_convert_type3A_230 = tpu.bitcast %get3A_218 : vector<16xf32> -> vector<16xi32>
        %bitcast_convert_type3A_231 = tpu.bitcast %get3A_221 : vector<16xf32> -> vector<16xi32>
        %bitcast_convert_type3A_232 = tpu.bitcast %get3A_224 : vector<16xf32> -> vector<16xi32>
        %or3A_233 = arith.ori %bitcast_convert_type3A_225, %bitcast_convert_type3A_226 : vector<16xi32>
        %or3A_234 = arith.ori %bitcast_convert_type3A_227, %bitcast_convert_type3A_228 : vector<16xi32>
        %or3A_235 = arith.ori %or3A_233, %or3A_234 : vector<16xi32>
        %or3A_236 = arith.ori %bitcast_convert_type3A_229, %bitcast_convert_type3A_230 : vector<16xi32>
        %or3A_237 = arith.ori %bitcast_convert_type3A_231, %bitcast_convert_type3A_232 : vector<16xi32>
        %or3A_238 = arith.ori %or3A_236, %or3A_237 : vector<16xi32>
        %or3A_239 = arith.ori %or3A_235, %or3A_238 : vector<16xi32>
        %and3A_240 = arith.andi %or3A_239, %broadcast_in_dim3A_7 : vector<16xi32>
        %ne3A_241 = arith.constant 0 : i32
        %ne3A_242 = vector.broadcast %ne3A_241 : i32 to vector<16xi32>
        %ne3A_243 = arith.cmpi ne, %and3A_240, %ne3A_242 : vector<16xi32>
        %all_reduce_population_count3A_244 = tpu.all_reduce %ne3A_243 {dim = 0 : i64, kind = #tpu.reduction_kind<sum>} : vector<16xi1> -> vector<16xi32>
        %eq3A_245 = arith.constant 0 : i32
        %eq3A_246 = vector.broadcast %eq3A_245 : i32 to vector<16xi32>
        %eq3A_247 = arith.cmpi eq, %all_reduce_population_count3A_244, %eq3A_246 : vector<16xi32>
        %add3A_248 = arith.addi %mul3A_2, %mul3A_67 : i32
        %add3A_249 = arith.addi %add3A_248, %add3A_200 : i32
        %broadcast_in_dim3A_250 = vector.broadcast %add3A_249 : i32 to vector<16xi32>
        %eq3A_251 = arith.constant 0 : i32
        %eq3A_252 = vector.broadcast %eq3A_251 : i32 to vector<16xi32>
        %eq3A_253 = arith.cmpi eq, %iota3A, %eq3A_252 : vector<16xi32>
        %and3A_254 = arith.andi %eq3A_247, %eq3A_253 : vector<16xi1>
        %shift_right_arithmetic3A_255 = arith.constant 7 : i32
        %shift_right_arithmetic3A_256 = vector.broadcast %shift_right_arithmetic3A_255 : i32 to vector<16xi32>
        %shift_right_arithmetic3A_257 = arith.shrsi %add3A_188, %shift_right_arithmetic3A_256 : vector<16xi32>
        %and3A_258 = arith.constant 127 : i32
        %and3A_259 = vector.broadcast %and3A_258 : i32 to vector<16xi32>
        %and3A_260 = arith.andi %add3A_188, %and3A_259 : vector<16xi32>
        tpu.vector_store_idx %arg9[%shift_right_arithmetic3A_257, %and3A_260], %broadcast_in_dim3A_250 masked %and3A_254 : memref<64x128xi32, #tpu.memory_space<vmem>>[vector<16xi32>, vector<16xi32>], vector<16xi32>, vector<16xi1>
        %jit3A_261 = arith.constant 1 : i32
        %jit3A_262 = arith.constant 0 : i32
        %broadcast_in_dim3A_263 = vector.broadcast %jit3A_261 : i32 to vector<16xi32>
        %broadcast_in_dim3A_264 = vector.broadcast %jit3A_262 : i32 to vector<16xi32>
        %select_n3A_265 = arith.select %eq3A_247, %broadcast_in_dim3A_263, %broadcast_in_dim3A_264 : vector<16xi1>, vector<16xi32>
        %add3A_266 = arith.addi %add3A_188, %select_n3A_265 : vector<16xi32>
        %add3A_267 = arith.addf %add3A_189, %get3A_203 : vector<16xf32>
        %add3A_268 = arith.addf %add3A_190, %get3A_206 : vector<16xf32>
        %add3A_269 = arith.addf %add3A_191, %get3A_209 : vector<16xf32>
        %add3A_270 = arith.addf %add3A_192, %get3A_212 : vector<16xf32>
        %add3A_271 = arith.addf %add3A_193, %get3A_215 : vector<16xf32>
        %add3A_272 = arith.addf %add3A_194, %get3A_218 : vector<16xf32>
        %add3A_273 = arith.addf %add3A_195, %get3A_221 : vector<16xf32>
        %add3A_274 = arith.addf %add3A_196, %get3A_224 : vector<16xf32>
        %mul3A_275 = arith.constant 4 : i32
        %mul3A_276 = arith.muli %scan3A_119, %mul3A_275 : i32
        %add3A_277 = arith.constant 2 : i32
        %add3A_278 = arith.addi %mul3A_276, %add3A_277 : i32
        %get3A_279 = arith.index_cast %add3A_278 : i32 to index
        %get3A_280 = arith.constant 0 : index
        %get3A_281 = tpu.vector_load %arg7[%get3A_279, %get3A_280] {strides = array<i32>} : memref<256x128xf32, #tpu.memory_space<vmem>>, vector<16xf32>,
        %get3A_282 = arith.index_cast %add3A_278 : i32 to index
        %get3A_283 = arith.constant 16 : index
        %get3A_284 = tpu.vector_load %arg7[%get3A_282, %get3A_283] {strides = array<i32>} : memref<256x128xf32, #tpu.memory_space<vmem>>, vector<16xf32>,
        %get3A_285 = arith.index_cast %add3A_278 : i32 to index
        %get3A_286 = arith.constant 32 : index
        %get3A_287 = tpu.vector_load %arg7[%get3A_285, %get3A_286] {strides = array<i32>} : memref<256x128xf32, #tpu.memory_space<vmem>>, vector<16xf32>,
        %get3A_288 = arith.index_cast %add3A_278 : i32 to index
        %get3A_289 = arith.constant 48 : index
        %get3A_290 = tpu.vector_load %arg7[%get3A_288, %get3A_289] {strides = array<i32>} : memref<256x128xf32, #tpu.memory_space<vmem>>, vector<16xf32>,
        %get3A_291 = arith.index_cast %add3A_278 : i32 to index
        %get3A_292 = arith.constant 64 : index
        %get3A_293 = tpu.vector_load %arg7[%get3A_291, %get3A_292] {strides = array<i32>} : memref<256x128xf32, #tpu.memory_space<vmem>>, vector<16xf32>,
        %get3A_294 = arith.index_cast %add3A_278 : i32 to index
        %get3A_295 = arith.constant 80 : index
        %get3A_296 = tpu.vector_load %arg7[%get3A_294, %get3A_295] {strides = array<i32>} : memref<256x128xf32, #tpu.memory_space<vmem>>, vector<16xf32>,
        %get3A_297 = arith.index_cast %add3A_278 : i32 to index
        %get3A_298 = arith.constant 96 : index
        %get3A_299 = tpu.vector_load %arg7[%get3A_297, %get3A_298] {strides = array<i32>} : memref<256x128xf32, #tpu.memory_space<vmem>>, vector<16xf32>,
        %get3A_300 = arith.index_cast %add3A_278 : i32 to index
        %get3A_301 = arith.constant 112 : index
        %get3A_302 = tpu.vector_load %arg7[%get3A_300, %get3A_301] {strides = array<i32>} : memref<256x128xf32, #tpu.memory_space<vmem>>, vector<16xf32>,
        %bitcast_convert_type3A_303 = tpu.bitcast %get3A_281 : vector<16xf32> -> vector<16xi32>
        %bitcast_convert_type3A_304 = tpu.bitcast %get3A_284 : vector<16xf32> -> vector<16xi32>
        %bitcast_convert_type3A_305 = tpu.bitcast %get3A_287 : vector<16xf32> -> vector<16xi32>
        %bitcast_convert_type3A_306 = tpu.bitcast %get3A_290 : vector<16xf32> -> vector<16xi32>
        %bitcast_convert_type3A_307 = tpu.bitcast %get3A_293 : vector<16xf32> -> vector<16xi32>
        %bitcast_convert_type3A_308 = tpu.bitcast %get3A_296 : vector<16xf32> -> vector<16xi32>
        %bitcast_convert_type3A_309 = tpu.bitcast %get3A_299 : vector<16xf32> -> vector<16xi32>
        %bitcast_convert_type3A_310 = tpu.bitcast %get3A_302 : vector<16xf32> -> vector<16xi32>
        %or3A_311 = arith.ori %bitcast_convert_type3A_303, %bitcast_convert_type3A_304 : vector<16xi32>
        %or3A_312 = arith.ori %bitcast_convert_type3A_305, %bitcast_convert_type3A_306 : vector<16xi32>
        %or3A_313 = arith.ori %or3A_311, %or3A_312 : vector<16xi32>
        %or3A_314 = arith.ori %bitcast_convert_type3A_307, %bitcast_convert_type3A_308 : vector<16xi32>
        %or3A_315 = arith.ori %bitcast_convert_type3A_309, %bitcast_convert_type3A_310 : vector<16xi32>
        %or3A_316 = arith.ori %or3A_314, %or3A_315 : vector<16xi32>
        %or3A_317 = arith.ori %or3A_313, %or3A_316 : vector<16xi32>
        %and3A_318 = arith.andi %or3A_317, %broadcast_in_dim3A_7 : vector<16xi32>
        %ne3A_319 = arith.constant 0 : i32
        %ne3A_320 = vector.broadcast %ne3A_319 : i32 to vector<16xi32>
        %ne3A_321 = arith.cmpi ne, %and3A_318, %ne3A_320 : vector<16xi32>
        %all_reduce_population_count3A_322 = tpu.all_reduce %ne3A_321 {dim = 0 : i64, kind = #tpu.reduction_kind<sum>} : vector<16xi1> -> vector<16xi32>
        %eq3A_323 = arith.constant 0 : i32
        %eq3A_324 = vector.broadcast %eq3A_323 : i32 to vector<16xi32>
        %eq3A_325 = arith.cmpi eq, %all_reduce_population_count3A_322, %eq3A_324 : vector<16xi32>
        %add3A_326 = arith.addi %mul3A_2, %mul3A_67 : i32
        %add3A_327 = arith.addi %add3A_326, %add3A_278 : i32
        %broadcast_in_dim3A_328 = vector.broadcast %add3A_327 : i32 to vector<16xi32>
        %eq3A_329 = arith.constant 0 : i32
        %eq3A_330 = vector.broadcast %eq3A_329 : i32 to vector<16xi32>
        %eq3A_331 = arith.cmpi eq, %iota3A, %eq3A_330 : vector<16xi32>
        %and3A_332 = arith.andi %eq3A_325, %eq3A_331 : vector<16xi1>
        %shift_right_arithmetic3A_333 = arith.constant 7 : i32
        %shift_right_arithmetic3A_334 = vector.broadcast %shift_right_arithmetic3A_333 : i32 to vector<16xi32>
        %shift_right_arithmetic3A_335 = arith.shrsi %add3A_266, %shift_right_arithmetic3A_334 : vector<16xi32>
        %and3A_336 = arith.constant 127 : i32
        %and3A_337 = vector.broadcast %and3A_336 : i32 to vector<16xi32>
        %and3A_338 = arith.andi %add3A_266, %and3A_337 : vector<16xi32>
        tpu.vector_store_idx %arg9[%shift_right_arithmetic3A_335, %and3A_338], %broadcast_in_dim3A_328 masked %and3A_332 : memref<64x128xi32, #tpu.memory_space<vmem>>[vector<16xi32>, vector<16xi32>], vector<16xi32>, vector<16xi1>
        %jit3A_339 = arith.constant 1 : i32
        %jit3A_340 = arith.constant 0 : i32
        %broadcast_in_dim3A_341 = vector.broadcast %jit3A_339 : i32 to vector<16xi32>
        %broadcast_in_dim3A_342 = vector.broadcast %jit3A_340 : i32 to vector<16xi32>
        %select_n3A_343 = arith.select %eq3A_325, %broadcast_in_dim3A_341, %broadcast_in_dim3A_342 : vector<16xi1>, vector<16xi32>
        %add3A_344 = arith.addi %add3A_266, %select_n3A_343 : vector<16xi32>
        %add3A_345 = arith.addf %add3A_267, %get3A_281 : vector<16xf32>
        %add3A_346 = arith.addf %add3A_268, %get3A_284 : vector<16xf32>
        %add3A_347 = arith.addf %add3A_269, %get3A_287 : vector<16xf32>
        %add3A_348 = arith.addf %add3A_270, %get3A_290 : vector<16xf32>
        %add3A_349 = arith.addf %add3A_271, %get3A_293 : vector<16xf32>
        %add3A_350 = arith.addf %add3A_272, %get3A_296 : vector<16xf32>
        %add3A_351 = arith.addf %add3A_273, %get3A_299 : vector<16xf32>
        %add3A_352 = arith.addf %add3A_274, %get3A_302 : vector<16xf32>
        %mul3A_353 = arith.constant 4 : i32
        %mul3A_354 = arith.muli %scan3A_119, %mul3A_353 : i32
        %add3A_355 = arith.constant 3 : i32
        %add3A_356 = arith.addi %mul3A_354, %add3A_355 : i32
        %get3A_357 = arith.index_cast %add3A_356 : i32 to index
        %get3A_358 = arith.constant 0 : index
        %get3A_359 = tpu.vector_load %arg7[%get3A_357, %get3A_358] {strides = array<i32>} : memref<256x128xf32, #tpu.memory_space<vmem>>, vector<16xf32>,
        %get3A_360 = arith.index_cast %add3A_356 : i32 to index
        %get3A_361 = arith.constant 16 : index
        %get3A_362 = tpu.vector_load %arg7[%get3A_360, %get3A_361] {strides = array<i32>} : memref<256x128xf32, #tpu.memory_space<vmem>>, vector<16xf32>,
        %get3A_363 = arith.index_cast %add3A_356 : i32 to index
        %get3A_364 = arith.constant 32 : index
        %get3A_365 = tpu.vector_load %arg7[%get3A_363, %get3A_364] {strides = array<i32>} : memref<256x128xf32, #tpu.memory_space<vmem>>, vector<16xf32>,
        %get3A_366 = arith.index_cast %add3A_356 : i32 to index
        %get3A_367 = arith.constant 48 : index
        %get3A_368 = tpu.vector_load %arg7[%get3A_366, %get3A_367] {strides = array<i32>} : memref<256x128xf32, #tpu.memory_space<vmem>>, vector<16xf32>,
        %get3A_369 = arith.index_cast %add3A_356 : i32 to index
        %get3A_370 = arith.constant 64 : index
        %get3A_371 = tpu.vector_load %arg7[%get3A_369, %get3A_370] {strides = array<i32>} : memref<256x128xf32, #tpu.memory_space<vmem>>, vector<16xf32>,
        %get3A_372 = arith.index_cast %add3A_356 : i32 to index
        %get3A_373 = arith.constant 80 : index
        %get3A_374 = tpu.vector_load %arg7[%get3A_372, %get3A_373] {strides = array<i32>} : memref<256x128xf32, #tpu.memory_space<vmem>>, vector<16xf32>,
        %get3A_375 = arith.index_cast %add3A_356 : i32 to index
        %get3A_376 = arith.constant 96 : index
        %get3A_377 = tpu.vector_load %arg7[%get3A_375, %get3A_376] {strides = array<i32>} : memref<256x128xf32, #tpu.memory_space<vmem>>, vector<16xf32>,
        %get3A_378 = arith.index_cast %add3A_356 : i32 to index
        %get3A_379 = arith.constant 112 : index
        %get3A_380 = tpu.vector_load %arg7[%get3A_378, %get3A_379] {strides = array<i32>} : memref<256x128xf32, #tpu.memory_space<vmem>>, vector<16xf32>,
        %bitcast_convert_type3A_381 = tpu.bitcast %get3A_359 : vector<16xf32> -> vector<16xi32>
        %bitcast_convert_type3A_382 = tpu.bitcast %get3A_362 : vector<16xf32> -> vector<16xi32>
        %bitcast_convert_type3A_383 = tpu.bitcast %get3A_365 : vector<16xf32> -> vector<16xi32>
        %bitcast_convert_type3A_384 = tpu.bitcast %get3A_368 : vector<16xf32> -> vector<16xi32>
        %bitcast_convert_type3A_385 = tpu.bitcast %get3A_371 : vector<16xf32> -> vector<16xi32>
        %bitcast_convert_type3A_386 = tpu.bitcast %get3A_374 : vector<16xf32> -> vector<16xi32>
        %bitcast_convert_type3A_387 = tpu.bitcast %get3A_377 : vector<16xf32> -> vector<16xi32>
        %bitcast_convert_type3A_388 = tpu.bitcast %get3A_380 : vector<16xf32> -> vector<16xi32>
        %or3A_389 = arith.ori %bitcast_convert_type3A_381, %bitcast_convert_type3A_382 : vector<16xi32>
        %or3A_390 = arith.ori %bitcast_convert_type3A_383, %bitcast_convert_type3A_384 : vector<16xi32>
        %or3A_391 = arith.ori %or3A_389, %or3A_390 : vector<16xi32>
        %or3A_392 = arith.ori %bitcast_convert_type3A_385, %bitcast_convert_type3A_386 : vector<16xi32>
        %or3A_393 = arith.ori %bitcast_convert_type3A_387, %bitcast_convert_type3A_388 : vector<16xi32>
        %or3A_394 = arith.ori %or3A_392, %or3A_393 : vector<16xi32>
        %or3A_395 = arith.ori %or3A_391, %or3A_394 : vector<16xi32>
        %and3A_396 = arith.andi %or3A_395, %broadcast_in_dim3A_7 : vector<16xi32>
        %ne3A_397 = arith.constant 0 : i32
        %ne3A_398 = vector.broadcast %ne3A_397 : i32 to vector<16xi32>
        %ne3A_399 = arith.cmpi ne, %and3A_396, %ne3A_398 : vector<16xi32>
        %all_reduce_population_count3A_400 = tpu.all_reduce %ne3A_399 {dim = 0 : i64, kind = #tpu.reduction_kind<sum>} : vector<16xi1> -> vector<16xi32>
        %eq3A_401 = arith.constant 0 : i32
        %eq3A_402 = vector.broadcast %eq3A_401 : i32 to vector<16xi32>
        %eq3A_403 = arith.cmpi eq, %all_reduce_population_count3A_400, %eq3A_402 : vector<16xi32>
        %add3A_404 = arith.addi %mul3A_2, %mul3A_67 : i32
        %add3A_405 = arith.addi %add3A_404, %add3A_356 : i32
        %broadcast_in_dim3A_406 = vector.broadcast %add3A_405 : i32 to vector<16xi32>
        %eq3A_407 = arith.constant 0 : i32
        %eq3A_408 = vector.broadcast %eq3A_407 : i32 to vector<16xi32>
        %eq3A_409 = arith.cmpi eq, %iota3A, %eq3A_408 : vector<16xi32>
        %and3A_410 = arith.andi %eq3A_403, %eq3A_409 : vector<16xi1>
        %shift_right_arithmetic3A_411 = arith.constant 7 : i32
        %shift_right_arithmetic3A_412 = vector.broadcast %shift_right_arithmetic3A_411 : i32 to vector<16xi32>
        %shift_right_arithmetic3A_413 = arith.shrsi %add3A_344, %shift_right_arithmetic3A_412 : vector<16xi32>
        %and3A_414 = arith.constant 127 : i32
        %and3A_415 = vector.broadcast %and3A_414 : i32 to vector<16xi32>
        %and3A_416 = arith.andi %add3A_344, %and3A_415 : vector<16xi32>
        tpu.vector_store_idx %arg9[%shift_right_arithmetic3A_413, %and3A_416], %broadcast_in_dim3A_406 masked %and3A_410 : memref<64x128xi32, #tpu.memory_space<vmem>>[vector<16xi32>, vector<16xi32>], vector<16xi32>, vector<16xi1>
        %jit3A_417 = arith.constant 1 : i32
        %jit3A_418 = arith.constant 0 : i32
        %broadcast_in_dim3A_419 = vector.broadcast %jit3A_417 : i32 to vector<16xi32>
        %broadcast_in_dim3A_420 = vector.broadcast %jit3A_418 : i32 to vector<16xi32>
        %select_n3A_421 = arith.select %eq3A_403, %broadcast_in_dim3A_419, %broadcast_in_dim3A_420 : vector<16xi1>, vector<16xi32>
        %add3A_422 = arith.addi %add3A_344, %select_n3A_421 : vector<16xi32>
        %add3A_423 = arith.addf %add3A_345, %get3A_359 : vector<16xf32>
        %add3A_424 = arith.addf %add3A_346, %get3A_362 : vector<16xf32>
        %add3A_425 = arith.addf %add3A_347, %get3A_365 : vector<16xf32>
        %add3A_426 = arith.addf %add3A_348, %get3A_368 : vector<16xf32>
        %add3A_427 = arith.addf %add3A_349, %get3A_371 : vector<16xf32>
        %add3A_428 = arith.addf %add3A_350, %get3A_374 : vector<16xf32>
        %add3A_429 = arith.addf %add3A_351, %get3A_377 : vector<16xf32>
        %add3A_430 = arith.addf %add3A_352, %get3A_380 : vector<16xf32>
        scf.yield %add3A_423, %add3A_424, %add3A_425, %add3A_426, %add3A_427, %add3A_428, %add3A_429, %add3A_430, %add3A_422 : vector<16xf32>, vector<16xf32>, vector<16xf32>, vector<16xf32>, vector<16xf32>, vector<16xf32>, vector<16xf32>, vector<16xf32>, vector<16xi32>
      }
      %scan3A_73 = arith.constant 64 : i32
      %dma_wait3A_74 = arith.constant 0 : i32
      %dma_wait3A_75 = tpu.memref_slice %arg3[%add3A_58, %dma_wait3A_74] : memref<262144x128xf32, #tpu.memory_space<hbm>> -> memref<256x128xf32, #tpu.memory_space<hbm>>
      %dma_wait3A_76 = arith.constant 0 : i32
      %dma_wait3A_77 = tpu.memref_slice %arg3[%add3A_58, %dma_wait3A_76] : memref<262144x128xf32, #tpu.memory_space<hbm>> -> memref<256x128xf32, #tpu.memory_space<hbm>>
      tpu.wait_dma2 semaphore(%arg14 : memref<!tpu.dma_semaphore, #tpu.memory_space<semaphore_mem>>) src(%arg7 : memref<256x128xf32, #tpu.memory_space<vmem>>) dst(%dma_wait3A_77 : memref<256x128xf32, #tpu.memory_space<hbm>>)
      %add3A_78 = arith.constant 2 : i32
      %add3A_79 = arith.addi %add3A_52, %add3A_78 : i32
      %lt3A = arith.constant 32 : i32
      %lt3A_80 = arith.cmpi slt, %add3A_79, %lt3A : i32
      %convert_element_type3A = arith.extui %lt3A_80 : i1 to i32
      %cond3A = arith.constant 0 : i32
      %cond3A_81 = arith.cmpi ne, %convert_element_type3A, %cond3A : i32
      scf.if %cond3A_81 {
        %add3A_119 = arith.constant 2 : i32
        %add3A_120 = arith.addi %add3A_52, %add3A_119 : i32
        %mul3A_121 = arith.constant 256 : i32
        %mul3A_122 = arith.muli %add3A_120, %mul3A_121 : i32
        %add3A_123 = arith.addi %mul3A_2, %mul3A_122 : i32
        %dma_start3A_124 = arith.constant 0 : i32
        %dma_start3A_125 = tpu.memref_slice %arg2[%add3A_123, %dma_start3A_124] : memref<262144x128xf32, #tpu.memory_space<hbm>> -> memref<256x128xf32, #tpu.memory_space<hbm>>
        %dma_start3A_126 = arith.constant 0 : i32
        %dma_start3A_127 = tpu.memref_slice %arg2[%add3A_123, %dma_start3A_126] : memref<262144x128xf32, #tpu.memory_space<hbm>> -> memref<256x128xf32, #tpu.memory_space<hbm>>
        tpu.enqueue_dma source(%dma_start3A_127 : memref<256x128xf32, #tpu.memory_space<hbm>>) target(%arg7 : memref<256x128xf32, #tpu.memory_space<vmem>>) target_semaphore(%arg12 : memref<!tpu.dma_semaphore, #tpu.memory_space<semaphore_mem>>)
      } else {
      }
      %mul3A_82 = arith.constant 2 : i32
      %mul3A_83 = arith.muli %mul3A_82, %scan3A_39 : i32
      %add3A_84 = arith.constant 1 : i32
      %add3A_85 = arith.addi %mul3A_83, %add3A_84 : i32
      %mul3A_86 = arith.constant 256 : i32
      %mul3A_87 = arith.muli %add3A_85, %mul3A_86 : i32
      %add3A_88 = arith.addi %mul3A_2, %mul3A_87 : i32
      %mul3A_89 = arith.constant 256 : i32
      %mul3A_90 = arith.muli %add3A_85, %mul3A_89 : i32
      %add3A_91 = arith.addi %mul3A_2, %mul3A_90 : i32
      %dma_wait3A_92 = arith.constant 0 : i32
      %dma_wait3A_93 = tpu.memref_slice %arg2[%add3A_88, %dma_wait3A_92] : memref<262144x128xf32, #tpu.memory_space<hbm>> -> memref<256x128xf32, #tpu.memory_space<hbm>>
      %dma_wait3A_94 = arith.constant 0 : i32
      %dma_wait3A_95 = tpu.memref_slice %arg2[%add3A_88, %dma_wait3A_94] : memref<262144x128xf32, #tpu.memory_space<hbm>> -> memref<256x128xf32, #tpu.memory_space<hbm>>
      tpu.wait_dma2 semaphore(%arg13 : memref<!tpu.dma_semaphore, #tpu.memory_space<semaphore_mem>>) src(%dma_wait3A_95 : memref<256x128xf32, #tpu.memory_space<hbm>>) dst(%arg8 : memref<256x128xf32, #tpu.memory_space<vmem>>)
      %dma_start3A_96 = arith.constant 0 : i32
      %dma_start3A_97 = tpu.memref_slice %arg3[%add3A_91, %dma_start3A_96] : memref<262144x128xf32, #tpu.memory_space<hbm>> -> memref<256x128xf32, #tpu.memory_space<hbm>>
      %dma_start3A_98 = arith.constant 0 : i32
      %dma_start3A_99 = tpu.memref_slice %arg3[%add3A_91, %dma_start3A_98] : memref<262144x128xf32, #tpu.memory_space<hbm>> -> memref<256x128xf32, #tpu.memory_space<hbm>>
      tpu.enqueue_dma source(%arg8 : memref<256x128xf32, #tpu.memory_space<vmem>>) target(%dma_start3A_99 : memref<256x128xf32, #tpu.memory_space<hbm>>) target_semaphore(%arg15 : memref<!tpu.dma_semaphore, #tpu.memory_space<semaphore_mem>>)
      %mul3A_100 = arith.constant 256 : i32
      %mul3A_101 = arith.muli %add3A_85, %mul3A_100 : i32
      %scan3A_102 = arith.constant 0 : i32
      %scan3A_103 = arith.constant 64 : i32
      %scan3A_104 = arith.addi %scan3A_102, %scan3A_103 : i32
      %scan3A_105 = arith.constant 1 : i32
      %scan3A_106:9 = scf.for %scan3A_119 = %scan3A_102 to %scan3A_104 step %scan3A_105 iter_args(%scan3A_120 = %scan3A_72#0, %scan3A_121 = %scan3A_72#1, %scan3A_122 = %scan3A_72#2, %scan3A_123 = %scan3A_72#3, %scan3A_124 = %scan3A_72#4, %scan3A_125 = %scan3A_72#5, %scan3A_126 = %scan3A_72#6, %scan3A_127 = %scan3A_72#7, %scan3A_128 = %scan3A_72#8) -> (vector<16xf32>, vector<16xf32>, vector<16xf32>, vector<16xf32>, vector<16xf32>, vector<16xf32>, vector<16xf32>, vector<16xf32>, vector<16xi32>)  : i32 {
        %mul3A_129 = arith.constant 4 : i32
        %mul3A_130 = arith.muli %scan3A_119, %mul3A_129 : i32
        %add3A_131 = arith.constant 0 : i32
        %add3A_132 = arith.addi %mul3A_130, %add3A_131 : i32
        %get3A = arith.index_cast %add3A_132 : i32 to index
        %get3A_133 = arith.constant 0 : index
        %get3A_134 = tpu.vector_load %arg8[%get3A, %get3A_133] {strides = array<i32>} : memref<256x128xf32, #tpu.memory_space<vmem>>, vector<16xf32>,
        %get3A_135 = arith.index_cast %add3A_132 : i32 to index
        %get3A_136 = arith.constant 16 : index
        %get3A_137 = tpu.vector_load %arg8[%get3A_135, %get3A_136] {strides = array<i32>} : memref<256x128xf32, #tpu.memory_space<vmem>>, vector<16xf32>,
        %get3A_138 = arith.index_cast %add3A_132 : i32 to index
        %get3A_139 = arith.constant 32 : index
        %get3A_140 = tpu.vector_load %arg8[%get3A_138, %get3A_139] {strides = array<i32>} : memref<256x128xf32, #tpu.memory_space<vmem>>, vector<16xf32>,
        %get3A_141 = arith.index_cast %add3A_132 : i32 to index
        %get3A_142 = arith.constant 48 : index
        %get3A_143 = tpu.vector_load %arg8[%get3A_141, %get3A_142] {strides = array<i32>} : memref<256x128xf32, #tpu.memory_space<vmem>>, vector<16xf32>,
        %get3A_144 = arith.index_cast %add3A_132 : i32 to index
        %get3A_145 = arith.constant 64 : index
        %get3A_146 = tpu.vector_load %arg8[%get3A_144, %get3A_145] {strides = array<i32>} : memref<256x128xf32, #tpu.memory_space<vmem>>, vector<16xf32>,
        %get3A_147 = arith.index_cast %add3A_132 : i32 to index
        %get3A_148 = arith.constant 80 : index
        %get3A_149 = tpu.vector_load %arg8[%get3A_147, %get3A_148] {strides = array<i32>} : memref<256x128xf32, #tpu.memory_space<vmem>>, vector<16xf32>,
        %get3A_150 = arith.index_cast %add3A_132 : i32 to index
        %get3A_151 = arith.constant 96 : index
        %get3A_152 = tpu.vector_load %arg8[%get3A_150, %get3A_151] {strides = array<i32>} : memref<256x128xf32, #tpu.memory_space<vmem>>, vector<16xf32>,
        %get3A_153 = arith.index_cast %add3A_132 : i32 to index
        %get3A_154 = arith.constant 112 : index
        %get3A_155 = tpu.vector_load %arg8[%get3A_153, %get3A_154] {strides = array<i32>} : memref<256x128xf32, #tpu.memory_space<vmem>>, vector<16xf32>,
        %bitcast_convert_type3A = tpu.bitcast %get3A_134 : vector<16xf32> -> vector<16xi32>
        %bitcast_convert_type3A_156 = tpu.bitcast %get3A_137 : vector<16xf32> -> vector<16xi32>
        %bitcast_convert_type3A_157 = tpu.bitcast %get3A_140 : vector<16xf32> -> vector<16xi32>
        %bitcast_convert_type3A_158 = tpu.bitcast %get3A_143 : vector<16xf32> -> vector<16xi32>
        %bitcast_convert_type3A_159 = tpu.bitcast %get3A_146 : vector<16xf32> -> vector<16xi32>
        %bitcast_convert_type3A_160 = tpu.bitcast %get3A_149 : vector<16xf32> -> vector<16xi32>
        %bitcast_convert_type3A_161 = tpu.bitcast %get3A_152 : vector<16xf32> -> vector<16xi32>
        %bitcast_convert_type3A_162 = tpu.bitcast %get3A_155 : vector<16xf32> -> vector<16xi32>
        %or3A = arith.ori %bitcast_convert_type3A, %bitcast_convert_type3A_156 : vector<16xi32>
        %or3A_163 = arith.ori %bitcast_convert_type3A_157, %bitcast_convert_type3A_158 : vector<16xi32>
        %or3A_164 = arith.ori %or3A, %or3A_163 : vector<16xi32>
        %or3A_165 = arith.ori %bitcast_convert_type3A_159, %bitcast_convert_type3A_160 : vector<16xi32>
        %or3A_166 = arith.ori %bitcast_convert_type3A_161, %bitcast_convert_type3A_162 : vector<16xi32>
        %or3A_167 = arith.ori %or3A_165, %or3A_166 : vector<16xi32>
        %or3A_168 = arith.ori %or3A_164, %or3A_167 : vector<16xi32>
        %and3A = arith.andi %or3A_168, %broadcast_in_dim3A_7 : vector<16xi32>
        %ne3A = arith.constant 0 : i32
        %ne3A_169 = vector.broadcast %ne3A : i32 to vector<16xi32>
        %ne3A_170 = arith.cmpi ne, %and3A, %ne3A_169 : vector<16xi32>
        %all_reduce_population_count3A = tpu.all_reduce %ne3A_170 {dim = 0 : i64, kind = #tpu.reduction_kind<sum>} : vector<16xi1> -> vector<16xi32>
        %eq3A = arith.constant 0 : i32
        %eq3A_171 = vector.broadcast %eq3A : i32 to vector<16xi32>
        %eq3A_172 = arith.cmpi eq, %all_reduce_population_count3A, %eq3A_171 : vector<16xi32>
        %add3A_173 = arith.addi %mul3A_2, %mul3A_101 : i32
        %add3A_174 = arith.addi %add3A_173, %add3A_132 : i32
        %broadcast_in_dim3A_175 = vector.broadcast %add3A_174 : i32 to vector<16xi32>
        %eq3A_176 = arith.constant 0 : i32
        %eq3A_177 = vector.broadcast %eq3A_176 : i32 to vector<16xi32>
        %eq3A_178 = arith.cmpi eq, %iota3A, %eq3A_177 : vector<16xi32>
        %and3A_179 = arith.andi %eq3A_172, %eq3A_178 : vector<16xi1>
        %shift_right_arithmetic3A = arith.constant 7 : i32
        %shift_right_arithmetic3A_180 = vector.broadcast %shift_right_arithmetic3A : i32 to vector<16xi32>
        %shift_right_arithmetic3A_181 = arith.shrsi %scan3A_128, %shift_right_arithmetic3A_180 : vector<16xi32>
        %and3A_182 = arith.constant 127 : i32
        %and3A_183 = vector.broadcast %and3A_182 : i32 to vector<16xi32>
        %and3A_184 = arith.andi %scan3A_128, %and3A_183 : vector<16xi32>
        tpu.vector_store_idx %arg9[%shift_right_arithmetic3A_181, %and3A_184], %broadcast_in_dim3A_175 masked %and3A_179 : memref<64x128xi32, #tpu.memory_space<vmem>>[vector<16xi32>, vector<16xi32>], vector<16xi32>, vector<16xi1>
        %jit3A = arith.constant 1 : i32
        %jit3A_185 = arith.constant 0 : i32
        %broadcast_in_dim3A_186 = vector.broadcast %jit3A : i32 to vector<16xi32>
        %broadcast_in_dim3A_187 = vector.broadcast %jit3A_185 : i32 to vector<16xi32>
        %select_n3A = arith.select %eq3A_172, %broadcast_in_dim3A_186, %broadcast_in_dim3A_187 : vector<16xi1>, vector<16xi32>
        %add3A_188 = arith.addi %scan3A_128, %select_n3A : vector<16xi32>
        %add3A_189 = arith.addf %scan3A_120, %get3A_134 : vector<16xf32>
        %add3A_190 = arith.addf %scan3A_121, %get3A_137 : vector<16xf32>
        %add3A_191 = arith.addf %scan3A_122, %get3A_140 : vector<16xf32>
        %add3A_192 = arith.addf %scan3A_123, %get3A_143 : vector<16xf32>
        %add3A_193 = arith.addf %scan3A_124, %get3A_146 : vector<16xf32>
        %add3A_194 = arith.addf %scan3A_125, %get3A_149 : vector<16xf32>
        %add3A_195 = arith.addf %scan3A_126, %get3A_152 : vector<16xf32>
        %add3A_196 = arith.addf %scan3A_127, %get3A_155 : vector<16xf32>
        %mul3A_197 = arith.constant 4 : i32
        %mul3A_198 = arith.muli %scan3A_119, %mul3A_197 : i32
        %add3A_199 = arith.constant 1 : i32
        %add3A_200 = arith.addi %mul3A_198, %add3A_199 : i32
        %get3A_201 = arith.index_cast %add3A_200 : i32 to index
        %get3A_202 = arith.constant 0 : index
        %get3A_203 = tpu.vector_load %arg8[%get3A_201, %get3A_202] {strides = array<i32>} : memref<256x128xf32, #tpu.memory_space<vmem>>, vector<16xf32>,
        %get3A_204 = arith.index_cast %add3A_200 : i32 to index
        %get3A_205 = arith.constant 16 : index
        %get3A_206 = tpu.vector_load %arg8[%get3A_204, %get3A_205] {strides = array<i32>} : memref<256x128xf32, #tpu.memory_space<vmem>>, vector<16xf32>,
        %get3A_207 = arith.index_cast %add3A_200 : i32 to index
        %get3A_208 = arith.constant 32 : index
        %get3A_209 = tpu.vector_load %arg8[%get3A_207, %get3A_208] {strides = array<i32>} : memref<256x128xf32, #tpu.memory_space<vmem>>, vector<16xf32>,
        %get3A_210 = arith.index_cast %add3A_200 : i32 to index
        %get3A_211 = arith.constant 48 : index
        %get3A_212 = tpu.vector_load %arg8[%get3A_210, %get3A_211] {strides = array<i32>} : memref<256x128xf32, #tpu.memory_space<vmem>>, vector<16xf32>,
        %get3A_213 = arith.index_cast %add3A_200 : i32 to index
        %get3A_214 = arith.constant 64 : index
        %get3A_215 = tpu.vector_load %arg8[%get3A_213, %get3A_214] {strides = array<i32>} : memref<256x128xf32, #tpu.memory_space<vmem>>, vector<16xf32>,
        %get3A_216 = arith.index_cast %add3A_200 : i32 to index
        %get3A_217 = arith.constant 80 : index
        %get3A_218 = tpu.vector_load %arg8[%get3A_216, %get3A_217] {strides = array<i32>} : memref<256x128xf32, #tpu.memory_space<vmem>>, vector<16xf32>,
        %get3A_219 = arith.index_cast %add3A_200 : i32 to index
        %get3A_220 = arith.constant 96 : index
        %get3A_221 = tpu.vector_load %arg8[%get3A_219, %get3A_220] {strides = array<i32>} : memref<256x128xf32, #tpu.memory_space<vmem>>, vector<16xf32>,
        %get3A_222 = arith.index_cast %add3A_200 : i32 to index
        %get3A_223 = arith.constant 112 : index
        %get3A_224 = tpu.vector_load %arg8[%get3A_222, %get3A_223] {strides = array<i32>} : memref<256x128xf32, #tpu.memory_space<vmem>>, vector<16xf32>,
        %bitcast_convert_type3A_225 = tpu.bitcast %get3A_203 : vector<16xf32> -> vector<16xi32>
        %bitcast_convert_type3A_226 = tpu.bitcast %get3A_206 : vector<16xf32> -> vector<16xi32>
        %bitcast_convert_type3A_227 = tpu.bitcast %get3A_209 : vector<16xf32> -> vector<16xi32>
        %bitcast_convert_type3A_228 = tpu.bitcast %get3A_212 : vector<16xf32> -> vector<16xi32>
        %bitcast_convert_type3A_229 = tpu.bitcast %get3A_215 : vector<16xf32> -> vector<16xi32>
        %bitcast_convert_type3A_230 = tpu.bitcast %get3A_218 : vector<16xf32> -> vector<16xi32>
        %bitcast_convert_type3A_231 = tpu.bitcast %get3A_221 : vector<16xf32> -> vector<16xi32>
        %bitcast_convert_type3A_232 = tpu.bitcast %get3A_224 : vector<16xf32> -> vector<16xi32>
        %or3A_233 = arith.ori %bitcast_convert_type3A_225, %bitcast_convert_type3A_226 : vector<16xi32>
        %or3A_234 = arith.ori %bitcast_convert_type3A_227, %bitcast_convert_type3A_228 : vector<16xi32>
        %or3A_235 = arith.ori %or3A_233, %or3A_234 : vector<16xi32>
        %or3A_236 = arith.ori %bitcast_convert_type3A_229, %bitcast_convert_type3A_230 : vector<16xi32>
        %or3A_237 = arith.ori %bitcast_convert_type3A_231, %bitcast_convert_type3A_232 : vector<16xi32>
        %or3A_238 = arith.ori %or3A_236, %or3A_237 : vector<16xi32>
        %or3A_239 = arith.ori %or3A_235, %or3A_238 : vector<16xi32>
        %and3A_240 = arith.andi %or3A_239, %broadcast_in_dim3A_7 : vector<16xi32>
        %ne3A_241 = arith.constant 0 : i32
        %ne3A_242 = vector.broadcast %ne3A_241 : i32 to vector<16xi32>
        %ne3A_243 = arith.cmpi ne, %and3A_240, %ne3A_242 : vector<16xi32>
        %all_reduce_population_count3A_244 = tpu.all_reduce %ne3A_243 {dim = 0 : i64, kind = #tpu.reduction_kind<sum>} : vector<16xi1> -> vector<16xi32>
        %eq3A_245 = arith.constant 0 : i32
        %eq3A_246 = vector.broadcast %eq3A_245 : i32 to vector<16xi32>
        %eq3A_247 = arith.cmpi eq, %all_reduce_population_count3A_244, %eq3A_246 : vector<16xi32>
        %add3A_248 = arith.addi %mul3A_2, %mul3A_101 : i32
        %add3A_249 = arith.addi %add3A_248, %add3A_200 : i32
        %broadcast_in_dim3A_250 = vector.broadcast %add3A_249 : i32 to vector<16xi32>
        %eq3A_251 = arith.constant 0 : i32
        %eq3A_252 = vector.broadcast %eq3A_251 : i32 to vector<16xi32>
        %eq3A_253 = arith.cmpi eq, %iota3A, %eq3A_252 : vector<16xi32>
        %and3A_254 = arith.andi %eq3A_247, %eq3A_253 : vector<16xi1>
        %shift_right_arithmetic3A_255 = arith.constant 7 : i32
        %shift_right_arithmetic3A_256 = vector.broadcast %shift_right_arithmetic3A_255 : i32 to vector<16xi32>
        %shift_right_arithmetic3A_257 = arith.shrsi %add3A_188, %shift_right_arithmetic3A_256 : vector<16xi32>
        %and3A_258 = arith.constant 127 : i32
        %and3A_259 = vector.broadcast %and3A_258 : i32 to vector<16xi32>
        %and3A_260 = arith.andi %add3A_188, %and3A_259 : vector<16xi32>
        tpu.vector_store_idx %arg9[%shift_right_arithmetic3A_257, %and3A_260], %broadcast_in_dim3A_250 masked %and3A_254 : memref<64x128xi32, #tpu.memory_space<vmem>>[vector<16xi32>, vector<16xi32>], vector<16xi32>, vector<16xi1>
        %jit3A_261 = arith.constant 1 : i32
        %jit3A_262 = arith.constant 0 : i32
        %broadcast_in_dim3A_263 = vector.broadcast %jit3A_261 : i32 to vector<16xi32>
        %broadcast_in_dim3A_264 = vector.broadcast %jit3A_262 : i32 to vector<16xi32>
        %select_n3A_265 = arith.select %eq3A_247, %broadcast_in_dim3A_263, %broadcast_in_dim3A_264 : vector<16xi1>, vector<16xi32>
        %add3A_266 = arith.addi %add3A_188, %select_n3A_265 : vector<16xi32>
        %add3A_267 = arith.addf %add3A_189, %get3A_203 : vector<16xf32>
        %add3A_268 = arith.addf %add3A_190, %get3A_206 : vector<16xf32>
        %add3A_269 = arith.addf %add3A_191, %get3A_209 : vector<16xf32>
        %add3A_270 = arith.addf %add3A_192, %get3A_212 : vector<16xf32>
        %add3A_271 = arith.addf %add3A_193, %get3A_215 : vector<16xf32>
        %add3A_272 = arith.addf %add3A_194, %get3A_218 : vector<16xf32>
        %add3A_273 = arith.addf %add3A_195, %get3A_221 : vector<16xf32>
        %add3A_274 = arith.addf %add3A_196, %get3A_224 : vector<16xf32>
        %mul3A_275 = arith.constant 4 : i32
        %mul3A_276 = arith.muli %scan3A_119, %mul3A_275 : i32
        %add3A_277 = arith.constant 2 : i32
        %add3A_278 = arith.addi %mul3A_276, %add3A_277 : i32
        %get3A_279 = arith.index_cast %add3A_278 : i32 to index
        %get3A_280 = arith.constant 0 : index
        %get3A_281 = tpu.vector_load %arg8[%get3A_279, %get3A_280] {strides = array<i32>} : memref<256x128xf32, #tpu.memory_space<vmem>>, vector<16xf32>,
        %get3A_282 = arith.index_cast %add3A_278 : i32 to index
        %get3A_283 = arith.constant 16 : index
        %get3A_284 = tpu.vector_load %arg8[%get3A_282, %get3A_283] {strides = array<i32>} : memref<256x128xf32, #tpu.memory_space<vmem>>, vector<16xf32>,
        %get3A_285 = arith.index_cast %add3A_278 : i32 to index
        %get3A_286 = arith.constant 32 : index
        %get3A_287 = tpu.vector_load %arg8[%get3A_285, %get3A_286] {strides = array<i32>} : memref<256x128xf32, #tpu.memory_space<vmem>>, vector<16xf32>,
        %get3A_288 = arith.index_cast %add3A_278 : i32 to index
        %get3A_289 = arith.constant 48 : index
        %get3A_290 = tpu.vector_load %arg8[%get3A_288, %get3A_289] {strides = array<i32>} : memref<256x128xf32, #tpu.memory_space<vmem>>, vector<16xf32>,
        %get3A_291 = arith.index_cast %add3A_278 : i32 to index
        %get3A_292 = arith.constant 64 : index
        %get3A_293 = tpu.vector_load %arg8[%get3A_291, %get3A_292] {strides = array<i32>} : memref<256x128xf32, #tpu.memory_space<vmem>>, vector<16xf32>,
        %get3A_294 = arith.index_cast %add3A_278 : i32 to index
        %get3A_295 = arith.constant 80 : index
        %get3A_296 = tpu.vector_load %arg8[%get3A_294, %get3A_295] {strides = array<i32>} : memref<256x128xf32, #tpu.memory_space<vmem>>, vector<16xf32>,
        %get3A_297 = arith.index_cast %add3A_278 : i32 to index
        %get3A_298 = arith.constant 96 : index
        %get3A_299 = tpu.vector_load %arg8[%get3A_297, %get3A_298] {strides = array<i32>} : memref<256x128xf32, #tpu.memory_space<vmem>>, vector<16xf32>,
        %get3A_300 = arith.index_cast %add3A_278 : i32 to index
        %get3A_301 = arith.constant 112 : index
        %get3A_302 = tpu.vector_load %arg8[%get3A_300, %get3A_301] {strides = array<i32>} : memref<256x128xf32, #tpu.memory_space<vmem>>, vector<16xf32>,
        %bitcast_convert_type3A_303 = tpu.bitcast %get3A_281 : vector<16xf32> -> vector<16xi32>
        %bitcast_convert_type3A_304 = tpu.bitcast %get3A_284 : vector<16xf32> -> vector<16xi32>
        %bitcast_convert_type3A_305 = tpu.bitcast %get3A_287 : vector<16xf32> -> vector<16xi32>
        %bitcast_convert_type3A_306 = tpu.bitcast %get3A_290 : vector<16xf32> -> vector<16xi32>
        %bitcast_convert_type3A_307 = tpu.bitcast %get3A_293 : vector<16xf32> -> vector<16xi32>
        %bitcast_convert_type3A_308 = tpu.bitcast %get3A_296 : vector<16xf32> -> vector<16xi32>
        %bitcast_convert_type3A_309 = tpu.bitcast %get3A_299 : vector<16xf32> -> vector<16xi32>
        %bitcast_convert_type3A_310 = tpu.bitcast %get3A_302 : vector<16xf32> -> vector<16xi32>
        %or3A_311 = arith.ori %bitcast_convert_type3A_303, %bitcast_convert_type3A_304 : vector<16xi32>
        %or3A_312 = arith.ori %bitcast_convert_type3A_305, %bitcast_convert_type3A_306 : vector<16xi32>
        %or3A_313 = arith.ori %or3A_311, %or3A_312 : vector<16xi32>
        %or3A_314 = arith.ori %bitcast_convert_type3A_307, %bitcast_convert_type3A_308 : vector<16xi32>
        %or3A_315 = arith.ori %bitcast_convert_type3A_309, %bitcast_convert_type3A_310 : vector<16xi32>
        %or3A_316 = arith.ori %or3A_314, %or3A_315 : vector<16xi32>
        %or3A_317 = arith.ori %or3A_313, %or3A_316 : vector<16xi32>
        %and3A_318 = arith.andi %or3A_317, %broadcast_in_dim3A_7 : vector<16xi32>
        %ne3A_319 = arith.constant 0 : i32
        %ne3A_320 = vector.broadcast %ne3A_319 : i32 to vector<16xi32>
        %ne3A_321 = arith.cmpi ne, %and3A_318, %ne3A_320 : vector<16xi32>
        %all_reduce_population_count3A_322 = tpu.all_reduce %ne3A_321 {dim = 0 : i64, kind = #tpu.reduction_kind<sum>} : vector<16xi1> -> vector<16xi32>
        %eq3A_323 = arith.constant 0 : i32
        %eq3A_324 = vector.broadcast %eq3A_323 : i32 to vector<16xi32>
        %eq3A_325 = arith.cmpi eq, %all_reduce_population_count3A_322, %eq3A_324 : vector<16xi32>
        %add3A_326 = arith.addi %mul3A_2, %mul3A_101 : i32
        %add3A_327 = arith.addi %add3A_326, %add3A_278 : i32
        %broadcast_in_dim3A_328 = vector.broadcast %add3A_327 : i32 to vector<16xi32>
        %eq3A_329 = arith.constant 0 : i32
        %eq3A_330 = vector.broadcast %eq3A_329 : i32 to vector<16xi32>
        %eq3A_331 = arith.cmpi eq, %iota3A, %eq3A_330 : vector<16xi32>
        %and3A_332 = arith.andi %eq3A_325, %eq3A_331 : vector<16xi1>
        %shift_right_arithmetic3A_333 = arith.constant 7 : i32
        %shift_right_arithmetic3A_334 = vector.broadcast %shift_right_arithmetic3A_333 : i32 to vector<16xi32>
        %shift_right_arithmetic3A_335 = arith.shrsi %add3A_266, %shift_right_arithmetic3A_334 : vector<16xi32>
        %and3A_336 = arith.constant 127 : i32
        %and3A_337 = vector.broadcast %and3A_336 : i32 to vector<16xi32>
        %and3A_338 = arith.andi %add3A_266, %and3A_337 : vector<16xi32>
        tpu.vector_store_idx %arg9[%shift_right_arithmetic3A_335, %and3A_338], %broadcast_in_dim3A_328 masked %and3A_332 : memref<64x128xi32, #tpu.memory_space<vmem>>[vector<16xi32>, vector<16xi32>], vector<16xi32>, vector<16xi1>
        %jit3A_339 = arith.constant 1 : i32
        %jit3A_340 = arith.constant 0 : i32
        %broadcast_in_dim3A_341 = vector.broadcast %jit3A_339 : i32 to vector<16xi32>
        %broadcast_in_dim3A_342 = vector.broadcast %jit3A_340 : i32 to vector<16xi32>
        %select_n3A_343 = arith.select %eq3A_325, %broadcast_in_dim3A_341, %broadcast_in_dim3A_342 : vector<16xi1>, vector<16xi32>
        %add3A_344 = arith.addi %add3A_266, %select_n3A_343 : vector<16xi32>
        %add3A_345 = arith.addf %add3A_267, %get3A_281 : vector<16xf32>
        %add3A_346 = arith.addf %add3A_268, %get3A_284 : vector<16xf32>
        %add3A_347 = arith.addf %add3A_269, %get3A_287 : vector<16xf32>
        %add3A_348 = arith.addf %add3A_270, %get3A_290 : vector<16xf32>
        %add3A_349 = arith.addf %add3A_271, %get3A_293 : vector<16xf32>
        %add3A_350 = arith.addf %add3A_272, %get3A_296 : vector<16xf32>
        %add3A_351 = arith.addf %add3A_273, %get3A_299 : vector<16xf32>
        %add3A_352 = arith.addf %add3A_274, %get3A_302 : vector<16xf32>
        %mul3A_353 = arith.constant 4 : i32
        %mul3A_354 = arith.muli %scan3A_119, %mul3A_353 : i32
        %add3A_355 = arith.constant 3 : i32
        %add3A_356 = arith.addi %mul3A_354, %add3A_355 : i32
        %get3A_357 = arith.index_cast %add3A_356 : i32 to index
        %get3A_358 = arith.constant 0 : index
        %get3A_359 = tpu.vector_load %arg8[%get3A_357, %get3A_358] {strides = array<i32>} : memref<256x128xf32, #tpu.memory_space<vmem>>, vector<16xf32>,
        %get3A_360 = arith.index_cast %add3A_356 : i32 to index
        %get3A_361 = arith.constant 16 : index
        %get3A_362 = tpu.vector_load %arg8[%get3A_360, %get3A_361] {strides = array<i32>} : memref<256x128xf32, #tpu.memory_space<vmem>>, vector<16xf32>,
        %get3A_363 = arith.index_cast %add3A_356 : i32 to index
        %get3A_364 = arith.constant 32 : index
        %get3A_365 = tpu.vector_load %arg8[%get3A_363, %get3A_364] {strides = array<i32>} : memref<256x128xf32, #tpu.memory_space<vmem>>, vector<16xf32>,
        %get3A_366 = arith.index_cast %add3A_356 : i32 to index
        %get3A_367 = arith.constant 48 : index
        %get3A_368 = tpu.vector_load %arg8[%get3A_366, %get3A_367] {strides = array<i32>} : memref<256x128xf32, #tpu.memory_space<vmem>>, vector<16xf32>,
        %get3A_369 = arith.index_cast %add3A_356 : i32 to index
        %get3A_370 = arith.constant 64 : index
        %get3A_371 = tpu.vector_load %arg8[%get3A_369, %get3A_370] {strides = array<i32>} : memref<256x128xf32, #tpu.memory_space<vmem>>, vector<16xf32>,
        %get3A_372 = arith.index_cast %add3A_356 : i32 to index
        %get3A_373 = arith.constant 80 : index
        %get3A_374 = tpu.vector_load %arg8[%get3A_372, %get3A_373] {strides = array<i32>} : memref<256x128xf32, #tpu.memory_space<vmem>>, vector<16xf32>,
        %get3A_375 = arith.index_cast %add3A_356 : i32 to index
        %get3A_376 = arith.constant 96 : index
        %get3A_377 = tpu.vector_load %arg8[%get3A_375, %get3A_376] {strides = array<i32>} : memref<256x128xf32, #tpu.memory_space<vmem>>, vector<16xf32>,
        %get3A_378 = arith.index_cast %add3A_356 : i32 to index
        %get3A_379 = arith.constant 112 : index
        %get3A_380 = tpu.vector_load %arg8[%get3A_378, %get3A_379] {strides = array<i32>} : memref<256x128xf32, #tpu.memory_space<vmem>>, vector<16xf32>,
        %bitcast_convert_type3A_381 = tpu.bitcast %get3A_359 : vector<16xf32> -> vector<16xi32>
        %bitcast_convert_type3A_382 = tpu.bitcast %get3A_362 : vector<16xf32> -> vector<16xi32>
        %bitcast_convert_type3A_383 = tpu.bitcast %get3A_365 : vector<16xf32> -> vector<16xi32>
        %bitcast_convert_type3A_384 = tpu.bitcast %get3A_368 : vector<16xf32> -> vector<16xi32>
        %bitcast_convert_type3A_385 = tpu.bitcast %get3A_371 : vector<16xf32> -> vector<16xi32>
        %bitcast_convert_type3A_386 = tpu.bitcast %get3A_374 : vector<16xf32> -> vector<16xi32>
        %bitcast_convert_type3A_387 = tpu.bitcast %get3A_377 : vector<16xf32> -> vector<16xi32>
        %bitcast_convert_type3A_388 = tpu.bitcast %get3A_380 : vector<16xf32> -> vector<16xi32>
        %or3A_389 = arith.ori %bitcast_convert_type3A_381, %bitcast_convert_type3A_382 : vector<16xi32>
        %or3A_390 = arith.ori %bitcast_convert_type3A_383, %bitcast_convert_type3A_384 : vector<16xi32>
        %or3A_391 = arith.ori %or3A_389, %or3A_390 : vector<16xi32>
        %or3A_392 = arith.ori %bitcast_convert_type3A_385, %bitcast_convert_type3A_386 : vector<16xi32>
        %or3A_393 = arith.ori %bitcast_convert_type3A_387, %bitcast_convert_type3A_388 : vector<16xi32>
        %or3A_394 = arith.ori %or3A_392, %or3A_393 : vector<16xi32>
        %or3A_395 = arith.ori %or3A_391, %or3A_394 : vector<16xi32>
        %and3A_396 = arith.andi %or3A_395, %broadcast_in_dim3A_7 : vector<16xi32>
        %ne3A_397 = arith.constant 0 : i32
        %ne3A_398 = vector.broadcast %ne3A_397 : i32 to vector<16xi32>
        %ne3A_399 = arith.cmpi ne, %and3A_396, %ne3A_398 : vector<16xi32>
        %all_reduce_population_count3A_400 = tpu.all_reduce %ne3A_399 {dim = 0 : i64, kind = #tpu.reduction_kind<sum>} : vector<16xi1> -> vector<16xi32>
        %eq3A_401 = arith.constant 0 : i32
        %eq3A_402 = vector.broadcast %eq3A_401 : i32 to vector<16xi32>
        %eq3A_403 = arith.cmpi eq, %all_reduce_population_count3A_400, %eq3A_402 : vector<16xi32>
        %add3A_404 = arith.addi %mul3A_2, %mul3A_101 : i32
        %add3A_405 = arith.addi %add3A_404, %add3A_356 : i32
        %broadcast_in_dim3A_406 = vector.broadcast %add3A_405 : i32 to vector<16xi32>
        %eq3A_407 = arith.constant 0 : i32
        %eq3A_408 = vector.broadcast %eq3A_407 : i32 to vector<16xi32>
        %eq3A_409 = arith.cmpi eq, %iota3A, %eq3A_408 : vector<16xi32>
        %and3A_410 = arith.andi %eq3A_403, %eq3A_409 : vector<16xi1>
        %shift_right_arithmetic3A_411 = arith.constant 7 : i32
        %shift_right_arithmetic3A_412 = vector.broadcast %shift_right_arithmetic3A_411 : i32 to vector<16xi32>
        %shift_right_arithmetic3A_413 = arith.shrsi %add3A_344, %shift_right_arithmetic3A_412 : vector<16xi32>
        %and3A_414 = arith.constant 127 : i32
        %and3A_415 = vector.broadcast %and3A_414 : i32 to vector<16xi32>
        %and3A_416 = arith.andi %add3A_344, %and3A_415 : vector<16xi32>
        tpu.vector_store_idx %arg9[%shift_right_arithmetic3A_413, %and3A_416], %broadcast_in_dim3A_406 masked %and3A_410 : memref<64x128xi32, #tpu.memory_space<vmem>>[vector<16xi32>, vector<16xi32>], vector<16xi32>, vector<16xi1>
        %jit3A_417 = arith.constant 1 : i32
        %jit3A_418 = arith.constant 0 : i32
        %broadcast_in_dim3A_419 = vector.broadcast %jit3A_417 : i32 to vector<16xi32>
        %broadcast_in_dim3A_420 = vector.broadcast %jit3A_418 : i32 to vector<16xi32>
        %select_n3A_421 = arith.select %eq3A_403, %broadcast_in_dim3A_419, %broadcast_in_dim3A_420 : vector<16xi1>, vector<16xi32>
        %add3A_422 = arith.addi %add3A_344, %select_n3A_421 : vector<16xi32>
        %add3A_423 = arith.addf %add3A_345, %get3A_359 : vector<16xf32>
        %add3A_424 = arith.addf %add3A_346, %get3A_362 : vector<16xf32>
        %add3A_425 = arith.addf %add3A_347, %get3A_365 : vector<16xf32>
        %add3A_426 = arith.addf %add3A_348, %get3A_368 : vector<16xf32>
        %add3A_427 = arith.addf %add3A_349, %get3A_371 : vector<16xf32>
        %add3A_428 = arith.addf %add3A_350, %get3A_374 : vector<16xf32>
        %add3A_429 = arith.addf %add3A_351, %get3A_377 : vector<16xf32>
        %add3A_430 = arith.addf %add3A_352, %get3A_380 : vector<16xf32>
        scf.yield %add3A_423, %add3A_424, %add3A_425, %add3A_426, %add3A_427, %add3A_428, %add3A_429, %add3A_430, %add3A_422 : vector<16xf32>, vector<16xf32>, vector<16xf32>, vector<16xf32>, vector<16xf32>, vector<16xf32>, vector<16xf32>, vector<16xf32>, vector<16xi32>
      }
      %scan3A_107 = arith.constant 64 : i32
      %dma_wait3A_108 = arith.constant 0 : i32
      %dma_wait3A_109 = tpu.memref_slice %arg3[%add3A_91, %dma_wait3A_108] : memref<262144x128xf32, #tpu.memory_space<hbm>> -> memref<256x128xf32, #tpu.memory_space<hbm>>
      %dma_wait3A_110 = arith.constant 0 : i32
      %dma_wait3A_111 = tpu.memref_slice %arg3[%add3A_91, %dma_wait3A_110] : memref<262144x128xf32, #tpu.memory_space<hbm>> -> memref<256x128xf32, #tpu.memory_space<hbm>>
      tpu.wait_dma2 semaphore(%arg15 : memref<!tpu.dma_semaphore, #tpu.memory_space<semaphore_mem>>) src(%arg8 : memref<256x128xf32, #tpu.memory_space<vmem>>) dst(%dma_wait3A_111 : memref<256x128xf32, #tpu.memory_space<hbm>>)
      %add3A_112 = arith.constant 2 : i32
      %add3A_113 = arith.addi %add3A_85, %add3A_112 : i32
      %lt3A_114 = arith.constant 32 : i32
      %lt3A_115 = arith.cmpi slt, %add3A_113, %lt3A_114 : i32
      %convert_element_type3A_116 = arith.extui %lt3A_115 : i1 to i32
      %cond3A_117 = arith.constant 0 : i32
      %cond3A_118 = arith.cmpi ne, %convert_element_type3A_116, %cond3A_117 : i32
      scf.if %cond3A_118 {
        %add3A_119 = arith.constant 2 : i32
        %add3A_120 = arith.addi %add3A_85, %add3A_119 : i32
        %mul3A_121 = arith.constant 256 : i32
        %mul3A_122 = arith.muli %add3A_120, %mul3A_121 : i32
        %add3A_123 = arith.addi %mul3A_2, %mul3A_122 : i32
        %dma_start3A_124 = arith.constant 0 : i32
        %dma_start3A_125 = tpu.memref_slice %arg2[%add3A_123, %dma_start3A_124] : memref<262144x128xf32, #tpu.memory_space<hbm>> -> memref<256x128xf32, #tpu.memory_space<hbm>>
        %dma_start3A_126 = arith.constant 0 : i32
        %dma_start3A_127 = tpu.memref_slice %arg2[%add3A_123, %dma_start3A_126] : memref<262144x128xf32, #tpu.memory_space<hbm>> -> memref<256x128xf32, #tpu.memory_space<hbm>>
        tpu.enqueue_dma source(%dma_start3A_127 : memref<256x128xf32, #tpu.memory_space<hbm>>) target(%arg8 : memref<256x128xf32, #tpu.memory_space<vmem>>) target_semaphore(%arg13 : memref<!tpu.dma_semaphore, #tpu.memory_space<semaphore_mem>>)
      } else {
      }
      scf.yield %scan3A_106#0, %scan3A_106#1, %scan3A_106#2, %scan3A_106#3, %scan3A_106#4, %scan3A_106#5, %scan3A_106#6, %scan3A_106#7, %scan3A_106#8 : vector<16xf32>, vector<16xf32>, vector<16xf32>, vector<16xf32>, vector<16xf32>, vector<16xf32>, vector<16xf32>, vector<16xf32>, vector<16xi32>
    }
    %scan3A_21 = arith.constant 16 : i32
    %swap3A = arith.constant 0 : index
    %swap3A_22 = tpu.vector_load %arg10[%swap3A] {strides = array<i32>} : memref<128xf32, #tpu.memory_space<vmem>>, vector<16xf32>,
    tpu.vector_store %arg10[%swap3A], %scan3A_20#0 {strides = array<i32>} : memref<128xf32, #tpu.memory_space<vmem>>, vector<16xf32>,
    %swap3A_23 = arith.constant 16 : index
    %swap3A_24 = tpu.vector_load %arg10[%swap3A_23] {strides = array<i32>} : memref<128xf32, #tpu.memory_space<vmem>>, vector<16xf32>,
    tpu.vector_store %arg10[%swap3A_23], %scan3A_20#1 {strides = array<i32>} : memref<128xf32, #tpu.memory_space<vmem>>, vector<16xf32>,
    %swap3A_25 = arith.constant 32 : index
    %swap3A_26 = tpu.vector_load %arg10[%swap3A_25] {strides = array<i32>} : memref<128xf32, #tpu.memory_space<vmem>>, vector<16xf32>,
    tpu.vector_store %arg10[%swap3A_25], %scan3A_20#2 {strides = array<i32>} : memref<128xf32, #tpu.memory_space<vmem>>, vector<16xf32>,
    %swap3A_27 = arith.constant 48 : index
    %swap3A_28 = tpu.vector_load %arg10[%swap3A_27] {strides = array<i32>} : memref<128xf32, #tpu.memory_space<vmem>>, vector<16xf32>,
    tpu.vector_store %arg10[%swap3A_27], %scan3A_20#3 {strides = array<i32>} : memref<128xf32, #tpu.memory_space<vmem>>, vector<16xf32>,
    %swap3A_29 = arith.constant 64 : index
    %swap3A_30 = tpu.vector_load %arg10[%swap3A_29] {strides = array<i32>} : memref<128xf32, #tpu.memory_space<vmem>>, vector<16xf32>,
    tpu.vector_store %arg10[%swap3A_29], %scan3A_20#4 {strides = array<i32>} : memref<128xf32, #tpu.memory_space<vmem>>, vector<16xf32>,
    %swap3A_31 = arith.constant 80 : index
    %swap3A_32 = tpu.vector_load %arg10[%swap3A_31] {strides = array<i32>} : memref<128xf32, #tpu.memory_space<vmem>>, vector<16xf32>,
    tpu.vector_store %arg10[%swap3A_31], %scan3A_20#5 {strides = array<i32>} : memref<128xf32, #tpu.memory_space<vmem>>, vector<16xf32>,
    %swap3A_33 = arith.constant 96 : index
    %swap3A_34 = tpu.vector_load %arg10[%swap3A_33] {strides = array<i32>} : memref<128xf32, #tpu.memory_space<vmem>>, vector<16xf32>,
    tpu.vector_store %arg10[%swap3A_33], %scan3A_20#6 {strides = array<i32>} : memref<128xf32, #tpu.memory_space<vmem>>, vector<16xf32>,
    %swap3A_35 = arith.constant 112 : index
    %swap3A_36 = tpu.vector_load %arg10[%swap3A_35] {strides = array<i32>} : memref<128xf32, #tpu.memory_space<vmem>>, vector<16xf32>,
    tpu.vector_store %arg10[%swap3A_35], %scan3A_20#7 {strides = array<i32>} : memref<128xf32, #tpu.memory_space<vmem>>, vector<16xf32>,
    %swap3A_37 = arith.constant 0 : index
    %swap3A_38 = tpu.vector_load %arg11[%swap3A_37] {strides = array<i32>} : memref<16xi32, #tpu.memory_space<vmem>>, vector<16xi32>,
    tpu.vector_store %arg11[%swap3A_37], %scan3A_20#8 {strides = array<i32>} : memref<16xi32, #tpu.memory_space<vmem>>, vector<16xi32>,
    "tpu.region"() ({
      %run_scoped3A = tpu.sem_alloc : memref<!tpu.dma_semaphore, #tpu.memory_space<semaphore_mem>>
      %dma_start3A_39 = arith.constant 0 : i32
      %dma_start3A_40 = tpu.memref_slice %arg5[%add3A, %dma_start3A_39] : memref<32x128xf32, #tpu.memory_space<hbm>> -> memref<1x128xf32, #tpu.memory_space<hbm>>
      %dma_start3A_41 = tpu.memref_squeeze %dma_start3A_40 : memref<1x128xf32, #tpu.memory_space<hbm>> -> memref<128xf32, #tpu.memory_space<hbm>>
      %dma_start3A_42 = arith.constant 0 : i32
      %dma_start3A_43 = tpu.memref_slice %arg5[%add3A, %dma_start3A_42] : memref<32x128xf32, #tpu.memory_space<hbm>> -> memref<1x128xf32, #tpu.memory_space<hbm>>
      %dma_start3A_44 = tpu.memref_squeeze %dma_start3A_43 : memref<1x128xf32, #tpu.memory_space<hbm>> -> memref<128xf32, #tpu.memory_space<hbm>>
      tpu.enqueue_dma source(%arg10 : memref<128xf32, #tpu.memory_space<vmem>>) target(%dma_start3A_44 : memref<128xf32, #tpu.memory_space<hbm>>) target_semaphore(%run_scoped3A : memref<!tpu.dma_semaphore, #tpu.memory_space<semaphore_mem>>)
      %dma_wait3A = arith.constant 0 : i32
      %dma_wait3A_45 = tpu.memref_slice %arg5[%add3A, %dma_wait3A] : memref<32x128xf32, #tpu.memory_space<hbm>> -> memref<1x128xf32, #tpu.memory_space<hbm>>
      %dma_wait3A_46 = tpu.memref_squeeze %dma_wait3A_45 : memref<1x128xf32, #tpu.memory_space<hbm>> -> memref<128xf32, #tpu.memory_space<hbm>>
      %dma_wait3A_47 = arith.constant 0 : i32
      %dma_wait3A_48 = tpu.memref_slice %arg5[%add3A, %dma_wait3A_47] : memref<32x128xf32, #tpu.memory_space<hbm>> -> memref<1x128xf32, #tpu.memory_space<hbm>>
      %dma_wait3A_49 = tpu.memref_squeeze %dma_wait3A_48 : memref<1x128xf32, #tpu.memory_space<hbm>> -> memref<128xf32, #tpu.memory_space<hbm>>
      tpu.wait_dma2 semaphore(%run_scoped3A : memref<!tpu.dma_semaphore, #tpu.memory_space<semaphore_mem>>) src(%arg10 : memref<128xf32, #tpu.memory_space<vmem>>) dst(%dma_wait3A_49 : memref<128xf32, #tpu.memory_space<hbm>>)
      tpu.yield
    }) : () -> ()
    "tpu.region"() ({
      %run_scoped3A = tpu.sem_alloc : memref<!tpu.dma_semaphore, #tpu.memory_space<semaphore_mem>>
      %dma_start3A_39 = arith.constant 0 : i32
      %dma_start3A_40 = tpu.memref_slice %arg6[%add3A, %dma_start3A_39] : memref<32x16xi32, #tpu.memory_space<hbm>> -> memref<1x16xi32, #tpu.memory_space<hbm>>
      %dma_start3A_41 = tpu.memref_squeeze %dma_start3A_40 : memref<1x16xi32, #tpu.memory_space<hbm>> -> memref<16xi32, #tpu.memory_space<hbm>>
      %dma_start3A_42 = arith.constant 0 : i32
      %dma_start3A_43 = tpu.memref_slice %arg6[%add3A, %dma_start3A_42] : memref<32x16xi32, #tpu.memory_space<hbm>> -> memref<1x16xi32, #tpu.memory_space<hbm>>
      %dma_start3A_44 = tpu.memref_squeeze %dma_start3A_43 : memref<1x16xi32, #tpu.memory_space<hbm>> -> memref<16xi32, #tpu.memory_space<hbm>>
      tpu.enqueue_dma source(%arg11 : memref<16xi32, #tpu.memory_space<vmem>>) target(%dma_start3A_44 : memref<16xi32, #tpu.memory_space<hbm>>) target_semaphore(%run_scoped3A : memref<!tpu.dma_semaphore, #tpu.memory_space<semaphore_mem>>)
      %dma_wait3A = arith.constant 0 : i32
      %dma_wait3A_45 = tpu.memref_slice %arg6[%add3A, %dma_wait3A] : memref<32x16xi32, #tpu.memory_space<hbm>> -> memref<1x16xi32, #tpu.memory_space<hbm>>
      %dma_wait3A_46 = tpu.memref_squeeze %dma_wait3A_45 : memref<1x16xi32, #tpu.memory_space<hbm>> -> memref<16xi32, #tpu.memory_space<hbm>>
      %dma_wait3A_47 = arith.constant 0 : i32
      %dma_wait3A_48 = tpu.memref_slice %arg6[%add3A, %dma_wait3A_47] : memref<32x16xi32, #tpu.memory_space<hbm>> -> memref<1x16xi32, #tpu.memory_space<hbm>>
      %dma_wait3A_49 = tpu.memref_squeeze %dma_wait3A_48 : memref<1x16xi32, #tpu.memory_space<hbm>> -> memref<16xi32, #tpu.memory_space<hbm>>
      tpu.wait_dma2 semaphore(%run_scoped3A : memref<!tpu.dma_semaphore, #tpu.memory_space<semaphore_mem>>) src(%arg11 : memref<16xi32, #tpu.memory_space<vmem>>) dst(%dma_wait3A_49 : memref<16xi32, #tpu.memory_space<hbm>>)
      tpu.yield
    }) : () -> ()
    "tpu.region"() ({
      %run_scoped3A = tpu.sem_alloc : memref<!tpu.dma_semaphore, #tpu.memory_space<semaphore_mem>>
      %dma_start3A_39 = arith.constant 0 : i32
      %dma_start3A_40 = arith.constant 0 : i32
      %dma_start3A_41 = tpu.memref_slice %arg4[%add3A, %dma_start3A_39, %dma_start3A_40] : memref<32x64x128xi32, #tpu.memory_space<hbm>> -> memref<1x64x128xi32, #tpu.memory_space<hbm>>
      %dma_start3A_42 = tpu.memref_squeeze %dma_start3A_41 : memref<1x64x128xi32, #tpu.memory_space<hbm>> -> memref<64x128xi32, #tpu.memory_space<hbm>>
      %dma_start3A_43 = arith.constant 0 : i32
      %dma_start3A_44 = arith.constant 0 : i32
      %dma_start3A_45 = tpu.memref_slice %arg4[%add3A, %dma_start3A_43, %dma_start3A_44] : memref<32x64x128xi32, #tpu.memory_space<hbm>> -> memref<1x64x128xi32, #tpu.memory_space<hbm>>
      %dma_start3A_46 = tpu.memref_squeeze %dma_start3A_45 : memref<1x64x128xi32, #tpu.memory_space<hbm>> -> memref<64x128xi32, #tpu.memory_space<hbm>>
      tpu.enqueue_dma source(%arg9 : memref<64x128xi32, #tpu.memory_space<vmem>>) target(%dma_start3A_46 : memref<64x128xi32, #tpu.memory_space<hbm>>) target_semaphore(%run_scoped3A : memref<!tpu.dma_semaphore, #tpu.memory_space<semaphore_mem>>)
      %dma_wait3A = arith.constant 0 : i32
      %dma_wait3A_47 = arith.constant 0 : i32
      %dma_wait3A_48 = tpu.memref_slice %arg4[%add3A, %dma_wait3A, %dma_wait3A_47] : memref<32x64x128xi32, #tpu.memory_space<hbm>> -> memref<1x64x128xi32, #tpu.memory_space<hbm>>
      %dma_wait3A_49 = tpu.memref_squeeze %dma_wait3A_48 : memref<1x64x128xi32, #tpu.memory_space<hbm>> -> memref<64x128xi32, #tpu.memory_space<hbm>>
      %dma_wait3A_50 = arith.constant 0 : i32
      %dma_wait3A_51 = arith.constant 0 : i32
      %dma_wait3A_52 = tpu.memref_slice %arg4[%add3A, %dma_wait3A_50, %dma_wait3A_51] : memref<32x64x128xi32, #tpu.memory_space<hbm>> -> memref<1x64x128xi32, #tpu.memory_space<hbm>>
      %dma_wait3A_53 = tpu.memref_squeeze %dma_wait3A_52 : memref<1x64x128xi32, #tpu.memory_space<hbm>> -> memref<64x128xi32, #tpu.memory_space<hbm>>
      tpu.wait_dma2 semaphore(%run_scoped3A : memref<!tpu.dma_semaphore, #tpu.memory_space<semaphore_mem>>) src(%arg9 : memref<64x128xi32, #tpu.memory_space<vmem>>) dst(%dma_wait3A_53 : memref<64x128xi32, #tpu.memory_space<hbm>>)
      tpu.yield
    }) : () -> ()
    return
  }
}

</mosaic_0001>

<sc_bundles>
// kernel: kernel.4.cloned.1.call-start
scs
__scs_entry_jumppad:
0x0: {  	(pc) =	sbr.rel $0x88, $3  }
0x1: {  	(tag) =	ssettag $0x0;
	lr =	simm.s32 $0x1  }
0x2: {  	[smem:$0x3FA0] =	sst lr;
	_ =	strace $0xD0000000  }
0x3: {  	_ = 	snop  }
0x4: {  	_ = 	snop  }
0x5: {  	_ = 	snop  }
0x6: {  	_ = 	snop  }
0x7: {  	_ = 	snop  }
__scs_overlays_trampoline_lowered:
0x8: {  	[smem:$0x3FAF] =	sst s0  }
0x9: {  	[smem:$0x3FB0] =	sst s1  }
0xa: {  	[smem:$0x3FB1] =	sst s2  }
0xb: {  	[smem:$0x3FB2] =	sst s3  }
0xc: {  	[smem:$0x3FB3] =	sst s4  }
0xd: {  	[smem:$0x3FB4] =	sst s5  }
0xe: {  	[smem:$0x3FB5] =	sst s6  }
0xf: {  	[smem:$0x3FB6] =	sst s7  }
0x10: {  	[smem:$0x3FB7] =	sst s8  }
0x11: {  	[smem:$0x3FB8] =	sst s9;
	s0 =	simm.s32 @!p0 $0x0  }
0x12: {  	s1 =	sld [smem:$0x3F9E];
	s0 =	simm.s32 @p0 $0x1  }
0x13: {  	[smem:$0x3FB9] =	sst s0;
	s0 =	simm.s32 @!p1 $0x0  }
0x14: {  	s2 =	sld [smem:$0x3F9D];
	s0 =	simm.s32 @p1 $0x1  }
0x15: {  	[smem:$0x3FBA] =	sst s0;
	s0 =	simm.s32 @!p2 $0x0  }
0x16: {  	s3 =	sld [smem:$0x3FDB];
	s0 =	simm.s32 @p2 $0x1  }
0x17: {  	s4 =	simm.s32 $0x1BF5;
	[smem:$0x3FBC] =	sst s0  }
0x18: {  	s0 =	sld [smem:$0x3F9F];
	_ =	swait.ge [sflag:s4], $0x0  }
0x19: {  	s7 =	sld [smem:$0x3FA0]  }
0x1a: {  	s8 =	sadd.s32 $0xFFFFE003, lr  }
0x1b: {  	s9 =	sadd.s32 $0xFFFFFEF7, lr;
	s5 =	simm.s32 $0xFFFFFFFF;
	p2 =	slt.u32 s8, $0xFFFFF086  }
0x1c: {  	p1 =	slt.u32 s9, $0xF7A;
	s5 =	simm.s32 @!p2 $0x0  }
0x1d: {  	s5 =	simm.s32 @p1 $0x1;
	p0 =	seq.s32 s7, s2  }
0x1e: {  	s7 =	smul.u32 @!p0 $0xF7A, s2;
	p2 =	seq.s32 @!p0 s5, $0x0  }
0x1f: {  	s9 =	smul.u32 $0xF7A, s1;
	s8 =	simm.s32 @!p0 $0x1BF5;
	p2 =	por !p2, p0  }
0x20: {  	[sflag:s8] =	ssyncset.s32 @!p0 $0xFFFFF086;
	s6 =	sadd.s32 @!p0 s3, s7;
	s7 =	simm.s32 @!p0 $0x108  }
0x21: {  	s3 =	sadd.s32 s3, s9;
	s6 =	sadd.s32 @!p0 $0x88, s6;
	s7 =	simm.s32 @p2 $0x1082  }
0x22: {  	[simem:s7], [sflag:s8] =	dma.local @!p0 [hbm:s6], $0xF7A  }
0x23: {  	s9 =	sor.u32 $0xD0000000, s2;
	s6 =	simm.s32 $0x108;
	_ =	swait.ge @!p0 [sflag:s8], $0x0  }
0x24: {  	s3 =	sadd.s32 $0x88, s3;
	s6 =	simm.s32 @!p1 $0x1082;
	[sflag:s4] =	ssyncset.s32 $0xFFFFF086  }
0x25: {  	[simem:s6], [sflag:s4] =	dma.local [hbm:s3], $0xF7A  }
0x26: {  	[smem:$0x3FA0] =	sst s1;
	(tag) =	ssettag s2;
	_ =	strace s9  }
0x27: {  	s1 =	sld [smem:$0x3FB0]  }
0x28: {  	s2 =	sld [smem:$0x3FB1]  }
0x29: {  	s4 =	sld [smem:$0x3FB3]  }
0x2a: {  	p0 =	seq.s32 s5, $0x0;
	s5 =	sld [smem:$0x3FB4]  }
0x2b: {  	s6 =	sld [smem:$0x3FB5]  }
0x2c: {  	s7 =	sld [smem:$0x3FB6]  }
0x2d: {  	s3 =	simm.s32 $0x108;
	s8 =	sld [smem:$0x3FB7]  }
0x2e: {  	s3 =	simm.s32 @!p0 $0x1082;
	s9 =	sld [smem:$0x3FB8]  }
0x2f: {  	lr =	sadd.s32 s0, s3;
	s0 =	sld [smem:$0x3FAF]  }
0x30: {  	s3 =	sld [smem:$0x3FB2]  }
0x31: {  	[smem:$0x3FBB] =	sst s10  }
0x32: {  	s10 =	sld [smem:$0x3FB9];
	_ =	sdelay $0x3  }
0x33: {  	p0 =	seq.s32 s10, $0x1;
	s10 =	sld [smem:$0x3FBB];
	_ =	sdelay $0x3  }
0x34: {  	[smem:$0x3FBB] =	sst s10  }
0x35: {  	s10 =	sld [smem:$0x3FBA];
	_ =	sdelay $0x3  }
0x36: {  	p1 =	seq.s32 s10, $0x1;
	s10 =	sld [smem:$0x3FBB];
	_ =	sdelay $0x3  }
0x37: {  	[smem:$0x3FBB] =	sst s10  }
0x38: {  	s10 =	sld [smem:$0x3FBC]  }
0x39: {  	_ = 	snop;
	(pc) =	sbr.ind lr, $3  }
0x3a: {  	_ = 	snop  }
0x3b: {  	_ = 	snop  }
0x3c: {  	p2 =	seq.s32 s10, $0x1;
	s10 =	sld [smem:$0x3FBB]  }
0x3d: {  	_ =	shalt  }
0x3e: {  	_ =	shalt  }
0x3f: {  	_ =	shalt  }
0x40: {  	_ =	shalt  }
0x41: {  	_ =	shalt  }
0x42: {  	_ =	shalt  }
0x43: {  	_ =	shalt  }
0x44: {  	_ =	shalt  }
0x45: {  	_ =	shalt  }
0x46: {  	_ =	shalt  }
0x47: {  	_ =	shalt  }
0x48: {  	_ =	shalt  }
0x49: {  	_ =	shalt  }
0x4a: {  	_ =	shalt  }
0x4b: {  	_ =	shalt  }
0x4c: {  	_ =	shalt  }
0x4d: {  	_ =	shalt  }
0x4e: {  	_ =	shalt  }
0x4f: {  	_ =	shalt  }
0x50: {  	_ =	shalt  }
0x51: {  	_ =	shalt  }
0x52: {  	_ =	shalt  }
0x53: {  	_ =	shalt  }
0x54: {  	_ =	shalt  }
0x55: {  	_ =	shalt  }
0x56: {  	_ =	shalt  }
0x57: {  	_ =	shalt  }
0x58: {  	_ =	shalt  }
0x59: {  	_ =	shalt  }
0x5a: {  	_ =	shalt  }
0x5b: {  	_ =	shalt  }
0x5c: {  	_ =	shalt  }
0x5d: {  	_ =	shalt  }
0x5e: {  	_ =	shalt  }
0x5f: {  	_ =	shalt  }
0x60: {  	_ =	shalt  }
0x61: {  	_ =	shalt  }
0x62: {  	_ =	shalt  }
0x63: {  	_ =	shalt  }
0x64: {  	_ =	shalt  }
0x65: {  	_ =	shalt  }
0x66: {  	_ =	shalt  }
0x67: {  	_ =	shalt  }
0x68: {  	_ =	shalt  }
0x69: {  	_ =	shalt  }
0x6a: {  	_ =	shalt  }
0x6b: {  	_ =	shalt  }
0x6c: {  	_ =	shalt  }
0x6d: {  	_ =	shalt  }
0x6e: {  	_ =	shalt  }
0x6f: {  	_ =	shalt  }
0x70: {  	_ =	shalt  }
0x71: {  	_ =	shalt  }
0x72: {  	_ =	shalt  }
0x73: {  	_ =	shalt  }
0x74: {  	_ =	shalt  }
0x75: {  	_ =	shalt  }
0x76: {  	_ =	shalt  }
0x77: {  	_ =	shalt  }
0x78: {  	_ =	shalt  }
0x79: {  	_ =	shalt  }
0x7a: {  	_ =	shalt  }
0x7b: {  	_ =	shalt  }
0x7c: {  	_ =	shalt  }
0x7d: {  	_ =	shalt  }
0x7e: {  	_ =	shalt  }
0x7f: {  	_ =	shalt  }
0x80: {  	_ =	shalt  }
0x81: {  	_ =	shalt  }
0x82: {  	_ =	shalt  }
0x83: {  	_ =	shalt  }
0x84: {  	_ =	shalt  }
0x85: {  	_ =	shalt  }
0x86: {  	_ =	shalt  }
0x87: {  	_ =	shalt  }
.Lfunc_end0:
.L_simem_size_0:
called_computation_lowered:
.L_overlay_start_0:
0x88: {  	s2 =	sld [smem:$0x3FD9]  }
0x89: {  	s3 =	sld [smem:$0x3FFE];
	_ =	sdelay $0x1  }
0x8a: {  	s1 =	srdreg.scid  }
0x8b: {  	s0 =	sand.u32 $0x1, s1  }
0x8c: {  	s17 =	sshll.u32 s0, $0xA;
	s2 =	sadd.s32 s3, s2  }
0x8d: {  	s2 =	sadd.s32 s2, s17  }
0x8e: {  	[smem:$0x3FC7] =	sst s2  }
0x8f: {  	_ = 	snop  }
0x90: {  	s2 =	sld [smem:$0x3FC9]  }
0x91: {  	s18 =	sld [smem:$0x3FD0];
	(tm) =	ssettm $0x1  }
0x92: {  	s4 =	sld [smem:$0x3FFB];
	_ =	sdelay $0x3  }
0x93: {  	_ =	strace s4  }
0x94: {  	s4 =	sld [smem:$0x3FFC];
	_ =	sdelay $0x3  }
0x95: {  	_ =	strace s4  }
0x96: {  	s4 =	sld [smem:$0x3FFD];
	_ =	sdelay $0x3  }
0x97: {  	_ =	strace s4  }
0x98: {  	_ =	strace $0x8FFFFFFF  }
0x99: {  	s19 =	sld [smem:$0x3FDB];
	_ =	sdelay $0x1  }
0x9a: {  	s5 =	simm.s32 $_scs_section_size  }
0x9b: {  	s6 =	simm.s32 $_size__tile_overlayer_lowered;
	s7 =	simm.s32 $_tile_overlayer_lowered  }
0x9c: {  	s22 =	simm.s32 $0x1BFF;
	s21 =	sshll.u32 s7, $0x1;
	s4 =	sadd.s32 s5, s19  }
0x9d: {  	s8 =	simm.s32 $0x0;
	s20 =	sshll.u32 s6, $0x1;
	s6 =	sadd.s32 s21, s4  }
0x9e: {  	[timem:s8], [sflag:s22] =	dma.local [hbm:s6], s20  }
0x9f: {  	_ =	swait.ge [sflag:s22], s20  }
0xa0: {  	s5 =	ssub.s32 $0x0, s20;
	[sflag:s22] =	ssyncset.done $0x0  }
0xa1: {  	[sflag:s22] =	ssyncadd.s32 s5;
	_ =	sdelay $0x1  }
0xa2: {  	s23 =	simm.s32 $0x1B8B  }
0xa3: {  	_ =	swait.ge [sflag:s23], $0x1  }
0xa4: {  	[sflag:s23] =	ssyncset.done $0x0  }
0xa5: {  	s25 =	simm.s32 $0x1B8E;
	s24 =	sld [smem:$0x3FFE];
	[sflag:s23] =	ssyncadd.s32 $0xFFFFFFFF  }
0xa6: {  	s26 =	simm.s32 $execute0_lowered;
	[smem:$0x3FD2] =	sst s25  }
0xa7: {  	s6 =	sshll.u32 s26, $0x1;
	_ =	strace $0x80000046;
	[dreg:$0x1] =	wrdreg $0xFFFFFFFF  }
0xa8: {  	s28 =	simm.s32 $_size_execute0_lowered;
	s4 =	sadd.s32 s4, s6;
	[dreg:$0x0] =	wrdreg $0x0  }
0xa9: {  	s6 =	sshll.u32 s28, $0x1;
	[dreg:$0x2] =	wrdreg s4  }
0xaa: {  	[dreg:$0x3] =	wrdreg s6  }
0xab: {  	[dreg:$0x4] =	wrdreg $0xC0  }
0xac: {  	_ =	task [dreg:s8], $0x5FFFF  }
0xad: {  	[dreg:$0x1] =	wrdreg $0xFFFFFFFF  }
0xae: {  	[dreg:$0x0] =	wrdreg $0x60  }
0xaf: {  	[dreg:$0x2] =	wrdreg s2  }
0xb0: {  	[dreg:$0x3] =	wrdreg s18  }
0xb1: {  	[dreg:$0x4] =	wrdreg s24  }
0xb2: {  	[dreg:$0x5] =	wrdreg $0x9  }
0xb3: {  	_ =	task.clear_ibuf [dreg:s8], $0x6FFFF;
	_ =	strace $0x90000046  }
0xb4: {  	s29 =	simm.s32 $0x9;
	_ =	strace $0x80000048  }
0xb5: {  	_ =	swait.ge [sflag:s29], $0x1  }
0xb6: {  	[sflag:s29] =	ssyncadd.s32 $0xFFFFFFFF  }
0xb7: {  	_ =	strace $0x90000048  }
0xb8: {  	_ =	sfence  }
0xb9: {  	s30 =	sld [smem:$0x0];
	_ =	sdelay $0x2  }
0xba: {  	s31 =	sshll.u32 s1, $0xD;
	s1 =	sshrl.u32 s1, $0x2  }
0xbb: {  	s3 =	sand.u32 $0x4000, s31;
	s1 =	sadd.s32 s1, s30  }
0xbc: {  	s0 =	sor.u32 s3, s0;
	s1 =	sshll.u32 s1, $0x11  }
0xbd: {  	s0 =	sor.u32 s1, s0  }
0xbe: {  	s0 =	sadd.s32 $0x8F2B, s0  }
0xbf: {  	[sflag:s0] =	ssyncadd.remote.s32 $0x1  }
0xc0: {  	_ =	sfence.sel $0xFFFF  }
0xc1: {  	[dreg:$0x0] =	wrdreg $0xFFFFFFFF;
	(pc) =	sbr.abs _section_cstart, $3  }
0xc2: {  	[dreg:$0x1] =	wrdreg $0xFFFFFFFF  }
0xc3: {  	_ =	task.clear_ibuf [dreg:s8], $0x2FFFF;
	_ =	strace $0x9FFFFFFF  }
0xc4: {  	(tm) =	ssettm $0x7FFFFFFF  }
0xc5: {  	_ =	shalt  }
tec
execute0_lowered:
.L_overlay_start_1:
0x0: {  	(tag) =	ssettag $0x1  }
0x1: {  	s4 =	rddreg [dreg:$0x0]  }
0x2: {  	s2 =	rddreg [dreg:$0x1]  }
0x3: {  	s1 =	srdreg.scid;
	s0 =	stileid.u32  }
0x4: {  	s5 =	rddreg [dreg:$0x2];
	s3 =	simm.s32 $0x0;
	s16 =	simm.s32 $0x10000  }
0x5: {  	s17 =	simm.s32 $0x3;
	s18 =	simm.s32 $0x2;
	s19 =	simm.s32 $0x4  }
0x6: {  	s20 =	simm.s32 $0x12000;
	s21 =	simm.s32 $0x5;
	s22 =	simm.s32 $0x12080  }
0x7: {  	s23 =	simm.s32 $0x0;
	s12 =	sand.u32 $0x1, s1;
	s1 =	rddreg [dreg:$0x3]  }
0x8: {  	s6 =	sshll.u32 s0, $0x1;
	[smem:$0x7FF] =	sst s3;
	s31 =	sshll.u32 s0, $0xE  }
0x9: {  	s6 =	sor.u32 s12, s6;
	_ =	strace $0x80000047;
	s30 =	ssub.s32 $0x2, s12  }
0xa: {  	s15 =	sshll.u32 s12, $0xD;
	s7 =	sshll.u32 s6, $0xA;
	s8 =	sshll.u32 s6, $0x4  }
0xb: {  	s9 =	sshrl.u32 s30, $0x1;
	s10 =	sshll.u32 s6, $0x11;
	s11 =	sadd.s32 s7, s5  }
.Ltmp0:
0xc: {  	s13 =	sadd.s32 s8, s5;
	s4 =	sadd.s32 s4, s10;
	(pc) =	sbr.rel .LBB2_1-.Ltmp0, $4  }
0xd: {  	s14 =	ssub.s32 s30, s9;
	s5 =	sshll.u32 s6, $0xD;
	s6 =	sadd.s32 $0x1000, s4  }
0xe: {  	s7 =	sadd.s32 $0x2000, s4;
	s8 =	sadd.s32 $0x3000, s4;
	s9 =	sadd.s32 $0x8C00, s13  }
0xf: {  	s10 =	sadd.s32 $0x8E00, s13;
	s11 =	sadd.s32 $0xC00, s11;
	s12 =	smax.u32 s14, $0x1  }
0x10: {  	vm0 =	vmmov $0x1;
	v0 =	vimm.s32 $0x0;
	s13 =	sor.u32 s15, s31;
	s14 =	simm.s32 $0x8000;
	s15 =	simm.s32 $0x1  }
.LBB2_8:
0x11: {  	[tilespmem:$0x12000] =	vst v8  }
0x12: {  	[tilespmem:$0x12010] =	vst v7  }
0x13: {  	[tilespmem:$0x12020] =	vst v6  }
0x14: {  	[tilespmem:$0x12030] =	vst v4  }
0x15: {  	[tilespmem:$0x12040] =	vst v5  }
0x16: {  	[tilespmem:$0x12050] =	vst v2  }
0x17: {  	[tilespmem:$0x12080] =	vst v9  }
0x18: {  	[tilespmem:$0x12060] =	vst v3  }
0x19: {  	[tilespmem:$0x12070] =	vst v1  }
0x1a: {  	[hbm4b:s9+s3] =	stream.linear.scatter [tilespmem:s20], [sflag:$0x5], $0x80, $0x38;
	[tilespmem:$0x12100] =	vst v63  }
0x1b: {  	_ =	swait.ge [sflag:s21], $0x80  }
0x1c: {  	[sflag:s21] =	ssyncset.done $0x0  }
0x1d: {  	[sflag:s21] =	ssyncadd.s32 $0xFFFFFF80  }
0x1e: {  	[hbm4b:s10+s3] =	stream.linear.scatter [tilespmem:s22], [sflag:$0x5], $0x80, $0x38;
	[tilespmem:$0x12100] =	vst v63  }
0x1f: {  	s23 =	sadd.s32 $0x1, s23;
	_ =	swait.ge [sflag:s21], $0x80  }
0x20: {  	p0 =	sne.s32 s23, s12;
	[sflag:s21] =	ssyncset.done $0x0  }
.Ltmp1:
0x21: {  	[sflag:s21] =	ssyncadd.s32 $0xFFFFFF80;
	(pc) =	sbr.rel @!p0 .LBB2_9-.Ltmp1, $4  }
0x22: {  	[hbm4b:s11+s3] =	stream.linear.scatter [tilespmem:s16], [sflag:$0x5], $0x2000, $0x38;
	[tilespmem:$0x12100] =	vst v63  }
0x23: {  	_ =	swait.ge [sflag:s21], $0x2000  }
0x24: {  	[sflag:s21] =	ssyncset.done $0x0  }
0x25: {  	[sflag:s21] =	ssyncadd.s32 $0xFFFFE000  }
.LBB2_1:
0x26: {  	[tilespmem:s3], [sflag:$0x1] =	stream.linear.gather [hbm4b:s4+s3], $0x8000, $0x38;
	v1 =	vimm.f32 $0.0e+00;
	v9 =	vimm.s32 $0x0;
	v3 =	vimm.f32 $0.0e+00;
	[tilespmem:$0x12100] =	vst v63  }
0x27: {  	v2 =	vimm.f32 $0.0e+00;
	v5 =	vimm.f32 $0.0e+00;
	v4 =	vimm.f32 $0.0e+00;
	s24 =	smov.u32 s13;
	s25 =	simm.s32 $0x0  }
0x28: {  	v6 =	vimm.f32 $0.0e+00;
	v7 =	vimm.f32 $0.0e+00;
	v8 =	vimm.f32 $0.0e+00;
	[tilespmem:s14], [sflag:$0x2] =	stream.linear.gather [hbm4b:s6+s3], $0x8000, $0x38;
	[tilespmem:$0x12100] =	vst v63  }
.LBB2_2:
0x29: {  	s26 =	sshll.u32 s25, $0x9  }
0x2a: {  	_ =	swait.ge [sflag:s15], $0x8000;
	s26 =	sor.u32 s5, s26  }
0x2b: {  	[sflag:s15] =	ssyncset.done $0x0;
	s28 =	sshll.u32 s26, $0x4  }
0x2c: {  	[sflag:s15] =	ssyncadd.s32 $0xFFFF8000;
	s26 =	simm.s32 $0x0;
	s29 =	sadd.s32 s2, s28  }
0x2d: {  	[hbm4b:s29+s26] =	stream.linear.scatter [tilespmem:s26], [sflag:$0x3], $0x8000, $0x38;
	[tilespmem:$0x12100] =	vst v63  }
0x2e: {  	s29 =	simm.s32 $0x100  }
.LBB2_3:
0x2f: {  	v10 =	vld [tilespmem:s29+$0xFFFFFF00]  }
0x30: {  	v11 =	vld [tilespmem:s29+$0xFFFFFF10]  }
0x31: {  	v12 =	vld [tilespmem:s29+$0xFFFFFF20]  }
0x32: {  	v13 =	vld [tilespmem:s29+$0xFFFFFF30]  }
0x33: {  	v14 =	vld [tilespmem:s29+$0xFFFFFF40]  }
0x34: {  	v15 =	vld [tilespmem:s29+$0xFFFFFF50]  }
0x35: {  	v16 =	vld [tilespmem:s29+$0xFFFFFF60];
	v17 =	vor.u32 v10, v11  }
0x36: {  	v18 =	vld [tilespmem:s29+$0xFFFFFF70];
	v17 =	vor.u32 v12, v17  }
0x37: {  	v17 =	vor.u32 v13, v17  }
0x38: {  	v17 =	vor.u32 v14, v17  }
0x39: {  	v17 =	vor.u32 v15, v17  }
0x3a: {  	v17 =	vor.u32 v16, v17  }
0x3b: {  	v17 =	vor.u32 v18, v17  }
0x3c: {  	v17 =	vand.u32 $0x7FFFFFFF, v17  }
0x3d: {  	vm1 =	vne.s32 v17, $0x0  }
0x3e: {  	v17 =	vmpcnt.ones.xlane vm1;
	_ =	sdelay $0x1  }
0x3f: {  	vm1 =	veq.s32 v17, $0x0  }
0x40: {  	vm2 =	vmand vm1, vm0;
	_ =	sdelay $0x3  }
0x41: {  	s30 =	sadd.s32 s26, s24  }
0x42: {  	v59 =	vmov s30  }
0x43: {  	[tilespmem:v9+s16+$0x0] =	vst.idx.msk vm2, v59  }
0x44: {  	v17 =	vld [tilespmem:s29+$0xFFFFFF80]  }
0x45: {  	v19 =	vld [tilespmem:s29+$0xFFFFFF90]  }
0x46: {  	v20 =	vld [tilespmem:s29+$0xFFFFFFA0]  }
0x47: {  	v21 =	vld [tilespmem:s29+$0xFFFFFFB0]  }
0x48: {  	v22 =	vld [tilespmem:s29+$0xFFFFFFC0]  }
0x49: {  	v23 =	vld [tilespmem:s29+$0xFFFFFFD0]  }
0x4a: {  	v24 =	vld [tilespmem:s29+$0xFFFFFFE0];
	v25 =	vor.u32 v17, v19  }
0x4b: {  	v26 =	vld [tilespmem:s29+$0xFFFFFFF0];
	v25 =	vor.u32 v20, v25  }
0x4c: {  	v25 =	vor.u32 v21, v25  }
0x4d: {  	v25 =	vor.u32 v22, v25  }
0x4e: {  	v25 =	vor.u32 v23, v25  }
0x4f: {  	v25 =	vor.u32 v24, v25  }
0x50: {  	v25 =	vor.u32 v26, v25  }
0x51: {  	v25 =	vand.u32 $0x7FFFFFFF, v25  }
0x52: {  	vm2 =	vne.s32 v25, $0x0  }
0x53: {  	v25 =	vmpcnt.ones.xlane vm2;
	_ =	sdelay $0x1  }
0x54: {  	vm2 =	veq.s32 v25, $0x0  }
0x55: {  	v60 =	vsel vm1, $0x1, v0;
	vm1 =	vmand vm2, vm0  }
0x56: {  	v9 =	vadd.s32 v60, v9;
	_ =	sdelay $0x2  }
0x57: {  	s31 =	sadd.s32 $0x1, s30  }
0x58: {  	v61 =	vmov s31  }
0x59: {  	[tilespmem:v9+s16+$0x0] =	vst.idx.msk vm1, v61  }
0x5a: {  	v25 =	vld [tilespmem:s29+$0x0]  }
0x5b: {  	v27 =	vld [tilespmem:s29+$0x10]  }
0x5c: {  	v28 =	vld [tilespmem:s29+$0x20]  }
0x5d: {  	v29 =	vld [tilespmem:s29+$0x30]  }
0x5e: {  	v30 =	vld [tilespmem:s29+$0x40]  }
0x5f: {  	v31 =	vld [tilespmem:s29+$0x50]  }
0x60: {  	v32 =	vld [tilespmem:s29+$0x60];
	v33 =	vor.u32 v25, v27  }
0x61: {  	v34 =	vld [tilespmem:s29+$0x70];
	v33 =	vor.u32 v28, v33  }
0x62: {  	v33 =	vor.u32 v29, v33  }
0x63: {  	v33 =	vor.u32 v30, v33  }
0x64: {  	v33 =	vor.u32 v31, v33  }
0x65: {  	v33 =	vor.u32 v32, v33  }
0x66: {  	v33 =	vor.u32 v34, v33  }
0x67: {  	v33 =	vand.u32 $0x7FFFFFFF, v33  }
0x68: {  	vm1 =	vne.s32 v33, $0x0  }
0x69: {  	v33 =	vmpcnt.ones.xlane vm1;
	_ =	sdelay $0x1  }
0x6a: {  	vm1 =	veq.s32 v33, $0x0  }
0x6b: {  	v62 =	vsel vm2, $0x1, v0;
	vm2 =	vmand vm1, vm0  }
0x6c: {  	v9 =	vadd.s32 v62, v9;
	_ =	sdelay $0x2  }
0x6d: {  	s31 =	sadd.s32 $0x2, s30  }
0x6e: {  	v63 =	vmov s31  }
0x6f: {  	[tilespmem:v9+s16+$0x0] =	vst.idx.msk vm2, v63  }
0x70: {  	v33 =	vld [tilespmem:s29+$0x80]  }
0x71: {  	v35 =	vld [tilespmem:s29+$0x90]  }
0x72: {  	v36 =	vld [tilespmem:s29+$0xA0]  }
0x73: {  	v37 =	vld [tilespmem:s29+$0xB0]  }
0x74: {  	v38 =	vld [tilespmem:s29+$0xC0]  }
0x75: {  	v39 =	vld [tilespmem:s29+$0xD0]  }
0x76: {  	v40 =	vld [tilespmem:s29+$0xE0];
	v41 =	vor.u32 v33, v35  }
0x77: {  	v42 =	vld [tilespmem:s29+$0xF0];
	v41 =	vor.u32 v36, v41  }
0x78: {  	v41 =	vor.u32 v37, v41  }
0x79: {  	v8 =	vadd.f32 v10, v8;
	v10 =	vor.u32 v38, v41  }
0x7a: {  	v7 =	vadd.f32 v11, v7;
	v6 =	vadd.f32 v12, v6;
	v10 =	vor.u32 v39, v10  }
0x7b: {  	v4 =	vadd.f32 v13, v4;
	v5 =	vadd.f32 v14, v5;
	v10 =	vor.u32 v40, v10  }
0x7c: {  	v2 =	vadd.f32 v15, v2;
	v3 =	vadd.f32 v16, v3;
	v10 =	vor.u32 v42, v10  }
0x7d: {  	v1 =	vadd.f32 v18, v1;
	v8 =	vadd.f32 v17, v8;
	v10 =	vand.u32 $0x7FFFFFFF, v10  }
0x7e: {  	v7 =	vadd.f32 v19, v7;
	v6 =	vadd.f32 v20, v6;
	vm2 =	vne.s32 v10, $0x0  }
0x7f: {  	v4 =	vadd.f32 v21, v4;
	v5 =	vadd.f32 v22, v5;
	v10 =	vmpcnt.ones.xlane vm2  }
0x80: {  	v2 =	vadd.f32 v23, v2;
	v3 =	vadd.f32 v24, v3  }
0x81: {  	v1 =	vadd.f32 v26, v1;
	v8 =	vadd.f32 v25, v8;
	vm2 =	veq.s32 v10, $0x0  }
0x82: {  	v7 =	vadd.f32 v27, v7;
	v10 =	vsel vm1, $0x1, v0;
	vm1 =	vmand vm2, vm0  }
0x83: {  	v6 =	vadd.f32 v28, v6;
	v4 =	vadd.f32 v29, v4;
	v9 =	vadd.s32 v10, v9  }
0x84: {  	p0 =	sne.s32 s26, $0xFC;
	v5 =	vadd.f32 v30, v5;
	v2 =	vadd.f32 v31, v2  }
.Ltmp2:
0x85: {  	v3 =	vadd.f32 v32, v3;
	v1 =	vadd.f32 v34, v1;
	(pc) =	sbr.rel @p0 .LBB2_3-.Ltmp2, $4  }
0x86: {  	s30 =	sadd.s32 $0x3, s30;
	v8 =	vadd.f32 v33, v8;
	v7 =	vadd.f32 v35, v7  }
0x87: {  	v6 =	vadd.f32 v36, v6;
	v4 =	vadd.f32 v37, v4;
	v10 =	vmov s30  }
0x88: {  	v5 =	vadd.f32 v38, v5;
	v2 =	vadd.f32 v39, v2;
	[tilespmem:v9+s16+$0x0] =	vst.idx.msk vm1, v10;
	v10 =	vsel vm2, $0x1, v0  }
0x89: {  	s26 =	sadd.s32 $0x4, s26;
	s29 =	sadd.s32 $0x200, s29;
	v3 =	vadd.f32 v40, v3;
	v1 =	vadd.f32 v42, v1;
	v9 =	vadd.s32 v10, v9  }
0x8a: {  	_ =	swait.ge [sflag:s17], $0x8000  }
0x8b: {  	s26 =	sshll.u32 s25, $0xD;
	p0 =	seq.s32 s25, $0xF;
	[sflag:s17] =	ssyncset.done $0x0  }
0x8c: {  	s29 =	sadd.s32 @!p0 s26, s7;
	s30 =	simm.s32 @!p0 $0x0;
	[sflag:s17] =	ssyncadd.s32 $0xFFFF8000  }
0x8d: {  	[tilespmem:s30], [sflag:$0x1] =	stream.linear.gather @!p0 [hbm4b:s29+s30], $0x8000, $0x38;
	[tilespmem:$0x12100] =	vst v63  }
0x8e: {  	_ =	swait.ge [sflag:s18], $0x8000  }
0x8f: {  	s28 =	sadd.s32 s28, s2;
	[sflag:s18] =	ssyncset.done $0x0  }
0x90: {  	s29 =	sadd.s32 $0x1000, s28;
	s28 =	simm.s32 $0x0;
	[sflag:s18] =	ssyncadd.s32 $0xFFFF8000  }
0x91: {  	[hbm4b:s29+s28] =	stream.linear.scatter [tilespmem:s14], [sflag:$0x4], $0x8000, $0x38;
	[tilespmem:$0x12100] =	vst v63  }
0x92: {  	s29 =	simm.s32 $0x8100  }
.LBB2_5:
0x93: {  	v10 =	vld [tilespmem:s29+$0xFFFFFF00]  }
0x94: {  	v11 =	vld [tilespmem:s29+$0xFFFFFF10]  }
0x95: {  	v12 =	vld [tilespmem:s29+$0xFFFFFF20]  }
0x96: {  	v13 =	vld [tilespmem:s29+$0xFFFFFF30]  }
0x97: {  	v14 =	vld [tilespmem:s29+$0xFFFFFF40]  }
0x98: {  	v15 =	vld [tilespmem:s29+$0xFFFFFF50]  }
0x99: {  	v16 =	vld [tilespmem:s29+$0xFFFFFF60];
	v17 =	vor.u32 v10, v11  }
0x9a: {  	v18 =	vld [tilespmem:s29+$0xFFFFFF70];
	v17 =	vor.u32 v12, v17  }
0x9b: {  	v17 =	vor.u32 v13, v17  }
0x9c: {  	v17 =	vor.u32 v14, v17  }
0x9d: {  	v17 =	vor.u32 v15, v17  }
0x9e: {  	v17 =	vor.u32 v16, v17  }
0x9f: {  	v17 =	vor.u32 v18, v17  }
0xa0: {  	v17 =	vand.u32 $0x7FFFFFFF, v17  }
0xa1: {  	vm1 =	vne.s32 v17, $0x0  }
0xa2: {  	v17 =	vmpcnt.ones.xlane vm1;
	_ =	sdelay $0x1  }
0xa3: {  	vm1 =	veq.s32 v17, $0x0  }
0xa4: {  	vm2 =	vmand vm1, vm0;
	_ =	sdelay $0x2  }
0xa5: {  	s30 =	sadd.s32 s28, s24  }
0xa6: {  	s31 =	sadd.s32 $0x100, s30  }
0xa7: {  	v59 =	vmov s31  }
0xa8: {  	[tilespmem:v9+s16+$0x0] =	vst.idx.msk vm2, v59  }
0xa9: {  	v17 =	vld [tilespmem:s29+$0xFFFFFF80]  }
0xaa: {  	v19 =	vld [tilespmem:s29+$0xFFFFFF90]  }
0xab: {  	v20 =	vld [tilespmem:s29+$0xFFFFFFA0]  }
0xac: {  	v21 =	vld [tilespmem:s29+$0xFFFFFFB0]  }
0xad: {  	v22 =	vld [tilespmem:s29+$0xFFFFFFC0]  }
0xae: {  	v23 =	vld [tilespmem:s29+$0xFFFFFFD0]  }
0xaf: {  	v24 =	vld [tilespmem:s29+$0xFFFFFFE0];
	v25 =	vor.u32 v17, v19  }
0xb0: {  	v26 =	vld [tilespmem:s29+$0xFFFFFFF0];
	v25 =	vor.u32 v20, v25  }
0xb1: {  	v25 =	vor.u32 v21, v25  }
0xb2: {  	v25 =	vor.u32 v22, v25  }
0xb3: {  	v25 =	vor.u32 v23, v25  }
0xb4: {  	v25 =	vor.u32 v24, v25  }
0xb5: {  	v25 =	vor.u32 v26, v25  }
0xb6: {  	v25 =	vand.u32 $0x7FFFFFFF, v25  }
0xb7: {  	vm2 =	vne.s32 v25, $0x0  }
0xb8: {  	v25 =	vmpcnt.ones.xlane vm2;
	_ =	sdelay $0x1  }
0xb9: {  	vm2 =	veq.s32 v25, $0x0  }
0xba: {  	v60 =	vsel vm1, $0x1, v0;
	vm1 =	vmand vm2, vm0  }
0xbb: {  	v9 =	vadd.s32 v60, v9;
	_ =	sdelay $0x2  }
0xbc: {  	s31 =	sadd.s32 $0x101, s30  }
0xbd: {  	v61 =	vmov s31  }
0xbe: {  	[tilespmem:v9+s16+$0x0] =	vst.idx.msk vm1, v61  }
0xbf: {  	v25 =	vld [tilespmem:s29+$0x0]  }
0xc0: {  	v27 =	vld [tilespmem:s29+$0x10]  }
0xc1: {  	v28 =	vld [tilespmem:s29+$0x20]  }
0xc2: {  	v29 =	vld [tilespmem:s29+$0x30]  }
0xc3: {  	v30 =	vld [tilespmem:s29+$0x40]  }
0xc4: {  	v31 =	vld [tilespmem:s29+$0x50]  }
0xc5: {  	v32 =	vld [tilespmem:s29+$0x60];
	v33 =	vor.u32 v25, v27  }
0xc6: {  	v34 =	vld [tilespmem:s29+$0x70];
	v33 =	vor.u32 v28, v33  }
0xc7: {  	v33 =	vor.u32 v29, v33  }
0xc8: {  	v33 =	vor.u32 v30, v33  }
0xc9: {  	v33 =	vor.u32 v31, v33  }
0xca: {  	v33 =	vor.u32 v32, v33  }
0xcb: {  	v33 =	vor.u32 v34, v33  }
0xcc: {  	v33 =	vand.u32 $0x7FFFFFFF, v33  }
0xcd: {  	vm1 =	vne.s32 v33, $0x0  }
0xce: {  	v33 =	vmpcnt.ones.xlane vm1;
	_ =	sdelay $0x1  }
0xcf: {  	vm1 =	veq.s32 v33, $0x0  }
0xd0: {  	v62 =	vsel vm2, $0x1, v0;
	vm2 =	vmand vm1, vm0  }
0xd1: {  	v9 =	vadd.s32 v62, v9;
	_ =	sdelay $0x2  }
0xd2: {  	s31 =	sadd.s32 $0x102, s30  }
0xd3: {  	v63 =	vmov s31  }
0xd4: {  	[tilespmem:v9+s16+$0x0] =	vst.idx.msk vm2, v63  }
0xd5: {  	v33 =	vld [tilespmem:s29+$0x80]  }
0xd6: {  	v35 =	vld [tilespmem:s29+$0x90]  }
0xd7: {  	v36 =	vld [tilespmem:s29+$0xA0]  }
0xd8: {  	v37 =	vld [tilespmem:s29+$0xB0]  }
0xd9: {  	v38 =	vld [tilespmem:s29+$0xC0]  }
0xda: {  	v39 =	vld [tilespmem:s29+$0xD0]  }
0xdb: {  	v40 =	vld [tilespmem:s29+$0xE0];
	v41 =	vor.u32 v33, v35  }
0xdc: {  	v42 =	vld [tilespmem:s29+$0xF0];
	v41 =	vor.u32 v36, v41  }
0xdd: {  	v41 =	vor.u32 v37, v41  }
0xde: {  	v8 =	vadd.f32 v10, v8;
	v10 =	vor.u32 v38, v41  }
0xdf: {  	v7 =	vadd.f32 v11, v7;
	v6 =	vadd.f32 v12, v6;
	v10 =	vor.u32 v39, v10  }
0xe0: {  	v4 =	vadd.f32 v13, v4;
	v5 =	vadd.f32 v14, v5;
	v10 =	vor.u32 v40, v10  }
0xe1: {  	v2 =	vadd.f32 v15, v2;
	v3 =	vadd.f32 v16, v3;
	v10 =	vor.u32 v42, v10  }
0xe2: {  	v1 =	vadd.f32 v18, v1;
	v8 =	vadd.f32 v17, v8;
	v10 =	vand.u32 $0x7FFFFFFF, v10  }
0xe3: {  	v7 =	vadd.f32 v19, v7;
	v6 =	vadd.f32 v20, v6;
	vm2 =	vne.s32 v10, $0x0  }
0xe4: {  	v4 =	vadd.f32 v21, v4;
	v5 =	vadd.f32 v22, v5;
	v10 =	vmpcnt.ones.xlane vm2  }
0xe5: {  	v2 =	vadd.f32 v23, v2;
	v3 =	vadd.f32 v24, v3  }
0xe6: {  	v1 =	vadd.f32 v26, v1;
	v8 =	vadd.f32 v25, v8;
	vm2 =	veq.s32 v10, $0x0  }
0xe7: {  	v7 =	vadd.f32 v27, v7;
	v10 =	vsel vm1, $0x1, v0;
	vm1 =	vmand vm2, vm0  }
0xe8: {  	v6 =	vadd.f32 v28, v6;
	v4 =	vadd.f32 v29, v4;
	v9 =	vadd.s32 v10, v9  }
0xe9: {  	p1 =	sne.s32 s28, $0xFC;
	v5 =	vadd.f32 v30, v5;
	v2 =	vadd.f32 v31, v2  }
.Ltmp3:
0xea: {  	v3 =	vadd.f32 v32, v3;
	v1 =	vadd.f32 v34, v1;
	(pc) =	sbr.rel @p1 .LBB2_5-.Ltmp3, $4  }
0xeb: {  	s30 =	sadd.s32 $0x103, s30;
	v8 =	vadd.f32 v33, v8;
	v7 =	vadd.f32 v35, v7  }
0xec: {  	v6 =	vadd.f32 v36, v6;
	v4 =	vadd.f32 v37, v4;
	v10 =	vmov s30  }
0xed: {  	v5 =	vadd.f32 v38, v5;
	v2 =	vadd.f32 v39, v2;
	[tilespmem:v9+s16+$0x0] =	vst.idx.msk vm1, v10;
	v10 =	vsel vm2, $0x1, v0  }
0xee: {  	s28 =	sadd.s32 $0x4, s28;
	s29 =	sadd.s32 $0x200, s29;
	v3 =	vadd.f32 v40, v3;
	v1 =	vadd.f32 v42, v1;
	v9 =	vadd.s32 v10, v9  }
.Ltmp4:
0xef: {  	(pc) =	sbr.rel @p0 .LBB2_8-.Ltmp4, $4  }
0xf0: {  	_ = 	snop  }
0xf1: {  	_ =	swait.ge [sflag:s19], $0x8000  }
0xf2: {  	[sflag:s19] =	ssyncset.done $0x0  }
0xf3: {  	[sflag:s19] =	ssyncadd.s32 $0xFFFF8000  }
.Ltmp5:
0xf4: {  	(pc) =	sbr.rel .LBB2_2-.Ltmp5, $3  }
0xf5: {  	_ =	sdelay $0x1  }
0xf6: {  	s26 =	sadd.s32 s26, s8;
	s25 =	sadd.s32 $0x1, s25;
	s24 =	sadd.s32 $0x200, s24  }
0xf7: {  	[tilespmem:s14], [sflag:$0x2] =	stream.linear.gather [hbm4b:s26+s3], $0x8000, $0x38;
	[tilespmem:$0x12100] =	vst v63  }
.LBB2_9:
0xf8: {  	_ =	sfence.sel $0x180000  }
0xf9: {  	[bflag:$0x0] =	sbarrier.arrive $0xFFFF  }
0xfa: {  	p0 =	sne.s32 s0, $0x0;
	_ =	strace $0x90000047  }
0xfb: {  	s0 =	sadd.s32 @!p0 $0x100000, s1;
	[bflag:$0x2] =	sbarrier.arrive $0xFFFF  }
0xfc: {  	[sflag:s0] =	ssyncadd.tile.s32 @!p0 $0x1;
	_ =	shalt  }
.Lfunc_end2:
_tile_overlayer_lowered:
.L_overlay_start_2:
0xfd: {  	(tag) =	ssettag $0x2  }
0xfe: {  	s0 =	rddreg [dreg:$0x0];
	s2 =	stileid.u32  }
0xff: {  	s1 =	rddreg [dreg:$0x1];
	p0 =	sne.s32 s2, $0x0  }
0x100: {  	s3 =	rddreg [dreg:$0x2];
	[bflag:$0x3] =	sbarrier.arrive $0xFFFF;
	s2 =	simm.s32 @!p0 $0x1C05  }
0x101: {  	[timem:s3], [sflag:s2] =	dma.local @!p0 [hbm:s0], s1  }
0x102: {  	s0 =	simm.s32 @!p0 $0x5  }
0x103: {  	_ =	swait.ge @!p0 [sflag:s0], s1  }
0x104: {  	s1 =	ssub.s32 @!p0 $0x0, s1;
	[sflag:s0] =	ssyncset.done @!p0 $0x0  }
0x105: {  	[sflag:s0] =	ssyncadd.s32 @!p0 s1  }
0x106: {  	[bflag:$0x3] =	sbarrier.arrive $0xFFFF  }
0x107: {  	_ =	shalt  }

// kernel: kernel.7.cloned.1.call-start
scs
__scs_entry_jumppad:
0x0: {  	(pc) =	sbr.rel $0x88, $3  }
0x1: {  	(tag) =	ssettag $0x0;
	lr =	simm.s32 $0x1  }
0x2: {  	[smem:$0x3FA0] =	sst lr;
	_ =	strace $0xD0000000  }
0x3: {  	_ = 	snop  }
0x4: {  	_ = 	snop  }
0x5: {  	_ = 	snop  }
0x6: {  	_ = 	snop  }
0x7: {  	_ = 	snop  }
__scs_overlays_trampoline_lowered:
0x8: {  	[smem:$0x3FAF] =	sst s0  }
0x9: {  	[smem:$0x3FB0] =	sst s1  }
0xa: {  	[smem:$0x3FB1] =	sst s2  }
0xb: {  	[smem:$0x3FB2] =	sst s3  }
0xc: {  	[smem:$0x3FB3] =	sst s4  }
0xd: {  	[smem:$0x3FB4] =	sst s5  }
0xe: {  	[smem:$0x3FB5] =	sst s6  }
0xf: {  	[smem:$0x3FB6] =	sst s7  }
0x10: {  	[smem:$0x3FB7] =	sst s8  }
0x11: {  	[smem:$0x3FB8] =	sst s9;
	s0 =	simm.s32 @!p0 $0x0  }
0x12: {  	s1 =	sld [smem:$0x3F9E];
	s0 =	simm.s32 @p0 $0x1  }
0x13: {  	[smem:$0x3FB9] =	sst s0;
	s0 =	simm.s32 @!p1 $0x0  }
0x14: {  	s2 =	sld [smem:$0x3F9D];
	s0 =	simm.s32 @p1 $0x1  }
0x15: {  	[smem:$0x3FBA] =	sst s0;
	s0 =	simm.s32 @!p2 $0x0  }
0x16: {  	s3 =	sld [smem:$0x3FDB];
	s0 =	simm.s32 @p2 $0x1  }
0x17: {  	s4 =	simm.s32 $0x1BF5;
	[smem:$0x3FBC] =	sst s0  }
0x18: {  	s0 =	sld [smem:$0x3F9F];
	_ =	swait.ge [sflag:s4], $0x0  }
0x19: {  	s7 =	sld [smem:$0x3FA0]  }
0x1a: {  	s8 =	sadd.s32 $0xFFFFE003, lr  }
0x1b: {  	s9 =	sadd.s32 $0xFFFFFEF7, lr;
	s5 =	simm.s32 $0xFFFFFFFF;
	p2 =	slt.u32 s8, $0xFFFFF086  }
0x1c: {  	p1 =	slt.u32 s9, $0xF7A;
	s5 =	simm.s32 @!p2 $0x0  }
0x1d: {  	s5 =	simm.s32 @p1 $0x1;
	p0 =	seq.s32 s7, s2  }
0x1e: {  	s7 =	smul.u32 @!p0 $0xF7A, s2;
	p2 =	seq.s32 @!p0 s5, $0x0  }
0x1f: {  	s9 =	smul.u32 $0xF7A, s1;
	s8 =	simm.s32 @!p0 $0x1BF5;
	p2 =	por !p2, p0  }
0x20: {  	[sflag:s8] =	ssyncset.s32 @!p0 $0xFFFFF086;
	s6 =	sadd.s32 @!p0 s3, s7;
	s7 =	simm.s32 @!p0 $0x108  }
0x21: {  	s3 =	sadd.s32 s3, s9;
	s6 =	sadd.s32 @!p0 $0x88, s6;
	s7 =	simm.s32 @p2 $0x1082  }
0x22: {  	[simem:s7], [sflag:s8] =	dma.local @!p0 [hbm:s6], $0xF7A  }
0x23: {  	s9 =	sor.u32 $0xD0000000, s2;
	s6 =	simm.s32 $0x108;
	_ =	swait.ge @!p0 [sflag:s8], $0x0  }
0x24: {  	s3 =	sadd.s32 $0x88, s3;
	s6 =	simm.s32 @!p1 $0x1082;
	[sflag:s4] =	ssyncset.s32 $0xFFFFF086  }
0x25: {  	[simem:s6], [sflag:s4] =	dma.local [hbm:s3], $0xF7A  }
0x26: {  	[smem:$0x3FA0] =	sst s1;
	(tag) =	ssettag s2;
	_ =	strace s9  }
0x27: {  	s1 =	sld [smem:$0x3FB0]  }
0x28: {  	s2 =	sld [smem:$0x3FB1]  }
0x29: {  	s4 =	sld [smem:$0x3FB3]  }
0x2a: {  	p0 =	seq.s32 s5, $0x0;
	s5 =	sld [smem:$0x3FB4]  }
0x2b: {  	s6 =	sld [smem:$0x3FB5]  }
0x2c: {  	s7 =	sld [smem:$0x3FB6]  }
0x2d: {  	s3 =	simm.s32 $0x108;
	s8 =	sld [smem:$0x3FB7]  }
0x2e: {  	s3 =	simm.s32 @!p0 $0x1082;
	s9 =	sld [smem:$0x3FB8]  }
0x2f: {  	lr =	sadd.s32 s0, s3;
	s0 =	sld [smem:$0x3FAF]  }
0x30: {  	s3 =	sld [smem:$0x3FB2]  }
0x31: {  	[smem:$0x3FBB] =	sst s10  }
0x32: {  	s10 =	sld [smem:$0x3FB9];
	_ =	sdelay $0x3  }
0x33: {  	p0 =	seq.s32 s10, $0x1;
	s10 =	sld [smem:$0x3FBB];
	_ =	sdelay $0x3  }
0x34: {  	[smem:$0x3FBB] =	sst s10  }
0x35: {  	s10 =	sld [smem:$0x3FBA];
	_ =	sdelay $0x3  }
0x36: {  	p1 =	seq.s32 s10, $0x1;
	s10 =	sld [smem:$0x3FBB];
	_ =	sdelay $0x3  }
0x37: {  	[smem:$0x3FBB] =	sst s10  }
0x38: {  	s10 =	sld [smem:$0x3FBC]  }
0x39: {  	_ = 	snop;
	(pc) =	sbr.ind lr, $3  }
0x3a: {  	_ = 	snop  }
0x3b: {  	_ = 	snop  }
0x3c: {  	p2 =	seq.s32 s10, $0x1;
	s10 =	sld [smem:$0x3FBB]  }
0x3d: {  	_ =	shalt  }
0x3e: {  	_ =	shalt  }
0x3f: {  	_ =	shalt  }
0x40: {  	_ =	shalt  }
0x41: {  	_ =	shalt  }
0x42: {  	_ =	shalt  }
0x43: {  	_ =	shalt  }
0x44: {  	_ =	shalt  }
0x45: {  	_ =	shalt  }
0x46: {  	_ =	shalt  }
0x47: {  	_ =	shalt  }
0x48: {  	_ =	shalt  }
0x49: {  	_ =	shalt  }
0x4a: {  	_ =	shalt  }
0x4b: {  	_ =	shalt  }
0x4c: {  	_ =	shalt  }
0x4d: {  	_ =	shalt  }
0x4e: {  	_ =	shalt  }
0x4f: {  	_ =	shalt  }
0x50: {  	_ =	shalt  }
0x51: {  	_ =	shalt  }
0x52: {  	_ =	shalt  }
0x53: {  	_ =	shalt  }
0x54: {  	_ =	shalt  }
0x55: {  	_ =	shalt  }
0x56: {  	_ =	shalt  }
0x57: {  	_ =	shalt  }
0x58: {  	_ =	shalt  }
0x59: {  	_ =	shalt  }
0x5a: {  	_ =	shalt  }
0x5b: {  	_ =	shalt  }
0x5c: {  	_ =	shalt  }
0x5d: {  	_ =	shalt  }
0x5e: {  	_ =	shalt  }
0x5f: {  	_ =	shalt  }
0x60: {  	_ =	shalt  }
0x61: {  	_ =	shalt  }
0x62: {  	_ =	shalt  }
0x63: {  	_ =	shalt  }
0x64: {  	_ =	shalt  }
0x65: {  	_ =	shalt  }
0x66: {  	_ =	shalt  }
0x67: {  	_ =	shalt  }
0x68: {  	_ =	shalt  }
0x69: {  	_ =	shalt  }
0x6a: {  	_ =	shalt  }
0x6b: {  	_ =	shalt  }
0x6c: {  	_ =	shalt  }
0x6d: {  	_ =	shalt  }
0x6e: {  	_ =	shalt  }
0x6f: {  	_ =	shalt  }
0x70: {  	_ =	shalt  }
0x71: {  	_ =	shalt  }
0x72: {  	_ =	shalt  }
0x73: {  	_ =	shalt  }
0x74: {  	_ =	shalt  }
0x75: {  	_ =	shalt  }
0x76: {  	_ =	shalt  }
0x77: {  	_ =	shalt  }
0x78: {  	_ =	shalt  }
0x79: {  	_ =	shalt  }
0x7a: {  	_ =	shalt  }
0x7b: {  	_ =	shalt  }
0x7c: {  	_ =	shalt  }
0x7d: {  	_ =	shalt  }
0x7e: {  	_ =	shalt  }
0x7f: {  	_ =	shalt  }
0x80: {  	_ =	shalt  }
0x81: {  	_ =	shalt  }
0x82: {  	_ =	shalt  }
0x83: {  	_ =	shalt  }
0x84: {  	_ =	shalt  }
0x85: {  	_ =	shalt  }
0x86: {  	_ =	shalt  }
0x87: {  	_ =	shalt  }
.Lfunc_end0:
.L_simem_size_0:
called_computation.1_lowered:
.L_overlay_start_0:
0x88: {  	s2 =	sld [smem:$0x3FD9]  }
0x89: {  	s3 =	sld [smem:$0x3FFE];
	_ =	sdelay $0x1  }
0x8a: {  	s1 =	srdreg.scid  }
0x8b: {  	s0 =	sand.u32 $0x1, s1  }
0x8c: {  	s17 =	sshll.u32 s0, $0xA;
	s2 =	sadd.s32 s3, s2  }
0x8d: {  	s2 =	sadd.s32 s2, s17  }
0x8e: {  	[smem:$0x3FC7] =	sst s2  }
0x8f: {  	_ = 	snop  }
0x90: {  	s2 =	sld [smem:$0x3FD0];
	(tm) =	ssettm $0x1  }
0x91: {  	s18 =	sld [smem:$0x3FFB];
	_ =	sdelay $0x3  }
0x92: {  	_ =	strace s18  }
0x93: {  	s3 =	sld [smem:$0x3FFC];
	_ =	sdelay $0x3  }
0x94: {  	_ =	strace s3  }
0x95: {  	s3 =	sld [smem:$0x3FFD];
	_ =	sdelay $0x3  }
0x96: {  	_ =	strace s3  }
0x97: {  	_ =	strace $0x8FFFFFFF  }
0x98: {  	s19 =	sld [smem:$0x3FDB];
	_ =	sdelay $0x1  }
0x99: {  	s4 =	simm.s32 $_scs_section_size  }
0x9a: {  	s5 =	simm.s32 $_size__tile_overlayer_lowered;
	s6 =	simm.s32 $_tile_overlayer_lowered  }
0x9b: {  	s22 =	simm.s32 $0x1BFF;
	s21 =	sshll.u32 s6, $0x1;
	s3 =	sadd.s32 s4, s19  }
0x9c: {  	s7 =	simm.s32 $0x0;
	s20 =	sshll.u32 s5, $0x1;
	s5 =	sadd.s32 s21, s3  }
0x9d: {  	[timem:s7], [sflag:s22] =	dma.local [hbm:s5], s20  }
0x9e: {  	_ =	swait.ge [sflag:s22], s20  }
0x9f: {  	s4 =	ssub.s32 $0x0, s20;
	[sflag:s22] =	ssyncset.done $0x0  }
0xa0: {  	[sflag:s22] =	ssyncadd.s32 s4;
	_ =	sdelay $0x1  }
0xa1: {  	s23 =	simm.s32 $0x1B8B  }
0xa2: {  	_ =	swait.ge [sflag:s23], $0x1  }
0xa3: {  	[sflag:s23] =	ssyncset.done $0x0  }
0xa4: {  	s25 =	simm.s32 $0x1B8E;
	s24 =	sld [smem:$0x3FFE];
	[sflag:s23] =	ssyncadd.s32 $0xFFFFFFFF  }
0xa5: {  	s26 =	simm.s32 $execute0_lowered;
	[smem:$0x3FD2] =	sst s25  }
0xa6: {  	s5 =	sshll.u32 s26, $0x1;
	_ =	strace $0x80000049;
	[dreg:$0x1] =	wrdreg $0xFFFFFFFF  }
0xa7: {  	s28 =	simm.s32 $_size_execute0_lowered;
	s3 =	sadd.s32 s3, s5;
	[dreg:$0x0] =	wrdreg $0x0  }
0xa8: {  	s5 =	sshll.u32 s28, $0x1;
	[dreg:$0x2] =	wrdreg s3  }
0xa9: {  	[dreg:$0x3] =	wrdreg s5  }
0xaa: {  	[dreg:$0x4] =	wrdreg $0xC0  }
0xab: {  	_ =	task [dreg:s7], $0x5FFFF  }
0xac: {  	[dreg:$0x1] =	wrdreg $0xFFFFFFFF  }
0xad: {  	[dreg:$0x0] =	wrdreg $0x60  }
0xae: {  	[dreg:$0x2] =	wrdreg s2  }
0xaf: {  	[dreg:$0x3] =	wrdreg s24  }
0xb0: {  	[dreg:$0x4] =	wrdreg $0x9  }
0xb1: {  	_ =	task.clear_ibuf [dreg:s7], $0x5FFFF;
	_ =	strace $0x90000049  }
0xb2: {  	s29 =	simm.s32 $0x9;
	_ =	strace $0x8000004B  }
0xb3: {  	_ =	swait.ge [sflag:s29], $0x1  }
0xb4: {  	[sflag:s29] =	ssyncadd.s32 $0xFFFFFFFF  }
0xb5: {  	_ =	strace $0x9000004B  }
0xb6: {  	_ =	sfence  }
0xb7: {  	s30 =	sld [smem:$0x0];
	_ =	sdelay $0x2  }
0xb8: {  	s31 =	sshll.u32 s1, $0xD;
	s1 =	sshrl.u32 s1, $0x2  }
0xb9: {  	s3 =	sand.u32 $0x4000, s31;
	s1 =	sadd.s32 s1, s30  }
0xba: {  	s0 =	sor.u32 s3, s0;
	s1 =	sshll.u32 s1, $0x11  }
0xbb: {  	s0 =	sor.u32 s1, s0  }
0xbc: {  	s0 =	sadd.s32 $0x8F2B, s0  }
0xbd: {  	[sflag:s0] =	ssyncadd.remote.s32 $0x1  }
0xbe: {  	_ =	sfence.sel $0xFFFF  }
0xbf: {  	[dreg:$0x0] =	wrdreg $0xFFFFFFFF;
	(pc) =	sbr.abs _section_cstart, $3  }
0xc0: {  	[dreg:$0x1] =	wrdreg $0xFFFFFFFF  }
0xc1: {  	_ =	task.clear_ibuf [dreg:s7], $0x2FFFF;
	_ =	strace $0x9FFFFFFF  }
0xc2: {  	(tm) =	ssettm $0x7FFFFFFF  }
0xc3: {  	_ =	shalt  }
tec
execute0_lowered:
.L_overlay_start_1:
0x0: {  	(tag) =	ssettag $0x1  }
0x1: {  	s2 =	rddreg [dreg:$0x0]  }
0x2: {  	s1 =	srdreg.scid;
	s0 =	stileid.u32  }
0x3: {  	s5 =	rddreg [dreg:$0x1];
	s3 =	simm.s32 $0x0;
	s10 =	simm.s32 $0x1000  }
0x4: {  	s12 =	simm.s32 $0x1;
	s13 =	simm.s32 $0x80;
	s14 =	simm.s32 $0x4000  }
0x5: {  	s4 =	sand.u32 $0x1, s1;
	s6 =	sshll.u32 s0, $0x1;
	s1 =	rddreg [dreg:$0x2]  }
0x6: {  	s15 =	simm.s32 $0x0;
	[smem:$0x7FF] =	sst s3;
	s7 =	sor.u32 s4, s6  }
.Ltmp0:
0x7: {  	_ =	strace $0x8000004A;
	s8 =	ssub.s32 $0x2, s4;
	(pc) =	sbr.rel .LBB2_1-.Ltmp0, $4  }
0x8: {  	s4 =	sadd.s32 $0x8C00, s5;
	s6 =	sshll.u32 s7, $0xA;
	s9 =	sshrl.u32 s8, $0x1  }
0x9: {  	s11 =	sshll.u32 s7, $0x9;
	s6 =	sadd.s32 s6, s5;
	s5 =	sadd.s32 $0x8E00, s5  }
0xa: {  	s8 =	ssub.s32 s8, s9;
	s9 =	simm.s32 $0x2;
	s11 =	sshrl.u32 s11, $0x2  }
0xb: {  	s6 =	sadd.s32 $0xC00, s6;
	s7 =	smax.u32 s8, $0x1;
	s8 =	simm.s32 $0x2000  }
.LBB2_8:
0xc: {  	[sflag:s12] =	ssyncadd.s32 $0xFFFFC000  }
.LBB2_9:
0xd: {  	s15 =	sadd.s32 $0x1, s15  }
0xe: {  	p0 =	sne.s32 s15, s7  }
.Ltmp1:
0xf: {  	_ = 	snop;
	(pc) =	sbr.rel @!p0 .LBB2_10-.Ltmp1, $1  }
0x10: {  	_ =	sdelay $0x3  }
.LBB2_1:
0x11: {  	[tilespmem:s8], [sflag:$0x1] =	stream.linear.gather [hbm4b:s6+s3], $0x2000, $0x38;
	[tilespmem:$0x8000] =	vst v63  }
0x12: {  	_ = 	snop  }
0x13: {  	[tilespmem:s3], [sflag:$0x2] =	stream.linear.gather [hbm4b:s4+s3], $0x1000, $0x38;
	[tilespmem:$0x8000] =	vst v63  }
0x14: {  	_ =	swait.ge [sflag:s9], $0x1000  }
0x15: {  	[sflag:s9] =	ssyncset.done $0x0  }
0x16: {  	[sflag:s9] =	ssyncadd.s32 $0xFFFFF000  }
0x17: {  	[tilespmem:s10], [sflag:$0x2] =	stream.linear.gather [hbm4b:s5+s3], $0x1000, $0x38;
	[tilespmem:$0x8000] =	vst v63  }
0x18: {  	_ =	swait.ge [sflag:s9], $0x1000  }
0x19: {  	[sflag:s9] =	ssyncset.done $0x0  }
0x1a: {  	[sflag:s9] =	ssyncadd.s32 $0xFFFFF000  }
0x1b: {  	v0 =	vld [tilespmem:$0x1000];
	_ =	sdelay $0x4  }
0x1c: {  	[tilespmem:$0x1FD00] =	vst v0;
	v0 =	vld [tilespmem:$0x1080];
	_ =	sdelay $0x4  }
0x1d: {  	[tilespmem:$0x1FD10] =	vst v0;
	v0 =	vld [tilespmem:$0x1100];
	_ =	sdelay $0x4  }
0x1e: {  	[tilespmem:$0x1FD30] =	vst v0;
	v0 =	vld [tilespmem:$0x1180];
	_ =	sdelay $0x4  }
0x1f: {  	[tilespmem:$0x1FD40] =	vst v0;
	v0 =	vld [tilespmem:$0x1200];
	_ =	sdelay $0x4  }
0x20: {  	[tilespmem:$0x1FD60] =	vst v0;
	v0 =	vld [tilespmem:$0x1280];
	_ =	sdelay $0x4  }
0x21: {  	[tilespmem:$0x1FD70] =	vst v0;
	v0 =	vld [tilespmem:$0x1300];
	_ =	sdelay $0x4  }
0x22: {  	[tilespmem:$0x1FD90] =	vst v0;
	v0 =	vld [tilespmem:$0x1380];
	_ =	sdelay $0x4  }
0x23: {  	[tilespmem:$0x1FDA0] =	vst v0;
	v0 =	vld [tilespmem:$0x1400];
	_ =	sdelay $0x4  }
0x24: {  	[tilespmem:$0x1FDC0] =	vst v0;
	v0 =	vld [tilespmem:$0x1480];
	_ =	sdelay $0x4  }
0x25: {  	[tilespmem:$0x1FDD0] =	vst v0;
	v0 =	vld [tilespmem:$0x1500];
	_ =	sdelay $0x4  }
0x26: {  	[tilespmem:$0x1FDF0] =	vst v0;
	v0 =	vld [tilespmem:$0x1580];
	_ =	sdelay $0x4  }
0x27: {  	[tilespmem:$0x1FE00] =	vst v0;
	v0 =	vld [tilespmem:$0x1600];
	_ =	sdelay $0x4  }
0x28: {  	[tilespmem:$0x1FE20] =	vst v0;
	v0 =	vld [tilespmem:$0x1680];
	_ =	sdelay $0x4  }
0x29: {  	[tilespmem:$0x1FE30] =	vst v0;
	v0 =	vld [tilespmem:$0x1700];
	_ =	sdelay $0x4  }
0x2a: {  	[tilespmem:$0x1FE50] =	vst v0;
	v0 =	vld [tilespmem:$0x1780];
	_ =	sdelay $0x4  }
0x2b: {  	[tilespmem:$0x1FE60] =	vst v0  }
0x2c: {  	v0 =	vld [tilespmem:$0x1800];
	_ =	sdelay $0x4  }
0x2d: {  	[tilespmem:$0x1FE80] =	vst v0;
	v0 =	vld [tilespmem:$0x1880];
	_ =	sdelay $0x4  }
0x2e: {  	[tilespmem:$0x1FE90] =	vst v0;
	v0 =	vld [tilespmem:$0x1900];
	_ =	sdelay $0x4  }
0x2f: {  	[tilespmem:$0x1FEB0] =	vst v0;
	v0 =	vld [tilespmem:$0x1980];
	_ =	sdelay $0x4  }
0x30: {  	[tilespmem:$0x1FEC0] =	vst v0;
	v0 =	vld [tilespmem:$0x1A00];
	_ =	sdelay $0x4  }
0x31: {  	[tilespmem:$0x1FEE0] =	vst v0;
	v0 =	vld [tilespmem:$0x1A80];
	_ =	sdelay $0x4  }
0x32: {  	[tilespmem:$0x1FEF0] =	vst v0;
	v0 =	vld [tilespmem:$0x1B00];
	_ =	sdelay $0x4  }
0x33: {  	[tilespmem:$0x1FF10] =	vst v0;
	v0 =	vld [tilespmem:$0x1B80];
	_ =	sdelay $0x4  }
0x34: {  	[tilespmem:$0x1FF20] =	vst v0;
	v0 =	vld [tilespmem:$0x1C00];
	_ =	sdelay $0x4  }
0x35: {  	[tilespmem:$0x1FF40] =	vst v0;
	v0 =	vld [tilespmem:$0x1C80];
	_ =	sdelay $0x4  }
0x36: {  	[tilespmem:$0x1FF50] =	vst v0;
	v0 =	vld [tilespmem:$0x1D00];
	_ =	sdelay $0x4  }
0x37: {  	[tilespmem:$0x1FF70] =	vst v0;
	v0 =	vld [tilespmem:$0x1D80];
	_ =	sdelay $0x4  }
0x38: {  	[tilespmem:$0x1FF80] =	vst v0;
	v0 =	vld [tilespmem:$0x1E00];
	_ =	sdelay $0x4  }
0x39: {  	[tilespmem:$0x1FFA0] =	vst v0;
	v0 =	vld [tilespmem:$0x1E80];
	_ =	sdelay $0x4  }
0x3a: {  	[tilespmem:$0x1FFB0] =	vst v0;
	v0 =	vld [tilespmem:$0x1F00];
	_ =	sdelay $0x4  }
0x3b: {  	[tilespmem:$0x1FFD0] =	vst v0;
	v0 =	vld [tilespmem:$0x1F80];
	_ =	sdelay $0x4  }
0x3c: {  	[tilespmem:$0x1FFE0] =	vst v0;
	v0 =	vld [tilespmem:$0x300];
	_ =	sdelay $0x4  }
0x3d: {  	[tilespmem:$0x1F870] =	vst v0;
	v0 =	vld [tilespmem:$0x380];
	_ =	sdelay $0x4  }
0x3e: {  	[tilespmem:$0x1F880] =	vst v0;
	v0 =	vld [tilespmem:$0x400];
	_ =	sdelay $0x4  }
0x3f: {  	[tilespmem:$0x1F890] =	vst v0;
	v0 =	vld [tilespmem:$0x480];
	_ =	sdelay $0x4  }
0x40: {  	[tilespmem:$0x1F8A0] =	vst v0;
	v0 =	vld [tilespmem:$0x500];
	_ =	sdelay $0x4  }
0x41: {  	[tilespmem:$0x1F8B0] =	vst v0;
	v0 =	vld [tilespmem:$0x580];
	_ =	sdelay $0x4  }
0x42: {  	[tilespmem:$0x1F8C0] =	vst v0;
	v0 =	vld [tilespmem:$0x600];
	_ =	sdelay $0x4  }
0x43: {  	[tilespmem:$0x1F8D0] =	vst v0;
	v0 =	vld [tilespmem:$0x680];
	_ =	sdelay $0x4  }
0x44: {  	[tilespmem:$0x1F8E0] =	vst v0;
	v0 =	vld [tilespmem:$0x700];
	_ =	sdelay $0x4  }
0x45: {  	[tilespmem:$0x1F900] =	vst v0;
	v0 =	vld [tilespmem:$0x780];
	_ =	sdelay $0x4  }
0x46: {  	[tilespmem:$0x1F920] =	vst v0;
	v0 =	vld [tilespmem:$0x800];
	_ =	sdelay $0x4  }
0x47: {  	[tilespmem:$0x1F940] =	vst v0;
	v0 =	vld [tilespmem:$0x880];
	_ =	sdelay $0x4  }
0x48: {  	[tilespmem:$0x1F960] =	vst v0;
	v0 =	vld [tilespmem:$0x900];
	_ =	sdelay $0x4  }
0x49: {  	[tilespmem:$0x1F980] =	vst v0;
	v0 =	vld [tilespmem:$0x980];
	_ =	sdelay $0x4  }
0x4a: {  	[tilespmem:$0x1F9A0] =	vst v0;
	v0 =	vld [tilespmem:$0xA00];
	_ =	sdelay $0x4  }
0x4b: {  	[tilespmem:$0x1F9D0] =	vst v0;
	v0 =	vld [tilespmem:$0xA80];
	_ =	sdelay $0x4  }
0x4c: {  	[tilespmem:$0x1FA00] =	vst v0;
	v0 =	vld [tilespmem:$0xB00];
	_ =	sdelay $0x4  }
0x4d: {  	[tilespmem:$0x1FA30] =	vst v0;
	v0 =	vld [tilespmem:$0xB80];
	_ =	sdelay $0x4  }
0x4e: {  	[tilespmem:$0x1FA60] =	vst v0;
	v0 =	vld [tilespmem:$0xC00];
	_ =	sdelay $0x4  }
0x4f: {  	[tilespmem:$0x1FA90] =	vst v0;
	v0 =	vld [tilespmem:$0xC80];
	_ =	sdelay $0x4  }
0x50: {  	[tilespmem:$0x1FAC0] =	vst v0;
	v0 =	vld [tilespmem:$0xD00];
	_ =	sdelay $0x4  }
0x51: {  	[tilespmem:$0x1FB00] =	vst v0;
	v0 =	vld [tilespmem:$0xD80];
	_ =	sdelay $0x4  }
0x52: {  	[tilespmem:$0x1FB40] =	vst v0;
	v0 =	vld [tilespmem:$0xE00];
	_ =	sdelay $0x4  }
0x53: {  	[tilespmem:$0x1FB80] =	vst v0;
	v0 =	vld [tilespmem:$0xE80];
	_ =	sdelay $0x4  }
0x54: {  	[tilespmem:$0x1FBC0] =	vst v0;
	v0 =	vld [tilespmem:$0xF00];
	_ =	sdelay $0x4  }
0x55: {  	[tilespmem:$0x1FC00] =	vst v0;
	v0 =	vld [tilespmem:$0xF80];
	_ =	sdelay $0x4  }
0x56: {  	[tilespmem:$0x1FC40] =	vst v0;
	v0 =	vld [tilespmem:$0x690];
	_ =	sdelay $0x4  }
0x57: {  	[tilespmem:$0x1F8F0] =	vst v0;
	v0 =	vld [tilespmem:$0x710];
	_ =	sdelay $0x4  }
0x58: {  	[tilespmem:$0x1F910] =	vst v0;
	v0 =	vld [tilespmem:$0x790];
	_ =	sdelay $0x4  }
0x59: {  	[tilespmem:$0x1F930] =	vst v0;
	v0 =	vld [tilespmem:$0x810];
	_ =	sdelay $0x4  }
0x5a: {  	[tilespmem:$0x1F950] =	vst v0;
	v0 =	vld [tilespmem:$0x890];
	_ =	sdelay $0x4  }
0x5b: {  	[tilespmem:$0x1F970] =	vst v0;
	v0 =	vld [tilespmem:$0x910];
	_ =	sdelay $0x4  }
0x5c: {  	[tilespmem:$0x1F990] =	vst v0;
	v0 =	vld [tilespmem:$0x990];
	_ =	sdelay $0x4  }
0x5d: {  	[tilespmem:$0x1F9B0] =	vst v0;
	v0 =	vld [tilespmem:$0xA10];
	_ =	sdelay $0x4  }
0x5e: {  	[tilespmem:$0x1F9E0] =	vst v0;
	v0 =	vld [tilespmem:$0xA90];
	_ =	sdelay $0x4  }
0x5f: {  	[tilespmem:$0x1FA10] =	vst v0;
	v0 =	vld [tilespmem:$0xB10];
	_ =	sdelay $0x4  }
0x60: {  	[tilespmem:$0x1FA40] =	vst v0;
	v0 =	vld [tilespmem:$0xB90];
	_ =	sdelay $0x4  }
0x61: {  	[tilespmem:$0x1FA70] =	vst v0;
	v0 =	vld [tilespmem:$0xC10];
	_ =	sdelay $0x4  }
0x62: {  	[tilespmem:$0x1FAA0] =	vst v0;
	v0 =	vld [tilespmem:$0xC90];
	_ =	sdelay $0x4  }
0x63: {  	[tilespmem:$0x1FAD0] =	vst v0;
	v0 =	vld [tilespmem:$0xD10];
	_ =	sdelay $0x4  }
0x64: {  	[tilespmem:$0x1FB10] =	vst v0;
	v0 =	vld [tilespmem:$0xD90];
	_ =	sdelay $0x4  }
0x65: {  	[tilespmem:$0x1FB50] =	vst v0;
	v0 =	vld [tilespmem:$0xE10];
	_ =	sdelay $0x4  }
0x66: {  	[tilespmem:$0x1FB90] =	vst v0;
	v0 =	vld [tilespmem:$0xE90];
	_ =	sdelay $0x4  }
0x67: {  	[tilespmem:$0x1FBD0] =	vst v0;
	v0 =	vld [tilespmem:$0xF10];
	_ =	sdelay $0x4  }
0x68: {  	[tilespmem:$0x1FC10] =	vst v0;
	v0 =	vld [tilespmem:$0xF90];
	_ =	sdelay $0x4  }
0x69: {  	[tilespmem:$0x1FC50] =	vst v0;
	v0 =	vld [tilespmem:$0x9A0];
	_ =	sdelay $0x4  }
0x6a: {  	[tilespmem:$0x1F9C0] =	vst v0;
	v0 =	vld [tilespmem:$0xA20];
	_ =	sdelay $0x4  }
0x6b: {  	[tilespmem:$0x1F9F0] =	vst v0;
	v0 =	vld [tilespmem:$0xAA0];
	_ =	sdelay $0x4  }
0x6c: {  	[tilespmem:$0x1FA20] =	vst v0;
	v0 =	vld [tilespmem:$0xB20];
	_ =	sdelay $0x4  }
0x6d: {  	[tilespmem:$0x1FA50] =	vst v0;
	v0 =	vld [tilespmem:$0xBA0];
	_ =	sdelay $0x4  }
0x6e: {  	[tilespmem:$0x1FA80] =	vst v0;
	v0 =	vld [tilespmem:$0xC20];
	_ =	sdelay $0x4  }
0x6f: {  	[tilespmem:$0x1FAB0] =	vst v0;
	v0 =	vld [tilespmem:$0xCA0];
	_ =	sdelay $0x4  }
0x70: {  	[tilespmem:$0x1FAE0] =	vst v0;
	v0 =	vld [tilespmem:$0xD20];
	_ =	sdelay $0x4  }
0x71: {  	[tilespmem:$0x1FB20] =	vst v0;
	v0 =	vld [tilespmem:$0xDA0];
	_ =	sdelay $0x4  }
0x72: {  	[tilespmem:$0x1FB60] =	vst v0;
	v0 =	vld [tilespmem:$0xE20];
	_ =	sdelay $0x4  }
0x73: {  	[tilespmem:$0x1FBA0] =	vst v0;
	v0 =	vld [tilespmem:$0xEA0];
	_ =	sdelay $0x4  }
0x74: {  	[tilespmem:$0x1FBE0] =	vst v0;
	v0 =	vld [tilespmem:$0xF20];
	_ =	sdelay $0x4  }
0x75: {  	[tilespmem:$0x1FC20] =	vst v0;
	v0 =	vld [tilespmem:$0xFA0];
	_ =	sdelay $0x4  }
0x76: {  	[tilespmem:$0x1FC60] =	vst v0;
	v0 =	vld [tilespmem:$0x30];
	_ =	sdelay $0x1  }
0x77: {  	v1 =	vld [tilespmem:$0xB0];
	_ =	sdelay $0x1  }
0x78: {  	v2 =	vld [tilespmem:$0x130]  }
0x79: {  	v0 =	vadd.f32 $0.0e+00, v0  }
0x7a: {  	v3 =	vld [tilespmem:$0x1B0]  }
0x7b: {  	v0 =	vadd.f32 v1, v0  }
0x7c: {  	v4 =	vld [tilespmem:$0x230]  }
0x7d: {  	v0 =	vadd.f32 v2, v0;
	_ =	sdelay $0x1  }
0x7e: {  	v0 =	vadd.f32 v3, v0;
	_ =	sdelay $0x1  }
0x7f: {  	v0 =	vadd.f32 v4, v0;
	v4 =	vld [tilespmem:$0x740];
	_ =	sdelay $0x2  }
0x80: {  	v39 =	vld [tilespmem:$0x0]  }
0x81: {  	v43 =	vld [tilespmem:$0x80]  }
0x82: {  	[tilespmem:$0x1FE40] =	vst v4;
	v4 =	vld [tilespmem:$0x7C0]  }
0x83: {  	v47 =	vld [tilespmem:$0x100]  }
0x84: {  	v1 =	vld [tilespmem:$0x440]  }
0x85: {  	v39 =	vadd.f32 $0.0e+00, v39  }
0x86: {  	v51 =	vld [tilespmem:$0x180]  }
0x87: {  	v39 =	vadd.f32 v43, v39;
	[tilespmem:$0x1FE70] =	vst v4;
	v4 =	vld [tilespmem:$0x840]  }
0x88: {  	v55 =	vld [tilespmem:$0x200]  }
0x89: {  	[tilespmem:$0x1FD20] =	vst v1;
	v1 =	vadd.f32 v47, v39  }
0x8a: {  	v59 =	vld [tilespmem:$0x280]  }
0x8b: {  	v1 =	vadd.f32 v51, v1  }
0x8c: {  	[tilespmem:$0x1FEA0] =	vst v4;
	v4 =	vld [tilespmem:$0x1F870]  }
0x8d: {  	v1 =	vadd.f32 v55, v1;
	_ =	sdelay $0x1  }
0x8e: {  	v1 =	vadd.f32 v59, v1;
	_ =	sdelay $0x1  }
0x8f: {  	v1 =	vadd.f32 v4, v1;
	v4 =	vld [tilespmem:$0x8C0];
	_ =	sdelay $0x4  }
0x90: {  	[tilespmem:$0x1FED0] =	vst v4;
	v4 =	vld [tilespmem:$0x940];
	_ =	sdelay $0x4  }
0x91: {  	[tilespmem:$0x1FF00] =	vst v4;
	v4 =	vld [tilespmem:$0x1F880];
	_ =	sdelay $0x4  }
0x92: {  	v1 =	vadd.f32 v4, v1;
	v4 =	vld [tilespmem:$0x9C0];
	_ =	sdelay $0x4  }
0x93: {  	[tilespmem:$0x1FF30] =	vst v4;
	v4 =	vld [tilespmem:$0xA40];
	_ =	sdelay $0x4  }
0x94: {  	[tilespmem:$0x1FF60] =	vst v4;
	v4 =	vld [tilespmem:$0x1F890];
	_ =	sdelay $0x4  }
0x95: {  	v1 =	vadd.f32 v4, v1;
	v4 =	vld [tilespmem:$0xAC0];
	_ =	sdelay $0x4  }
0x96: {  	[tilespmem:$0x1FF90] =	vst v4;
	v4 =	vld [tilespmem:$0xB40];
	_ =	sdelay $0x4  }
0x97: {  	[tilespmem:$0x1FFC0] =	vst v4;
	v4 =	vld [tilespmem:$0x1F8A0];
	_ =	sdelay $0x3  }
0x98: {  	v20 =	vld [tilespmem:$0x10]  }
0x99: {  	v1 =	vadd.f32 v4, v1;
	v4 =	vld [tilespmem:$0xBC0]  }
0x9a: {  	v22 =	vld [tilespmem:$0x90]  }
0x9b: {  	v26 =	vld [tilespmem:$0x110]  }
0x9c: {  	v28 =	vld [tilespmem:$0x190]  }
0x9d: {  	v20 =	vadd.f32 $0.0e+00, v20;
	v2 =	vld [tilespmem:$0x540]  }
0x9e: {  	[tilespmem:$0x1FFF0] =	vst v4;
	v4 =	vld [tilespmem:$0x1F8B0]  }
0x9f: {  	v20 =	vadd.f32 v22, v20  }
0xa0: {  	v32 =	vld [tilespmem:$0x210]  }
0xa1: {  	v43 =	vadd.f32 v26, v20  }
0xa2: {  	v34 =	vld [tilespmem:$0x290]  }
0xa3: {  	[tilespmem:$0x1FD80] =	vst v2;
	v2 =	vadd.f32 v28, v43;
	v1 =	vadd.f32 v4, v1;
	v4 =	vld [tilespmem:$0x1F8C0]  }
0xa4: {  	v37 =	vld [tilespmem:$0x310]  }
0xa5: {  	v2 =	vadd.f32 v32, v2  }
0xa6: {  	v42 =	vld [tilespmem:$0x390]  }
0xa7: {  	v45 =	vld [tilespmem:$0x410];
	v2 =	vadd.f32 v34, v2  }
0xa8: {  	v1 =	vadd.f32 v4, v1;
	v4 =	vld [tilespmem:$0x1F8D0]  }
0xa9: {  	v2 =	vadd.f32 v37, v2  }
0xaa: {  	v50 =	vld [tilespmem:$0x490]  }
0xab: {  	v2 =	vadd.f32 v42, v2  }
0xac: {  	v53 =	vld [tilespmem:$0x510]  }
0xad: {  	v2 =	vadd.f32 v45, v2;
	v1 =	vadd.f32 v4, v1;
	v4 =	vld [tilespmem:$0x1F8E0]  }
0xae: {  	v57 =	vld [tilespmem:$0x590]  }
0xaf: {  	v2 =	vadd.f32 v50, v2  }
0xb0: {  	v61 =	vld [tilespmem:$0x610]  }
0xb1: {  	v2 =	vadd.f32 v53, v2  }
0xb2: {  	v1 =	vadd.f32 v4, v1;
	v4 =	vld [tilespmem:$0x1F8F0]  }
0xb3: {  	v2 =	vadd.f32 v57, v2;
	_ =	sdelay $0x1  }
0xb4: {  	v2 =	vadd.f32 v61, v2;
	_ =	sdelay $0x1  }
0xb5: {  	v2 =	vadd.f32 v4, v2;
	v4 =	vld [tilespmem:$0x1F900];
	_ =	sdelay $0x4  }
0xb6: {  	v1 =	vadd.f32 v4, v1;
	v4 =	vld [tilespmem:$0x1F910];
	_ =	sdelay $0x4  }
0xb7: {  	v2 =	vadd.f32 v4, v2;
	v4 =	vld [tilespmem:$0x1F920];
	_ =	sdelay $0x4  }
0xb8: {  	v1 =	vadd.f32 v4, v1;
	v4 =	vld [tilespmem:$0x1F930];
	_ =	sdelay $0x4  }
0xb9: {  	v2 =	vadd.f32 v4, v2;
	v4 =	vld [tilespmem:$0x1F940];
	_ =	sdelay $0x1  }
0xba: {  	v7 =	vld [tilespmem:$0x20]  }
0xbb: {  	v9 =	vld [tilespmem:$0xA0]  }
0xbc: {  	v3 =	vld [tilespmem:$0x640]  }
0xbd: {  	v1 =	vadd.f32 v4, v1;
	v4 =	vld [tilespmem:$0x1F950]  }
0xbe: {  	v11 =	vld [tilespmem:$0x120]  }
0xbf: {  	v13 =	vld [tilespmem:$0x1A0];
	v7 =	vadd.f32 $0.0e+00, v7  }
0xc0: {  	v15 =	vld [tilespmem:$0x220]  }
0xc1: {  	v7 =	vadd.f32 v9, v7;
	[tilespmem:$0x1FDE0] =	vst v3;
	v3 =	vld [tilespmem:$0x6C0]  }
0xc2: {  	v2 =	vadd.f32 v4, v2;
	v4 =	vld [tilespmem:$0x1F960]  }
0xc3: {  	v7 =	vadd.f32 v11, v7  }
0xc4: {  	v17 =	vld [tilespmem:$0x2A0]  }
0xc5: {  	v7 =	vadd.f32 v13, v7  }
0xc6: {  	v19 =	vld [tilespmem:$0x320]  }
0xc7: {  	[tilespmem:$0x1FE10] =	vst v3;
	v3 =	vadd.f32 v15, v7;
	v1 =	vadd.f32 v4, v1;
	v4 =	vld [tilespmem:$0x1F970]  }
0xc8: {  	v23 =	vld [tilespmem:$0x3A0]  }
0xc9: {  	v3 =	vadd.f32 v17, v3  }
0xca: {  	v25 =	vld [tilespmem:$0x420]  }
0xcb: {  	v29 =	vld [tilespmem:$0x4A0];
	v3 =	vadd.f32 v19, v3  }
0xcc: {  	v2 =	vadd.f32 v4, v2;
	v4 =	vld [tilespmem:$0x1F980]  }
0xcd: {  	v3 =	vadd.f32 v23, v3  }
0xce: {  	v31 =	vld [tilespmem:$0x520]  }
0xcf: {  	v3 =	vadd.f32 v25, v3  }
0xd0: {  	v35 =	vld [tilespmem:$0x5A0]  }
0xd1: {  	v3 =	vadd.f32 v29, v3;
	v1 =	vadd.f32 v4, v1;
	v4 =	vld [tilespmem:$0x1F990]  }
0xd2: {  	v38 =	vld [tilespmem:$0x620]  }
0xd3: {  	v3 =	vadd.f32 v31, v3  }
0xd4: {  	v41 =	vld [tilespmem:$0x6A0]  }
0xd5: {  	v46 =	vld [tilespmem:$0x720];
	v3 =	vadd.f32 v35, v3  }
0xd6: {  	v2 =	vadd.f32 v4, v2;
	v4 =	vld [tilespmem:$0x1F9A0]  }
0xd7: {  	v3 =	vadd.f32 v38, v3  }
0xd8: {  	v49 =	vld [tilespmem:$0x7A0]  }
0xd9: {  	v3 =	vadd.f32 v41, v3  }
0xda: {  	v54 =	vld [tilespmem:$0x820]  }
0xdb: {  	v3 =	vadd.f32 v46, v3;
	v1 =	vadd.f32 v4, v1;
	v4 =	vld [tilespmem:$0x1F9B0]  }
0xdc: {  	v58 =	vld [tilespmem:$0x8A0]  }
0xdd: {  	v3 =	vadd.f32 v49, v3  }
0xde: {  	v62 =	vld [tilespmem:$0x920]  }
0xdf: {  	v3 =	vadd.f32 v54, v3  }
0xe0: {  	v2 =	vadd.f32 v4, v2;
	v4 =	vld [tilespmem:$0x1F9C0]  }
0xe1: {  	v3 =	vadd.f32 v58, v3;
	_ =	sdelay $0x1  }
0xe2: {  	v3 =	vadd.f32 v62, v3;
	_ =	sdelay $0x1  }
0xe3: {  	v3 =	vadd.f32 v4, v3;
	v4 =	vld [tilespmem:$0x1F9D0];
	_ =	sdelay $0x4  }
0xe4: {  	v1 =	vadd.f32 v4, v1;
	v4 =	vld [tilespmem:$0x1F9E0];
	_ =	sdelay $0x4  }
0xe5: {  	v2 =	vadd.f32 v4, v2;
	v4 =	vld [tilespmem:$0x1F9F0]  }
0xe6: {  	v63 =	vld [tilespmem:$0xCB0];
	_ =	sdelay $0x3  }
0xe7: {  	v3 =	vadd.f32 v4, v3;
	v4 =	vld [tilespmem:$0x1FA00]  }
0xe8: {  	[tilespmem:$0x1FAF0] =	vst v63;
	v63 =	vld [tilespmem:$0xD30];
	_ =	sdelay $0x3  }
0xe9: {  	v1 =	vadd.f32 v4, v1;
	v4 =	vld [tilespmem:$0x1FA10]  }
0xea: {  	[tilespmem:$0x1FB30] =	vst v63;
	v63 =	vld [tilespmem:$0xDB0];
	_ =	sdelay $0x3  }
0xeb: {  	v2 =	vadd.f32 v4, v2;
	v4 =	vld [tilespmem:$0x1FA20]  }
0xec: {  	[tilespmem:$0x1FB70] =	vst v63;
	v63 =	vld [tilespmem:$0xE30];
	_ =	sdelay $0x3  }
0xed: {  	v3 =	vadd.f32 v4, v3;
	v4 =	vld [tilespmem:$0x1FA30]  }
0xee: {  	[tilespmem:$0x1FBB0] =	vst v63;
	v63 =	vld [tilespmem:$0xEB0];
	_ =	sdelay $0x3  }
0xef: {  	v1 =	vadd.f32 v4, v1;
	v4 =	vld [tilespmem:$0x1FA40]  }
0xf0: {  	[tilespmem:$0x1FBF0] =	vst v63;
	v63 =	vld [tilespmem:$0xF30];
	_ =	sdelay $0x3  }
0xf1: {  	v2 =	vadd.f32 v4, v2;
	v4 =	vld [tilespmem:$0x1FA50]  }
0xf2: {  	[tilespmem:$0x1FC30] =	vst v63;
	v63 =	vld [tilespmem:$0xFB0];
	_ =	sdelay $0x1  }
0xf3: {  	v5 =	vld [tilespmem:$0x2B0]  }
0xf4: {  	v6 =	vld [tilespmem:$0x330]  }
0xf5: {  	v3 =	vadd.f32 v4, v3;
	v4 =	vld [tilespmem:$0x1FA60]  }
0xf6: {  	[tilespmem:$0x1FC70] =	vst v63;
	v63 =	vld [tilespmem:$0x40]  }
0xf7: {  	v8 =	vld [tilespmem:$0x3B0]  }
0xf8: {  	v10 =	vld [tilespmem:$0x430]  }
0xf9: {  	v12 =	vld [tilespmem:$0x4B0]  }
0xfa: {  	v1 =	vadd.f32 v4, v1;
	v4 =	vld [tilespmem:$0x1FA70]  }
0xfb: {  	[tilespmem:$0x1FC80] =	vst v63;
	v63 =	vld [tilespmem:$0xC0]  }
0xfc: {  	v14 =	vld [tilespmem:$0x530]  }
0xfd: {  	v16 =	vld [tilespmem:$0x5B0]  }
0xfe: {  	v18 =	vld [tilespmem:$0x630]  }
0xff: {  	v0 =	vadd.f32 v5, v0;
	v2 =	vadd.f32 v4, v2;
	v4 =	vld [tilespmem:$0x1FA80]  }
0x100: {  	[tilespmem:$0x1FC90] =	vst v63;
	v63 =	vld [tilespmem:$0x140]  }
0x101: {  	v21 =	vld [tilespmem:$0x6B0];
	v0 =	vadd.f32 v6, v0  }
0x102: {  	v24 =	vld [tilespmem:$0x730]  }
0x103: {  	v27 =	vld [tilespmem:$0x7B0];
	v0 =	vadd.f32 v8, v0  }
0x104: {  	v3 =	vadd.f32 v4, v3;
	v4 =	vld [tilespmem:$0x1FA90]  }
0x105: {  	[tilespmem:$0x1FCA0] =	vst v63;
	v63 =	vld [tilespmem:$0x1C0];
	v0 =	vadd.f32 v10, v0  }
0x106: {  	v30 =	vld [tilespmem:$0x830]  }
0x107: {  	v33 =	vld [tilespmem:$0x8B0];
	v0 =	vadd.f32 v12, v0  }
0x108: {  	v36 =	vld [tilespmem:$0x930]  }
0x109: {  	v0 =	vadd.f32 v14, v0;
	v1 =	vadd.f32 v4, v1;
	v4 =	vld [tilespmem:$0x1FAA0]  }
0x10a: {  	[tilespmem:$0x1FCB0] =	vst v63;
	v63 =	vld [tilespmem:$0x240]  }
0x10b: {  	v40 =	vld [tilespmem:$0x9B0];
	v0 =	vadd.f32 v16, v0  }
0x10c: {  	v44 =	vld [tilespmem:$0xA30]  }
0x10d: {  	v48 =	vld [tilespmem:$0xAB0];
	v0 =	vadd.f32 v18, v0  }
0x10e: {  	v2 =	vadd.f32 v4, v2;
	v4 =	vld [tilespmem:$0x1FAB0]  }
0x10f: {  	[tilespmem:$0x1FCC0] =	vst v63;
	v63 =	vld [tilespmem:$0x2C0];
	v0 =	vadd.f32 v21, v0  }
0x110: {  	v52 =	vld [tilespmem:$0xB30]  }
0x111: {  	v56 =	vld [tilespmem:$0xBB0];
	v0 =	vadd.f32 v24, v0  }
0x112: {  	v60 =	vld [tilespmem:$0xC30]  }
0x113: {  	v0 =	vadd.f32 v27, v0;
	v3 =	vadd.f32 v4, v3;
	v4 =	vld [tilespmem:$0x1FAC0]  }
0x114: {  	[tilespmem:$0x1FCD0] =	vst v63;
	v63 =	vld [tilespmem:$0x340]  }
0x115: {  	v22 =	vld [tilespmem:$0x650];
	v0 =	vadd.f32 v30, v0  }
0x116: {  	v9 =	vld [tilespmem:$0xC50]  }
0x117: {  	v26 =	vld [tilespmem:$0x5D0];
	v0 =	vadd.f32 v33, v0  }
0x118: {  	v1 =	vadd.f32 v4, v1;
	v4 =	vld [tilespmem:$0x1FAD0]  }
0x119: {  	[tilespmem:$0x1FCE0] =	vst v63;
	v63 =	vld [tilespmem:$0x3C0];
	v0 =	vadd.f32 v36, v0  }
0x11a: {  	v20 =	vld [tilespmem:$0x750]  }
0x11b: {  	v11 =	vld [tilespmem:$0xB50];
	v0 =	vadd.f32 v40, v0  }
0x11c: {  	v13 =	vld [tilespmem:$0xAD0]  }
0x11d: {  	v0 =	vadd.f32 v44, v0;
	v2 =	vadd.f32 v4, v2;
	v4 =	vld [tilespmem:$0x1FAE0]  }
0x11e: {  	[tilespmem:$0x1FCF0] =	vst v63;
	v63 =	vld [tilespmem:$0xC40]  }
0x11f: {  	v47 =	vld [tilespmem:$0x4C0];
	v0 =	vadd.f32 v48, v0  }
0x120: {  	v51 =	vld [tilespmem:$0x5C0]  }
0x121: {  	v28 =	vld [tilespmem:$0x450];
	v0 =	vadd.f32 v52, v0  }
0x122: {  	v3 =	vadd.f32 v4, v3;
	v4 =	vld [tilespmem:$0x1FAF0]  }
0x123: {  	v43 =	vld [tilespmem:$0x1FCF0];
	v0 =	vadd.f32 v56, v0  }
0x124: {  	v5 =	vld [tilespmem:$0xDD0]  }
0x125: {  	v55 =	vld [tilespmem:$0xD40];
	v0 =	vadd.f32 v60, v0  }
0x126: {  	v29 =	vld [tilespmem:$0x50]  }
0x127: {  	v0 =	vadd.f32 v4, v0;
	v4 =	vld [tilespmem:$0x1FB00]  }
0x128: {  	v32 =	vld [tilespmem:$0x150]  }
0x129: {  	v31 =	vld [tilespmem:$0xD0]  }
0x12a: {  	[tilespmem:$0x1FD50] =	vst v47;
	v47 =	vld [tilespmem:$0xF40]  }
0x12b: {  	v6 =	vld [tilespmem:$0xE50]  }
0x12c: {  	v29 =	vadd.f32 $0.0e+00, v29;
	v1 =	vadd.f32 v4, v1;
	v4 =	vld [tilespmem:$0x1FB10]  }
0x12d: {  	v34 =	vld [tilespmem:$0x1D0]  }
0x12e: {  	v59 =	vld [tilespmem:$0xCC0];
	v29 =	vadd.f32 v31, v29  }
0x12f: {  	v35 =	vld [tilespmem:$0x250]  }
0x130: {  	v37 =	vld [tilespmem:$0x2D0];
	v29 =	vadd.f32 v32, v29  }
0x131: {  	v2 =	vadd.f32 v4, v2;
	v4 =	vld [tilespmem:$0x1FB20]  }
0x132: {  	[tilespmem:$0x1FDB0] =	vst v51;
	v51 =	vld [tilespmem:$0xE40];
	v29 =	vadd.f32 v34, v29  }
0x133: {  	v30 =	vld [tilespmem:$0x350]  }
0x134: {  	v8 =	vld [tilespmem:$0xD50];
	v29 =	vadd.f32 v35, v29  }
0x135: {  	v25 =	vld [tilespmem:$0x3D0]  }
0x136: {  	v29 =	vadd.f32 v37, v29;
	v3 =	vadd.f32 v4, v3;
	v4 =	vld [tilespmem:$0x1FB30]  }
0x137: {  	v15 =	vld [tilespmem:$0x850]  }
0x138: {  	v10 =	vld [tilespmem:$0xED0];
	v29 =	vadd.f32 v30, v29  }
0x139: {  	v27 =	vld [tilespmem:$0x4D0]  }
0x13a: {  	v23 =	vld [tilespmem:$0x550];
	v25 =	vadd.f32 v25, v29  }
0x13b: {  	v0 =	vadd.f32 v4, v0;
	v4 =	vld [tilespmem:$0x1FB40]  }
0x13c: {  	v7 =	vld [tilespmem:$0xF50];
	v25 =	vadd.f32 v28, v25  }
0x13d: {  	v42 =	vld [tilespmem:$0x4E0]  }
0x13e: {  	v17 =	vld [tilespmem:$0xA50];
	v25 =	vadd.f32 v27, v25  }
0x13f: {  	v12 =	vld [tilespmem:$0xCD0]  }
0x140: {  	v23 =	vadd.f32 v23, v25;
	v1 =	vadd.f32 v4, v1;
	v4 =	vld [tilespmem:$0x1FB50]  }
0x141: {  	v24 =	vld [tilespmem:$0x6D0]  }
0x142: {  	v19 =	vld [tilespmem:$0x7D0];
	v23 =	vadd.f32 v26, v23  }
0x143: {  	v14 =	vld [tilespmem:$0xBD0]  }
0x144: {  	v50 =	vld [tilespmem:$0xEC0];
	v22 =	vadd.f32 v22, v23  }
0x145: {  	v2 =	vadd.f32 v4, v2;
	v4 =	vld [tilespmem:$0x1FB60]  }
0x146: {  	v16 =	vld [tilespmem:$0x950];
	v22 =	vadd.f32 v24, v22  }
0x147: {  	v53 =	vld [tilespmem:$0xDC0]  }
0x148: {  	v18 =	vld [tilespmem:$0x9D0];
	v20 =	vadd.f32 v20, v22  }
0x149: {  	v21 =	vld [tilespmem:$0x8D0]  }
0x14a: {  	v19 =	vadd.f32 v19, v20;
	v3 =	vadd.f32 v4, v3;
	v4 =	vld [tilespmem:$0x1FB70]  }
0x14b: {  	v57 =	vld [tilespmem:$0x1FBF0]  }
0x14c: {  	v61 =	vld [tilespmem:$0x1FC10];
	v15 =	vadd.f32 v15, v19  }
0x14d: {  	v46 =	vld [tilespmem:$0x1FC20]  }
0x14e: {  	v49 =	vld [tilespmem:$0xE0];
	v15 =	vadd.f32 v21, v15  }
0x14f: {  	v0 =	vadd.f32 v4, v0;
	v4 =	vld [tilespmem:$0x1FB80]  }
0x150: {  	v54 =	vld [tilespmem:$0x160];
	v15 =	vadd.f32 v16, v15  }
0x151: {  	v44 =	vld [tilespmem:$0x1FCA0]  }
0x152: {  	v58 =	vld [tilespmem:$0x60];
	v15 =	vadd.f32 v18, v15  }
0x153: {  	v48 =	vld [tilespmem:$0x1FC30]  }
0x154: {  	v15 =	vadd.f32 v17, v15;
	v1 =	vadd.f32 v4, v1;
	v4 =	vld [tilespmem:$0x1FB90]  }
0x155: {  	v62 =	vld [tilespmem:$0x70]  }
0x156: {  	v52 =	vld [tilespmem:$0xF0];
	v13 =	vadd.f32 v13, v15  }
0x157: {  	v56 =	vld [tilespmem:$0x1FBE0]  }
0x158: {  	v33 =	vadd.f32 $0.0e+00, v58;
	v58 =	vld [tilespmem:$0x1E0];
	v11 =	vadd.f32 v11, v13  }
0x159: {  	v2 =	vadd.f32 v4, v2;
	v4 =	vld [tilespmem:$0x1FBA0]  }
0x15a: {  	v60 =	vld [tilespmem:$0x1FC00];
	v11 =	vadd.f32 v14, v11  }
0x15b: {  	v36 =	vadd.f32 $0.0e+00, v62;
	v33 =	vadd.f32 v49, v33;
	v62 =	vld [tilespmem:$0x260]  }
0x15c: {  	v49 =	vld [tilespmem:$0x1FCB0];
	v9 =	vadd.f32 v9, v11  }
0x15d: {  	v36 =	vadd.f32 v52, v36;
	v33 =	vadd.f32 v54, v33;
	v52 =	vld [tilespmem:$0x2F0]  }
0x15e: {  	v9 =	vadd.f32 v12, v9;
	v3 =	vadd.f32 v4, v3;
	v4 =	vld [tilespmem:$0x1FBB0]  }
0x15f: {  	v54 =	vld [tilespmem:$0x360];
	v33 =	vadd.f32 v58, v33  }
0x160: {  	v58 =	vld [tilespmem:$0x3E0];
	v8 =	vadd.f32 v8, v9  }
0x161: {  	v33 =	vadd.f32 v62, v33;
	v62 =	vld [tilespmem:$0x460]  }
0x162: {  	v5 =	vadd.f32 v5, v8;
	v8 =	vld [tilespmem:$0xEF0]  }
0x163: {  	v3 =	vadd.f32 v56, v3;
	v56 =	vld [tilespmem:$0x1FC80];
	v0 =	vadd.f32 v4, v0  }
0x164: {  	v4 =	vld [tilespmem:$0x1FBC0]  }
0x165: {  	v3 =	vadd.f32 v46, v3;
	v46 =	vld [tilespmem:$0x270];
	v0 =	vadd.f32 v57, v0  }
0x166: {  	v57 =	vld [tilespmem:$0x170]  }
0x167: {  	v38 =	vadd.f32 v48, v0;
	v0 =	vld [tilespmem:$0x1FC40]  }
0x168: {  	v48 =	vld [tilespmem:$0x2E0]  }
0x169: {  	v1 =	vadd.f32 v4, v1;
	v4 =	vld [tilespmem:$0x1FBD0]  }
0x16a: {  	v41 =	vadd.f32 $0.0e+00, v56;
	v56 =	vld [tilespmem:$0x1FCC0]  }
0x16b: {  	v1 =	vadd.f32 v60, v1;
	v60 =	vld [tilespmem:$0x1FC90]  }
0x16c: {  	v36 =	vadd.f32 v57, v36;
	v57 =	vld [tilespmem:$0x370]  }
0x16d: {  	v0 =	vadd.f32 v0, v1;
	v1 =	vld [tilespmem:$0x1FC50];
	v33 =	vadd.f32 v48, v33  }
0x16e: {  	v48 =	vld [tilespmem:$0x1FD00];
	v2 =	vadd.f32 v4, v2  }
0x16f: {  	v33 =	vadd.f32 v54, v33;
	v54 =	vld [tilespmem:$0x570]  }
0x170: {  	v2 =	vadd.f32 v61, v2;
	v61 =	vld [tilespmem:$0x1F0]  }
0x171: {  	v41 =	vadd.f32 v60, v41;
	v60 =	vld [tilespmem:$0x1FCD0]  }
0x172: {  	v32 =	vadd.f32 v58, v33;
	v58 =	vld [tilespmem:$0x1FD40]  }
0x173: {  	v1 =	vadd.f32 v1, v2;
	v2 =	vld [tilespmem:$0x1FC60]  }
0x174: {  	v40 =	vadd.f32 v44, v41;
	v41 =	vld [tilespmem:$0x470]  }
0x175: {  	v44 =	vld [tilespmem:$0x4F0]  }
0x176: {  	v32 =	vadd.f32 v62, v32;
	v62 =	vld [tilespmem:$0x1FD60]  }
0x177: {  	v40 =	vadd.f32 v49, v40;
	v49 =	vld [tilespmem:$0x1FD10]  }
0x178: {  	v31 =	vadd.f32 v61, v36;
	v61 =	vld [tilespmem:$0x3F0]  }
0x179: {  	v32 =	vadd.f32 v42, v32;
	v42 =	vld [tilespmem:$0x1FD80]  }
0x17a: {  	v40 =	vadd.f32 v56, v40;
	v56 =	vld [tilespmem:$0x1FD30]  }
0x17b: {  	v2 =	vadd.f32 v2, v3;
	v3 =	vld [tilespmem:$0x1FC70]  }
0x17c: {  	v31 =	vadd.f32 v46, v31;
	v46 =	vld [tilespmem:$0x560]  }
0x17d: {  	v39 =	vadd.f32 v60, v40;
	v40 =	vld [tilespmem:$0x1FCE0]  }
0x17e: {  	v60 =	vld [tilespmem:$0x1FD50]  }
0x17f: {  	v31 =	vadd.f32 v52, v31;
	v52 =	vld [tilespmem:$0x1FD20]  }
0x180: {  	v37 =	vadd.s32 v49, v48;
	v48 =	vld [tilespmem:$0x1FDA0]  }
0x181: {  	v49 =	vld [tilespmem:$0x1FDB0]  }
0x182: {  	v31 =	vadd.f32 v57, v31;
	v57 =	vld [tilespmem:$0x5E0]  }
0x183: {  	v37 =	vadd.s32 v56, v37;
	v56 =	vld [tilespmem:$0x760]  }
0x184: {  	v32 =	vadd.f32 v46, v32;
	v46 =	vld [tilespmem:$0x6E0]  }
0x185: {  	v34 =	vadd.s32 v58, v37;
	v58 =	vld [tilespmem:$0x1FDE0]  }
0x186: {  	v37 =	vld [tilespmem:$0x1FE10]  }
0x187: {  	v31 =	vadd.f32 v61, v31;
	v61 =	vld [tilespmem:$0x5F0]  }
0x188: {  	v3 =	vadd.f32 v3, v38;
	v38 =	vadd.f32 v40, v39;
	v40 =	vld [tilespmem:$0x660]  }
0x189: {  	v34 =	vadd.s32 v62, v34;
	v62 =	vld [tilespmem:$0x7E0]  }
0x18a: {  	v39 =	vld [tilespmem:$0x1FE20]  }
0x18b: {  	v30 =	vadd.f32 v41, v31;
	v41 =	vld [tilespmem:$0x1FD70]  }
0x18c: {  	v36 =	vadd.f32 v43, v38;
	v43 =	vld [tilespmem:$0x670]  }
0x18d: {  	v38 =	vld [tilespmem:$0x7F0]  }
0x18e: {  	v31 =	vadd.f32 v57, v32;
	v57 =	vld [tilespmem:$0x1FDD0]  }
0x18f: {  	v29 =	vadd.f32 v44, v30;
	v44 =	vld [tilespmem:$0x1FD90]  }
0x190: {  	v36 =	vadd.f32 v52, v36;
	v52 =	vld [tilespmem:$0x6F0]  }
0x191: {  	v30 =	vadd.f32 v40, v31;
	v40 =	vld [tilespmem:$0x860]  }
0x192: {  	v28 =	vadd.f32 v54, v29;
	v54 =	vld [tilespmem:$0x1FDC0]  }
0x193: {  	v36 =	vadd.f32 v60, v36;
	v60 =	vld [tilespmem:$0x770]  }
0x194: {  	v34 =	vadd.s32 v41, v34;
	v41 =	vld [tilespmem:$0x1FE30]  }
0x195: {  	v29 =	vadd.f32 v46, v30;
	v46 =	vld [tilespmem:$0x8E0]  }
0x196: {  	v27 =	vadd.f32 v61, v28;
	v61 =	vld [tilespmem:$0x1FDF0]  }
0x197: {  	v35 =	vadd.f32 v42, v36;
	v36 =	vld [tilespmem:$0x1FE00]  }
0x198: {  	v42 =	vld [tilespmem:$0x1FE40]  }
0x199: {  	v34 =	vadd.s32 v44, v34;
	v44 =	vld [tilespmem:$0x1FE50]  }
0x19a: {  	v28 =	vadd.f32 v56, v29;
	v56 =	vld [tilespmem:$0x960]  }
0x19b: {  	v25 =	vadd.f32 v43, v27;
	v43 =	vld [tilespmem:$0x870]  }
0x19c: {  	v33 =	vadd.s32 v48, v34;
	v48 =	vld [tilespmem:$0x1FE60]  }
0x19d: {  	v34 =	vadd.f32 v49, v35;
	v49 =	vld [tilespmem:$0x1FE70]  }
0x19e: {  	v35 =	vld [tilespmem:$0xA60]  }
0x19f: {  	v33 =	vadd.s32 v54, v33;
	v54 =	vld [tilespmem:$0x1FE80]  }
0x1a0: {  	v27 =	vadd.f32 v62, v28;
	v62 =	vld [tilespmem:$0x9E0]  }
0x1a1: {  	v25 =	vadd.f32 v52, v25;
	v52 =	vld [tilespmem:$0x8F0]  }
0x1a2: {  	v32 =	vadd.s32 v57, v33;
	v57 =	vld [tilespmem:$0x1FE90]  }
0x1a3: {  	v33 =	vadd.f32 v58, v34;
	v58 =	vld [tilespmem:$0x1FEA0]  }
0x1a4: {  	v34 =	vld [tilespmem:$0x1FEE0]  }
0x1a5: {  	v32 =	vadd.s32 v61, v32;
	v61 =	vld [tilespmem:$0x1FEB0]  }
0x1a6: {  	v26 =	vadd.f32 v40, v27;
	v40 =	vld [tilespmem:$0xAE0]  }
0x1a7: {  	v23 =	vadd.f32 v60, v25;
	v60 =	vld [tilespmem:$0x970]  }
0x1a8: {  	v31 =	vadd.s32 v36, v32;
	v32 =	vadd.f32 v37, v33;
	v33 =	vld [tilespmem:$0x9F0]  }
0x1a9: {  	v36 =	vld [tilespmem:$0x1FEF0]  }
0x1aa: {  	v37 =	vld [tilespmem:$0x1FF00]  }
0x1ab: {  	v31 =	vadd.s32 v39, v31;
	v39 =	vld [tilespmem:$0x1FF10]  }
0x1ac: {  	v25 =	vadd.f32 v46, v26;
	v46 =	vld [tilespmem:$0xB60]  }
0x1ad: {  	v30 =	vadd.s32 v41, v31;
	v31 =	vadd.f32 v42, v32;
	v32 =	vld [tilespmem:$0x1FED0]  }
0x1ae: {  	v23 =	vadd.f32 v38, v23;
	v38 =	vld [tilespmem:$0xA70]  }
0x1af: {  	v41 =	vld [tilespmem:$0x1FF20]  }
0x1b0: {  	v42 =	vld [tilespmem:$0x1FF30]  }
0x1b1: {  	v30 =	vadd.s32 v44, v30;
	v44 =	vld [tilespmem:$0x1FF40]  }
0x1b2: {  	v24 =	vadd.f32 v56, v25;
	v56 =	vld [tilespmem:$0xBE0]  }
0x1b3: {  	v29 =	vadd.s32 v48, v30;
	v30 =	vadd.f32 v49, v31;
	v31 =	vld [tilespmem:$0x1FEC0]  }
0x1b4: {  	v22 =	vadd.f32 v43, v23;
	v43 =	vld [tilespmem:$0xAF0]  }
0x1b5: {  	v48 =	vld [tilespmem:$0x1FF50]  }
0x1b6: {  	v49 =	vld [tilespmem:$0x1FF60]  }
0x1b7: {  	v29 =	vadd.s32 v54, v29;
	v54 =	vld [tilespmem:$0x1FF70]  }
0x1b8: {  	v23 =	vadd.f32 v62, v24;
	v62 =	vld [tilespmem:$0xC60]  }
0x1b9: {  	v28 =	vadd.s32 v57, v29;
	v29 =	vadd.f32 v58, v30;
	v20 =	vadd.f32 v52, v22;
	v52 =	vld [tilespmem:$0xB70]  }
0x1ba: {  	v57 =	vld [tilespmem:$0x1FF80];
	v28 =	vadd.s32 v61, v28  }
0x1bb: {  	v58 =	vld [tilespmem:$0x1FF90];
	v27 =	vadd.s32 v31, v28;
	v28 =	vadd.f32 v32, v29  }
0x1bc: {  	v61 =	vld [tilespmem:$0x1FFA0];
	v19 =	vadd.f32 v60, v20;
	v27 =	vadd.s32 v34, v27  }
0x1bd: {  	v60 =	vld [tilespmem:$0xBF0];
	v26 =	vadd.s32 v36, v27;
	v27 =	vadd.f32 v37, v28  }
0x1be: {  	v29 =	vld [tilespmem:$0x1FFC0];
	v19 =	vadd.f32 v33, v19;
	v26 =	vadd.s32 v39, v26  }
0x1bf: {  	v22 =	vadd.f32 v35, v23;
	v31 =	vld [tilespmem:$0x1FFD0];
	v25 =	vadd.s32 v41, v26;
	v26 =	vadd.f32 v42, v27  }
0x1c0: {  	v28 =	vld [tilespmem:$0x1FFB0];
	v16 =	vadd.f32 v38, v19;
	v25 =	vadd.s32 v44, v25  }
0x1c1: {  	v20 =	vadd.f32 v40, v22;
	v33 =	vld [tilespmem:$0x1FFE0];
	v24 =	vadd.s32 v48, v25;
	v25 =	vadd.f32 v49, v26  }
0x1c2: {  	v34 =	vld [tilespmem:$0x1FFF0];
	v16 =	vadd.f32 v43, v16;
	v24 =	vadd.s32 v54, v24  }
0x1c3: {  	v30 =	vld [tilespmem:$0xC70];
	v20 =	vadd.f32 v46, v20;
	v23 =	vadd.s32 v57, v24;
	v24 =	vadd.f32 v58, v25  }
0x1c4: {  	v32 =	vld [tilespmem:$0xCE0];
	v16 =	vadd.f32 v52, v16;
	v23 =	vadd.s32 v61, v23  }
0x1c5: {  	v35 =	vld [tilespmem:$0xCF0];
	v19 =	vadd.f32 v56, v20;
	v22 =	vadd.s32 v28, v23;
	v23 =	vadd.f32 v29, v24  }
0x1c6: {  	v36 =	vld [tilespmem:$0xD60];
	v15 =	vadd.f32 v60, v16;
	v22 =	vadd.s32 v31, v22  }
0x1c7: {  	v39 =	vld [tilespmem:$0xD70];
	v18 =	vadd.f32 v62, v19;
	v21 =	vadd.s32 v33, v22;
	v22 =	vadd.f32 v34, v23  }
0x1c8: {  	v40 =	vld [tilespmem:$0xDE0];
	v13 =	vadd.f32 v30, v15  }
0x1c9: {  	v42 =	vld [tilespmem:$0xDF0];
	v43 =	vadd.f32 v32, v18;
	v21 =	vsub.s32 $0x40000, v21;
	v38 =	vadd.f32 v63, v22  }
0x1ca: {  	v44 =	vld [tilespmem:$0xE60];
	v13 =	vadd.f32 v35, v13;
	v37 =	vcvt.s32.f32 v21  }
0x1cb: {  	v48 =	vld [tilespmem:$0xE70];
	v49 =	vadd.f32 v36, v43;
	v41 =	vadd.f32 v59, v38  }
0x1cc: {  	v5 =	vadd.f32 v6, v5;
	v52 =	vld [tilespmem:$0xEE0];
	v11 =	vadd.f32 v39, v13;
	(erf) = vrcp.f32 v37  }
0x1cd: {  	v6 =	vld [tilespmem:$0xF70];
	v54 =	vadd.f32 v40, v49;
	v46 =	vadd.f32 v55, v41  }
0x1ce: {  	v11 =	vadd.f32 v42, v11;
	v55 =	vld [tilespmem:$0xF60]  }
0x1cf: {  	v4 =	vld [tilespmem:$0xFD0];
	v57 =	vadd.f32 v44, v54;
	v53 =	vadd.f32 v53, v46  }
0x1d0: {  	v5 =	vadd.f32 v10, v5;
	v58 =	vld [tilespmem:$0xFE0];
	v9 =	vadd.f32 v48, v11  }
0x1d1: {  	v60 =	vld [tilespmem:$0xFF0];
	v13 =	vadd.f32 v52, v57;
	v56 =	vadd.f32 v51, v53  }
0x1d2: {  	v45 =	vld [tilespmem:$0xFC0];
	v5 =	vadd.f32 v7, v5;
	v8 =	vadd.f32 v8, v9  }
0x1d3: {  	v7 =	vadd.f32 v55, v13;
	v59 =	vadd.f32 v50, v56  }
0x1d4: {  	v5 =	vadd.f32 v4, v5;
	v6 =	vadd.f32 v6, v8  }
0x1d5: {  	v61 =	vpop (erf);
	v7 =	vadd.f32 v58, v7;
	v62 =	vadd.f32 v47, v59  }
0x1d6: {  	v63 =	vadd.f32 v60, v6;
	v0 =	vmul.f32 v0, v61;
	v1 =	vmul.f32 v1, v61  }
0x1d7: {  	v2 =	vmul.f32 v2, v61;
	v3 =	vmul.f32 v3, v61;
	v8 =	vadd.f32 v45, v62  }
0x1d8: {  	v6 =	vmul.f32 v7, v61;
	v7 =	vmul.f32 v63, v61  }
0x1d9: {  	s16 =	simm.s32 $0x0;
	s17 =	simm.s32 $0x800;
	v5 =	vmul.f32 v5, v61;
	v4 =	vmul.f32 v8, v61  }
.LBB2_2:
0x1da: {  	p0 =	sne.s32 s17, $0xF800;
	[tilespmem:s16+$0x41F0] =	vst v7  }
0x1db: {  	[tilespmem:s16+$0x4000] =	vst v0  }
0x1dc: {  	[tilespmem:s16+$0x4010] =	vst v1  }
0x1dd: {  	[tilespmem:s16+$0x4020] =	vst v2  }
0x1de: {  	[tilespmem:s16+$0x4030] =	vst v3  }
0x1df: {  	[tilespmem:s16+$0x4040] =	vst v4  }
0x1e0: {  	[tilespmem:s16+$0x4050] =	vst v5  }
0x1e1: {  	[tilespmem:s16+$0x4060] =	vst v6  }
0x1e2: {  	[tilespmem:s16+$0x4070] =	vst v7  }
0x1e3: {  	[tilespmem:s16+$0x4080] =	vst v0  }
0x1e4: {  	[tilespmem:s16+$0x4090] =	vst v1  }
0x1e5: {  	[tilespmem:s16+$0x40A0] =	vst v2  }
0x1e6: {  	[tilespmem:s16+$0x40B0] =	vst v3  }
0x1e7: {  	[tilespmem:s16+$0x40C0] =	vst v4  }
0x1e8: {  	[tilespmem:s16+$0x40D0] =	vst v5  }
0x1e9: {  	[tilespmem:s16+$0x40E0] =	vst v6  }
0x1ea: {  	[tilespmem:s16+$0x40F0] =	vst v7  }
0x1eb: {  	[tilespmem:s16+$0x4100] =	vst v0  }
0x1ec: {  	[tilespmem:s16+$0x4110] =	vst v1  }
0x1ed: {  	[tilespmem:s16+$0x4120] =	vst v2  }
0x1ee: {  	[tilespmem:s16+$0x4130] =	vst v3  }
0x1ef: {  	[tilespmem:s16+$0x4140] =	vst v4  }
0x1f0: {  	[tilespmem:s16+$0x4150] =	vst v5  }
0x1f1: {  	[tilespmem:s16+$0x4160] =	vst v6  }
0x1f2: {  	[tilespmem:s16+$0x4170] =	vst v7  }
0x1f3: {  	[tilespmem:s16+$0x4180] =	vst v0  }
0x1f4: {  	[tilespmem:s16+$0x4190] =	vst v1  }
.Ltmp2:
0x1f5: {  	[tilespmem:s16+$0x41A0] =	vst v2;
	(pc) =	sbr.rel @p0 .LBB2_2-.Ltmp2, $4  }
0x1f6: {  	[tilespmem:s16+$0x41B0] =	vst v3  }
0x1f7: {  	[tilespmem:s16+$0x41C0] =	vst v4  }
0x1f8: {  	[tilespmem:s16+$0x41D0] =	vst v5  }
0x1f9: {  	[tilespmem:s16+$0x41E0] =	vst v6;
	s16 =	sshra.s32 s17, $0x2;
	s17 =	sadd.s32 $0x800, s17  }
0x1fa: {  	[tilespmem:s16+$0x41F0] =	vst v7  }
0x1fb: {  	[tilespmem:s16+$0x4000] =	vst v0  }
0x1fc: {  	[tilespmem:s16+$0x4010] =	vst v1  }
0x1fd: {  	[tilespmem:s16+$0x4020] =	vst v2  }
0x1fe: {  	[tilespmem:s16+$0x4030] =	vst v3  }
0x1ff: {  	[tilespmem:s16+$0x4040] =	vst v4  }
0x200: {  	[tilespmem:s16+$0x4050] =	vst v5  }
0x201: {  	[tilespmem:s16+$0x4060] =	vst v6  }
0x202: {  	[tilespmem:s16+$0x4070] =	vst v7  }
0x203: {  	[tilespmem:s16+$0x4080] =	vst v0  }
0x204: {  	[tilespmem:s16+$0x4090] =	vst v1  }
0x205: {  	[tilespmem:s16+$0x40A0] =	vst v2  }
0x206: {  	[tilespmem:s16+$0x40B0] =	vst v3  }
0x207: {  	[tilespmem:s16+$0x40C0] =	vst v4  }
0x208: {  	[tilespmem:s16+$0x40D0] =	vst v5  }
0x209: {  	[tilespmem:s16+$0x40E0] =	vst v6  }
0x20a: {  	[tilespmem:s16+$0x40F0] =	vst v7  }
0x20b: {  	[tilespmem:s16+$0x4100] =	vst v0  }
0x20c: {  	[tilespmem:s16+$0x4110] =	vst v1  }
0x20d: {  	[tilespmem:s16+$0x4120] =	vst v2  }
0x20e: {  	[tilespmem:s16+$0x4130] =	vst v3  }
0x20f: {  	[tilespmem:s16+$0x4140] =	vst v4  }
0x210: {  	[tilespmem:s16+$0x4150] =	vst v5  }
0x211: {  	[tilespmem:s16+$0x4160] =	vst v6  }
0x212: {  	[tilespmem:s16+$0x4170] =	vst v7  }
0x213: {  	[tilespmem:s16+$0x4180] =	vst v0  }
0x214: {  	[tilespmem:s16+$0x4190] =	vst v1  }
0x215: {  	[tilespmem:s16+$0x41A0] =	vst v2  }
0x216: {  	[tilespmem:s16+$0x41B0] =	vst v3  }
0x217: {  	[tilespmem:s16+$0x41C0] =	vst v4  }
0x218: {  	[tilespmem:s16+$0x41D0] =	vst v5  }
0x219: {  	[tilespmem:s16+$0x41E0] =	vst v6  }
0x21a: {  	v0 =	vld [tilespmem:s11+$0x1000];
	_ =	sdelay $0x4  }
0x21b: {  	v0 =	vxor.u32 $0x80000000, v0  }
0x21c: {  	(xrf0) =	vmax.scan.msk.u32 $0xffff, v0;
	_ =	sdelay $0x5  }
0x21d: {  	v0, _, _ =	vpop (xrf0)  }
0x21e: {  	(v2sf) =	vpush v0, $0xF;
	_ =	sdelay $0xe  }
0x21f: {  	s17 =	spop (v2sf)  }
0x220: {  	p0 =	slt.u32 s17, $0x80000001  }
0x221: {  	s16 =	sadd.s32 @!p0 $0x8000007F, s17  }
0x222: {  	s18 =	sand.u32 @!p0 $0x7F, s16  }
0x223: {  	p1 =	slt.s32 @!p0 s16, $0x1;
	p2 =	sne.s32 @!p0 s18, $0x0  }
0x224: {  	s18 =	sshra.s32 @!p0 s16, $0x1F;
	p1 =	por @!p0 !p1, !p2  }
0x225: {  	s18 =	sshrl.u32 @!p0 s18, $0x19;
	p1 =	por @!p0 !p1, !p1  }
0x226: {  	s16 =	sadd.s32 @!p0 s18, s16;
	s18 =	simm.s32 @!p0 $0x1;
	p1 =	por !p1, p0  }
0x227: {  	s16 =	sshra.s32 @!p0 s16, $0x7;
	s18 =	simm.s32 @p1 $0x0  }
0x228: {  	s16 =	ssub.s32 @!p0 s16, s18  }
0x229: {  	s18 =	sshll.u32 @!p0 s16, $0x7  }
0x22a: {  	v0 =	vlaneseq.u32 @!p0;
	s19 =	sadd.s32 @!p0 $0xFFFFFF80, s18  }
0x22b: {  	v1 =	vor.u32 @!p0 s19, v0;
	s19 =	sadd.s32 @!p0 $0x7FFFFFFF, s17  }
0x22c: {  	vm0 =	vlt.s32 @!p0 v1, s19  }
0x22d: {  	v2 =	vnsel @!p0 vm0, s19, v1;
	_ =	sdelay $0x1  }
0x22e: {  	_ =	swait.ge [sflag:s12], $0x2000  }
0x22f: {  	[sflag:s12] =	ssyncset.done $0x0;
	s20 =	sadd.s32 @!p0 $0xFFFFFF90, s18  }
0x230: {  	[sflag:s12] =	ssyncadd.s32 $0xFFFFE000;
	s17 =	simm.s32 @!p0 $0x2000;
	v3 =	vor.u32 @!p0 s20, v0  }
0x231: {  	vm0 =	vlt.s32 @!p0 v3, s19;
	v2 =	vld.idx.msk @!p0 [tilespmem:v2+s17+$0x0], $0xffff  }
0x232: {  	v4 =	vnsel @!p0 vm0, s19, v3;
	_ =	sdelay $0x2  }
0x233: {  	s20 =	sadd.s32 @!p0 $0xFFFFFFA0, s18  }
0x234: {  	[tilespmem:v1+s17+$0x0] =	vst.idx.msk @!p0 $0xffff, v2;
	v1 =	vor.u32 @!p0 s20, v0  }
0x235: {  	v2 =	vld.idx.msk @!p0 [tilespmem:v4+s17+$0x0], $0xffff;
	vm0 =	vlt.s32 @!p0 v1, s19  }
0x236: {  	v4 =	vnsel @!p0 vm0, s19, v1;
	_ =	sdelay $0x2  }
0x237: {  	s20 =	sadd.s32 @!p0 $0xFFFFFFB0, s18  }
0x238: {  	[tilespmem:v3+s17+$0x0] =	vst.idx.msk @!p0 $0xffff, v2;
	v2 =	vor.u32 @!p0 s20, v0  }
0x239: {  	v3 =	vld.idx.msk @!p0 [tilespmem:v4+s17+$0x0], $0xffff;
	vm0 =	vlt.s32 @!p0 v2, s19  }
0x23a: {  	v4 =	vnsel @!p0 vm0, s19, v2;
	_ =	sdelay $0x2  }
0x23b: {  	s20 =	sadd.s32 @!p0 $0xFFFFFFC0, s18  }
0x23c: {  	[tilespmem:v1+s17+$0x0] =	vst.idx.msk @!p0 $0xffff, v3;
	v1 =	vor.u32 @!p0 s20, v0  }
0x23d: {  	v3 =	vld.idx.msk @!p0 [tilespmem:v4+s17+$0x0], $0xffff;
	vm0 =	vlt.s32 @!p0 v1, s19  }
0x23e: {  	v4 =	vnsel @!p0 vm0, s19, v1;
	_ =	sdelay $0x2  }
0x23f: {  	s20 =	sadd.s32 @!p0 $0xFFFFFFD0, s18  }
0x240: {  	[tilespmem:v2+s17+$0x0] =	vst.idx.msk @!p0 $0xffff, v3;
	v2 =	vor.u32 @!p0 s20, v0  }
0x241: {  	v3 =	vld.idx.msk @!p0 [tilespmem:v4+s17+$0x0], $0xffff;
	vm0 =	vlt.s32 @!p0 v2, s19  }
0x242: {  	v4 =	vnsel @!p0 vm0, s19, v2;
	_ =	sdelay $0x2  }
0x243: {  	s20 =	sadd.s32 @!p0 $0xFFFFFFE0, s18  }
0x244: {  	[tilespmem:v1+s17+$0x0] =	vst.idx.msk @!p0 $0xffff, v3;
	v1 =	vor.u32 @!p0 s20, v0  }
0x245: {  	v3 =	vld.idx.msk @!p0 [tilespmem:v4+s17+$0x0], $0xffff;
	vm0 =	vlt.s32 @!p0 v1, s19  }
0x246: {  	v4 =	vnsel @!p0 vm0, s19, v1;
	_ =	sdelay $0x2  }
0x247: {  	s18 =	sadd.s32 @!p0 $0xFFFFFFF0, s18  }
0x248: {  	v0 =	vor.u32 @!p0 s18, v0;
	[tilespmem:v2+s17+$0x0] =	vst.idx.msk @!p0 $0xffff, v3  }
0x249: {  	vm0 =	vlt.s32 @!p0 v0, s19;
	v2 =	vld.idx.msk @!p0 [tilespmem:v4+s17+$0x0], $0xffff  }
0x24a: {  	v3 =	vnsel @!p0 vm0, s19, v0;
	_ =	sdelay $0x3  }
0x24b: {  	p1 =	slt.s32 @!p0 s16, $0x1;
	[tilespmem:v1+s17+$0x0] =	vst.idx.msk @!p0 $0xffff, v2  }
0x24c: {  	p1 =	por p0, p1;
	v1 =	vld.idx.msk @!p0 [tilespmem:v3+s17+$0x0], $0xffff  }
.Ltmp3:
0x24d: {  	_ = 	snop;
	(pc) =	sbr.rel @p1 .LBB2_9-.Ltmp3, $2  }
0x24e: {  	_ =	sdelay $0x2  }
0x24f: {  	[tilespmem:v0+s17+$0x0] =	vst.idx.msk @!p0 $0xffff, v1  }
0x250: {  	p0 =	sne.s32 s16, $0x1  }
.Ltmp4:
0x251: {  	_ = 	snop;
	(pc) =	sbr.rel @!p0 .LBB2_6-.Ltmp4, $3  }
0x252: {  	_ =	sdelay $0x1  }
0x253: {  	[hbm4b:s2+s13] =	stream.indirect.scatter [tilespmem:s14], [sflag:$0x1], $0x80, s17, s13, $0xb8;
	[tilespmem:$0x8000] =	vst v63  }
0x254: {  	s18 =	sadd.s32 $0xFFFFFFFF, s16  }
.LBB2_5:
0x255: {  	p0 =	sne.s32 s18, $0x1  }
.Ltmp5:
0x256: {  	_ = 	snop;
	(pc) =	sbr.rel @p0 .LBB2_5-.Ltmp5, $3  }
0x257: {  	_ = 	snop  }
0x258: {  	s18 =	sadd.s32 $0xFFFFFFFF, s18;
	s17 =	sadd.s32 $0x80, s17;
	_ =	sdelay $0x1  }
0x259: {  	[hbm4b:s2+s13] =	stream.indirect.scatter [tilespmem:s14], [sflag:$0x1], $0x80, s17, s13, $0xb8;
	[tilespmem:$0x8000] =	vst v63  }
.LBB2_6:
0x25a: {  	p0 =	sne.s32 s16, $0x1  }
.Ltmp6:
0x25b: {  	_ = 	snop;
	(pc) =	sbr.rel @!p0 .LBB2_8-.Ltmp6, $3  }
0x25c: {  	_ =	sdelay $0x1  }
0x25d: {  	_ =	swait.ge [sflag:s12], $0x4000  }
0x25e: {  	s16 =	sadd.s32 $0xFFFFFFFF, s16;
	[sflag:s12] =	ssyncset.done $0x0  }
.LBB2_7:
0x25f: {  	p0 =	sne.s32 s16, $0x1;
	s16 =	sadd.s32 $0xFFFFFFFF, s16;
	[sflag:s12] =	ssyncadd.s32 $0xFFFFC000  }
.Ltmp7:
0x260: {  	(pc) =	sbr.rel @p0 .LBB2_7-.Ltmp7, $3  }
0x261: {  	_ =	sdelay $0x1  }
0x262: {  	_ =	swait.ge [sflag:s12], $0x4000  }
0x263: {  	[sflag:s12] =	ssyncset.done $0x0  }
.Ltmp8:
0x264: {  	_ = 	snop;
	(pc) =	sbr.rel .LBB2_8-.Ltmp8, $1  }
0x265: {  	_ =	sdelay $0x3  }
.LBB2_10:
0x266: {  	_ =	sfence.sel $0x180000  }
0x267: {  	[bflag:$0x0] =	sbarrier.arrive $0xFFFF  }
0x268: {  	p0 =	sne.s32 s0, $0x0;
	_ =	strace $0x9000004A  }
0x269: {  	s0 =	sadd.s32 @!p0 $0x100000, s1;
	[bflag:$0x2] =	sbarrier.arrive $0xFFFF  }
0x26a: {  	[sflag:s0] =	ssyncadd.tile.s32 @!p0 $0x1;
	_ =	shalt  }
.Lfunc_end2:
_tile_overlayer_lowered:
.L_overlay_start_2:
0x26b: {  	(tag) =	ssettag $0x2  }
0x26c: {  	s0 =	rddreg [dreg:$0x0];
	s2 =	stileid.u32  }
0x26d: {  	s1 =	rddreg [dreg:$0x1];
	p0 =	sne.s32 s2, $0x0  }
0x26e: {  	s3 =	rddreg [dreg:$0x2];
	[bflag:$0x3] =	sbarrier.arrive $0xFFFF;
	s2 =	simm.s32 @!p0 $0x1C02  }
0x26f: {  	[timem:s3], [sflag:s2] =	dma.local @!p0 [hbm:s0], s1  }
0x270: {  	s0 =	simm.s32 @!p0 $0x2  }
0x271: {  	_ =	swait.ge @!p0 [sflag:s0], s1  }
0x272: {  	s1 =	ssub.s32 @!p0 $0x0, s1;
	[sflag:s0] =	ssyncset.done @!p0 $0x0  }
0x273: {  	[sflag:s0] =	ssyncadd.s32 @!p0 s1  }
0x274: {  	[bflag:$0x3] =	sbarrier.arrive $0xFFFF  }
0x275: {  	_ =	shalt  }

</sc_bundles>
